<compile_context>
chip_gen: v7x
topology: tpu7x:2x2x1
jax: 0.10.2.dev20260603
libtpu: 0.0.44.dev20260713+nightly
codegen_flags: <defaults>
</compile_context>

<pallas_src>
import jax
import jax.numpy as jnp
from jax import lax
from jax.experimental import pallas as pl
from jax.experimental.pallas import tpu as pltpu
from jax.experimental.pallas import tpu_sc as plsc

B, H, W, C = 4, 512, 512, 96
P = B * H * W
NC, NS, L = 2, 16, 16
NW = NC * NS
PPW = P // NW
CHUNK = 128
NCHUNK = PPW // CHUNK
NVEC = C // L
NBUF = 2


def _body(u_hbm, gx_hbm, gy_hbm, out_hbm, *scr):
    gx_v = scr[0:2]
    gy_v = scr[2:4]
    rows = (scr[4:8], scr[8:12])
    idxs = (scr[12:16], scr[16:20])
    ws = (scr[20:24], scr[24:28])
    out_v = scr[28]
    sem_grid = scr[29:31]
    sem_gat = scr[31:33]
    sem_out = scr[33]

    wid = lax.axis_index("s") * NC + lax.axis_index("c")
    base = wid * PPW
    iota = lax.iota(jnp.int32, L)
    last = NCHUNK - 1

    def grid_start(ci, j):
        cb = base + ci * CHUNK
        pltpu.make_async_copy(gx_hbm.at[pl.ds(cb, CHUNK)], gx_v[j],
                              sem_grid[j]).start()
        pltpu.make_async_copy(gy_hbm.at[pl.ds(cb, CHUNK)], gy_v[j],
                              sem_grid[j]).start()

    def grid_wait(j):
        pltpu.make_async_copy(gx_hbm.at[pl.ds(base, CHUNK)], gx_v[j],
                              sem_grid[j]).wait()
        pltpu.make_async_copy(gy_hbm.at[pl.ds(base, CHUNK)], gy_v[j],
                              sem_grid[j]).wait()

    def compute_idx(ci, j):
        cb = base + ci * CHUNK
        idxa_v, idxb_v, idxc_v, idxd_v = idxs[j]
        wa_v, wb_v, wc_v, wd_v = ws[j]
        for gi in range(CHUNK // L):
            off = gi * L
            gx = gx_v[j][pl.ds(off, L)]
            gy = gy_v[j][pl.ds(off, L)]
            px = 0.5 * ((gx + 1.0) * jnp.float32(W - 1))
            py = 0.5 * ((gy + 1.0) * jnp.float32(H - 1))
            x0 = px.astype(jnp.int32)
            y0 = py.astype(jnp.int32)
            x1 = jnp.minimum(x0 + 1, W - 1)
            y1 = jnp.minimum(y0 + 1, H - 1)
            x0f = x0.astype(jnp.float32)
            y0f = y0.astype(jnp.float32)
            x1f = x1.astype(jnp.float32)
            y1f = y1.astype(jnp.float32)

            p = cb + off + iota
            bb = (p >> 18) << 18
            ra = bb + (y0 << 9) + x0
            rb = bb + (y1 << 9) + x0
            dx01 = x1 - x0
            sl = pl.ds(off, L)
            idxa_v[sl] = ra
            idxb_v[sl] = rb
            idxc_v[sl] = ra + dx01
            idxd_v[sl] = rb + dx01

            dxa = x1f - px
            dxb = px - x0f
            dya = y1f - py
            dyb = py - y0f
            wa_v[sl] = dxa * dya
            wb_v[sl] = dxa * dyb
            wc_v[sl] = dxb * dya
            wd_v[sl] = dxb * dyb

    HC = CHUNK // 2

    def gathers_start(j):
        for idx_v, rv in zip(idxs[j], rows[j]):
            for h in range(2):
                pltpu.make_async_copy(u_hbm.at[idx_v.at[pl.ds(h * HC, HC)]],
                                      rv.at[pl.ds(h * HC, HC)],
                                      sem_gat[j]).start()

    def gathers_wait(j):
        for idx_v, rv in zip(idxs[j], rows[j]):
            for h in range(2):
                pltpu.make_async_copy(u_hbm.at[idx_v.at[pl.ds(h * HC, HC)]],
                                      rv.at[pl.ds(h * HC, HC)],
                                      sem_gat[j]).wait()

    def out_start(ci):
        cb = base + ci * CHUNK
        pltpu.make_async_copy(out_v, out_hbm.at[pl.ds(cb * C, CHUNK * C)],
                              sem_out).start()

    def out_wait():
        pltpu.make_async_copy(out_v, out_hbm.at[pl.ds(base * C, CHUNK * C)],
                              sem_out).wait()

    def combine(j):
        ia_v, ib_v, ic_v, id_v = rows[j]
        wa_v, wb_v, wc_v, wd_v = ws[j]

        def pix(i, _):
            wa = wa_v[pl.ds(i, L)][0]
            wb = wb_v[pl.ds(i, L)][0]
            wc = wc_v[pl.ds(i, L)][0]
            wd = wd_v[pl.ds(i, L)][0]
            ob = i * C
            for v in range(NVEC):
                slv = pl.ds(v * L, L)
                out_v[pl.ds(ob + v * L, L)] = (
                    ia_v[i, slv] * wa + ib_v[i, slv] * wb
                    + ic_v[i, slv] * wc + id_v[i, slv] * wd)
            return _

        lax.fori_loop(0, CHUNK, pix, None)

    grid_start(0, 0)
    grid_wait(0)
    compute_idx(0, 0)
    gathers_start(0)
    grid_start(1, 1)

    def body(k, _):
        c0 = 2 * k
        c1 = c0 + 1
        grid_wait(1)
        compute_idx(c1, 1)
        gathers_start(1)
        grid_start(jnp.minimum(c0 + 2, last), 0)
        gathers_wait(0)

        @pl.when(k > 0)
        def _w0():
            out_wait()

        combine(0)
        out_start(c0)
        grid_wait(0)
        compute_idx(jnp.minimum(c0 + 2, last), 0)
        gathers_start(0)
        grid_start(jnp.minimum(c1 + 2, last), 1)
        gathers_wait(1)
        out_wait()
        combine(1)
        out_start(c1)
        return _

    lax.fori_loop(0, NCHUNK // 2, body, None)

    gathers_wait(0)
    grid_wait(1)
    out_wait()


@jax.jit
def _sample(u2, gx, gy):
    mesh = plsc.VectorSubcoreMesh(core_axis_name="c", subcore_axis_name="s",
                                  num_cores=NC, num_subcores=NS)
    vf = lambda *s: pltpu.VMEM(s, jnp.float32)
    vi = lambda *s: pltpu.VMEM(s, jnp.int32)
    scratch = (
        [vf(CHUNK)] * 2 + [vf(CHUNK)] * 2
        + [vf(CHUNK, C)] * 8
        + [vi(CHUNK)] * 8
        + [vf(CHUNK + L)] * 8
        + [vf(CHUNK * C)]
        + [pltpu.SemaphoreType.DMA] * 5
    )
    return pl.kernel(
        _body,
        out_type=jax.ShapeDtypeStruct((P * C,), jnp.float32),
        mesh=mesh,
        name="sc_bilinear_sampler",
        compiler_params=pltpu.CompilerParams(use_tc_tiling_on_sc=False),
        scratch_types=scratch,
    )(u2, gx, gy)


def kernel(U, grid):
    u2 = U.reshape(P, C)
    gx = grid[..., 0].reshape(P)
    gy = grid[..., 1].reshape(P)
    return _sample(u2, gx, gy).reshape(B, H, W, C)

# --- scband reference (transcript-rebuilt; emitter-appended) ---
"""Pipeline reference for scband-bilinear-sampler-10479720202258 (READ-ONLY COPY).

The authoritative reference and input builder live on the scoring server;
editing this copy changes nothing except your own understanding.
"""

import jax, jax.numpy as jnp
import numpy as np


def setup_inputs(seed: int = 0) -> dict:
    key = jax.random.key(seed)
    k1, k2 = jax.random.split(key)
    U = jax.random.normal(k1, (4, 512, 512, 96), dtype=jnp.float32)
    # grid values in [-1, 1] normalized coordinates (rand gives [0,1), in-range)
    grid = jax.random.uniform(k2, (4, 512, 512, 2), dtype=jnp.float32)
    return {"U": U, "grid": grid}


def reference(U, grid):
    B, H, W, C = U.shape
    x = grid[:, :, :, 0]
    y = grid[:, :, :, 1]
    x = 0.5 * ((x + 1.0) * jnp.float32(W - 1))
    y = 0.5 * ((y + 1.0) * jnp.float32(H - 1))
    x0 = jnp.floor(x).astype(jnp.int32)
    x1 = x0 + 1
    y0 = jnp.floor(y).astype(jnp.int32)
    y1 = y0 + 1
    x0 = jnp.clip(x0, 0, W - 1)
    x1 = jnp.clip(x1, 0, W - 1)
    y0 = jnp.clip(y0, 0, H - 1)
    y1 = jnp.clip(y1, 0, H - 1)

    b = jnp.arange(B, dtype=jnp.int32).reshape(B, 1, 1)
    b = jnp.broadcast_to(b, (B, H, W))

    def get_pixel_value(img, xi, yi):
        # gather_nd equivalent: advanced indexing
        return img[b, yi, xi]

    Ia = get_pixel_value(U, x0, y0)
    Ib = get_pixel_value(U, x0, y1)
    Ic = get_pixel_value(U, x1, y0)
    Id = get_pixel_value(U, x1, y1)

    x0_f = x0.astype(jnp.float32)
    x1_f = x1.astype(jnp.float32)
    y0_f = y0.astype(jnp.float32)
    y1_f = y1.astype(jnp.float32)

    wa = jnp.expand_dims((x1_f - x) * (y1_f - y), axis=3)
    wb = jnp.expand_dims((x1_f - x) * (y - y0_f), axis=3)
    wc = jnp.expand_dims((x - x0_f) * (y1_f - y), axis=3)
    wd = jnp.expand_dims((x - x0_f) * (y - y0_f), axis=3)

    output = wa * Ia + wb * Ib + wc * Ic + wd * Id
    return output

if __name__ == "__main__":
    import jax
    _d = setup_inputs()
    print(jax.jit(kernel)(*tuple(_d.values())))

</pallas_src>

<mosaic_0001>
#map = affine_map<(d0, d1) -> (0, 0)>
#map1 = affine_map<(d0, d1) -> (0)>
module attributes {stable_mosaic.version = 14 : i64} {
  func.func @sc_bilinear_sampler(%arg0: i32, %arg1: i32, %arg2: memref<1048576x96xf32, #tpu.memory_space<hbm>>, %arg3: memref<1048576xf32, #tpu.memory_space<hbm>>, %arg4: memref<1048576xf32, #tpu.memory_space<hbm>>, %arg5: memref<100663296xf32, #tpu.memory_space<hbm>>, %arg6: memref<128xf32, #tpu.memory_space<vmem>>, %arg7: memref<128xf32, #tpu.memory_space<vmem>>, %arg8: memref<128xf32, #tpu.memory_space<vmem>>, %arg9: memref<128xf32, #tpu.memory_space<vmem>>, %arg10: memref<128x96xf32, #tpu.memory_space<vmem>>, %arg11: memref<128x96xf32, #tpu.memory_space<vmem>>, %arg12: memref<128x96xf32, #tpu.memory_space<vmem>>, %arg13: memref<128x96xf32, #tpu.memory_space<vmem>>, %arg14: memref<128x96xf32, #tpu.memory_space<vmem>>, %arg15: memref<128x96xf32, #tpu.memory_space<vmem>>, %arg16: memref<128x96xf32, #tpu.memory_space<vmem>>, %arg17: memref<128x96xf32, #tpu.memory_space<vmem>>, %arg18: memref<128xi32, #tpu.memory_space<vmem>>, %arg19: memref<128xi32, #tpu.memory_space<vmem>>, %arg20: memref<128xi32, #tpu.memory_space<vmem>>, %arg21: memref<128xi32, #tpu.memory_space<vmem>>, %arg22: memref<128xi32, #tpu.memory_space<vmem>>, %arg23: memref<128xi32, #tpu.memory_space<vmem>>, %arg24: memref<128xi32, #tpu.memory_space<vmem>>, %arg25: memref<128xi32, #tpu.memory_space<vmem>>, %arg26: memref<144xf32, #tpu.memory_space<vmem>>, %arg27: memref<144xf32, #tpu.memory_space<vmem>>, %arg28: memref<144xf32, #tpu.memory_space<vmem>>, %arg29: memref<144xf32, #tpu.memory_space<vmem>>, %arg30: memref<144xf32, #tpu.memory_space<vmem>>, %arg31: memref<144xf32, #tpu.memory_space<vmem>>, %arg32: memref<144xf32, #tpu.memory_space<vmem>>, %arg33: memref<144xf32, #tpu.memory_space<vmem>>, %arg34: memref<12288xf32, #tpu.memory_space<vmem>>, %arg35: memref<!tpu.dma_semaphore, #tpu.memory_space<semaphore_mem>>, %arg36: memref<!tpu.dma_semaphore, #tpu.memory_space<semaphore_mem>>, %arg37: memref<!tpu.dma_semaphore, #tpu.memory_space<semaphore_mem>>, %arg38: memref<!tpu.dma_semaphore, #tpu.memory_space<semaphore_mem>>, %arg39: memref<!tpu.dma_semaphore, #tpu.memory_space<semaphore_mem>>) attributes {dimension_semantics = [#tpu.dimension_semantics<core_parallel>, #tpu.dimension_semantics<subcore_parallel>], iteration_bounds = array<i64: 2, 16>, scalar_prefetch = 0 : i64, scratch_operands = 34 : i64, tpu.core_type = #tpu.core_type<sc_vector_subcore>, window_params = [{transform_indices = #map}, {transform_indices = #map1}, {transform_indices = #map1}, {transform_indices = #map1}]} {
    %mul3A = arith.constant 2 : i32
    %mul3A_0 = arith.muli %arg1, %mul3A : i32
    %add3A = arith.addi %mul3A_0, %arg0 : i32
    %mul3A_1 = arith.constant 32768 : i32
    %mul3A_2 = arith.muli %add3A, %mul3A_1 : i32
    %iota3A = tpu.iota {dimensions = array<i32: 0>} : vector<16xi32>
    %add3A_3 = arith.constant 0 : i32
    %add3A_4 = arith.addi %mul3A_2, %add3A_3 : i32
    %dma_start3A = tpu.memref_slice %arg3[%add3A_4] : memref<1048576xf32, #tpu.memory_space<hbm>> -> memref<128xf32, #tpu.memory_space<hbm>>
    %dma_start3A_5 = tpu.memref_slice %arg3[%add3A_4] : memref<1048576xf32, #tpu.memory_space<hbm>> -> memref<128xf32, #tpu.memory_space<hbm>>
    tpu.enqueue_dma source(%dma_start3A_5 : memref<128xf32, #tpu.memory_space<hbm>>) target(%arg6 : memref<128xf32, #tpu.memory_space<vmem>>) target_semaphore(%arg35 : memref<!tpu.dma_semaphore, #tpu.memory_space<semaphore_mem>>)
    %dma_start3A_6 = tpu.memref_slice %arg4[%add3A_4] : memref<1048576xf32, #tpu.memory_space<hbm>> -> memref<128xf32, #tpu.memory_space<hbm>>
    %dma_start3A_7 = tpu.memref_slice %arg4[%add3A_4] : memref<1048576xf32, #tpu.memory_space<hbm>> -> memref<128xf32, #tpu.memory_space<hbm>>
    tpu.enqueue_dma source(%dma_start3A_7 : memref<128xf32, #tpu.memory_space<hbm>>) target(%arg8 : memref<128xf32, #tpu.memory_space<vmem>>) target_semaphore(%arg35 : memref<!tpu.dma_semaphore, #tpu.memory_space<semaphore_mem>>)
    %dma_wait3A = tpu.memref_slice %arg3[%mul3A_2] : memref<1048576xf32, #tpu.memory_space<hbm>> -> memref<128xf32, #tpu.memory_space<hbm>>
    %dma_wait3A_8 = tpu.memref_slice %arg3[%mul3A_2] : memref<1048576xf32, #tpu.memory_space<hbm>> -> memref<128xf32, #tpu.memory_space<hbm>>
    tpu.wait_dma2 semaphore(%arg35 : memref<!tpu.dma_semaphore, #tpu.memory_space<semaphore_mem>>) src(%dma_wait3A_8 : memref<128xf32, #tpu.memory_space<hbm>>) dst(%arg6 : memref<128xf32, #tpu.memory_space<vmem>>)
    %dma_wait3A_9 = tpu.memref_slice %arg4[%mul3A_2] : memref<1048576xf32, #tpu.memory_space<hbm>> -> memref<128xf32, #tpu.memory_space<hbm>>
    %dma_wait3A_10 = tpu.memref_slice %arg4[%mul3A_2] : memref<1048576xf32, #tpu.memory_space<hbm>> -> memref<128xf32, #tpu.memory_space<hbm>>
    tpu.wait_dma2 semaphore(%arg35 : memref<!tpu.dma_semaphore, #tpu.memory_space<semaphore_mem>>) src(%dma_wait3A_10 : memref<128xf32, #tpu.memory_space<hbm>>) dst(%arg8 : memref<128xf32, #tpu.memory_space<vmem>>)
    %add3A_11 = arith.constant 0 : i32
    %add3A_12 = arith.addi %mul3A_2, %add3A_11 : i32
    %get3A = arith.constant 0 : index
    %get3A_13 = tpu.vector_load %arg6[%get3A] {strides = array<i32>} : memref<128xf32, #tpu.memory_space<vmem>>, vector<16xf32>,
    %get3A_14 = vector.shape_cast %get3A_13 : vector<16xf32> to vector<16xf32>
    %get3A_15 = arith.constant 0 : index
    %get3A_16 = tpu.vector_load %arg8[%get3A_15] {strides = array<i32>} : memref<128xf32, #tpu.memory_space<vmem>>, vector<16xf32>,
    %get3A_17 = vector.shape_cast %get3A_16 : vector<16xf32> to vector<16xf32>
    %add3A_18 = arith.constant 1.000000e+00 : f32
    %add3A_19 = vector.broadcast %add3A_18 : f32 to vector<16xf32>
    %add3A_20 = arith.addf %get3A_14, %add3A_19 : vector<16xf32>
    %mul3A_21 = arith.constant 5.110000e+02 : f32
    %mul3A_22 = vector.broadcast %mul3A_21 : f32 to vector<16xf32>
    %mul3A_23 = arith.mulf %add3A_20, %mul3A_22 : vector<16xf32>
    %mul3A_24 = arith.constant 5.000000e-01 : f32
    %mul3A_25 = vector.broadcast %mul3A_24 : f32 to vector<16xf32>
    %mul3A_26 = arith.mulf %mul3A_25, %mul3A_23 : vector<16xf32>
    %add3A_27 = arith.constant 1.000000e+00 : f32
    %add3A_28 = vector.broadcast %add3A_27 : f32 to vector<16xf32>
    %add3A_29 = arith.addf %get3A_17, %add3A_28 : vector<16xf32>
    %mul3A_30 = arith.constant 5.110000e+02 : f32
    %mul3A_31 = vector.broadcast %mul3A_30 : f32 to vector<16xf32>
    %mul3A_32 = arith.mulf %add3A_29, %mul3A_31 : vector<16xf32>
    %mul3A_33 = arith.constant 5.000000e-01 : f32
    %mul3A_34 = vector.broadcast %mul3A_33 : f32 to vector<16xf32>
    %mul3A_35 = arith.mulf %mul3A_34, %mul3A_32 : vector<16xf32>
    %convert_element_type3A = arith.fptosi %mul3A_26 : vector<16xf32> to vector<16xi32>
    %convert_element_type3A_36 = arith.fptosi %mul3A_35 : vector<16xf32> to vector<16xi32>
    %add3A_37 = arith.constant 1 : i32
    %add3A_38 = vector.broadcast %add3A_37 : i32 to vector<16xi32>
    %add3A_39 = arith.addi %convert_element_type3A, %add3A_38 : vector<16xi32>
    %min3A = arith.constant 511 : i32
    %min3A_40 = vector.broadcast %min3A : i32 to vector<16xi32>
    %min3A_41 = arith.minsi %add3A_39, %min3A_40 : vector<16xi32>
    %add3A_42 = arith.constant 1 : i32
    %add3A_43 = vector.broadcast %add3A_42 : i32 to vector<16xi32>
    %add3A_44 = arith.addi %convert_element_type3A_36, %add3A_43 : vector<16xi32>
    %min3A_45 = arith.constant 511 : i32
    %min3A_46 = vector.broadcast %min3A_45 : i32 to vector<16xi32>
    %min3A_47 = arith.minsi %add3A_44, %min3A_46 : vector<16xi32>
    %convert_element_type3A_48 = arith.sitofp %convert_element_type3A : vector<16xi32> to vector<16xf32>
    %convert_element_type3A_49 = arith.sitofp %convert_element_type3A_36 : vector<16xi32> to vector<16xf32>
    %convert_element_type3A_50 = arith.sitofp %min3A_41 : vector<16xi32> to vector<16xf32>
    %convert_element_type3A_51 = arith.sitofp %min3A_47 : vector<16xi32> to vector<16xf32>
    %add3A_52 = arith.constant 0 : i32
    %add3A_53 = arith.addi %add3A_12, %add3A_52 : i32
    %add3A_54 = vector.broadcast %add3A_53 : i32 to vector<16xi32>
    %add3A_55 = arith.addi %add3A_54, %iota3A : vector<16xi32>
    %shift_right_arithmetic3A = arith.constant 18 : i32
    %shift_right_arithmetic3A_56 = vector.broadcast %shift_right_arithmetic3A : i32 to vector<16xi32>
    %shift_right_arithmetic3A_57 = arith.shrsi %add3A_55, %shift_right_arithmetic3A_56 : vector<16xi32>
    %shift_left3A = arith.constant 18 : i32
    %shift_left3A_58 = vector.broadcast %shift_left3A : i32 to vector<16xi32>
    %shift_left3A_59 = arith.shli %shift_right_arithmetic3A_57, %shift_left3A_58 : vector<16xi32>
    %shift_left3A_60 = arith.constant 9 : i32
    %shift_left3A_61 = vector.broadcast %shift_left3A_60 : i32 to vector<16xi32>
    %shift_left3A_62 = arith.shli %convert_element_type3A_36, %shift_left3A_61 : vector<16xi32>
    %add3A_63 = arith.addi %shift_left3A_59, %shift_left3A_62 : vector<16xi32>
    %add3A_64 = arith.addi %add3A_63, %convert_element_type3A : vector<16xi32>
    %shift_left3A_65 = arith.constant 9 : i32
    %shift_left3A_66 = vector.broadcast %shift_left3A_65 : i32 to vector<16xi32>
    %shift_left3A_67 = arith.shli %min3A_47, %shift_left3A_66 : vector<16xi32>
    %add3A_68 = arith.addi %shift_left3A_59, %shift_left3A_67 : vector<16xi32>
    %add3A_69 = arith.addi %add3A_68, %convert_element_type3A : vector<16xi32>
    %sub3A = arith.subi %min3A_41, %convert_element_type3A : vector<16xi32>
    %swap3A = arith.constant 0 : index
    %swap3A_70 = tpu.vector_load %arg18[%swap3A] {strides = array<i32>} : memref<128xi32, #tpu.memory_space<vmem>>, vector<16xi32>,
    %swap3A_71 = vector.shape_cast %swap3A_70 : vector<16xi32> to vector<16xi32>
    %swap3A_72 = vector.shape_cast %add3A_64 : vector<16xi32> to vector<16xi32>
    tpu.vector_store %arg18[%swap3A], %swap3A_72 {strides = array<i32>} : memref<128xi32, #tpu.memory_space<vmem>>, vector<16xi32>,
    %swap3A_73 = arith.constant 0 : index
    %swap3A_74 = tpu.vector_load %arg19[%swap3A_73] {strides = array<i32>} : memref<128xi32, #tpu.memory_space<vmem>>, vector<16xi32>,
    %swap3A_75 = vector.shape_cast %swap3A_74 : vector<16xi32> to vector<16xi32>
    %swap3A_76 = vector.shape_cast %add3A_69 : vector<16xi32> to vector<16xi32>
    tpu.vector_store %arg19[%swap3A_73], %swap3A_76 {strides = array<i32>} : memref<128xi32, #tpu.memory_space<vmem>>, vector<16xi32>,
    %add3A_77 = arith.addi %add3A_64, %sub3A : vector<16xi32>
    %swap3A_78 = arith.constant 0 : index
    %swap3A_79 = tpu.vector_load %arg20[%swap3A_78] {strides = array<i32>} : memref<128xi32, #tpu.memory_space<vmem>>, vector<16xi32>,
    %swap3A_80 = vector.shape_cast %swap3A_79 : vector<16xi32> to vector<16xi32>
    %swap3A_81 = vector.shape_cast %add3A_77 : vector<16xi32> to vector<16xi32>
    tpu.vector_store %arg20[%swap3A_78], %swap3A_81 {strides = array<i32>} : memref<128xi32, #tpu.memory_space<vmem>>, vector<16xi32>,
    %add3A_82 = arith.addi %add3A_69, %sub3A : vector<16xi32>
    %swap3A_83 = arith.constant 0 : index
    %swap3A_84 = tpu.vector_load %arg21[%swap3A_83] {strides = array<i32>} : memref<128xi32, #tpu.memory_space<vmem>>, vector<16xi32>,
    %swap3A_85 = vector.shape_cast %swap3A_84 : vector<16xi32> to vector<16xi32>
    %swap3A_86 = vector.shape_cast %add3A_82 : vector<16xi32> to vector<16xi32>
    tpu.vector_store %arg21[%swap3A_83], %swap3A_86 {strides = array<i32>} : memref<128xi32, #tpu.memory_space<vmem>>, vector<16xi32>,
    %sub3A_87 = arith.subf %convert_element_type3A_50, %mul3A_26 : vector<16xf32>
    %sub3A_88 = arith.subf %mul3A_26, %convert_element_type3A_48 : vector<16xf32>
    %sub3A_89 = arith.subf %convert_element_type3A_51, %mul3A_35 : vector<16xf32>
    %sub3A_90 = arith.subf %mul3A_35, %convert_element_type3A_49 : vector<16xf32>
    %mul3A_91 = arith.mulf %sub3A_87, %sub3A_89 : vector<16xf32>
    %swap3A_92 = arith.constant 0 : index
    %swap3A_93 = tpu.vector_load %arg26[%swap3A_92] {strides = array<i32>} : memref<144xf32, #tpu.memory_space<vmem>>, vector<16xf32>,
    %swap3A_94 = vector.shape_cast %swap3A_93 : vector<16xf32> to vector<16xf32>
    %swap3A_95 = vector.shape_cast %mul3A_91 : vector<16xf32> to vector<16xf32>
    tpu.vector_store %arg26[%swap3A_92], %swap3A_95 {strides = array<i32>} : memref<144xf32, #tpu.memory_space<vmem>>, vector<16xf32>,
    %mul3A_96 = arith.mulf %sub3A_87, %sub3A_90 : vector<16xf32>
    %swap3A_97 = arith.constant 0 : index
    %swap3A_98 = tpu.vector_load %arg27[%swap3A_97] {strides = array<i32>} : memref<144xf32, #tpu.memory_space<vmem>>, vector<16xf32>,
    %swap3A_99 = vector.shape_cast %swap3A_98 : vector<16xf32> to vector<16xf32>
    %swap3A_100 = vector.shape_cast %mul3A_96 : vector<16xf32> to vector<16xf32>
    tpu.vector_store %arg27[%swap3A_97], %swap3A_100 {strides = array<i32>} : memref<144xf32, #tpu.memory_space<vmem>>, vector<16xf32>,
    %mul3A_101 = arith.mulf %sub3A_88, %sub3A_89 : vector<16xf32>
    %swap3A_102 = arith.constant 0 : index
    %swap3A_103 = tpu.vector_load %arg28[%swap3A_102] {strides = array<i32>} : memref<144xf32, #tpu.memory_space<vmem>>, vector<16xf32>,
    %swap3A_104 = vector.shape_cast %swap3A_103 : vector<16xf32> to vector<16xf32>
    %swap3A_105 = vector.shape_cast %mul3A_101 : vector<16xf32> to vector<16xf32>
    tpu.vector_store %arg28[%swap3A_102], %swap3A_105 {strides = array<i32>} : memref<144xf32, #tpu.memory_space<vmem>>, vector<16xf32>,
    %mul3A_106 = arith.mulf %sub3A_88, %sub3A_90 : vector<16xf32>
    %swap3A_107 = arith.constant 0 : index
    %swap3A_108 = tpu.vector_load %arg29[%swap3A_107] {strides = array<i32>} : memref<144xf32, #tpu.memory_space<vmem>>, vector<16xf32>,
    %swap3A_109 = vector.shape_cast %swap3A_108 : vector<16xf32> to vector<16xf32>
    %swap3A_110 = vector.shape_cast %mul3A_106 : vector<16xf32> to vector<16xf32>
    tpu.vector_store %arg29[%swap3A_107], %swap3A_110 {strides = array<i32>} : memref<144xf32, #tpu.memory_space<vmem>>, vector<16xf32>,
    %get3A_111 = arith.constant 16 : index
    %get3A_112 = tpu.vector_load %arg6[%get3A_111] {strides = array<i32>} : memref<128xf32, #tpu.memory_space<vmem>>, vector<16xf32>,
    %get3A_113 = vector.shape_cast %get3A_112 : vector<16xf32> to vector<16xf32>
    %get3A_114 = arith.constant 16 : index
    %get3A_115 = tpu.vector_load %arg8[%get3A_114] {strides = array<i32>} : memref<128xf32, #tpu.memory_space<vmem>>, vector<16xf32>,
    %get3A_116 = vector.shape_cast %get3A_115 : vector<16xf32> to vector<16xf32>
    %add3A_117 = arith.constant 1.000000e+00 : f32
    %add3A_118 = vector.broadcast %add3A_117 : f32 to vector<16xf32>
    %add3A_119 = arith.addf %get3A_113, %add3A_118 : vector<16xf32>
    %mul3A_120 = arith.constant 5.110000e+02 : f32
    %mul3A_121 = vector.broadcast %mul3A_120 : f32 to vector<16xf32>
    %mul3A_122 = arith.mulf %add3A_119, %mul3A_121 : vector<16xf32>
    %mul3A_123 = arith.constant 5.000000e-01 : f32
    %mul3A_124 = vector.broadcast %mul3A_123 : f32 to vector<16xf32>
    %mul3A_125 = arith.mulf %mul3A_124, %mul3A_122 : vector<16xf32>
    %add3A_126 = arith.constant 1.000000e+00 : f32
    %add3A_127 = vector.broadcast %add3A_126 : f32 to vector<16xf32>
    %add3A_128 = arith.addf %get3A_116, %add3A_127 : vector<16xf32>
    %mul3A_129 = arith.constant 5.110000e+02 : f32
    %mul3A_130 = vector.broadcast %mul3A_129 : f32 to vector<16xf32>
    %mul3A_131 = arith.mulf %add3A_128, %mul3A_130 : vector<16xf32>
    %mul3A_132 = arith.constant 5.000000e-01 : f32
    %mul3A_133 = vector.broadcast %mul3A_132 : f32 to vector<16xf32>
    %mul3A_134 = arith.mulf %mul3A_133, %mul3A_131 : vector<16xf32>
    %convert_element_type3A_135 = arith.fptosi %mul3A_125 : vector<16xf32> to vector<16xi32>
    %convert_element_type3A_136 = arith.fptosi %mul3A_134 : vector<16xf32> to vector<16xi32>
    %add3A_137 = arith.constant 1 : i32
    %add3A_138 = vector.broadcast %add3A_137 : i32 to vector<16xi32>
    %add3A_139 = arith.addi %convert_element_type3A_135, %add3A_138 : vector<16xi32>
    %min3A_140 = arith.constant 511 : i32
    %min3A_141 = vector.broadcast %min3A_140 : i32 to vector<16xi32>
    %min3A_142 = arith.minsi %add3A_139, %min3A_141 : vector<16xi32>
    %add3A_143 = arith.constant 1 : i32
    %add3A_144 = vector.broadcast %add3A_143 : i32 to vector<16xi32>
    %add3A_145 = arith.addi %convert_element_type3A_136, %add3A_144 : vector<16xi32>
    %min3A_146 = arith.constant 511 : i32
    %min3A_147 = vector.broadcast %min3A_146 : i32 to vector<16xi32>
    %min3A_148 = arith.minsi %add3A_145, %min3A_147 : vector<16xi32>
    %convert_element_type3A_149 = arith.sitofp %convert_element_type3A_135 : vector<16xi32> to vector<16xf32>
    %convert_element_type3A_150 = arith.sitofp %convert_element_type3A_136 : vector<16xi32> to vector<16xf32>
    %convert_element_type3A_151 = arith.sitofp %min3A_142 : vector<16xi32> to vector<16xf32>
    %convert_element_type3A_152 = arith.sitofp %min3A_148 : vector<16xi32> to vector<16xf32>
    %add3A_153 = arith.constant 16 : i32
    %add3A_154 = arith.addi %add3A_12, %add3A_153 : i32
    %add3A_155 = vector.broadcast %add3A_154 : i32 to vector<16xi32>
    %add3A_156 = arith.addi %add3A_155, %iota3A : vector<16xi32>
    %shift_right_arithmetic3A_157 = arith.constant 18 : i32
    %shift_right_arithmetic3A_158 = vector.broadcast %shift_right_arithmetic3A_157 : i32 to vector<16xi32>
    %shift_right_arithmetic3A_159 = arith.shrsi %add3A_156, %shift_right_arithmetic3A_158 : vector<16xi32>
    %shift_left3A_160 = arith.constant 18 : i32
    %shift_left3A_161 = vector.broadcast %shift_left3A_160 : i32 to vector<16xi32>
    %shift_left3A_162 = arith.shli %shift_right_arithmetic3A_159, %shift_left3A_161 : vector<16xi32>
    %shift_left3A_163 = arith.constant 9 : i32
    %shift_left3A_164 = vector.broadcast %shift_left3A_163 : i32 to vector<16xi32>
    %shift_left3A_165 = arith.shli %convert_element_type3A_136, %shift_left3A_164 : vector<16xi32>
    %add3A_166 = arith.addi %shift_left3A_162, %shift_left3A_165 : vector<16xi32>
    %add3A_167 = arith.addi %add3A_166, %convert_element_type3A_135 : vector<16xi32>
    %shift_left3A_168 = arith.constant 9 : i32
    %shift_left3A_169 = vector.broadcast %shift_left3A_168 : i32 to vector<16xi32>
    %shift_left3A_170 = arith.shli %min3A_148, %shift_left3A_169 : vector<16xi32>
    %add3A_171 = arith.addi %shift_left3A_162, %shift_left3A_170 : vector<16xi32>
    %add3A_172 = arith.addi %add3A_171, %convert_element_type3A_135 : vector<16xi32>
    %sub3A_173 = arith.subi %min3A_142, %convert_element_type3A_135 : vector<16xi32>
    %swap3A_174 = arith.constant 16 : index
    %swap3A_175 = tpu.vector_load %arg18[%swap3A_174] {strides = array<i32>} : memref<128xi32, #tpu.memory_space<vmem>>, vector<16xi32>,
    %swap3A_176 = vector.shape_cast %swap3A_175 : vector<16xi32> to vector<16xi32>
    %swap3A_177 = vector.shape_cast %add3A_167 : vector<16xi32> to vector<16xi32>
    tpu.vector_store %arg18[%swap3A_174], %swap3A_177 {strides = array<i32>} : memref<128xi32, #tpu.memory_space<vmem>>, vector<16xi32>,
    %swap3A_178 = arith.constant 16 : index
    %swap3A_179 = tpu.vector_load %arg19[%swap3A_178] {strides = array<i32>} : memref<128xi32, #tpu.memory_space<vmem>>, vector<16xi32>,
    %swap3A_180 = vector.shape_cast %swap3A_179 : vector<16xi32> to vector<16xi32>
    %swap3A_181 = vector.shape_cast %add3A_172 : vector<16xi32> to vector<16xi32>
    tpu.vector_store %arg19[%swap3A_178], %swap3A_181 {strides = array<i32>} : memref<128xi32, #tpu.memory_space<vmem>>, vector<16xi32>,
    %add3A_182 = arith.addi %add3A_167, %sub3A_173 : vector<16xi32>
    %swap3A_183 = arith.constant 16 : index
    %swap3A_184 = tpu.vector_load %arg20[%swap3A_183] {strides = array<i32>} : memref<128xi32, #tpu.memory_space<vmem>>, vector<16xi32>,
    %swap3A_185 = vector.shape_cast %swap3A_184 : vector<16xi32> to vector<16xi32>
    %swap3A_186 = vector.shape_cast %add3A_182 : vector<16xi32> to vector<16xi32>
    tpu.vector_store %arg20[%swap3A_183], %swap3A_186 {strides = array<i32>} : memref<128xi32, #tpu.memory_space<vmem>>, vector<16xi32>,
    %add3A_187 = arith.addi %add3A_172, %sub3A_173 : vector<16xi32>
    %swap3A_188 = arith.constant 16 : index
    %swap3A_189 = tpu.vector_load %arg21[%swap3A_188] {strides = array<i32>} : memref<128xi32, #tpu.memory_space<vmem>>, vector<16xi32>,
    %swap3A_190 = vector.shape_cast %swap3A_189 : vector<16xi32> to vector<16xi32>
    %swap3A_191 = vector.shape_cast %add3A_187 : vector<16xi32> to vector<16xi32>
    tpu.vector_store %arg21[%swap3A_188], %swap3A_191 {strides = array<i32>} : memref<128xi32, #tpu.memory_space<vmem>>, vector<16xi32>,
    %sub3A_192 = arith.subf %convert_element_type3A_151, %mul3A_125 : vector<16xf32>
    %sub3A_193 = arith.subf %mul3A_125, %convert_element_type3A_149 : vector<16xf32>
    %sub3A_194 = arith.subf %convert_element_type3A_152, %mul3A_134 : vector<16xf32>
    %sub3A_195 = arith.subf %mul3A_134, %convert_element_type3A_150 : vector<16xf32>
    %mul3A_196 = arith.mulf %sub3A_192, %sub3A_194 : vector<16xf32>
    %swap3A_197 = arith.constant 16 : index
    %swap3A_198 = tpu.vector_load %arg26[%swap3A_197] {strides = array<i32>} : memref<144xf32, #tpu.memory_space<vmem>>, vector<16xf32>,
    %swap3A_199 = vector.shape_cast %swap3A_198 : vector<16xf32> to vector<16xf32>
    %swap3A_200 = vector.shape_cast %mul3A_196 : vector<16xf32> to vector<16xf32>
    tpu.vector_store %arg26[%swap3A_197], %swap3A_200 {strides = array<i32>} : memref<144xf32, #tpu.memory_space<vmem>>, vector<16xf32>,
    %mul3A_201 = arith.mulf %sub3A_192, %sub3A_195 : vector<16xf32>
    %swap3A_202 = arith.constant 16 : index
    %swap3A_203 = tpu.vector_load %arg27[%swap3A_202] {strides = array<i32>} : memref<144xf32, #tpu.memory_space<vmem>>, vector<16xf32>,
    %swap3A_204 = vector.shape_cast %swap3A_203 : vector<16xf32> to vector<16xf32>
    %swap3A_205 = vector.shape_cast %mul3A_201 : vector<16xf32> to vector<16xf32>
    tpu.vector_store %arg27[%swap3A_202], %swap3A_205 {strides = array<i32>} : memref<144xf32, #tpu.memory_space<vmem>>, vector<16xf32>,
    %mul3A_206 = arith.mulf %sub3A_193, %sub3A_194 : vector<16xf32>
    %swap3A_207 = arith.constant 16 : index
    %swap3A_208 = tpu.vector_load %arg28[%swap3A_207] {strides = array<i32>} : memref<144xf32, #tpu.memory_space<vmem>>, vector<16xf32>,
    %swap3A_209 = vector.shape_cast %swap3A_208 : vector<16xf32> to vector<16xf32>
    %swap3A_210 = vector.shape_cast %mul3A_206 : vector<16xf32> to vector<16xf32>
    tpu.vector_store %arg28[%swap3A_207], %swap3A_210 {strides = array<i32>} : memref<144xf32, #tpu.memory_space<vmem>>, vector<16xf32>,
    %mul3A_211 = arith.mulf %sub3A_193, %sub3A_195 : vector<16xf32>
    %swap3A_212 = arith.constant 16 : index
    %swap3A_213 = tpu.vector_load %arg29[%swap3A_212] {strides = array<i32>} : memref<144xf32, #tpu.memory_space<vmem>>, vector<16xf32>,
    %swap3A_214 = vector.shape_cast %swap3A_213 : vector<16xf32> to vector<16xf32>
    %swap3A_215 = vector.shape_cast %mul3A_211 : vector<16xf32> to vector<16xf32>
    tpu.vector_store %arg29[%swap3A_212], %swap3A_215 {strides = array<i32>} : memref<144xf32, #tpu.memory_space<vmem>>, vector<16xf32>,
    %get3A_216 = arith.constant 32 : index
    %get3A_217 = tpu.vector_load %arg6[%get3A_216] {strides = array<i32>} : memref<128xf32, #tpu.memory_space<vmem>>, vector<16xf32>,
    %get3A_218 = vector.shape_cast %get3A_217 : vector<16xf32> to vector<16xf32>
    %get3A_219 = arith.constant 32 : index
    %get3A_220 = tpu.vector_load %arg8[%get3A_219] {strides = array<i32>} : memref<128xf32, #tpu.memory_space<vmem>>, vector<16xf32>,
    %get3A_221 = vector.shape_cast %get3A_220 : vector<16xf32> to vector<16xf32>
    %add3A_222 = arith.constant 1.000000e+00 : f32
    %add3A_223 = vector.broadcast %add3A_222 : f32 to vector<16xf32>
    %add3A_224 = arith.addf %get3A_218, %add3A_223 : vector<16xf32>
    %mul3A_225 = arith.constant 5.110000e+02 : f32
    %mul3A_226 = vector.broadcast %mul3A_225 : f32 to vector<16xf32>
    %mul3A_227 = arith.mulf %add3A_224, %mul3A_226 : vector<16xf32>
    %mul3A_228 = arith.constant 5.000000e-01 : f32
    %mul3A_229 = vector.broadcast %mul3A_228 : f32 to vector<16xf32>
    %mul3A_230 = arith.mulf %mul3A_229, %mul3A_227 : vector<16xf32>
    %add3A_231 = arith.constant 1.000000e+00 : f32
    %add3A_232 = vector.broadcast %add3A_231 : f32 to vector<16xf32>
    %add3A_233 = arith.addf %get3A_221, %add3A_232 : vector<16xf32>
    %mul3A_234 = arith.constant 5.110000e+02 : f32
    %mul3A_235 = vector.broadcast %mul3A_234 : f32 to vector<16xf32>
    %mul3A_236 = arith.mulf %add3A_233, %mul3A_235 : vector<16xf32>
    %mul3A_237 = arith.constant 5.000000e-01 : f32
    %mul3A_238 = vector.broadcast %mul3A_237 : f32 to vector<16xf32>
    %mul3A_239 = arith.mulf %mul3A_238, %mul3A_236 : vector<16xf32>
    %convert_element_type3A_240 = arith.fptosi %mul3A_230 : vector<16xf32> to vector<16xi32>
    %convert_element_type3A_241 = arith.fptosi %mul3A_239 : vector<16xf32> to vector<16xi32>
    %add3A_242 = arith.constant 1 : i32
    %add3A_243 = vector.broadcast %add3A_242 : i32 to vector<16xi32>
    %add3A_244 = arith.addi %convert_element_type3A_240, %add3A_243 : vector<16xi32>
    %min3A_245 = arith.constant 511 : i32
    %min3A_246 = vector.broadcast %min3A_245 : i32 to vector<16xi32>
    %min3A_247 = arith.minsi %add3A_244, %min3A_246 : vector<16xi32>
    %add3A_248 = arith.constant 1 : i32
    %add3A_249 = vector.broadcast %add3A_248 : i32 to vector<16xi32>
    %add3A_250 = arith.addi %convert_element_type3A_241, %add3A_249 : vector<16xi32>
    %min3A_251 = arith.constant 511 : i32
    %min3A_252 = vector.broadcast %min3A_251 : i32 to vector<16xi32>
    %min3A_253 = arith.minsi %add3A_250, %min3A_252 : vector<16xi32>
    %convert_element_type3A_254 = arith.sitofp %convert_element_type3A_240 : vector<16xi32> to vector<16xf32>
    %convert_element_type3A_255 = arith.sitofp %convert_element_type3A_241 : vector<16xi32> to vector<16xf32>
    %convert_element_type3A_256 = arith.sitofp %min3A_247 : vector<16xi32> to vector<16xf32>
    %convert_element_type3A_257 = arith.sitofp %min3A_253 : vector<16xi32> to vector<16xf32>
    %add3A_258 = arith.constant 32 : i32
    %add3A_259 = arith.addi %add3A_12, %add3A_258 : i32
    %add3A_260 = vector.broadcast %add3A_259 : i32 to vector<16xi32>
    %add3A_261 = arith.addi %add3A_260, %iota3A : vector<16xi32>
    %shift_right_arithmetic3A_262 = arith.constant 18 : i32
    %shift_right_arithmetic3A_263 = vector.broadcast %shift_right_arithmetic3A_262 : i32 to vector<16xi32>
    %shift_right_arithmetic3A_264 = arith.shrsi %add3A_261, %shift_right_arithmetic3A_263 : vector<16xi32>
    %shift_left3A_265 = arith.constant 18 : i32
    %shift_left3A_266 = vector.broadcast %shift_left3A_265 : i32 to vector<16xi32>
    %shift_left3A_267 = arith.shli %shift_right_arithmetic3A_264, %shift_left3A_266 : vector<16xi32>
    %shift_left3A_268 = arith.constant 9 : i32
    %shift_left3A_269 = vector.broadcast %shift_left3A_268 : i32 to vector<16xi32>
    %shift_left3A_270 = arith.shli %convert_element_type3A_241, %shift_left3A_269 : vector<16xi32>
    %add3A_271 = arith.addi %shift_left3A_267, %shift_left3A_270 : vector<16xi32>
    %add3A_272 = arith.addi %add3A_271, %convert_element_type3A_240 : vector<16xi32>
    %shift_left3A_273 = arith.constant 9 : i32
    %shift_left3A_274 = vector.broadcast %shift_left3A_273 : i32 to vector<16xi32>
    %shift_left3A_275 = arith.shli %min3A_253, %shift_left3A_274 : vector<16xi32>
    %add3A_276 = arith.addi %shift_left3A_267, %shift_left3A_275 : vector<16xi32>
    %add3A_277 = arith.addi %add3A_276, %convert_element_type3A_240 : vector<16xi32>
    %sub3A_278 = arith.subi %min3A_247, %convert_element_type3A_240 : vector<16xi32>
    %swap3A_279 = arith.constant 32 : index
    %swap3A_280 = tpu.vector_load %arg18[%swap3A_279] {strides = array<i32>} : memref<128xi32, #tpu.memory_space<vmem>>, vector<16xi32>,
    %swap3A_281 = vector.shape_cast %swap3A_280 : vector<16xi32> to vector<16xi32>
    %swap3A_282 = vector.shape_cast %add3A_272 : vector<16xi32> to vector<16xi32>
    tpu.vector_store %arg18[%swap3A_279], %swap3A_282 {strides = array<i32>} : memref<128xi32, #tpu.memory_space<vmem>>, vector<16xi32>,
    %swap3A_283 = arith.constant 32 : index
    %swap3A_284 = tpu.vector_load %arg19[%swap3A_283] {strides = array<i32>} : memref<128xi32, #tpu.memory_space<vmem>>, vector<16xi32>,
    %swap3A_285 = vector.shape_cast %swap3A_284 : vector<16xi32> to vector<16xi32>
    %swap3A_286 = vector.shape_cast %add3A_277 : vector<16xi32> to vector<16xi32>
    tpu.vector_store %arg19[%swap3A_283], %swap3A_286 {strides = array<i32>} : memref<128xi32, #tpu.memory_space<vmem>>, vector<16xi32>,
    %add3A_287 = arith.addi %add3A_272, %sub3A_278 : vector<16xi32>
    %swap3A_288 = arith.constant 32 : index
    %swap3A_289 = tpu.vector_load %arg20[%swap3A_288] {strides = array<i32>} : memref<128xi32, #tpu.memory_space<vmem>>, vector<16xi32>,
    %swap3A_290 = vector.shape_cast %swap3A_289 : vector<16xi32> to vector<16xi32>
    %swap3A_291 = vector.shape_cast %add3A_287 : vector<16xi32> to vector<16xi32>
    tpu.vector_store %arg20[%swap3A_288], %swap3A_291 {strides = array<i32>} : memref<128xi32, #tpu.memory_space<vmem>>, vector<16xi32>,
    %add3A_292 = arith.addi %add3A_277, %sub3A_278 : vector<16xi32>
    %swap3A_293 = arith.constant 32 : index
    %swap3A_294 = tpu.vector_load %arg21[%swap3A_293] {strides = array<i32>} : memref<128xi32, #tpu.memory_space<vmem>>, vector<16xi32>,
    %swap3A_295 = vector.shape_cast %swap3A_294 : vector<16xi32> to vector<16xi32>
    %swap3A_296 = vector.shape_cast %add3A_292 : vector<16xi32> to vector<16xi32>
    tpu.vector_store %arg21[%swap3A_293], %swap3A_296 {strides = array<i32>} : memref<128xi32, #tpu.memory_space<vmem>>, vector<16xi32>,
    %sub3A_297 = arith.subf %convert_element_type3A_256, %mul3A_230 : vector<16xf32>
    %sub3A_298 = arith.subf %mul3A_230, %convert_element_type3A_254 : vector<16xf32>
    %sub3A_299 = arith.subf %convert_element_type3A_257, %mul3A_239 : vector<16xf32>
    %sub3A_300 = arith.subf %mul3A_239, %convert_element_type3A_255 : vector<16xf32>
    %mul3A_301 = arith.mulf %sub3A_297, %sub3A_299 : vector<16xf32>
    %swap3A_302 = arith.constant 32 : index
    %swap3A_303 = tpu.vector_load %arg26[%swap3A_302] {strides = array<i32>} : memref<144xf32, #tpu.memory_space<vmem>>, vector<16xf32>,
    %swap3A_304 = vector.shape_cast %swap3A_303 : vector<16xf32> to vector<16xf32>
    %swap3A_305 = vector.shape_cast %mul3A_301 : vector<16xf32> to vector<16xf32>
    tpu.vector_store %arg26[%swap3A_302], %swap3A_305 {strides = array<i32>} : memref<144xf32, #tpu.memory_space<vmem>>, vector<16xf32>,
    %mul3A_306 = arith.mulf %sub3A_297, %sub3A_300 : vector<16xf32>
    %swap3A_307 = arith.constant 32 : index
    %swap3A_308 = tpu.vector_load %arg27[%swap3A_307] {strides = array<i32>} : memref<144xf32, #tpu.memory_space<vmem>>, vector<16xf32>,
    %swap3A_309 = vector.shape_cast %swap3A_308 : vector<16xf32> to vector<16xf32>
    %swap3A_310 = vector.shape_cast %mul3A_306 : vector<16xf32> to vector<16xf32>
    tpu.vector_store %arg27[%swap3A_307], %swap3A_310 {strides = array<i32>} : memref<144xf32, #tpu.memory_space<vmem>>, vector<16xf32>,
    %mul3A_311 = arith.mulf %sub3A_298, %sub3A_299 : vector<16xf32>
    %swap3A_312 = arith.constant 32 : index
    %swap3A_313 = tpu.vector_load %arg28[%swap3A_312] {strides = array<i32>} : memref<144xf32, #tpu.memory_space<vmem>>, vector<16xf32>,
    %swap3A_314 = vector.shape_cast %swap3A_313 : vector<16xf32> to vector<16xf32>
    %swap3A_315 = vector.shape_cast %mul3A_311 : vector<16xf32> to vector<16xf32>
    tpu.vector_store %arg28[%swap3A_312], %swap3A_315 {strides = array<i32>} : memref<144xf32, #tpu.memory_space<vmem>>, vector<16xf32>,
    %mul3A_316 = arith.mulf %sub3A_298, %sub3A_300 : vector<16xf32>
    %swap3A_317 = arith.constant 32 : index
    %swap3A_318 = tpu.vector_load %arg29[%swap3A_317] {strides = array<i32>} : memref<144xf32, #tpu.memory_space<vmem>>, vector<16xf32>,
    %swap3A_319 = vector.shape_cast %swap3A_318 : vector<16xf32> to vector<16xf32>
    %swap3A_320 = vector.shape_cast %mul3A_316 : vector<16xf32> to vector<16xf32>
    tpu.vector_store %arg29[%swap3A_317], %swap3A_320 {strides = array<i32>} : memref<144xf32, #tpu.memory_space<vmem>>, vector<16xf32>,
    %get3A_321 = arith.constant 48 : index
    %get3A_322 = tpu.vector_load %arg6[%get3A_321] {strides = array<i32>} : memref<128xf32, #tpu.memory_space<vmem>>, vector<16xf32>,
    %get3A_323 = vector.shape_cast %get3A_322 : vector<16xf32> to vector<16xf32>
    %get3A_324 = arith.constant 48 : index
    %get3A_325 = tpu.vector_load %arg8[%get3A_324] {strides = array<i32>} : memref<128xf32, #tpu.memory_space<vmem>>, vector<16xf32>,
    %get3A_326 = vector.shape_cast %get3A_325 : vector<16xf32> to vector<16xf32>
    %add3A_327 = arith.constant 1.000000e+00 : f32
    %add3A_328 = vector.broadcast %add3A_327 : f32 to vector<16xf32>
    %add3A_329 = arith.addf %get3A_323, %add3A_328 : vector<16xf32>
    %mul3A_330 = arith.constant 5.110000e+02 : f32
    %mul3A_331 = vector.broadcast %mul3A_330 : f32 to vector<16xf32>
    %mul3A_332 = arith.mulf %add3A_329, %mul3A_331 : vector<16xf32>
    %mul3A_333 = arith.constant 5.000000e-01 : f32
    %mul3A_334 = vector.broadcast %mul3A_333 : f32 to vector<16xf32>
    %mul3A_335 = arith.mulf %mul3A_334, %mul3A_332 : vector<16xf32>
    %add3A_336 = arith.constant 1.000000e+00 : f32
    %add3A_337 = vector.broadcast %add3A_336 : f32 to vector<16xf32>
    %add3A_338 = arith.addf %get3A_326, %add3A_337 : vector<16xf32>
    %mul3A_339 = arith.constant 5.110000e+02 : f32
    %mul3A_340 = vector.broadcast %mul3A_339 : f32 to vector<16xf32>
    %mul3A_341 = arith.mulf %add3A_338, %mul3A_340 : vector<16xf32>
    %mul3A_342 = arith.constant 5.000000e-01 : f32
    %mul3A_343 = vector.broadcast %mul3A_342 : f32 to vector<16xf32>
    %mul3A_344 = arith.mulf %mul3A_343, %mul3A_341 : vector<16xf32>
    %convert_element_type3A_345 = arith.fptosi %mul3A_335 : vector<16xf32> to vector<16xi32>
    %convert_element_type3A_346 = arith.fptosi %mul3A_344 : vector<16xf32> to vector<16xi32>
    %add3A_347 = arith.constant 1 : i32
    %add3A_348 = vector.broadcast %add3A_347 : i32 to vector<16xi32>
    %add3A_349 = arith.addi %convert_element_type3A_345, %add3A_348 : vector<16xi32>
    %min3A_350 = arith.constant 511 : i32
    %min3A_351 = vector.broadcast %min3A_350 : i32 to vector<16xi32>
    %min3A_352 = arith.minsi %add3A_349, %min3A_351 : vector<16xi32>
    %add3A_353 = arith.constant 1 : i32
    %add3A_354 = vector.broadcast %add3A_353 : i32 to vector<16xi32>
    %add3A_355 = arith.addi %convert_element_type3A_346, %add3A_354 : vector<16xi32>
    %min3A_356 = arith.constant 511 : i32
    %min3A_357 = vector.broadcast %min3A_356 : i32 to vector<16xi32>
    %min3A_358 = arith.minsi %add3A_355, %min3A_357 : vector<16xi32>
    %convert_element_type3A_359 = arith.sitofp %convert_element_type3A_345 : vector<16xi32> to vector<16xf32>
    %convert_element_type3A_360 = arith.sitofp %convert_element_type3A_346 : vector<16xi32> to vector<16xf32>
    %convert_element_type3A_361 = arith.sitofp %min3A_352 : vector<16xi32> to vector<16xf32>
    %convert_element_type3A_362 = arith.sitofp %min3A_358 : vector<16xi32> to vector<16xf32>
    %add3A_363 = arith.constant 48 : i32
    %add3A_364 = arith.addi %add3A_12, %add3A_363 : i32
    %add3A_365 = vector.broadcast %add3A_364 : i32 to vector<16xi32>
    %add3A_366 = arith.addi %add3A_365, %iota3A : vector<16xi32>
    %shift_right_arithmetic3A_367 = arith.constant 18 : i32
    %shift_right_arithmetic3A_368 = vector.broadcast %shift_right_arithmetic3A_367 : i32 to vector<16xi32>
    %shift_right_arithmetic3A_369 = arith.shrsi %add3A_366, %shift_right_arithmetic3A_368 : vector<16xi32>
    %shift_left3A_370 = arith.constant 18 : i32
    %shift_left3A_371 = vector.broadcast %shift_left3A_370 : i32 to vector<16xi32>
    %shift_left3A_372 = arith.shli %shift_right_arithmetic3A_369, %shift_left3A_371 : vector<16xi32>
    %shift_left3A_373 = arith.constant 9 : i32
    %shift_left3A_374 = vector.broadcast %shift_left3A_373 : i32 to vector<16xi32>
    %shift_left3A_375 = arith.shli %convert_element_type3A_346, %shift_left3A_374 : vector<16xi32>
    %add3A_376 = arith.addi %shift_left3A_372, %shift_left3A_375 : vector<16xi32>
    %add3A_377 = arith.addi %add3A_376, %convert_element_type3A_345 : vector<16xi32>
    %shift_left3A_378 = arith.constant 9 : i32
    %shift_left3A_379 = vector.broadcast %shift_left3A_378 : i32 to vector<16xi32>
    %shift_left3A_380 = arith.shli %min3A_358, %shift_left3A_379 : vector<16xi32>
    %add3A_381 = arith.addi %shift_left3A_372, %shift_left3A_380 : vector<16xi32>
    %add3A_382 = arith.addi %add3A_381, %convert_element_type3A_345 : vector<16xi32>
    %sub3A_383 = arith.subi %min3A_352, %convert_element_type3A_345 : vector<16xi32>
    %swap3A_384 = arith.constant 48 : index
    %swap3A_385 = tpu.vector_load %arg18[%swap3A_384] {strides = array<i32>} : memref<128xi32, #tpu.memory_space<vmem>>, vector<16xi32>,
    %swap3A_386 = vector.shape_cast %swap3A_385 : vector<16xi32> to vector<16xi32>
    %swap3A_387 = vector.shape_cast %add3A_377 : vector<16xi32> to vector<16xi32>
    tpu.vector_store %arg18[%swap3A_384], %swap3A_387 {strides = array<i32>} : memref<128xi32, #tpu.memory_space<vmem>>, vector<16xi32>,
    %swap3A_388 = arith.constant 48 : index
    %swap3A_389 = tpu.vector_load %arg19[%swap3A_388] {strides = array<i32>} : memref<128xi32, #tpu.memory_space<vmem>>, vector<16xi32>,
    %swap3A_390 = vector.shape_cast %swap3A_389 : vector<16xi32> to vector<16xi32>
    %swap3A_391 = vector.shape_cast %add3A_382 : vector<16xi32> to vector<16xi32>
    tpu.vector_store %arg19[%swap3A_388], %swap3A_391 {strides = array<i32>} : memref<128xi32, #tpu.memory_space<vmem>>, vector<16xi32>,
    %add3A_392 = arith.addi %add3A_377, %sub3A_383 : vector<16xi32>
    %swap3A_393 = arith.constant 48 : index
    %swap3A_394 = tpu.vector_load %arg20[%swap3A_393] {strides = array<i32>} : memref<128xi32, #tpu.memory_space<vmem>>, vector<16xi32>,
    %swap3A_395 = vector.shape_cast %swap3A_394 : vector<16xi32> to vector<16xi32>
    %swap3A_396 = vector.shape_cast %add3A_392 : vector<16xi32> to vector<16xi32>
    tpu.vector_store %arg20[%swap3A_393], %swap3A_396 {strides = array<i32>} : memref<128xi32, #tpu.memory_space<vmem>>, vector<16xi32>,
    %add3A_397 = arith.addi %add3A_382, %sub3A_383 : vector<16xi32>
    %swap3A_398 = arith.constant 48 : index
    %swap3A_399 = tpu.vector_load %arg21[%swap3A_398] {strides = array<i32>} : memref<128xi32, #tpu.memory_space<vmem>>, vector<16xi32>,
    %swap3A_400 = vector.shape_cast %swap3A_399 : vector<16xi32> to vector<16xi32>
    %swap3A_401 = vector.shape_cast %add3A_397 : vector<16xi32> to vector<16xi32>
    tpu.vector_store %arg21[%swap3A_398], %swap3A_401 {strides = array<i32>} : memref<128xi32, #tpu.memory_space<vmem>>, vector<16xi32>,
    %sub3A_402 = arith.subf %convert_element_type3A_361, %mul3A_335 : vector<16xf32>
    %sub3A_403 = arith.subf %mul3A_335, %convert_element_type3A_359 : vector<16xf32>
    %sub3A_404 = arith.subf %convert_element_type3A_362, %mul3A_344 : vector<16xf32>
    %sub3A_405 = arith.subf %mul3A_344, %convert_element_type3A_360 : vector<16xf32>
    %mul3A_406 = arith.mulf %sub3A_402, %sub3A_404 : vector<16xf32>
    %swap3A_407 = arith.constant 48 : index
    %swap3A_408 = tpu.vector_load %arg26[%swap3A_407] {strides = array<i32>} : memref<144xf32, #tpu.memory_space<vmem>>, vector<16xf32>,
    %swap3A_409 = vector.shape_cast %swap3A_408 : vector<16xf32> to vector<16xf32>
    %swap3A_410 = vector.shape_cast %mul3A_406 : vector<16xf32> to vector<16xf32>
    tpu.vector_store %arg26[%swap3A_407], %swap3A_410 {strides = array<i32>} : memref<144xf32, #tpu.memory_space<vmem>>, vector<16xf32>,
    %mul3A_411 = arith.mulf %sub3A_402, %sub3A_405 : vector<16xf32>
    %swap3A_412 = arith.constant 48 : index
    %swap3A_413 = tpu.vector_load %arg27[%swap3A_412] {strides = array<i32>} : memref<144xf32, #tpu.memory_space<vmem>>, vector<16xf32>,
    %swap3A_414 = vector.shape_cast %swap3A_413 : vector<16xf32> to vector<16xf32>
    %swap3A_415 = vector.shape_cast %mul3A_411 : vector<16xf32> to vector<16xf32>
    tpu.vector_store %arg27[%swap3A_412], %swap3A_415 {strides = array<i32>} : memref<144xf32, #tpu.memory_space<vmem>>, vector<16xf32>,
    %mul3A_416 = arith.mulf %sub3A_403, %sub3A_404 : vector<16xf32>
    %swap3A_417 = arith.constant 48 : index
    %swap3A_418 = tpu.vector_load %arg28[%swap3A_417] {strides = array<i32>} : memref<144xf32, #tpu.memory_space<vmem>>, vector<16xf32>,
    %swap3A_419 = vector.shape_cast %swap3A_418 : vector<16xf32> to vector<16xf32>
    %swap3A_420 = vector.shape_cast %mul3A_416 : vector<16xf32> to vector<16xf32>
    tpu.vector_store %arg28[%swap3A_417], %swap3A_420 {strides = array<i32>} : memref<144xf32, #tpu.memory_space<vmem>>, vector<16xf32>,
    %mul3A_421 = arith.mulf %sub3A_403, %sub3A_405 : vector<16xf32>
    %swap3A_422 = arith.constant 48 : index
    %swap3A_423 = tpu.vector_load %arg29[%swap3A_422] {strides = array<i32>} : memref<144xf32, #tpu.memory_space<vmem>>, vector<16xf32>,
    %swap3A_424 = vector.shape_cast %swap3A_423 : vector<16xf32> to vector<16xf32>
    %swap3A_425 = vector.shape_cast %mul3A_421 : vector<16xf32> to vector<16xf32>
    tpu.vector_store %arg29[%swap3A_422], %swap3A_425 {strides = array<i32>} : memref<144xf32, #tpu.memory_space<vmem>>, vector<16xf32>,
    %get3A_426 = arith.constant 64 : index
    %get3A_427 = tpu.vector_load %arg6[%get3A_426] {strides = array<i32>} : memref<128xf32, #tpu.memory_space<vmem>>, vector<16xf32>,
    %get3A_428 = vector.shape_cast %get3A_427 : vector<16xf32> to vector<16xf32>
    %get3A_429 = arith.constant 64 : index
    %get3A_430 = tpu.vector_load %arg8[%get3A_429] {strides = array<i32>} : memref<128xf32, #tpu.memory_space<vmem>>, vector<16xf32>,
    %get3A_431 = vector.shape_cast %get3A_430 : vector<16xf32> to vector<16xf32>
    %add3A_432 = arith.constant 1.000000e+00 : f32
    %add3A_433 = vector.broadcast %add3A_432 : f32 to vector<16xf32>
    %add3A_434 = arith.addf %get3A_428, %add3A_433 : vector<16xf32>
    %mul3A_435 = arith.constant 5.110000e+02 : f32
    %mul3A_436 = vector.broadcast %mul3A_435 : f32 to vector<16xf32>
    %mul3A_437 = arith.mulf %add3A_434, %mul3A_436 : vector<16xf32>
    %mul3A_438 = arith.constant 5.000000e-01 : f32
    %mul3A_439 = vector.broadcast %mul3A_438 : f32 to vector<16xf32>
    %mul3A_440 = arith.mulf %mul3A_439, %mul3A_437 : vector<16xf32>
    %add3A_441 = arith.constant 1.000000e+00 : f32
    %add3A_442 = vector.broadcast %add3A_441 : f32 to vector<16xf32>
    %add3A_443 = arith.addf %get3A_431, %add3A_442 : vector<16xf32>
    %mul3A_444 = arith.constant 5.110000e+02 : f32
    %mul3A_445 = vector.broadcast %mul3A_444 : f32 to vector<16xf32>
    %mul3A_446 = arith.mulf %add3A_443, %mul3A_445 : vector<16xf32>
    %mul3A_447 = arith.constant 5.000000e-01 : f32
    %mul3A_448 = vector.broadcast %mul3A_447 : f32 to vector<16xf32>
    %mul3A_449 = arith.mulf %mul3A_448, %mul3A_446 : vector<16xf32>
    %convert_element_type3A_450 = arith.fptosi %mul3A_440 : vector<16xf32> to vector<16xi32>
    %convert_element_type3A_451 = arith.fptosi %mul3A_449 : vector<16xf32> to vector<16xi32>
    %add3A_452 = arith.constant 1 : i32
    %add3A_453 = vector.broadcast %add3A_452 : i32 to vector<16xi32>
    %add3A_454 = arith.addi %convert_element_type3A_450, %add3A_453 : vector<16xi32>
    %min3A_455 = arith.constant 511 : i32
    %min3A_456 = vector.broadcast %min3A_455 : i32 to vector<16xi32>
    %min3A_457 = arith.minsi %add3A_454, %min3A_456 : vector<16xi32>
    %add3A_458 = arith.constant 1 : i32
    %add3A_459 = vector.broadcast %add3A_458 : i32 to vector<16xi32>
    %add3A_460 = arith.addi %convert_element_type3A_451, %add3A_459 : vector<16xi32>
    %min3A_461 = arith.constant 511 : i32
    %min3A_462 = vector.broadcast %min3A_461 : i32 to vector<16xi32>
    %min3A_463 = arith.minsi %add3A_460, %min3A_462 : vector<16xi32>
    %convert_element_type3A_464 = arith.sitofp %convert_element_type3A_450 : vector<16xi32> to vector<16xf32>
    %convert_element_type3A_465 = arith.sitofp %convert_element_type3A_451 : vector<16xi32> to vector<16xf32>
    %convert_element_type3A_466 = arith.sitofp %min3A_457 : vector<16xi32> to vector<16xf32>
    %convert_element_type3A_467 = arith.sitofp %min3A_463 : vector<16xi32> to vector<16xf32>
    %add3A_468 = arith.constant 64 : i32
    %add3A_469 = arith.addi %add3A_12, %add3A_468 : i32
    %add3A_470 = vector.broadcast %add3A_469 : i32 to vector<16xi32>
    %add3A_471 = arith.addi %add3A_470, %iota3A : vector<16xi32>
    %shift_right_arithmetic3A_472 = arith.constant 18 : i32
    %shift_right_arithmetic3A_473 = vector.broadcast %shift_right_arithmetic3A_472 : i32 to vector<16xi32>
    %shift_right_arithmetic3A_474 = arith.shrsi %add3A_471, %shift_right_arithmetic3A_473 : vector<16xi32>
    %shift_left3A_475 = arith.constant 18 : i32
    %shift_left3A_476 = vector.broadcast %shift_left3A_475 : i32 to vector<16xi32>
    %shift_left3A_477 = arith.shli %shift_right_arithmetic3A_474, %shift_left3A_476 : vector<16xi32>
    %shift_left3A_478 = arith.constant 9 : i32
    %shift_left3A_479 = vector.broadcast %shift_left3A_478 : i32 to vector<16xi32>
    %shift_left3A_480 = arith.shli %convert_element_type3A_451, %shift_left3A_479 : vector<16xi32>
    %add3A_481 = arith.addi %shift_left3A_477, %shift_left3A_480 : vector<16xi32>
    %add3A_482 = arith.addi %add3A_481, %convert_element_type3A_450 : vector<16xi32>
    %shift_left3A_483 = arith.constant 9 : i32
    %shift_left3A_484 = vector.broadcast %shift_left3A_483 : i32 to vector<16xi32>
    %shift_left3A_485 = arith.shli %min3A_463, %shift_left3A_484 : vector<16xi32>
    %add3A_486 = arith.addi %shift_left3A_477, %shift_left3A_485 : vector<16xi32>
    %add3A_487 = arith.addi %add3A_486, %convert_element_type3A_450 : vector<16xi32>
    %sub3A_488 = arith.subi %min3A_457, %convert_element_type3A_450 : vector<16xi32>
    %swap3A_489 = arith.constant 64 : index
    %swap3A_490 = tpu.vector_load %arg18[%swap3A_489] {strides = array<i32>} : memref<128xi32, #tpu.memory_space<vmem>>, vector<16xi32>,
    %swap3A_491 = vector.shape_cast %swap3A_490 : vector<16xi32> to vector<16xi32>
    %swap3A_492 = vector.shape_cast %add3A_482 : vector<16xi32> to vector<16xi32>
    tpu.vector_store %arg18[%swap3A_489], %swap3A_492 {strides = array<i32>} : memref<128xi32, #tpu.memory_space<vmem>>, vector<16xi32>,
    %swap3A_493 = arith.constant 64 : index
    %swap3A_494 = tpu.vector_load %arg19[%swap3A_493] {strides = array<i32>} : memref<128xi32, #tpu.memory_space<vmem>>, vector<16xi32>,
    %swap3A_495 = vector.shape_cast %swap3A_494 : vector<16xi32> to vector<16xi32>
    %swap3A_496 = vector.shape_cast %add3A_487 : vector<16xi32> to vector<16xi32>
    tpu.vector_store %arg19[%swap3A_493], %swap3A_496 {strides = array<i32>} : memref<128xi32, #tpu.memory_space<vmem>>, vector<16xi32>,
    %add3A_497 = arith.addi %add3A_482, %sub3A_488 : vector<16xi32>
    %swap3A_498 = arith.constant 64 : index
    %swap3A_499 = tpu.vector_load %arg20[%swap3A_498] {strides = array<i32>} : memref<128xi32, #tpu.memory_space<vmem>>, vector<16xi32>,
    %swap3A_500 = vector.shape_cast %swap3A_499 : vector<16xi32> to vector<16xi32>
    %swap3A_501 = vector.shape_cast %add3A_497 : vector<16xi32> to vector<16xi32>
    tpu.vector_store %arg20[%swap3A_498], %swap3A_501 {strides = array<i32>} : memref<128xi32, #tpu.memory_space<vmem>>, vector<16xi32>,
    %add3A_502 = arith.addi %add3A_487, %sub3A_488 : vector<16xi32>
    %swap3A_503 = arith.constant 64 : index
    %swap3A_504 = tpu.vector_load %arg21[%swap3A_503] {strides = array<i32>} : memref<128xi32, #tpu.memory_space<vmem>>, vector<16xi32>,
    %swap3A_505 = vector.shape_cast %swap3A_504 : vector<16xi32> to vector<16xi32>
    %swap3A_506 = vector.shape_cast %add3A_502 : vector<16xi32> to vector<16xi32>
    tpu.vector_store %arg21[%swap3A_503], %swap3A_506 {strides = array<i32>} : memref<128xi32, #tpu.memory_space<vmem>>, vector<16xi32>,
    %sub3A_507 = arith.subf %convert_element_type3A_466, %mul3A_440 : vector<16xf32>
    %sub3A_508 = arith.subf %mul3A_440, %convert_element_type3A_464 : vector<16xf32>
    %sub3A_509 = arith.subf %convert_element_type3A_467, %mul3A_449 : vector<16xf32>
    %sub3A_510 = arith.subf %mul3A_449, %convert_element_type3A_465 : vector<16xf32>
    %mul3A_511 = arith.mulf %sub3A_507, %sub3A_509 : vector<16xf32>
    %swap3A_512 = arith.constant 64 : index
    %swap3A_513 = tpu.vector_load %arg26[%swap3A_512] {strides = array<i32>} : memref<144xf32, #tpu.memory_space<vmem>>, vector<16xf32>,
    %swap3A_514 = vector.shape_cast %swap3A_513 : vector<16xf32> to vector<16xf32>
    %swap3A_515 = vector.shape_cast %mul3A_511 : vector<16xf32> to vector<16xf32>
    tpu.vector_store %arg26[%swap3A_512], %swap3A_515 {strides = array<i32>} : memref<144xf32, #tpu.memory_space<vmem>>, vector<16xf32>,
    %mul3A_516 = arith.mulf %sub3A_507, %sub3A_510 : vector<16xf32>
    %swap3A_517 = arith.constant 64 : index
    %swap3A_518 = tpu.vector_load %arg27[%swap3A_517] {strides = array<i32>} : memref<144xf32, #tpu.memory_space<vmem>>, vector<16xf32>,
    %swap3A_519 = vector.shape_cast %swap3A_518 : vector<16xf32> to vector<16xf32>
    %swap3A_520 = vector.shape_cast %mul3A_516 : vector<16xf32> to vector<16xf32>
    tpu.vector_store %arg27[%swap3A_517], %swap3A_520 {strides = array<i32>} : memref<144xf32, #tpu.memory_space<vmem>>, vector<16xf32>,
    %mul3A_521 = arith.mulf %sub3A_508, %sub3A_509 : vector<16xf32>
    %swap3A_522 = arith.constant 64 : index
    %swap3A_523 = tpu.vector_load %arg28[%swap3A_522] {strides = array<i32>} : memref<144xf32, #tpu.memory_space<vmem>>, vector<16xf32>,
    %swap3A_524 = vector.shape_cast %swap3A_523 : vector<16xf32> to vector<16xf32>
    %swap3A_525 = vector.shape_cast %mul3A_521 : vector<16xf32> to vector<16xf32>
    tpu.vector_store %arg28[%swap3A_522], %swap3A_525 {strides = array<i32>} : memref<144xf32, #tpu.memory_space<vmem>>, vector<16xf32>,
    %mul3A_526 = arith.mulf %sub3A_508, %sub3A_510 : vector<16xf32>
    %swap3A_527 = arith.constant 64 : index
    %swap3A_528 = tpu.vector_load %arg29[%swap3A_527] {strides = array<i32>} : memref<144xf32, #tpu.memory_space<vmem>>, vector<16xf32>,
    %swap3A_529 = vector.shape_cast %swap3A_528 : vector<16xf32> to vector<16xf32>
    %swap3A_530 = vector.shape_cast %mul3A_526 : vector<16xf32> to vector<16xf32>
    tpu.vector_store %arg29[%swap3A_527], %swap3A_530 {strides = array<i32>} : memref<144xf32, #tpu.memory_space<vmem>>, vector<16xf32>,
    %get3A_531 = arith.constant 80 : index
    %get3A_532 = tpu.vector_load %arg6[%get3A_531] {strides = array<i32>} : memref<128xf32, #tpu.memory_space<vmem>>, vector<16xf32>,
    %get3A_533 = vector.shape_cast %get3A_532 : vector<16xf32> to vector<16xf32>
    %get3A_534 = arith.constant 80 : index
    %get3A_535 = tpu.vector_load %arg8[%get3A_534] {strides = array<i32>} : memref<128xf32, #tpu.memory_space<vmem>>, vector<16xf32>,
    %get3A_536 = vector.shape_cast %get3A_535 : vector<16xf32> to vector<16xf32>
    %add3A_537 = arith.constant 1.000000e+00 : f32
    %add3A_538 = vector.broadcast %add3A_537 : f32 to vector<16xf32>
    %add3A_539 = arith.addf %get3A_533, %add3A_538 : vector<16xf32>
    %mul3A_540 = arith.constant 5.110000e+02 : f32
    %mul3A_541 = vector.broadcast %mul3A_540 : f32 to vector<16xf32>
    %mul3A_542 = arith.mulf %add3A_539, %mul3A_541 : vector<16xf32>
    %mul3A_543 = arith.constant 5.000000e-01 : f32
    %mul3A_544 = vector.broadcast %mul3A_543 : f32 to vector<16xf32>
    %mul3A_545 = arith.mulf %mul3A_544, %mul3A_542 : vector<16xf32>
    %add3A_546 = arith.constant 1.000000e+00 : f32
    %add3A_547 = vector.broadcast %add3A_546 : f32 to vector<16xf32>
    %add3A_548 = arith.addf %get3A_536, %add3A_547 : vector<16xf32>
    %mul3A_549 = arith.constant 5.110000e+02 : f32
    %mul3A_550 = vector.broadcast %mul3A_549 : f32 to vector<16xf32>
    %mul3A_551 = arith.mulf %add3A_548, %mul3A_550 : vector<16xf32>
    %mul3A_552 = arith.constant 5.000000e-01 : f32
    %mul3A_553 = vector.broadcast %mul3A_552 : f32 to vector<16xf32>
    %mul3A_554 = arith.mulf %mul3A_553, %mul3A_551 : vector<16xf32>
    %convert_element_type3A_555 = arith.fptosi %mul3A_545 : vector<16xf32> to vector<16xi32>
    %convert_element_type3A_556 = arith.fptosi %mul3A_554 : vector<16xf32> to vector<16xi32>
    %add3A_557 = arith.constant 1 : i32
    %add3A_558 = vector.broadcast %add3A_557 : i32 to vector<16xi32>
    %add3A_559 = arith.addi %convert_element_type3A_555, %add3A_558 : vector<16xi32>
    %min3A_560 = arith.constant 511 : i32
    %min3A_561 = vector.broadcast %min3A_560 : i32 to vector<16xi32>
    %min3A_562 = arith.minsi %add3A_559, %min3A_561 : vector<16xi32>
    %add3A_563 = arith.constant 1 : i32
    %add3A_564 = vector.broadcast %add3A_563 : i32 to vector<16xi32>
    %add3A_565 = arith.addi %convert_element_type3A_556, %add3A_564 : vector<16xi32>
    %min3A_566 = arith.constant 511 : i32
    %min3A_567 = vector.broadcast %min3A_566 : i32 to vector<16xi32>
    %min3A_568 = arith.minsi %add3A_565, %min3A_567 : vector<16xi32>
    %convert_element_type3A_569 = arith.sitofp %convert_element_type3A_555 : vector<16xi32> to vector<16xf32>
    %convert_element_type3A_570 = arith.sitofp %convert_element_type3A_556 : vector<16xi32> to vector<16xf32>
    %convert_element_type3A_571 = arith.sitofp %min3A_562 : vector<16xi32> to vector<16xf32>
    %convert_element_type3A_572 = arith.sitofp %min3A_568 : vector<16xi32> to vector<16xf32>
    %add3A_573 = arith.constant 80 : i32
    %add3A_574 = arith.addi %add3A_12, %add3A_573 : i32
    %add3A_575 = vector.broadcast %add3A_574 : i32 to vector<16xi32>
    %add3A_576 = arith.addi %add3A_575, %iota3A : vector<16xi32>
    %shift_right_arithmetic3A_577 = arith.constant 18 : i32
    %shift_right_arithmetic3A_578 = vector.broadcast %shift_right_arithmetic3A_577 : i32 to vector<16xi32>
    %shift_right_arithmetic3A_579 = arith.shrsi %add3A_576, %shift_right_arithmetic3A_578 : vector<16xi32>
    %shift_left3A_580 = arith.constant 18 : i32
    %shift_left3A_581 = vector.broadcast %shift_left3A_580 : i32 to vector<16xi32>
    %shift_left3A_582 = arith.shli %shift_right_arithmetic3A_579, %shift_left3A_581 : vector<16xi32>
    %shift_left3A_583 = arith.constant 9 : i32
    %shift_left3A_584 = vector.broadcast %shift_left3A_583 : i32 to vector<16xi32>
    %shift_left3A_585 = arith.shli %convert_element_type3A_556, %shift_left3A_584 : vector<16xi32>
    %add3A_586 = arith.addi %shift_left3A_582, %shift_left3A_585 : vector<16xi32>
    %add3A_587 = arith.addi %add3A_586, %convert_element_type3A_555 : vector<16xi32>
    %shift_left3A_588 = arith.constant 9 : i32
    %shift_left3A_589 = vector.broadcast %shift_left3A_588 : i32 to vector<16xi32>
    %shift_left3A_590 = arith.shli %min3A_568, %shift_left3A_589 : vector<16xi32>
    %add3A_591 = arith.addi %shift_left3A_582, %shift_left3A_590 : vector<16xi32>
    %add3A_592 = arith.addi %add3A_591, %convert_element_type3A_555 : vector<16xi32>
    %sub3A_593 = arith.subi %min3A_562, %convert_element_type3A_555 : vector<16xi32>
    %swap3A_594 = arith.constant 80 : index
    %swap3A_595 = tpu.vector_load %arg18[%swap3A_594] {strides = array<i32>} : memref<128xi32, #tpu.memory_space<vmem>>, vector<16xi32>,
    %swap3A_596 = vector.shape_cast %swap3A_595 : vector<16xi32> to vector<16xi32>
    %swap3A_597 = vector.shape_cast %add3A_587 : vector<16xi32> to vector<16xi32>
    tpu.vector_store %arg18[%swap3A_594], %swap3A_597 {strides = array<i32>} : memref<128xi32, #tpu.memory_space<vmem>>, vector<16xi32>,
    %swap3A_598 = arith.constant 80 : index
    %swap3A_599 = tpu.vector_load %arg19[%swap3A_598] {strides = array<i32>} : memref<128xi32, #tpu.memory_space<vmem>>, vector<16xi32>,
    %swap3A_600 = vector.shape_cast %swap3A_599 : vector<16xi32> to vector<16xi32>
    %swap3A_601 = vector.shape_cast %add3A_592 : vector<16xi32> to vector<16xi32>
    tpu.vector_store %arg19[%swap3A_598], %swap3A_601 {strides = array<i32>} : memref<128xi32, #tpu.memory_space<vmem>>, vector<16xi32>,
    %add3A_602 = arith.addi %add3A_587, %sub3A_593 : vector<16xi32>
    %swap3A_603 = arith.constant 80 : index
    %swap3A_604 = tpu.vector_load %arg20[%swap3A_603] {strides = array<i32>} : memref<128xi32, #tpu.memory_space<vmem>>, vector<16xi32>,
    %swap3A_605 = vector.shape_cast %swap3A_604 : vector<16xi32> to vector<16xi32>
    %swap3A_606 = vector.shape_cast %add3A_602 : vector<16xi32> to vector<16xi32>
    tpu.vector_store %arg20[%swap3A_603], %swap3A_606 {strides = array<i32>} : memref<128xi32, #tpu.memory_space<vmem>>, vector<16xi32>,
    %add3A_607 = arith.addi %add3A_592, %sub3A_593 : vector<16xi32>
    %swap3A_608 = arith.constant 80 : index
    %swap3A_609 = tpu.vector_load %arg21[%swap3A_608] {strides = array<i32>} : memref<128xi32, #tpu.memory_space<vmem>>, vector<16xi32>,
    %swap3A_610 = vector.shape_cast %swap3A_609 : vector<16xi32> to vector<16xi32>
    %swap3A_611 = vector.shape_cast %add3A_607 : vector<16xi32> to vector<16xi32>
    tpu.vector_store %arg21[%swap3A_608], %swap3A_611 {strides = array<i32>} : memref<128xi32, #tpu.memory_space<vmem>>, vector<16xi32>,
    %sub3A_612 = arith.subf %convert_element_type3A_571, %mul3A_545 : vector<16xf32>
    %sub3A_613 = arith.subf %mul3A_545, %convert_element_type3A_569 : vector<16xf32>
    %sub3A_614 = arith.subf %convert_element_type3A_572, %mul3A_554 : vector<16xf32>
    %sub3A_615 = arith.subf %mul3A_554, %convert_element_type3A_570 : vector<16xf32>
    %mul3A_616 = arith.mulf %sub3A_612, %sub3A_614 : vector<16xf32>
    %swap3A_617 = arith.constant 80 : index
    %swap3A_618 = tpu.vector_load %arg26[%swap3A_617] {strides = array<i32>} : memref<144xf32, #tpu.memory_space<vmem>>, vector<16xf32>,
    %swap3A_619 = vector.shape_cast %swap3A_618 : vector<16xf32> to vector<16xf32>
    %swap3A_620 = vector.shape_cast %mul3A_616 : vector<16xf32> to vector<16xf32>
    tpu.vector_store %arg26[%swap3A_617], %swap3A_620 {strides = array<i32>} : memref<144xf32, #tpu.memory_space<vmem>>, vector<16xf32>,
    %mul3A_621 = arith.mulf %sub3A_612, %sub3A_615 : vector<16xf32>
    %swap3A_622 = arith.constant 80 : index
    %swap3A_623 = tpu.vector_load %arg27[%swap3A_622] {strides = array<i32>} : memref<144xf32, #tpu.memory_space<vmem>>, vector<16xf32>,
    %swap3A_624 = vector.shape_cast %swap3A_623 : vector<16xf32> to vector<16xf32>
    %swap3A_625 = vector.shape_cast %mul3A_621 : vector<16xf32> to vector<16xf32>
    tpu.vector_store %arg27[%swap3A_622], %swap3A_625 {strides = array<i32>} : memref<144xf32, #tpu.memory_space<vmem>>, vector<16xf32>,
    %mul3A_626 = arith.mulf %sub3A_613, %sub3A_614 : vector<16xf32>
    %swap3A_627 = arith.constant 80 : index
    %swap3A_628 = tpu.vector_load %arg28[%swap3A_627] {strides = array<i32>} : memref<144xf32, #tpu.memory_space<vmem>>, vector<16xf32>,
    %swap3A_629 = vector.shape_cast %swap3A_628 : vector<16xf32> to vector<16xf32>
    %swap3A_630 = vector.shape_cast %mul3A_626 : vector<16xf32> to vector<16xf32>
    tpu.vector_store %arg28[%swap3A_627], %swap3A_630 {strides = array<i32>} : memref<144xf32, #tpu.memory_space<vmem>>, vector<16xf32>,
    %mul3A_631 = arith.mulf %sub3A_613, %sub3A_615 : vector<16xf32>
    %swap3A_632 = arith.constant 80 : index
    %swap3A_633 = tpu.vector_load %arg29[%swap3A_632] {strides = array<i32>} : memref<144xf32, #tpu.memory_space<vmem>>, vector<16xf32>,
    %swap3A_634 = vector.shape_cast %swap3A_633 : vector<16xf32> to vector<16xf32>
    %swap3A_635 = vector.shape_cast %mul3A_631 : vector<16xf32> to vector<16xf32>
    tpu.vector_store %arg29[%swap3A_632], %swap3A_635 {strides = array<i32>} : memref<144xf32, #tpu.memory_space<vmem>>, vector<16xf32>,
    %get3A_636 = arith.constant 96 : index
    %get3A_637 = tpu.vector_load %arg6[%get3A_636] {strides = array<i32>} : memref<128xf32, #tpu.memory_space<vmem>>, vector<16xf32>,
    %get3A_638 = vector.shape_cast %get3A_637 : vector<16xf32> to vector<16xf32>
    %get3A_639 = arith.constant 96 : index
    %get3A_640 = tpu.vector_load %arg8[%get3A_639] {strides = array<i32>} : memref<128xf32, #tpu.memory_space<vmem>>, vector<16xf32>,
    %get3A_641 = vector.shape_cast %get3A_640 : vector<16xf32> to vector<16xf32>
    %add3A_642 = arith.constant 1.000000e+00 : f32
    %add3A_643 = vector.broadcast %add3A_642 : f32 to vector<16xf32>
    %add3A_644 = arith.addf %get3A_638, %add3A_643 : vector<16xf32>
    %mul3A_645 = arith.constant 5.110000e+02 : f32
    %mul3A_646 = vector.broadcast %mul3A_645 : f32 to vector<16xf32>
    %mul3A_647 = arith.mulf %add3A_644, %mul3A_646 : vector<16xf32>
    %mul3A_648 = arith.constant 5.000000e-01 : f32
    %mul3A_649 = vector.broadcast %mul3A_648 : f32 to vector<16xf32>
    %mul3A_650 = arith.mulf %mul3A_649, %mul3A_647 : vector<16xf32>
    %add3A_651 = arith.constant 1.000000e+00 : f32
    %add3A_652 = vector.broadcast %add3A_651 : f32 to vector<16xf32>
    %add3A_653 = arith.addf %get3A_641, %add3A_652 : vector<16xf32>
    %mul3A_654 = arith.constant 5.110000e+02 : f32
    %mul3A_655 = vector.broadcast %mul3A_654 : f32 to vector<16xf32>
    %mul3A_656 = arith.mulf %add3A_653, %mul3A_655 : vector<16xf32>
    %mul3A_657 = arith.constant 5.000000e-01 : f32
    %mul3A_658 = vector.broadcast %mul3A_657 : f32 to vector<16xf32>
    %mul3A_659 = arith.mulf %mul3A_658, %mul3A_656 : vector<16xf32>
    %convert_element_type3A_660 = arith.fptosi %mul3A_650 : vector<16xf32> to vector<16xi32>
    %convert_element_type3A_661 = arith.fptosi %mul3A_659 : vector<16xf32> to vector<16xi32>
    %add3A_662 = arith.constant 1 : i32
    %add3A_663 = vector.broadcast %add3A_662 : i32 to vector<16xi32>
    %add3A_664 = arith.addi %convert_element_type3A_660, %add3A_663 : vector<16xi32>
    %min3A_665 = arith.constant 511 : i32
    %min3A_666 = vector.broadcast %min3A_665 : i32 to vector<16xi32>
    %min3A_667 = arith.minsi %add3A_664, %min3A_666 : vector<16xi32>
    %add3A_668 = arith.constant 1 : i32
    %add3A_669 = vector.broadcast %add3A_668 : i32 to vector<16xi32>
    %add3A_670 = arith.addi %convert_element_type3A_661, %add3A_669 : vector<16xi32>
    %min3A_671 = arith.constant 511 : i32
    %min3A_672 = vector.broadcast %min3A_671 : i32 to vector<16xi32>
    %min3A_673 = arith.minsi %add3A_670, %min3A_672 : vector<16xi32>
    %convert_element_type3A_674 = arith.sitofp %convert_element_type3A_660 : vector<16xi32> to vector<16xf32>
    %convert_element_type3A_675 = arith.sitofp %convert_element_type3A_661 : vector<16xi32> to vector<16xf32>
    %convert_element_type3A_676 = arith.sitofp %min3A_667 : vector<16xi32> to vector<16xf32>
    %convert_element_type3A_677 = arith.sitofp %min3A_673 : vector<16xi32> to vector<16xf32>
    %add3A_678 = arith.constant 96 : i32
    %add3A_679 = arith.addi %add3A_12, %add3A_678 : i32
    %add3A_680 = vector.broadcast %add3A_679 : i32 to vector<16xi32>
    %add3A_681 = arith.addi %add3A_680, %iota3A : vector<16xi32>
    %shift_right_arithmetic3A_682 = arith.constant 18 : i32
    %shift_right_arithmetic3A_683 = vector.broadcast %shift_right_arithmetic3A_682 : i32 to vector<16xi32>
    %shift_right_arithmetic3A_684 = arith.shrsi %add3A_681, %shift_right_arithmetic3A_683 : vector<16xi32>
    %shift_left3A_685 = arith.constant 18 : i32
    %shift_left3A_686 = vector.broadcast %shift_left3A_685 : i32 to vector<16xi32>
    %shift_left3A_687 = arith.shli %shift_right_arithmetic3A_684, %shift_left3A_686 : vector<16xi32>
    %shift_left3A_688 = arith.constant 9 : i32
    %shift_left3A_689 = vector.broadcast %shift_left3A_688 : i32 to vector<16xi32>
    %shift_left3A_690 = arith.shli %convert_element_type3A_661, %shift_left3A_689 : vector<16xi32>
    %add3A_691 = arith.addi %shift_left3A_687, %shift_left3A_690 : vector<16xi32>
    %add3A_692 = arith.addi %add3A_691, %convert_element_type3A_660 : vector<16xi32>
    %shift_left3A_693 = arith.constant 9 : i32
    %shift_left3A_694 = vector.broadcast %shift_left3A_693 : i32 to vector<16xi32>
    %shift_left3A_695 = arith.shli %min3A_673, %shift_left3A_694 : vector<16xi32>
    %add3A_696 = arith.addi %shift_left3A_687, %shift_left3A_695 : vector<16xi32>
    %add3A_697 = arith.addi %add3A_696, %convert_element_type3A_660 : vector<16xi32>
    %sub3A_698 = arith.subi %min3A_667, %convert_element_type3A_660 : vector<16xi32>
    %swap3A_699 = arith.constant 96 : index
    %swap3A_700 = tpu.vector_load %arg18[%swap3A_699] {strides = array<i32>} : memref<128xi32, #tpu.memory_space<vmem>>, vector<16xi32>,
    %swap3A_701 = vector.shape_cast %swap3A_700 : vector<16xi32> to vector<16xi32>
    %swap3A_702 = vector.shape_cast %add3A_692 : vector<16xi32> to vector<16xi32>
    tpu.vector_store %arg18[%swap3A_699], %swap3A_702 {strides = array<i32>} : memref<128xi32, #tpu.memory_space<vmem>>, vector<16xi32>,
    %swap3A_703 = arith.constant 96 : index
    %swap3A_704 = tpu.vector_load %arg19[%swap3A_703] {strides = array<i32>} : memref<128xi32, #tpu.memory_space<vmem>>, vector<16xi32>,
    %swap3A_705 = vector.shape_cast %swap3A_704 : vector<16xi32> to vector<16xi32>
    %swap3A_706 = vector.shape_cast %add3A_697 : vector<16xi32> to vector<16xi32>
    tpu.vector_store %arg19[%swap3A_703], %swap3A_706 {strides = array<i32>} : memref<128xi32, #tpu.memory_space<vmem>>, vector<16xi32>,
    %add3A_707 = arith.addi %add3A_692, %sub3A_698 : vector<16xi32>
    %swap3A_708 = arith.constant 96 : index
    %swap3A_709 = tpu.vector_load %arg20[%swap3A_708] {strides = array<i32>} : memref<128xi32, #tpu.memory_space<vmem>>, vector<16xi32>,
    %swap3A_710 = vector.shape_cast %swap3A_709 : vector<16xi32> to vector<16xi32>
    %swap3A_711 = vector.shape_cast %add3A_707 : vector<16xi32> to vector<16xi32>
    tpu.vector_store %arg20[%swap3A_708], %swap3A_711 {strides = array<i32>} : memref<128xi32, #tpu.memory_space<vmem>>, vector<16xi32>,
    %add3A_712 = arith.addi %add3A_697, %sub3A_698 : vector<16xi32>
    %swap3A_713 = arith.constant 96 : index
    %swap3A_714 = tpu.vector_load %arg21[%swap3A_713] {strides = array<i32>} : memref<128xi32, #tpu.memory_space<vmem>>, vector<16xi32>,
    %swap3A_715 = vector.shape_cast %swap3A_714 : vector<16xi32> to vector<16xi32>
    %swap3A_716 = vector.shape_cast %add3A_712 : vector<16xi32> to vector<16xi32>
    tpu.vector_store %arg21[%swap3A_713], %swap3A_716 {strides = array<i32>} : memref<128xi32, #tpu.memory_space<vmem>>, vector<16xi32>,
    %sub3A_717 = arith.subf %convert_element_type3A_676, %mul3A_650 : vector<16xf32>
    %sub3A_718 = arith.subf %mul3A_650, %convert_element_type3A_674 : vector<16xf32>
    %sub3A_719 = arith.subf %convert_element_type3A_677, %mul3A_659 : vector<16xf32>
    %sub3A_720 = arith.subf %mul3A_659, %convert_element_type3A_675 : vector<16xf32>
    %mul3A_721 = arith.mulf %sub3A_717, %sub3A_719 : vector<16xf32>
    %swap3A_722 = arith.constant 96 : index
    %swap3A_723 = tpu.vector_load %arg26[%swap3A_722] {strides = array<i32>} : memref<144xf32, #tpu.memory_space<vmem>>, vector<16xf32>,
    %swap3A_724 = vector.shape_cast %swap3A_723 : vector<16xf32> to vector<16xf32>
    %swap3A_725 = vector.shape_cast %mul3A_721 : vector<16xf32> to vector<16xf32>
    tpu.vector_store %arg26[%swap3A_722], %swap3A_725 {strides = array<i32>} : memref<144xf32, #tpu.memory_space<vmem>>, vector<16xf32>,
    %mul3A_726 = arith.mulf %sub3A_717, %sub3A_720 : vector<16xf32>
    %swap3A_727 = arith.constant 96 : index
    %swap3A_728 = tpu.vector_load %arg27[%swap3A_727] {strides = array<i32>} : memref<144xf32, #tpu.memory_space<vmem>>, vector<16xf32>,
    %swap3A_729 = vector.shape_cast %swap3A_728 : vector<16xf32> to vector<16xf32>
    %swap3A_730 = vector.shape_cast %mul3A_726 : vector<16xf32> to vector<16xf32>
    tpu.vector_store %arg27[%swap3A_727], %swap3A_730 {strides = array<i32>} : memref<144xf32, #tpu.memory_space<vmem>>, vector<16xf32>,
    %mul3A_731 = arith.mulf %sub3A_718, %sub3A_719 : vector<16xf32>
    %swap3A_732 = arith.constant 96 : index
    %swap3A_733 = tpu.vector_load %arg28[%swap3A_732] {strides = array<i32>} : memref<144xf32, #tpu.memory_space<vmem>>, vector<16xf32>,
    %swap3A_734 = vector.shape_cast %swap3A_733 : vector<16xf32> to vector<16xf32>
    %swap3A_735 = vector.shape_cast %mul3A_731 : vector<16xf32> to vector<16xf32>
    tpu.vector_store %arg28[%swap3A_732], %swap3A_735 {strides = array<i32>} : memref<144xf32, #tpu.memory_space<vmem>>, vector<16xf32>,
    %mul3A_736 = arith.mulf %sub3A_718, %sub3A_720 : vector<16xf32>
    %swap3A_737 = arith.constant 96 : index
    %swap3A_738 = tpu.vector_load %arg29[%swap3A_737] {strides = array<i32>} : memref<144xf32, #tpu.memory_space<vmem>>, vector<16xf32>,
    %swap3A_739 = vector.shape_cast %swap3A_738 : vector<16xf32> to vector<16xf32>
    %swap3A_740 = vector.shape_cast %mul3A_736 : vector<16xf32> to vector<16xf32>
    tpu.vector_store %arg29[%swap3A_737], %swap3A_740 {strides = array<i32>} : memref<144xf32, #tpu.memory_space<vmem>>, vector<16xf32>,
    %get3A_741 = arith.constant 112 : index
    %get3A_742 = tpu.vector_load %arg6[%get3A_741] {strides = array<i32>} : memref<128xf32, #tpu.memory_space<vmem>>, vector<16xf32>,
    %get3A_743 = vector.shape_cast %get3A_742 : vector<16xf32> to vector<16xf32>
    %get3A_744 = arith.constant 112 : index
    %get3A_745 = tpu.vector_load %arg8[%get3A_744] {strides = array<i32>} : memref<128xf32, #tpu.memory_space<vmem>>, vector<16xf32>,
    %get3A_746 = vector.shape_cast %get3A_745 : vector<16xf32> to vector<16xf32>
    %add3A_747 = arith.constant 1.000000e+00 : f32
    %add3A_748 = vector.broadcast %add3A_747 : f32 to vector<16xf32>
    %add3A_749 = arith.addf %get3A_743, %add3A_748 : vector<16xf32>
    %mul3A_750 = arith.constant 5.110000e+02 : f32
    %mul3A_751 = vector.broadcast %mul3A_750 : f32 to vector<16xf32>
    %mul3A_752 = arith.mulf %add3A_749, %mul3A_751 : vector<16xf32>
    %mul3A_753 = arith.constant 5.000000e-01 : f32
    %mul3A_754 = vector.broadcast %mul3A_753 : f32 to vector<16xf32>
    %mul3A_755 = arith.mulf %mul3A_754, %mul3A_752 : vector<16xf32>
    %add3A_756 = arith.constant 1.000000e+00 : f32
    %add3A_757 = vector.broadcast %add3A_756 : f32 to vector<16xf32>
    %add3A_758 = arith.addf %get3A_746, %add3A_757 : vector<16xf32>
    %mul3A_759 = arith.constant 5.110000e+02 : f32
    %mul3A_760 = vector.broadcast %mul3A_759 : f32 to vector<16xf32>
    %mul3A_761 = arith.mulf %add3A_758, %mul3A_760 : vector<16xf32>
    %mul3A_762 = arith.constant 5.000000e-01 : f32
    %mul3A_763 = vector.broadcast %mul3A_762 : f32 to vector<16xf32>
    %mul3A_764 = arith.mulf %mul3A_763, %mul3A_761 : vector<16xf32>
    %convert_element_type3A_765 = arith.fptosi %mul3A_755 : vector<16xf32> to vector<16xi32>
    %convert_element_type3A_766 = arith.fptosi %mul3A_764 : vector<16xf32> to vector<16xi32>
    %add3A_767 = arith.constant 1 : i32
    %add3A_768 = vector.broadcast %add3A_767 : i32 to vector<16xi32>
    %add3A_769 = arith.addi %convert_element_type3A_765, %add3A_768 : vector<16xi32>
    %min3A_770 = arith.constant 511 : i32
    %min3A_771 = vector.broadcast %min3A_770 : i32 to vector<16xi32>
    %min3A_772 = arith.minsi %add3A_769, %min3A_771 : vector<16xi32>
    %add3A_773 = arith.constant 1 : i32
    %add3A_774 = vector.broadcast %add3A_773 : i32 to vector<16xi32>
    %add3A_775 = arith.addi %convert_element_type3A_766, %add3A_774 : vector<16xi32>
    %min3A_776 = arith.constant 511 : i32
    %min3A_777 = vector.broadcast %min3A_776 : i32 to vector<16xi32>
    %min3A_778 = arith.minsi %add3A_775, %min3A_777 : vector<16xi32>
    %convert_element_type3A_779 = arith.sitofp %convert_element_type3A_765 : vector<16xi32> to vector<16xf32>
    %convert_element_type3A_780 = arith.sitofp %convert_element_type3A_766 : vector<16xi32> to vector<16xf32>
    %convert_element_type3A_781 = arith.sitofp %min3A_772 : vector<16xi32> to vector<16xf32>
    %convert_element_type3A_782 = arith.sitofp %min3A_778 : vector<16xi32> to vector<16xf32>
    %add3A_783 = arith.constant 112 : i32
    %add3A_784 = arith.addi %add3A_12, %add3A_783 : i32
    %add3A_785 = vector.broadcast %add3A_784 : i32 to vector<16xi32>
    %add3A_786 = arith.addi %add3A_785, %iota3A : vector<16xi32>
    %shift_right_arithmetic3A_787 = arith.constant 18 : i32
    %shift_right_arithmetic3A_788 = vector.broadcast %shift_right_arithmetic3A_787 : i32 to vector<16xi32>
    %shift_right_arithmetic3A_789 = arith.shrsi %add3A_786, %shift_right_arithmetic3A_788 : vector<16xi32>
    %shift_left3A_790 = arith.constant 18 : i32
    %shift_left3A_791 = vector.broadcast %shift_left3A_790 : i32 to vector<16xi32>
    %shift_left3A_792 = arith.shli %shift_right_arithmetic3A_789, %shift_left3A_791 : vector<16xi32>
    %shift_left3A_793 = arith.constant 9 : i32
    %shift_left3A_794 = vector.broadcast %shift_left3A_793 : i32 to vector<16xi32>
    %shift_left3A_795 = arith.shli %convert_element_type3A_766, %shift_left3A_794 : vector<16xi32>
    %add3A_796 = arith.addi %shift_left3A_792, %shift_left3A_795 : vector<16xi32>
    %add3A_797 = arith.addi %add3A_796, %convert_element_type3A_765 : vector<16xi32>
    %shift_left3A_798 = arith.constant 9 : i32
    %shift_left3A_799 = vector.broadcast %shift_left3A_798 : i32 to vector<16xi32>
    %shift_left3A_800 = arith.shli %min3A_778, %shift_left3A_799 : vector<16xi32>
    %add3A_801 = arith.addi %shift_left3A_792, %shift_left3A_800 : vector<16xi32>
    %add3A_802 = arith.addi %add3A_801, %convert_element_type3A_765 : vector<16xi32>
    %sub3A_803 = arith.subi %min3A_772, %convert_element_type3A_765 : vector<16xi32>
    %swap3A_804 = arith.constant 112 : index
    %swap3A_805 = tpu.vector_load %arg18[%swap3A_804] {strides = array<i32>} : memref<128xi32, #tpu.memory_space<vmem>>, vector<16xi32>,
    %swap3A_806 = vector.shape_cast %swap3A_805 : vector<16xi32> to vector<16xi32>
    %swap3A_807 = vector.shape_cast %add3A_797 : vector<16xi32> to vector<16xi32>
    tpu.vector_store %arg18[%swap3A_804], %swap3A_807 {strides = array<i32>} : memref<128xi32, #tpu.memory_space<vmem>>, vector<16xi32>,
    %swap3A_808 = arith.constant 112 : index
    %swap3A_809 = tpu.vector_load %arg19[%swap3A_808] {strides = array<i32>} : memref<128xi32, #tpu.memory_space<vmem>>, vector<16xi32>,
    %swap3A_810 = vector.shape_cast %swap3A_809 : vector<16xi32> to vector<16xi32>
    %swap3A_811 = vector.shape_cast %add3A_802 : vector<16xi32> to vector<16xi32>
    tpu.vector_store %arg19[%swap3A_808], %swap3A_811 {strides = array<i32>} : memref<128xi32, #tpu.memory_space<vmem>>, vector<16xi32>,
    %add3A_812 = arith.addi %add3A_797, %sub3A_803 : vector<16xi32>
    %swap3A_813 = arith.constant 112 : index
    %swap3A_814 = tpu.vector_load %arg20[%swap3A_813] {strides = array<i32>} : memref<128xi32, #tpu.memory_space<vmem>>, vector<16xi32>,
    %swap3A_815 = vector.shape_cast %swap3A_814 : vector<16xi32> to vector<16xi32>
    %swap3A_816 = vector.shape_cast %add3A_812 : vector<16xi32> to vector<16xi32>
    tpu.vector_store %arg20[%swap3A_813], %swap3A_816 {strides = array<i32>} : memref<128xi32, #tpu.memory_space<vmem>>, vector<16xi32>,
    %add3A_817 = arith.addi %add3A_802, %sub3A_803 : vector<16xi32>
    %swap3A_818 = arith.constant 112 : index
    %swap3A_819 = tpu.vector_load %arg21[%swap3A_818] {strides = array<i32>} : memref<128xi32, #tpu.memory_space<vmem>>, vector<16xi32>,
    %swap3A_820 = vector.shape_cast %swap3A_819 : vector<16xi32> to vector<16xi32>
    %swap3A_821 = vector.shape_cast %add3A_817 : vector<16xi32> to vector<16xi32>
    tpu.vector_store %arg21[%swap3A_818], %swap3A_821 {strides = array<i32>} : memref<128xi32, #tpu.memory_space<vmem>>, vector<16xi32>,
    %sub3A_822 = arith.subf %convert_element_type3A_781, %mul3A_755 : vector<16xf32>
    %sub3A_823 = arith.subf %mul3A_755, %convert_element_type3A_779 : vector<16xf32>
    %sub3A_824 = arith.subf %convert_element_type3A_782, %mul3A_764 : vector<16xf32>
    %sub3A_825 = arith.subf %mul3A_764, %convert_element_type3A_780 : vector<16xf32>
    %mul3A_826 = arith.mulf %sub3A_822, %sub3A_824 : vector<16xf32>
    %swap3A_827 = arith.constant 112 : index
    %swap3A_828 = tpu.vector_load %arg26[%swap3A_827] {strides = array<i32>} : memref<144xf32, #tpu.memory_space<vmem>>, vector<16xf32>,
    %swap3A_829 = vector.shape_cast %swap3A_828 : vector<16xf32> to vector<16xf32>
    %swap3A_830 = vector.shape_cast %mul3A_826 : vector<16xf32> to vector<16xf32>
    tpu.vector_store %arg26[%swap3A_827], %swap3A_830 {strides = array<i32>} : memref<144xf32, #tpu.memory_space<vmem>>, vector<16xf32>,
    %mul3A_831 = arith.mulf %sub3A_822, %sub3A_825 : vector<16xf32>
    %swap3A_832 = arith.constant 112 : index
    %swap3A_833 = tpu.vector_load %arg27[%swap3A_832] {strides = array<i32>} : memref<144xf32, #tpu.memory_space<vmem>>, vector<16xf32>,
    %swap3A_834 = vector.shape_cast %swap3A_833 : vector<16xf32> to vector<16xf32>
    %swap3A_835 = vector.shape_cast %mul3A_831 : vector<16xf32> to vector<16xf32>
    tpu.vector_store %arg27[%swap3A_832], %swap3A_835 {strides = array<i32>} : memref<144xf32, #tpu.memory_space<vmem>>, vector<16xf32>,
    %mul3A_836 = arith.mulf %sub3A_823, %sub3A_824 : vector<16xf32>
    %swap3A_837 = arith.constant 112 : index
    %swap3A_838 = tpu.vector_load %arg28[%swap3A_837] {strides = array<i32>} : memref<144xf32, #tpu.memory_space<vmem>>, vector<16xf32>,
    %swap3A_839 = vector.shape_cast %swap3A_838 : vector<16xf32> to vector<16xf32>
    %swap3A_840 = vector.shape_cast %mul3A_836 : vector<16xf32> to vector<16xf32>
    tpu.vector_store %arg28[%swap3A_837], %swap3A_840 {strides = array<i32>} : memref<144xf32, #tpu.memory_space<vmem>>, vector<16xf32>,
    %mul3A_841 = arith.mulf %sub3A_823, %sub3A_825 : vector<16xf32>
    %swap3A_842 = arith.constant 112 : index
    %swap3A_843 = tpu.vector_load %arg29[%swap3A_842] {strides = array<i32>} : memref<144xf32, #tpu.memory_space<vmem>>, vector<16xf32>,
    %swap3A_844 = vector.shape_cast %swap3A_843 : vector<16xf32> to vector<16xf32>
    %swap3A_845 = vector.shape_cast %mul3A_841 : vector<16xf32> to vector<16xf32>
    tpu.vector_store %arg29[%swap3A_842], %swap3A_845 {strides = array<i32>} : memref<144xf32, #tpu.memory_space<vmem>>, vector<16xf32>,
    %dma_start3A_846 = arith.constant 0 : i32
    %dma_start3A_847 = arith.constant 0 : i32
    %dma_start3A_848 = tpu.memref_slice %arg10[%dma_start3A_846, %dma_start3A_847] : memref<128x96xf32, #tpu.memory_space<vmem>> -> memref<64x96xf32, #tpu.memory_space<vmem>>
    %dma_start3A_849 = arith.constant 0 : i32
    %dma_start3A_850 = tpu.memref_slice %arg18[%dma_start3A_849] : memref<128xi32, #tpu.memory_space<vmem>> -> memref<64xi32, #tpu.memory_space<vmem>>
    %dma_start3A_851 = arith.constant 0 : i32
    %dma_start3A_852 = arith.constant 0 : i32
    %dma_start3A_853 = tpu.memref_slice %arg2[%dma_start3A_851, %dma_start3A_852] : memref<1048576x96xf32, #tpu.memory_space<hbm>> -> memref<1048576x96xf32, #tpu.memory_space<hbm>>
    tpu.enqueue_indirect_dma source(%dma_start3A_853 : memref<1048576x96xf32, #tpu.memory_space<hbm>>) target(%dma_start3A_848 : memref<64x96xf32, #tpu.memory_space<vmem>>) offsets(%dma_start3A_850 : memref<64xi32, #tpu.memory_space<vmem>>) semaphore(%arg37 : memref<!tpu.dma_semaphore, #tpu.memory_space<semaphore_mem>>)
    %dma_start3A_854 = arith.constant 64 : i32
    %dma_start3A_855 = arith.constant 0 : i32
    %dma_start3A_856 = tpu.memref_slice %arg10[%dma_start3A_854, %dma_start3A_855] : memref<128x96xf32, #tpu.memory_space<vmem>> -> memref<64x96xf32, #tpu.memory_space<vmem>>
    %dma_start3A_857 = arith.constant 64 : i32
    %dma_start3A_858 = tpu.memref_slice %arg18[%dma_start3A_857] : memref<128xi32, #tpu.memory_space<vmem>> -> memref<64xi32, #tpu.memory_space<vmem>>
    %dma_start3A_859 = arith.constant 0 : i32
    %dma_start3A_860 = arith.constant 0 : i32
    %dma_start3A_861 = tpu.memref_slice %arg2[%dma_start3A_859, %dma_start3A_860] : memref<1048576x96xf32, #tpu.memory_space<hbm>> -> memref<1048576x96xf32, #tpu.memory_space<hbm>>
    tpu.enqueue_indirect_dma source(%dma_start3A_861 : memref<1048576x96xf32, #tpu.memory_space<hbm>>) target(%dma_start3A_856 : memref<64x96xf32, #tpu.memory_space<vmem>>) offsets(%dma_start3A_858 : memref<64xi32, #tpu.memory_space<vmem>>) semaphore(%arg37 : memref<!tpu.dma_semaphore, #tpu.memory_space<semaphore_mem>>)
    %dma_start3A_862 = arith.constant 0 : i32
    %dma_start3A_863 = arith.constant 0 : i32
    %dma_start3A_864 = tpu.memref_slice %arg11[%dma_start3A_862, %dma_start3A_863] : memref<128x96xf32, #tpu.memory_space<vmem>> -> memref<64x96xf32, #tpu.memory_space<vmem>>
    %dma_start3A_865 = arith.constant 0 : i32
    %dma_start3A_866 = tpu.memref_slice %arg19[%dma_start3A_865] : memref<128xi32, #tpu.memory_space<vmem>> -> memref<64xi32, #tpu.memory_space<vmem>>
    %dma_start3A_867 = arith.constant 0 : i32
    %dma_start3A_868 = arith.constant 0 : i32
    %dma_start3A_869 = tpu.memref_slice %arg2[%dma_start3A_867, %dma_start3A_868] : memref<1048576x96xf32, #tpu.memory_space<hbm>> -> memref<1048576x96xf32, #tpu.memory_space<hbm>>
    tpu.enqueue_indirect_dma source(%dma_start3A_869 : memref<1048576x96xf32, #tpu.memory_space<hbm>>) target(%dma_start3A_864 : memref<64x96xf32, #tpu.memory_space<vmem>>) offsets(%dma_start3A_866 : memref<64xi32, #tpu.memory_space<vmem>>) semaphore(%arg37 : memref<!tpu.dma_semaphore, #tpu.memory_space<semaphore_mem>>)
    %dma_start3A_870 = arith.constant 64 : i32
    %dma_start3A_871 = arith.constant 0 : i32
    %dma_start3A_872 = tpu.memref_slice %arg11[%dma_start3A_870, %dma_start3A_871] : memref<128x96xf32, #tpu.memory_space<vmem>> -> memref<64x96xf32, #tpu.memory_space<vmem>>
    %dma_start3A_873 = arith.constant 64 : i32
    %dma_start3A_874 = tpu.memref_slice %arg19[%dma_start3A_873] : memref<128xi32, #tpu.memory_space<vmem>> -> memref<64xi32, #tpu.memory_space<vmem>>
    %dma_start3A_875 = arith.constant 0 : i32
    %dma_start3A_876 = arith.constant 0 : i32
    %dma_start3A_877 = tpu.memref_slice %arg2[%dma_start3A_875, %dma_start3A_876] : memref<1048576x96xf32, #tpu.memory_space<hbm>> -> memref<1048576x96xf32, #tpu.memory_space<hbm>>
    tpu.enqueue_indirect_dma source(%dma_start3A_877 : memref<1048576x96xf32, #tpu.memory_space<hbm>>) target(%dma_start3A_872 : memref<64x96xf32, #tpu.memory_space<vmem>>) offsets(%dma_start3A_874 : memref<64xi32, #tpu.memory_space<vmem>>) semaphore(%arg37 : memref<!tpu.dma_semaphore, #tpu.memory_space<semaphore_mem>>)
    %dma_start3A_878 = arith.constant 0 : i32
    %dma_start3A_879 = arith.constant 0 : i32
    %dma_start3A_880 = tpu.memref_slice %arg12[%dma_start3A_878, %dma_start3A_879] : memref<128x96xf32, #tpu.memory_space<vmem>> -> memref<64x96xf32, #tpu.memory_space<vmem>>
    %dma_start3A_881 = arith.constant 0 : i32
    %dma_start3A_882 = tpu.memref_slice %arg20[%dma_start3A_881] : memref<128xi32, #tpu.memory_space<vmem>> -> memref<64xi32, #tpu.memory_space<vmem>>
    %dma_start3A_883 = arith.constant 0 : i32
    %dma_start3A_884 = arith.constant 0 : i32
    %dma_start3A_885 = tpu.memref_slice %arg2[%dma_start3A_883, %dma_start3A_884] : memref<1048576x96xf32, #tpu.memory_space<hbm>> -> memref<1048576x96xf32, #tpu.memory_space<hbm>>
    tpu.enqueue_indirect_dma source(%dma_start3A_885 : memref<1048576x96xf32, #tpu.memory_space<hbm>>) target(%dma_start3A_880 : memref<64x96xf32, #tpu.memory_space<vmem>>) offsets(%dma_start3A_882 : memref<64xi32, #tpu.memory_space<vmem>>) semaphore(%arg37 : memref<!tpu.dma_semaphore, #tpu.memory_space<semaphore_mem>>)
    %dma_start3A_886 = arith.constant 64 : i32
    %dma_start3A_887 = arith.constant 0 : i32
    %dma_start3A_888 = tpu.memref_slice %arg12[%dma_start3A_886, %dma_start3A_887] : memref<128x96xf32, #tpu.memory_space<vmem>> -> memref<64x96xf32, #tpu.memory_space<vmem>>
    %dma_start3A_889 = arith.constant 64 : i32
    %dma_start3A_890 = tpu.memref_slice %arg20[%dma_start3A_889] : memref<128xi32, #tpu.memory_space<vmem>> -> memref<64xi32, #tpu.memory_space<vmem>>
    %dma_start3A_891 = arith.constant 0 : i32
    %dma_start3A_892 = arith.constant 0 : i32
    %dma_start3A_893 = tpu.memref_slice %arg2[%dma_start3A_891, %dma_start3A_892] : memref<1048576x96xf32, #tpu.memory_space<hbm>> -> memref<1048576x96xf32, #tpu.memory_space<hbm>>
    tpu.enqueue_indirect_dma source(%dma_start3A_893 : memref<1048576x96xf32, #tpu.memory_space<hbm>>) target(%dma_start3A_888 : memref<64x96xf32, #tpu.memory_space<vmem>>) offsets(%dma_start3A_890 : memref<64xi32, #tpu.memory_space<vmem>>) semaphore(%arg37 : memref<!tpu.dma_semaphore, #tpu.memory_space<semaphore_mem>>)
    %dma_start3A_894 = arith.constant 0 : i32
    %dma_start3A_895 = arith.constant 0 : i32
    %dma_start3A_896 = tpu.memref_slice %arg13[%dma_start3A_894, %dma_start3A_895] : memref<128x96xf32, #tpu.memory_space<vmem>> -> memref<64x96xf32, #tpu.memory_space<vmem>>
    %dma_start3A_897 = arith.constant 0 : i32
    %dma_start3A_898 = tpu.memref_slice %arg21[%dma_start3A_897] : memref<128xi32, #tpu.memory_space<vmem>> -> memref<64xi32, #tpu.memory_space<vmem>>
    %dma_start3A_899 = arith.constant 0 : i32
    %dma_start3A_900 = arith.constant 0 : i32
    %dma_start3A_901 = tpu.memref_slice %arg2[%dma_start3A_899, %dma_start3A_900] : memref<1048576x96xf32, #tpu.memory_space<hbm>> -> memref<1048576x96xf32, #tpu.memory_space<hbm>>
    tpu.enqueue_indirect_dma source(%dma_start3A_901 : memref<1048576x96xf32, #tpu.memory_space<hbm>>) target(%dma_start3A_896 : memref<64x96xf32, #tpu.memory_space<vmem>>) offsets(%dma_start3A_898 : memref<64xi32, #tpu.memory_space<vmem>>) semaphore(%arg37 : memref<!tpu.dma_semaphore, #tpu.memory_space<semaphore_mem>>)
    %dma_start3A_902 = arith.constant 64 : i32
    %dma_start3A_903 = arith.constant 0 : i32
    %dma_start3A_904 = tpu.memref_slice %arg13[%dma_start3A_902, %dma_start3A_903] : memref<128x96xf32, #tpu.memory_space<vmem>> -> memref<64x96xf32, #tpu.memory_space<vmem>>
    %dma_start3A_905 = arith.constant 64 : i32
    %dma_start3A_906 = tpu.memref_slice %arg21[%dma_start3A_905] : memref<128xi32, #tpu.memory_space<vmem>> -> memref<64xi32, #tpu.memory_space<vmem>>
    %dma_start3A_907 = arith.constant 0 : i32
    %dma_start3A_908 = arith.constant 0 : i32
    %dma_start3A_909 = tpu.memref_slice %arg2[%dma_start3A_907, %dma_start3A_908] : memref<1048576x96xf32, #tpu.memory_space<hbm>> -> memref<1048576x96xf32, #tpu.memory_space<hbm>>
    tpu.enqueue_indirect_dma source(%dma_start3A_909 : memref<1048576x96xf32, #tpu.memory_space<hbm>>) target(%dma_start3A_904 : memref<64x96xf32, #tpu.memory_space<vmem>>) offsets(%dma_start3A_906 : memref<64xi32, #tpu.memory_space<vmem>>) semaphore(%arg37 : memref<!tpu.dma_semaphore, #tpu.memory_space<semaphore_mem>>)
    %add3A_910 = arith.constant 128 : i32
    %add3A_911 = arith.addi %mul3A_2, %add3A_910 : i32
    %dma_start3A_912 = tpu.memref_slice %arg3[%add3A_911] : memref<1048576xf32, #tpu.memory_space<hbm>> -> memref<128xf32, #tpu.memory_space<hbm>>
    %dma_start3A_913 = tpu.memref_slice %arg3[%add3A_911] : memref<1048576xf32, #tpu.memory_space<hbm>> -> memref<128xf32, #tpu.memory_space<hbm>>
    tpu.enqueue_dma source(%dma_start3A_913 : memref<128xf32, #tpu.memory_space<hbm>>) target(%arg7 : memref<128xf32, #tpu.memory_space<vmem>>) target_semaphore(%arg36 : memref<!tpu.dma_semaphore, #tpu.memory_space<semaphore_mem>>)
    %dma_start3A_914 = tpu.memref_slice %arg4[%add3A_911] : memref<1048576xf32, #tpu.memory_space<hbm>> -> memref<128xf32, #tpu.memory_space<hbm>>
    %dma_start3A_915 = tpu.memref_slice %arg4[%add3A_911] : memref<1048576xf32, #tpu.memory_space<hbm>> -> memref<128xf32, #tpu.memory_space<hbm>>
    tpu.enqueue_dma source(%dma_start3A_915 : memref<128xf32, #tpu.memory_space<hbm>>) target(%arg9 : memref<128xf32, #tpu.memory_space<vmem>>) target_semaphore(%arg36 : memref<!tpu.dma_semaphore, #tpu.memory_space<semaphore_mem>>)
    %scan3A = arith.constant 0 : i32
    %scan3A_916 = arith.constant 128 : i32
    %scan3A_917 = arith.addi %scan3A, %scan3A_916 : i32
    %scan3A_918 = arith.constant 1 : i32
    scf.for %scan3A_992 = %scan3A to %scan3A_917 step %scan3A_918  : i32 {
      %mul3A_993 = arith.constant 2 : i32
      %mul3A_994 = arith.muli %mul3A_993, %scan3A_992 : i32
      %add3A_995 = arith.constant 1 : i32
      %add3A_996 = arith.addi %mul3A_994, %add3A_995 : i32
      %dma_wait3A_997 = tpu.memref_slice %arg3[%mul3A_2] : memref<1048576xf32, #tpu.memory_space<hbm>> -> memref<128xf32, #tpu.memory_space<hbm>>
      %dma_wait3A_998 = tpu.memref_slice %arg3[%mul3A_2] : memref<1048576xf32, #tpu.memory_space<hbm>> -> memref<128xf32, #tpu.memory_space<hbm>>
      tpu.wait_dma2 semaphore(%arg36 : memref<!tpu.dma_semaphore, #tpu.memory_space<semaphore_mem>>) src(%dma_wait3A_998 : memref<128xf32, #tpu.memory_space<hbm>>) dst(%arg7 : memref<128xf32, #tpu.memory_space<vmem>>)
      %dma_wait3A_999 = tpu.memref_slice %arg4[%mul3A_2] : memref<1048576xf32, #tpu.memory_space<hbm>> -> memref<128xf32, #tpu.memory_space<hbm>>
      %dma_wait3A_1000 = tpu.memref_slice %arg4[%mul3A_2] : memref<1048576xf32, #tpu.memory_space<hbm>> -> memref<128xf32, #tpu.memory_space<hbm>>
      tpu.wait_dma2 semaphore(%arg36 : memref<!tpu.dma_semaphore, #tpu.memory_space<semaphore_mem>>) src(%dma_wait3A_1000 : memref<128xf32, #tpu.memory_space<hbm>>) dst(%arg9 : memref<128xf32, #tpu.memory_space<vmem>>)
      %mul3A_1001 = arith.constant 128 : i32
      %mul3A_1002 = arith.muli %add3A_996, %mul3A_1001 : i32
      %add3A_1003 = arith.addi %mul3A_2, %mul3A_1002 : i32
      %get3A_1004 = arith.constant 0 : index
      %get3A_1005 = tpu.vector_load %arg7[%get3A_1004] {strides = array<i32>} : memref<128xf32, #tpu.memory_space<vmem>>, vector<16xf32>,
      %get3A_1006 = vector.shape_cast %get3A_1005 : vector<16xf32> to vector<16xf32>
      %get3A_1007 = arith.constant 0 : index
      %get3A_1008 = tpu.vector_load %arg9[%get3A_1007] {strides = array<i32>} : memref<128xf32, #tpu.memory_space<vmem>>, vector<16xf32>,
      %get3A_1009 = vector.shape_cast %get3A_1008 : vector<16xf32> to vector<16xf32>
      %add3A_1010 = arith.constant 1.000000e+00 : f32
      %add3A_1011 = vector.broadcast %add3A_1010 : f32 to vector<16xf32>
      %add3A_1012 = arith.addf %get3A_1006, %add3A_1011 : vector<16xf32>
      %mul3A_1013 = arith.constant 5.110000e+02 : f32
      %mul3A_1014 = vector.broadcast %mul3A_1013 : f32 to vector<16xf32>
      %mul3A_1015 = arith.mulf %add3A_1012, %mul3A_1014 : vector<16xf32>
      %mul3A_1016 = arith.constant 5.000000e-01 : f32
      %mul3A_1017 = vector.broadcast %mul3A_1016 : f32 to vector<16xf32>
      %mul3A_1018 = arith.mulf %mul3A_1017, %mul3A_1015 : vector<16xf32>
      %add3A_1019 = arith.constant 1.000000e+00 : f32
      %add3A_1020 = vector.broadcast %add3A_1019 : f32 to vector<16xf32>
      %add3A_1021 = arith.addf %get3A_1009, %add3A_1020 : vector<16xf32>
      %mul3A_1022 = arith.constant 5.110000e+02 : f32
      %mul3A_1023 = vector.broadcast %mul3A_1022 : f32 to vector<16xf32>
      %mul3A_1024 = arith.mulf %add3A_1021, %mul3A_1023 : vector<16xf32>
      %mul3A_1025 = arith.constant 5.000000e-01 : f32
      %mul3A_1026 = vector.broadcast %mul3A_1025 : f32 to vector<16xf32>
      %mul3A_1027 = arith.mulf %mul3A_1026, %mul3A_1024 : vector<16xf32>
      %convert_element_type3A_1028 = arith.fptosi %mul3A_1018 : vector<16xf32> to vector<16xi32>
      %convert_element_type3A_1029 = arith.fptosi %mul3A_1027 : vector<16xf32> to vector<16xi32>
      %add3A_1030 = arith.constant 1 : i32
      %add3A_1031 = vector.broadcast %add3A_1030 : i32 to vector<16xi32>
      %add3A_1032 = arith.addi %convert_element_type3A_1028, %add3A_1031 : vector<16xi32>
      %min3A_1033 = arith.constant 511 : i32
      %min3A_1034 = vector.broadcast %min3A_1033 : i32 to vector<16xi32>
      %min3A_1035 = arith.minsi %add3A_1032, %min3A_1034 : vector<16xi32>
      %add3A_1036 = arith.constant 1 : i32
      %add3A_1037 = vector.broadcast %add3A_1036 : i32 to vector<16xi32>
      %add3A_1038 = arith.addi %convert_element_type3A_1029, %add3A_1037 : vector<16xi32>
      %min3A_1039 = arith.constant 511 : i32
      %min3A_1040 = vector.broadcast %min3A_1039 : i32 to vector<16xi32>
      %min3A_1041 = arith.minsi %add3A_1038, %min3A_1040 : vector<16xi32>
      %convert_element_type3A_1042 = arith.sitofp %convert_element_type3A_1028 : vector<16xi32> to vector<16xf32>
      %convert_element_type3A_1043 = arith.sitofp %convert_element_type3A_1029 : vector<16xi32> to vector<16xf32>
      %convert_element_type3A_1044 = arith.sitofp %min3A_1035 : vector<16xi32> to vector<16xf32>
      %convert_element_type3A_1045 = arith.sitofp %min3A_1041 : vector<16xi32> to vector<16xf32>
      %add3A_1046 = arith.constant 0 : i32
      %add3A_1047 = arith.addi %add3A_1003, %add3A_1046 : i32
      %add3A_1048 = vector.broadcast %add3A_1047 : i32 to vector<16xi32>
      %add3A_1049 = arith.addi %add3A_1048, %iota3A : vector<16xi32>
      %shift_right_arithmetic3A_1050 = arith.constant 18 : i32
      %shift_right_arithmetic3A_1051 = vector.broadcast %shift_right_arithmetic3A_1050 : i32 to vector<16xi32>
      %shift_right_arithmetic3A_1052 = arith.shrsi %add3A_1049, %shift_right_arithmetic3A_1051 : vector<16xi32>
      %shift_left3A_1053 = arith.constant 18 : i32
      %shift_left3A_1054 = vector.broadcast %shift_left3A_1053 : i32 to vector<16xi32>
      %shift_left3A_1055 = arith.shli %shift_right_arithmetic3A_1052, %shift_left3A_1054 : vector<16xi32>
      %shift_left3A_1056 = arith.constant 9 : i32
      %shift_left3A_1057 = vector.broadcast %shift_left3A_1056 : i32 to vector<16xi32>
      %shift_left3A_1058 = arith.shli %convert_element_type3A_1029, %shift_left3A_1057 : vector<16xi32>
      %add3A_1059 = arith.addi %shift_left3A_1055, %shift_left3A_1058 : vector<16xi32>
      %add3A_1060 = arith.addi %add3A_1059, %convert_element_type3A_1028 : vector<16xi32>
      %shift_left3A_1061 = arith.constant 9 : i32
      %shift_left3A_1062 = vector.broadcast %shift_left3A_1061 : i32 to vector<16xi32>
      %shift_left3A_1063 = arith.shli %min3A_1041, %shift_left3A_1062 : vector<16xi32>
      %add3A_1064 = arith.addi %shift_left3A_1055, %shift_left3A_1063 : vector<16xi32>
      %add3A_1065 = arith.addi %add3A_1064, %convert_element_type3A_1028 : vector<16xi32>
      %sub3A_1066 = arith.subi %min3A_1035, %convert_element_type3A_1028 : vector<16xi32>
      %swap3A_1067 = arith.constant 0 : index
      %swap3A_1068 = tpu.vector_load %arg22[%swap3A_1067] {strides = array<i32>} : memref<128xi32, #tpu.memory_space<vmem>>, vector<16xi32>,
      %swap3A_1069 = vector.shape_cast %swap3A_1068 : vector<16xi32> to vector<16xi32>
      %swap3A_1070 = vector.shape_cast %add3A_1060 : vector<16xi32> to vector<16xi32>
      tpu.vector_store %arg22[%swap3A_1067], %swap3A_1070 {strides = array<i32>} : memref<128xi32, #tpu.memory_space<vmem>>, vector<16xi32>,
      %swap3A_1071 = arith.constant 0 : index
      %swap3A_1072 = tpu.vector_load %arg23[%swap3A_1071] {strides = array<i32>} : memref<128xi32, #tpu.memory_space<vmem>>, vector<16xi32>,
      %swap3A_1073 = vector.shape_cast %swap3A_1072 : vector<16xi32> to vector<16xi32>
      %swap3A_1074 = vector.shape_cast %add3A_1065 : vector<16xi32> to vector<16xi32>
      tpu.vector_store %arg23[%swap3A_1071], %swap3A_1074 {strides = array<i32>} : memref<128xi32, #tpu.memory_space<vmem>>, vector<16xi32>,
      %add3A_1075 = arith.addi %add3A_1060, %sub3A_1066 : vector<16xi32>
      %swap3A_1076 = arith.constant 0 : index
      %swap3A_1077 = tpu.vector_load %arg24[%swap3A_1076] {strides = array<i32>} : memref<128xi32, #tpu.memory_space<vmem>>, vector<16xi32>,
      %swap3A_1078 = vector.shape_cast %swap3A_1077 : vector<16xi32> to vector<16xi32>
      %swap3A_1079 = vector.shape_cast %add3A_1075 : vector<16xi32> to vector<16xi32>
      tpu.vector_store %arg24[%swap3A_1076], %swap3A_1079 {strides = array<i32>} : memref<128xi32, #tpu.memory_space<vmem>>, vector<16xi32>,
      %add3A_1080 = arith.addi %add3A_1065, %sub3A_1066 : vector<16xi32>
      %swap3A_1081 = arith.constant 0 : index
      %swap3A_1082 = tpu.vector_load %arg25[%swap3A_1081] {strides = array<i32>} : memref<128xi32, #tpu.memory_space<vmem>>, vector<16xi32>,
      %swap3A_1083 = vector.shape_cast %swap3A_1082 : vector<16xi32> to vector<16xi32>
      %swap3A_1084 = vector.shape_cast %add3A_1080 : vector<16xi32> to vector<16xi32>
      tpu.vector_store %arg25[%swap3A_1081], %swap3A_1084 {strides = array<i32>} : memref<128xi32, #tpu.memory_space<vmem>>, vector<16xi32>,
      %sub3A_1085 = arith.subf %convert_element_type3A_1044, %mul3A_1018 : vector<16xf32>
      %sub3A_1086 = arith.subf %mul3A_1018, %convert_element_type3A_1042 : vector<16xf32>
      %sub3A_1087 = arith.subf %convert_element_type3A_1045, %mul3A_1027 : vector<16xf32>
      %sub3A_1088 = arith.subf %mul3A_1027, %convert_element_type3A_1043 : vector<16xf32>
      %mul3A_1089 = arith.mulf %sub3A_1085, %sub3A_1087 : vector<16xf32>
      %swap3A_1090 = arith.constant 0 : index
      %swap3A_1091 = tpu.vector_load %arg30[%swap3A_1090] {strides = array<i32>} : memref<144xf32, #tpu.memory_space<vmem>>, vector<16xf32>,
      %swap3A_1092 = vector.shape_cast %swap3A_1091 : vector<16xf32> to vector<16xf32>
      %swap3A_1093 = vector.shape_cast %mul3A_1089 : vector<16xf32> to vector<16xf32>
      tpu.vector_store %arg30[%swap3A_1090], %swap3A_1093 {strides = array<i32>} : memref<144xf32, #tpu.memory_space<vmem>>, vector<16xf32>,
      %mul3A_1094 = arith.mulf %sub3A_1085, %sub3A_1088 : vector<16xf32>
      %swap3A_1095 = arith.constant 0 : index
      %swap3A_1096 = tpu.vector_load %arg31[%swap3A_1095] {strides = array<i32>} : memref<144xf32, #tpu.memory_space<vmem>>, vector<16xf32>,
      %swap3A_1097 = vector.shape_cast %swap3A_1096 : vector<16xf32> to vector<16xf32>
      %swap3A_1098 = vector.shape_cast %mul3A_1094 : vector<16xf32> to vector<16xf32>
      tpu.vector_store %arg31[%swap3A_1095], %swap3A_1098 {strides = array<i32>} : memref<144xf32, #tpu.memory_space<vmem>>, vector<16xf32>,
      %mul3A_1099 = arith.mulf %sub3A_1086, %sub3A_1087 : vector<16xf32>
      %swap3A_1100 = arith.constant 0 : index
      %swap3A_1101 = tpu.vector_load %arg32[%swap3A_1100] {strides = array<i32>} : memref<144xf32, #tpu.memory_space<vmem>>, vector<16xf32>,
      %swap3A_1102 = vector.shape_cast %swap3A_1101 : vector<16xf32> to vector<16xf32>
      %swap3A_1103 = vector.shape_cast %mul3A_1099 : vector<16xf32> to vector<16xf32>
      tpu.vector_store %arg32[%swap3A_1100], %swap3A_1103 {strides = array<i32>} : memref<144xf32, #tpu.memory_space<vmem>>, vector<16xf32>,
      %mul3A_1104 = arith.mulf %sub3A_1086, %sub3A_1088 : vector<16xf32>
      %swap3A_1105 = arith.constant 0 : index
      %swap3A_1106 = tpu.vector_load %arg33[%swap3A_1105] {strides = array<i32>} : memref<144xf32, #tpu.memory_space<vmem>>, vector<16xf32>,
      %swap3A_1107 = vector.shape_cast %swap3A_1106 : vector<16xf32> to vector<16xf32>
      %swap3A_1108 = vector.shape_cast %mul3A_1104 : vector<16xf32> to vector<16xf32>
      tpu.vector_store %arg33[%swap3A_1105], %swap3A_1108 {strides = array<i32>} : memref<144xf32, #tpu.memory_space<vmem>>, vector<16xf32>,
      %get3A_1109 = arith.constant 16 : index
      %get3A_1110 = tpu.vector_load %arg7[%get3A_1109] {strides = array<i32>} : memref<128xf32, #tpu.memory_space<vmem>>, vector<16xf32>,
      %get3A_1111 = vector.shape_cast %get3A_1110 : vector<16xf32> to vector<16xf32>
      %get3A_1112 = arith.constant 16 : index
      %get3A_1113 = tpu.vector_load %arg9[%get3A_1112] {strides = array<i32>} : memref<128xf32, #tpu.memory_space<vmem>>, vector<16xf32>,
      %get3A_1114 = vector.shape_cast %get3A_1113 : vector<16xf32> to vector<16xf32>
      %add3A_1115 = arith.constant 1.000000e+00 : f32
      %add3A_1116 = vector.broadcast %add3A_1115 : f32 to vector<16xf32>
      %add3A_1117 = arith.addf %get3A_1111, %add3A_1116 : vector<16xf32>
      %mul3A_1118 = arith.constant 5.110000e+02 : f32
      %mul3A_1119 = vector.broadcast %mul3A_1118 : f32 to vector<16xf32>
      %mul3A_1120 = arith.mulf %add3A_1117, %mul3A_1119 : vector<16xf32>
      %mul3A_1121 = arith.constant 5.000000e-01 : f32
      %mul3A_1122 = vector.broadcast %mul3A_1121 : f32 to vector<16xf32>
      %mul3A_1123 = arith.mulf %mul3A_1122, %mul3A_1120 : vector<16xf32>
      %add3A_1124 = arith.constant 1.000000e+00 : f32
      %add3A_1125 = vector.broadcast %add3A_1124 : f32 to vector<16xf32>
      %add3A_1126 = arith.addf %get3A_1114, %add3A_1125 : vector<16xf32>
      %mul3A_1127 = arith.constant 5.110000e+02 : f32
      %mul3A_1128 = vector.broadcast %mul3A_1127 : f32 to vector<16xf32>
      %mul3A_1129 = arith.mulf %add3A_1126, %mul3A_1128 : vector<16xf32>
      %mul3A_1130 = arith.constant 5.000000e-01 : f32
      %mul3A_1131 = vector.broadcast %mul3A_1130 : f32 to vector<16xf32>
      %mul3A_1132 = arith.mulf %mul3A_1131, %mul3A_1129 : vector<16xf32>
      %convert_element_type3A_1133 = arith.fptosi %mul3A_1123 : vector<16xf32> to vector<16xi32>
      %convert_element_type3A_1134 = arith.fptosi %mul3A_1132 : vector<16xf32> to vector<16xi32>
      %add3A_1135 = arith.constant 1 : i32
      %add3A_1136 = vector.broadcast %add3A_1135 : i32 to vector<16xi32>
      %add3A_1137 = arith.addi %convert_element_type3A_1133, %add3A_1136 : vector<16xi32>
      %min3A_1138 = arith.constant 511 : i32
      %min3A_1139 = vector.broadcast %min3A_1138 : i32 to vector<16xi32>
      %min3A_1140 = arith.minsi %add3A_1137, %min3A_1139 : vector<16xi32>
      %add3A_1141 = arith.constant 1 : i32
      %add3A_1142 = vector.broadcast %add3A_1141 : i32 to vector<16xi32>
      %add3A_1143 = arith.addi %convert_element_type3A_1134, %add3A_1142 : vector<16xi32>
      %min3A_1144 = arith.constant 511 : i32
      %min3A_1145 = vector.broadcast %min3A_1144 : i32 to vector<16xi32>
      %min3A_1146 = arith.minsi %add3A_1143, %min3A_1145 : vector<16xi32>
      %convert_element_type3A_1147 = arith.sitofp %convert_element_type3A_1133 : vector<16xi32> to vector<16xf32>
      %convert_element_type3A_1148 = arith.sitofp %convert_element_type3A_1134 : vector<16xi32> to vector<16xf32>
      %convert_element_type3A_1149 = arith.sitofp %min3A_1140 : vector<16xi32> to vector<16xf32>
      %convert_element_type3A_1150 = arith.sitofp %min3A_1146 : vector<16xi32> to vector<16xf32>
      %add3A_1151 = arith.constant 16 : i32
      %add3A_1152 = arith.addi %add3A_1003, %add3A_1151 : i32
      %add3A_1153 = vector.broadcast %add3A_1152 : i32 to vector<16xi32>
      %add3A_1154 = arith.addi %add3A_1153, %iota3A : vector<16xi32>
      %shift_right_arithmetic3A_1155 = arith.constant 18 : i32
      %shift_right_arithmetic3A_1156 = vector.broadcast %shift_right_arithmetic3A_1155 : i32 to vector<16xi32>
      %shift_right_arithmetic3A_1157 = arith.shrsi %add3A_1154, %shift_right_arithmetic3A_1156 : vector<16xi32>
      %shift_left3A_1158 = arith.constant 18 : i32
      %shift_left3A_1159 = vector.broadcast %shift_left3A_1158 : i32 to vector<16xi32>
      %shift_left3A_1160 = arith.shli %shift_right_arithmetic3A_1157, %shift_left3A_1159 : vector<16xi32>
      %shift_left3A_1161 = arith.constant 9 : i32
      %shift_left3A_1162 = vector.broadcast %shift_left3A_1161 : i32 to vector<16xi32>
      %shift_left3A_1163 = arith.shli %convert_element_type3A_1134, %shift_left3A_1162 : vector<16xi32>
      %add3A_1164 = arith.addi %shift_left3A_1160, %shift_left3A_1163 : vector<16xi32>
      %add3A_1165 = arith.addi %add3A_1164, %convert_element_type3A_1133 : vector<16xi32>
      %shift_left3A_1166 = arith.constant 9 : i32
      %shift_left3A_1167 = vector.broadcast %shift_left3A_1166 : i32 to vector<16xi32>
      %shift_left3A_1168 = arith.shli %min3A_1146, %shift_left3A_1167 : vector<16xi32>
      %add3A_1169 = arith.addi %shift_left3A_1160, %shift_left3A_1168 : vector<16xi32>
      %add3A_1170 = arith.addi %add3A_1169, %convert_element_type3A_1133 : vector<16xi32>
      %sub3A_1171 = arith.subi %min3A_1140, %convert_element_type3A_1133 : vector<16xi32>
      %swap3A_1172 = arith.constant 16 : index
      %swap3A_1173 = tpu.vector_load %arg22[%swap3A_1172] {strides = array<i32>} : memref<128xi32, #tpu.memory_space<vmem>>, vector<16xi32>,
      %swap3A_1174 = vector.shape_cast %swap3A_1173 : vector<16xi32> to vector<16xi32>
      %swap3A_1175 = vector.shape_cast %add3A_1165 : vector<16xi32> to vector<16xi32>
      tpu.vector_store %arg22[%swap3A_1172], %swap3A_1175 {strides = array<i32>} : memref<128xi32, #tpu.memory_space<vmem>>, vector<16xi32>,
      %swap3A_1176 = arith.constant 16 : index
      %swap3A_1177 = tpu.vector_load %arg23[%swap3A_1176] {strides = array<i32>} : memref<128xi32, #tpu.memory_space<vmem>>, vector<16xi32>,
      %swap3A_1178 = vector.shape_cast %swap3A_1177 : vector<16xi32> to vector<16xi32>
      %swap3A_1179 = vector.shape_cast %add3A_1170 : vector<16xi32> to vector<16xi32>
      tpu.vector_store %arg23[%swap3A_1176], %swap3A_1179 {strides = array<i32>} : memref<128xi32, #tpu.memory_space<vmem>>, vector<16xi32>,
      %add3A_1180 = arith.addi %add3A_1165, %sub3A_1171 : vector<16xi32>
      %swap3A_1181 = arith.constant 16 : index
      %swap3A_1182 = tpu.vector_load %arg24[%swap3A_1181] {strides = array<i32>} : memref<128xi32, #tpu.memory_space<vmem>>, vector<16xi32>,
      %swap3A_1183 = vector.shape_cast %swap3A_1182 : vector<16xi32> to vector<16xi32>
      %swap3A_1184 = vector.shape_cast %add3A_1180 : vector<16xi32> to vector<16xi32>
      tpu.vector_store %arg24[%swap3A_1181], %swap3A_1184 {strides = array<i32>} : memref<128xi32, #tpu.memory_space<vmem>>, vector<16xi32>,
      %add3A_1185 = arith.addi %add3A_1170, %sub3A_1171 : vector<16xi32>
      %swap3A_1186 = arith.constant 16 : index
      %swap3A_1187 = tpu.vector_load %arg25[%swap3A_1186] {strides = array<i32>} : memref<128xi32, #tpu.memory_space<vmem>>, vector<16xi32>,
      %swap3A_1188 = vector.shape_cast %swap3A_1187 : vector<16xi32> to vector<16xi32>
      %swap3A_1189 = vector.shape_cast %add3A_1185 : vector<16xi32> to vector<16xi32>
      tpu.vector_store %arg25[%swap3A_1186], %swap3A_1189 {strides = array<i32>} : memref<128xi32, #tpu.memory_space<vmem>>, vector<16xi32>,
      %sub3A_1190 = arith.subf %convert_element_type3A_1149, %mul3A_1123 : vector<16xf32>
      %sub3A_1191 = arith.subf %mul3A_1123, %convert_element_type3A_1147 : vector<16xf32>
      %sub3A_1192 = arith.subf %convert_element_type3A_1150, %mul3A_1132 : vector<16xf32>
      %sub3A_1193 = arith.subf %mul3A_1132, %convert_element_type3A_1148 : vector<16xf32>
      %mul3A_1194 = arith.mulf %sub3A_1190, %sub3A_1192 : vector<16xf32>
      %swap3A_1195 = arith.constant 16 : index
      %swap3A_1196 = tpu.vector_load %arg30[%swap3A_1195] {strides = array<i32>} : memref<144xf32, #tpu.memory_space<vmem>>, vector<16xf32>,
      %swap3A_1197 = vector.shape_cast %swap3A_1196 : vector<16xf32> to vector<16xf32>
      %swap3A_1198 = vector.shape_cast %mul3A_1194 : vector<16xf32> to vector<16xf32>
      tpu.vector_store %arg30[%swap3A_1195], %swap3A_1198 {strides = array<i32>} : memref<144xf32, #tpu.memory_space<vmem>>, vector<16xf32>,
      %mul3A_1199 = arith.mulf %sub3A_1190, %sub3A_1193 : vector<16xf32>
      %swap3A_1200 = arith.constant 16 : index
      %swap3A_1201 = tpu.vector_load %arg31[%swap3A_1200] {strides = array<i32>} : memref<144xf32, #tpu.memory_space<vmem>>, vector<16xf32>,
      %swap3A_1202 = vector.shape_cast %swap3A_1201 : vector<16xf32> to vector<16xf32>
      %swap3A_1203 = vector.shape_cast %mul3A_1199 : vector<16xf32> to vector<16xf32>
      tpu.vector_store %arg31[%swap3A_1200], %swap3A_1203 {strides = array<i32>} : memref<144xf32, #tpu.memory_space<vmem>>, vector<16xf32>,
      %mul3A_1204 = arith.mulf %sub3A_1191, %sub3A_1192 : vector<16xf32>
      %swap3A_1205 = arith.constant 16 : index
      %swap3A_1206 = tpu.vector_load %arg32[%swap3A_1205] {strides = array<i32>} : memref<144xf32, #tpu.memory_space<vmem>>, vector<16xf32>,
      %swap3A_1207 = vector.shape_cast %swap3A_1206 : vector<16xf32> to vector<16xf32>
      %swap3A_1208 = vector.shape_cast %mul3A_1204 : vector<16xf32> to vector<16xf32>
      tpu.vector_store %arg32[%swap3A_1205], %swap3A_1208 {strides = array<i32>} : memref<144xf32, #tpu.memory_space<vmem>>, vector<16xf32>,
      %mul3A_1209 = arith.mulf %sub3A_1191, %sub3A_1193 : vector<16xf32>
      %swap3A_1210 = arith.constant 16 : index
      %swap3A_1211 = tpu.vector_load %arg33[%swap3A_1210] {strides = array<i32>} : memref<144xf32, #tpu.memory_space<vmem>>, vector<16xf32>,
      %swap3A_1212 = vector.shape_cast %swap3A_1211 : vector<16xf32> to vector<16xf32>
      %swap3A_1213 = vector.shape_cast %mul3A_1209 : vector<16xf32> to vector<16xf32>
      tpu.vector_store %arg33[%swap3A_1210], %swap3A_1213 {strides = array<i32>} : memref<144xf32, #tpu.memory_space<vmem>>, vector<16xf32>,
      %get3A_1214 = arith.constant 32 : index
      %get3A_1215 = tpu.vector_load %arg7[%get3A_1214] {strides = array<i32>} : memref<128xf32, #tpu.memory_space<vmem>>, vector<16xf32>,
      %get3A_1216 = vector.shape_cast %get3A_1215 : vector<16xf32> to vector<16xf32>
      %get3A_1217 = arith.constant 32 : index
      %get3A_1218 = tpu.vector_load %arg9[%get3A_1217] {strides = array<i32>} : memref<128xf32, #tpu.memory_space<vmem>>, vector<16xf32>,
      %get3A_1219 = vector.shape_cast %get3A_1218 : vector<16xf32> to vector<16xf32>
      %add3A_1220 = arith.constant 1.000000e+00 : f32
      %add3A_1221 = vector.broadcast %add3A_1220 : f32 to vector<16xf32>
      %add3A_1222 = arith.addf %get3A_1216, %add3A_1221 : vector<16xf32>
      %mul3A_1223 = arith.constant 5.110000e+02 : f32
      %mul3A_1224 = vector.broadcast %mul3A_1223 : f32 to vector<16xf32>
      %mul3A_1225 = arith.mulf %add3A_1222, %mul3A_1224 : vector<16xf32>
      %mul3A_1226 = arith.constant 5.000000e-01 : f32
      %mul3A_1227 = vector.broadcast %mul3A_1226 : f32 to vector<16xf32>
      %mul3A_1228 = arith.mulf %mul3A_1227, %mul3A_1225 : vector<16xf32>
      %add3A_1229 = arith.constant 1.000000e+00 : f32
      %add3A_1230 = vector.broadcast %add3A_1229 : f32 to vector<16xf32>
      %add3A_1231 = arith.addf %get3A_1219, %add3A_1230 : vector<16xf32>
      %mul3A_1232 = arith.constant 5.110000e+02 : f32
      %mul3A_1233 = vector.broadcast %mul3A_1232 : f32 to vector<16xf32>
      %mul3A_1234 = arith.mulf %add3A_1231, %mul3A_1233 : vector<16xf32>
      %mul3A_1235 = arith.constant 5.000000e-01 : f32
      %mul3A_1236 = vector.broadcast %mul3A_1235 : f32 to vector<16xf32>
      %mul3A_1237 = arith.mulf %mul3A_1236, %mul3A_1234 : vector<16xf32>
      %convert_element_type3A_1238 = arith.fptosi %mul3A_1228 : vector<16xf32> to vector<16xi32>
      %convert_element_type3A_1239 = arith.fptosi %mul3A_1237 : vector<16xf32> to vector<16xi32>
      %add3A_1240 = arith.constant 1 : i32
      %add3A_1241 = vector.broadcast %add3A_1240 : i32 to vector<16xi32>
      %add3A_1242 = arith.addi %convert_element_type3A_1238, %add3A_1241 : vector<16xi32>
      %min3A_1243 = arith.constant 511 : i32
      %min3A_1244 = vector.broadcast %min3A_1243 : i32 to vector<16xi32>
      %min3A_1245 = arith.minsi %add3A_1242, %min3A_1244 : vector<16xi32>
      %add3A_1246 = arith.constant 1 : i32
      %add3A_1247 = vector.broadcast %add3A_1246 : i32 to vector<16xi32>
      %add3A_1248 = arith.addi %convert_element_type3A_1239, %add3A_1247 : vector<16xi32>
      %min3A_1249 = arith.constant 511 : i32
      %min3A_1250 = vector.broadcast %min3A_1249 : i32 to vector<16xi32>
      %min3A_1251 = arith.minsi %add3A_1248, %min3A_1250 : vector<16xi32>
      %convert_element_type3A_1252 = arith.sitofp %convert_element_type3A_1238 : vector<16xi32> to vector<16xf32>
      %convert_element_type3A_1253 = arith.sitofp %convert_element_type3A_1239 : vector<16xi32> to vector<16xf32>
      %convert_element_type3A_1254 = arith.sitofp %min3A_1245 : vector<16xi32> to vector<16xf32>
      %convert_element_type3A_1255 = arith.sitofp %min3A_1251 : vector<16xi32> to vector<16xf32>
      %add3A_1256 = arith.constant 32 : i32
      %add3A_1257 = arith.addi %add3A_1003, %add3A_1256 : i32
      %add3A_1258 = vector.broadcast %add3A_1257 : i32 to vector<16xi32>
      %add3A_1259 = arith.addi %add3A_1258, %iota3A : vector<16xi32>
      %shift_right_arithmetic3A_1260 = arith.constant 18 : i32
      %shift_right_arithmetic3A_1261 = vector.broadcast %shift_right_arithmetic3A_1260 : i32 to vector<16xi32>
      %shift_right_arithmetic3A_1262 = arith.shrsi %add3A_1259, %shift_right_arithmetic3A_1261 : vector<16xi32>
      %shift_left3A_1263 = arith.constant 18 : i32
      %shift_left3A_1264 = vector.broadcast %shift_left3A_1263 : i32 to vector<16xi32>
      %shift_left3A_1265 = arith.shli %shift_right_arithmetic3A_1262, %shift_left3A_1264 : vector<16xi32>
      %shift_left3A_1266 = arith.constant 9 : i32
      %shift_left3A_1267 = vector.broadcast %shift_left3A_1266 : i32 to vector<16xi32>
      %shift_left3A_1268 = arith.shli %convert_element_type3A_1239, %shift_left3A_1267 : vector<16xi32>
      %add3A_1269 = arith.addi %shift_left3A_1265, %shift_left3A_1268 : vector<16xi32>
      %add3A_1270 = arith.addi %add3A_1269, %convert_element_type3A_1238 : vector<16xi32>
      %shift_left3A_1271 = arith.constant 9 : i32
      %shift_left3A_1272 = vector.broadcast %shift_left3A_1271 : i32 to vector<16xi32>
      %shift_left3A_1273 = arith.shli %min3A_1251, %shift_left3A_1272 : vector<16xi32>
      %add3A_1274 = arith.addi %shift_left3A_1265, %shift_left3A_1273 : vector<16xi32>
      %add3A_1275 = arith.addi %add3A_1274, %convert_element_type3A_1238 : vector<16xi32>
      %sub3A_1276 = arith.subi %min3A_1245, %convert_element_type3A_1238 : vector<16xi32>
      %swap3A_1277 = arith.constant 32 : index
      %swap3A_1278 = tpu.vector_load %arg22[%swap3A_1277] {strides = array<i32>} : memref<128xi32, #tpu.memory_space<vmem>>, vector<16xi32>,
      %swap3A_1279 = vector.shape_cast %swap3A_1278 : vector<16xi32> to vector<16xi32>
      %swap3A_1280 = vector.shape_cast %add3A_1270 : vector<16xi32> to vector<16xi32>
      tpu.vector_store %arg22[%swap3A_1277], %swap3A_1280 {strides = array<i32>} : memref<128xi32, #tpu.memory_space<vmem>>, vector<16xi32>,
      %swap3A_1281 = arith.constant 32 : index
      %swap3A_1282 = tpu.vector_load %arg23[%swap3A_1281] {strides = array<i32>} : memref<128xi32, #tpu.memory_space<vmem>>, vector<16xi32>,
      %swap3A_1283 = vector.shape_cast %swap3A_1282 : vector<16xi32> to vector<16xi32>
      %swap3A_1284 = vector.shape_cast %add3A_1275 : vector<16xi32> to vector<16xi32>
      tpu.vector_store %arg23[%swap3A_1281], %swap3A_1284 {strides = array<i32>} : memref<128xi32, #tpu.memory_space<vmem>>, vector<16xi32>,
      %add3A_1285 = arith.addi %add3A_1270, %sub3A_1276 : vector<16xi32>
      %swap3A_1286 = arith.constant 32 : index
      %swap3A_1287 = tpu.vector_load %arg24[%swap3A_1286] {strides = array<i32>} : memref<128xi32, #tpu.memory_space<vmem>>, vector<16xi32>,
      %swap3A_1288 = vector.shape_cast %swap3A_1287 : vector<16xi32> to vector<16xi32>
      %swap3A_1289 = vector.shape_cast %add3A_1285 : vector<16xi32> to vector<16xi32>
      tpu.vector_store %arg24[%swap3A_1286], %swap3A_1289 {strides = array<i32>} : memref<128xi32, #tpu.memory_space<vmem>>, vector<16xi32>,
      %add3A_1290 = arith.addi %add3A_1275, %sub3A_1276 : vector<16xi32>
      %swap3A_1291 = arith.constant 32 : index
      %swap3A_1292 = tpu.vector_load %arg25[%swap3A_1291] {strides = array<i32>} : memref<128xi32, #tpu.memory_space<vmem>>, vector<16xi32>,
      %swap3A_1293 = vector.shape_cast %swap3A_1292 : vector<16xi32> to vector<16xi32>
      %swap3A_1294 = vector.shape_cast %add3A_1290 : vector<16xi32> to vector<16xi32>
      tpu.vector_store %arg25[%swap3A_1291], %swap3A_1294 {strides = array<i32>} : memref<128xi32, #tpu.memory_space<vmem>>, vector<16xi32>,
      %sub3A_1295 = arith.subf %convert_element_type3A_1254, %mul3A_1228 : vector<16xf32>
      %sub3A_1296 = arith.subf %mul3A_1228, %convert_element_type3A_1252 : vector<16xf32>
      %sub3A_1297 = arith.subf %convert_element_type3A_1255, %mul3A_1237 : vector<16xf32>
      %sub3A_1298 = arith.subf %mul3A_1237, %convert_element_type3A_1253 : vector<16xf32>
      %mul3A_1299 = arith.mulf %sub3A_1295, %sub3A_1297 : vector<16xf32>
      %swap3A_1300 = arith.constant 32 : index
      %swap3A_1301 = tpu.vector_load %arg30[%swap3A_1300] {strides = array<i32>} : memref<144xf32, #tpu.memory_space<vmem>>, vector<16xf32>,
      %swap3A_1302 = vector.shape_cast %swap3A_1301 : vector<16xf32> to vector<16xf32>
      %swap3A_1303 = vector.shape_cast %mul3A_1299 : vector<16xf32> to vector<16xf32>
      tpu.vector_store %arg30[%swap3A_1300], %swap3A_1303 {strides = array<i32>} : memref<144xf32, #tpu.memory_space<vmem>>, vector<16xf32>,
      %mul3A_1304 = arith.mulf %sub3A_1295, %sub3A_1298 : vector<16xf32>
      %swap3A_1305 = arith.constant 32 : index
      %swap3A_1306 = tpu.vector_load %arg31[%swap3A_1305] {strides = array<i32>} : memref<144xf32, #tpu.memory_space<vmem>>, vector<16xf32>,
      %swap3A_1307 = vector.shape_cast %swap3A_1306 : vector<16xf32> to vector<16xf32>
      %swap3A_1308 = vector.shape_cast %mul3A_1304 : vector<16xf32> to vector<16xf32>
      tpu.vector_store %arg31[%swap3A_1305], %swap3A_1308 {strides = array<i32>} : memref<144xf32, #tpu.memory_space<vmem>>, vector<16xf32>,
      %mul3A_1309 = arith.mulf %sub3A_1296, %sub3A_1297 : vector<16xf32>
      %swap3A_1310 = arith.constant 32 : index
      %swap3A_1311 = tpu.vector_load %arg32[%swap3A_1310] {strides = array<i32>} : memref<144xf32, #tpu.memory_space<vmem>>, vector<16xf32>,
      %swap3A_1312 = vector.shape_cast %swap3A_1311 : vector<16xf32> to vector<16xf32>
      %swap3A_1313 = vector.shape_cast %mul3A_1309 : vector<16xf32> to vector<16xf32>
      tpu.vector_store %arg32[%swap3A_1310], %swap3A_1313 {strides = array<i32>} : memref<144xf32, #tpu.memory_space<vmem>>, vector<16xf32>,
      %mul3A_1314 = arith.mulf %sub3A_1296, %sub3A_1298 : vector<16xf32>
      %swap3A_1315 = arith.constant 32 : index
      %swap3A_1316 = tpu.vector_load %arg33[%swap3A_1315] {strides = array<i32>} : memref<144xf32, #tpu.memory_space<vmem>>, vector<16xf32>,
      %swap3A_1317 = vector.shape_cast %swap3A_1316 : vector<16xf32> to vector<16xf32>
      %swap3A_1318 = vector.shape_cast %mul3A_1314 : vector<16xf32> to vector<16xf32>
      tpu.vector_store %arg33[%swap3A_1315], %swap3A_1318 {strides = array<i32>} : memref<144xf32, #tpu.memory_space<vmem>>, vector<16xf32>,
      %get3A_1319 = arith.constant 48 : index
      %get3A_1320 = tpu.vector_load %arg7[%get3A_1319] {strides = array<i32>} : memref<128xf32, #tpu.memory_space<vmem>>, vector<16xf32>,
      %get3A_1321 = vector.shape_cast %get3A_1320 : vector<16xf32> to vector<16xf32>
      %get3A_1322 = arith.constant 48 : index
      %get3A_1323 = tpu.vector_load %arg9[%get3A_1322] {strides = array<i32>} : memref<128xf32, #tpu.memory_space<vmem>>, vector<16xf32>,
      %get3A_1324 = vector.shape_cast %get3A_1323 : vector<16xf32> to vector<16xf32>
      %add3A_1325 = arith.constant 1.000000e+00 : f32
      %add3A_1326 = vector.broadcast %add3A_1325 : f32 to vector<16xf32>
      %add3A_1327 = arith.addf %get3A_1321, %add3A_1326 : vector<16xf32>
      %mul3A_1328 = arith.constant 5.110000e+02 : f32
      %mul3A_1329 = vector.broadcast %mul3A_1328 : f32 to vector<16xf32>
      %mul3A_1330 = arith.mulf %add3A_1327, %mul3A_1329 : vector<16xf32>
      %mul3A_1331 = arith.constant 5.000000e-01 : f32
      %mul3A_1332 = vector.broadcast %mul3A_1331 : f32 to vector<16xf32>
      %mul3A_1333 = arith.mulf %mul3A_1332, %mul3A_1330 : vector<16xf32>
      %add3A_1334 = arith.constant 1.000000e+00 : f32
      %add3A_1335 = vector.broadcast %add3A_1334 : f32 to vector<16xf32>
      %add3A_1336 = arith.addf %get3A_1324, %add3A_1335 : vector<16xf32>
      %mul3A_1337 = arith.constant 5.110000e+02 : f32
      %mul3A_1338 = vector.broadcast %mul3A_1337 : f32 to vector<16xf32>
      %mul3A_1339 = arith.mulf %add3A_1336, %mul3A_1338 : vector<16xf32>
      %mul3A_1340 = arith.constant 5.000000e-01 : f32
      %mul3A_1341 = vector.broadcast %mul3A_1340 : f32 to vector<16xf32>
      %mul3A_1342 = arith.mulf %mul3A_1341, %mul3A_1339 : vector<16xf32>
      %convert_element_type3A_1343 = arith.fptosi %mul3A_1333 : vector<16xf32> to vector<16xi32>
      %convert_element_type3A_1344 = arith.fptosi %mul3A_1342 : vector<16xf32> to vector<16xi32>
      %add3A_1345 = arith.constant 1 : i32
      %add3A_1346 = vector.broadcast %add3A_1345 : i32 to vector<16xi32>
      %add3A_1347 = arith.addi %convert_element_type3A_1343, %add3A_1346 : vector<16xi32>
      %min3A_1348 = arith.constant 511 : i32
      %min3A_1349 = vector.broadcast %min3A_1348 : i32 to vector<16xi32>
      %min3A_1350 = arith.minsi %add3A_1347, %min3A_1349 : vector<16xi32>
      %add3A_1351 = arith.constant 1 : i32
      %add3A_1352 = vector.broadcast %add3A_1351 : i32 to vector<16xi32>
      %add3A_1353 = arith.addi %convert_element_type3A_1344, %add3A_1352 : vector<16xi32>
      %min3A_1354 = arith.constant 511 : i32
      %min3A_1355 = vector.broadcast %min3A_1354 : i32 to vector<16xi32>
      %min3A_1356 = arith.minsi %add3A_1353, %min3A_1355 : vector<16xi32>
      %convert_element_type3A_1357 = arith.sitofp %convert_element_type3A_1343 : vector<16xi32> to vector<16xf32>
      %convert_element_type3A_1358 = arith.sitofp %convert_element_type3A_1344 : vector<16xi32> to vector<16xf32>
      %convert_element_type3A_1359 = arith.sitofp %min3A_1350 : vector<16xi32> to vector<16xf32>
      %convert_element_type3A_1360 = arith.sitofp %min3A_1356 : vector<16xi32> to vector<16xf32>
      %add3A_1361 = arith.constant 48 : i32
      %add3A_1362 = arith.addi %add3A_1003, %add3A_1361 : i32
      %add3A_1363 = vector.broadcast %add3A_1362 : i32 to vector<16xi32>
      %add3A_1364 = arith.addi %add3A_1363, %iota3A : vector<16xi32>
      %shift_right_arithmetic3A_1365 = arith.constant 18 : i32
      %shift_right_arithmetic3A_1366 = vector.broadcast %shift_right_arithmetic3A_1365 : i32 to vector<16xi32>
      %shift_right_arithmetic3A_1367 = arith.shrsi %add3A_1364, %shift_right_arithmetic3A_1366 : vector<16xi32>
      %shift_left3A_1368 = arith.constant 18 : i32
      %shift_left3A_1369 = vector.broadcast %shift_left3A_1368 : i32 to vector<16xi32>
      %shift_left3A_1370 = arith.shli %shift_right_arithmetic3A_1367, %shift_left3A_1369 : vector<16xi32>
      %shift_left3A_1371 = arith.constant 9 : i32
      %shift_left3A_1372 = vector.broadcast %shift_left3A_1371 : i32 to vector<16xi32>
      %shift_left3A_1373 = arith.shli %convert_element_type3A_1344, %shift_left3A_1372 : vector<16xi32>
      %add3A_1374 = arith.addi %shift_left3A_1370, %shift_left3A_1373 : vector<16xi32>
      %add3A_1375 = arith.addi %add3A_1374, %convert_element_type3A_1343 : vector<16xi32>
      %shift_left3A_1376 = arith.constant 9 : i32
      %shift_left3A_1377 = vector.broadcast %shift_left3A_1376 : i32 to vector<16xi32>
      %shift_left3A_1378 = arith.shli %min3A_1356, %shift_left3A_1377 : vector<16xi32>
      %add3A_1379 = arith.addi %shift_left3A_1370, %shift_left3A_1378 : vector<16xi32>
      %add3A_1380 = arith.addi %add3A_1379, %convert_element_type3A_1343 : vector<16xi32>
      %sub3A_1381 = arith.subi %min3A_1350, %convert_element_type3A_1343 : vector<16xi32>
      %swap3A_1382 = arith.constant 48 : index
      %swap3A_1383 = tpu.vector_load %arg22[%swap3A_1382] {strides = array<i32>} : memref<128xi32, #tpu.memory_space<vmem>>, vector<16xi32>,
      %swap3A_1384 = vector.shape_cast %swap3A_1383 : vector<16xi32> to vector<16xi32>
      %swap3A_1385 = vector.shape_cast %add3A_1375 : vector<16xi32> to vector<16xi32>
      tpu.vector_store %arg22[%swap3A_1382], %swap3A_1385 {strides = array<i32>} : memref<128xi32, #tpu.memory_space<vmem>>, vector<16xi32>,
      %swap3A_1386 = arith.constant 48 : index
      %swap3A_1387 = tpu.vector_load %arg23[%swap3A_1386] {strides = array<i32>} : memref<128xi32, #tpu.memory_space<vmem>>, vector<16xi32>,
      %swap3A_1388 = vector.shape_cast %swap3A_1387 : vector<16xi32> to vector<16xi32>
      %swap3A_1389 = vector.shape_cast %add3A_1380 : vector<16xi32> to vector<16xi32>
      tpu.vector_store %arg23[%swap3A_1386], %swap3A_1389 {strides = array<i32>} : memref<128xi32, #tpu.memory_space<vmem>>, vector<16xi32>,
      %add3A_1390 = arith.addi %add3A_1375, %sub3A_1381 : vector<16xi32>
      %swap3A_1391 = arith.constant 48 : index
      %swap3A_1392 = tpu.vector_load %arg24[%swap3A_1391] {strides = array<i32>} : memref<128xi32, #tpu.memory_space<vmem>>, vector<16xi32>,
      %swap3A_1393 = vector.shape_cast %swap3A_1392 : vector<16xi32> to vector<16xi32>
      %swap3A_1394 = vector.shape_cast %add3A_1390 : vector<16xi32> to vector<16xi32>
      tpu.vector_store %arg24[%swap3A_1391], %swap3A_1394 {strides = array<i32>} : memref<128xi32, #tpu.memory_space<vmem>>, vector<16xi32>,
      %add3A_1395 = arith.addi %add3A_1380, %sub3A_1381 : vector<16xi32>
      %swap3A_1396 = arith.constant 48 : index
      %swap3A_1397 = tpu.vector_load %arg25[%swap3A_1396] {strides = array<i32>} : memref<128xi32, #tpu.memory_space<vmem>>, vector<16xi32>,
      %swap3A_1398 = vector.shape_cast %swap3A_1397 : vector<16xi32> to vector<16xi32>
      %swap3A_1399 = vector.shape_cast %add3A_1395 : vector<16xi32> to vector<16xi32>
      tpu.vector_store %arg25[%swap3A_1396], %swap3A_1399 {strides = array<i32>} : memref<128xi32, #tpu.memory_space<vmem>>, vector<16xi32>,
      %sub3A_1400 = arith.subf %convert_element_type3A_1359, %mul3A_1333 : vector<16xf32>
      %sub3A_1401 = arith.subf %mul3A_1333, %convert_element_type3A_1357 : vector<16xf32>
      %sub3A_1402 = arith.subf %convert_element_type3A_1360, %mul3A_1342 : vector<16xf32>
      %sub3A_1403 = arith.subf %mul3A_1342, %convert_element_type3A_1358 : vector<16xf32>
      %mul3A_1404 = arith.mulf %sub3A_1400, %sub3A_1402 : vector<16xf32>
      %swap3A_1405 = arith.constant 48 : index
      %swap3A_1406 = tpu.vector_load %arg30[%swap3A_1405] {strides = array<i32>} : memref<144xf32, #tpu.memory_space<vmem>>, vector<16xf32>,
      %swap3A_1407 = vector.shape_cast %swap3A_1406 : vector<16xf32> to vector<16xf32>
      %swap3A_1408 = vector.shape_cast %mul3A_1404 : vector<16xf32> to vector<16xf32>
      tpu.vector_store %arg30[%swap3A_1405], %swap3A_1408 {strides = array<i32>} : memref<144xf32, #tpu.memory_space<vmem>>, vector<16xf32>,
      %mul3A_1409 = arith.mulf %sub3A_1400, %sub3A_1403 : vector<16xf32>
      %swap3A_1410 = arith.constant 48 : index
      %swap3A_1411 = tpu.vector_load %arg31[%swap3A_1410] {strides = array<i32>} : memref<144xf32, #tpu.memory_space<vmem>>, vector<16xf32>,
      %swap3A_1412 = vector.shape_cast %swap3A_1411 : vector<16xf32> to vector<16xf32>
      %swap3A_1413 = vector.shape_cast %mul3A_1409 : vector<16xf32> to vector<16xf32>
      tpu.vector_store %arg31[%swap3A_1410], %swap3A_1413 {strides = array<i32>} : memref<144xf32, #tpu.memory_space<vmem>>, vector<16xf32>,
      %mul3A_1414 = arith.mulf %sub3A_1401, %sub3A_1402 : vector<16xf32>
      %swap3A_1415 = arith.constant 48 : index
      %swap3A_1416 = tpu.vector_load %arg32[%swap3A_1415] {strides = array<i32>} : memref<144xf32, #tpu.memory_space<vmem>>, vector<16xf32>,
      %swap3A_1417 = vector.shape_cast %swap3A_1416 : vector<16xf32> to vector<16xf32>
      %swap3A_1418 = vector.shape_cast %mul3A_1414 : vector<16xf32> to vector<16xf32>
      tpu.vector_store %arg32[%swap3A_1415], %swap3A_1418 {strides = array<i32>} : memref<144xf32, #tpu.memory_space<vmem>>, vector<16xf32>,
      %mul3A_1419 = arith.mulf %sub3A_1401, %sub3A_1403 : vector<16xf32>
      %swap3A_1420 = arith.constant 48 : index
      %swap3A_1421 = tpu.vector_load %arg33[%swap3A_1420] {strides = array<i32>} : memref<144xf32, #tpu.memory_space<vmem>>, vector<16xf32>,
      %swap3A_1422 = vector.shape_cast %swap3A_1421 : vector<16xf32> to vector<16xf32>
      %swap3A_1423 = vector.shape_cast %mul3A_1419 : vector<16xf32> to vector<16xf32>
      tpu.vector_store %arg33[%swap3A_1420], %swap3A_1423 {strides = array<i32>} : memref<144xf32, #tpu.memory_space<vmem>>, vector<16xf32>,
      %get3A_1424 = arith.constant 64 : index
      %get3A_1425 = tpu.vector_load %arg7[%get3A_1424] {strides = array<i32>} : memref<128xf32, #tpu.memory_space<vmem>>, vector<16xf32>,
      %get3A_1426 = vector.shape_cast %get3A_1425 : vector<16xf32> to vector<16xf32>
      %get3A_1427 = arith.constant 64 : index
      %get3A_1428 = tpu.vector_load %arg9[%get3A_1427] {strides = array<i32>} : memref<128xf32, #tpu.memory_space<vmem>>, vector<16xf32>,
      %get3A_1429 = vector.shape_cast %get3A_1428 : vector<16xf32> to vector<16xf32>
      %add3A_1430 = arith.constant 1.000000e+00 : f32
      %add3A_1431 = vector.broadcast %add3A_1430 : f32 to vector<16xf32>
      %add3A_1432 = arith.addf %get3A_1426, %add3A_1431 : vector<16xf32>
      %mul3A_1433 = arith.constant 5.110000e+02 : f32
      %mul3A_1434 = vector.broadcast %mul3A_1433 : f32 to vector<16xf32>
      %mul3A_1435 = arith.mulf %add3A_1432, %mul3A_1434 : vector<16xf32>
      %mul3A_1436 = arith.constant 5.000000e-01 : f32
      %mul3A_1437 = vector.broadcast %mul3A_1436 : f32 to vector<16xf32>
      %mul3A_1438 = arith.mulf %mul3A_1437, %mul3A_1435 : vector<16xf32>
      %add3A_1439 = arith.constant 1.000000e+00 : f32
      %add3A_1440 = vector.broadcast %add3A_1439 : f32 to vector<16xf32>
      %add3A_1441 = arith.addf %get3A_1429, %add3A_1440 : vector<16xf32>
      %mul3A_1442 = arith.constant 5.110000e+02 : f32
      %mul3A_1443 = vector.broadcast %mul3A_1442 : f32 to vector<16xf32>
      %mul3A_1444 = arith.mulf %add3A_1441, %mul3A_1443 : vector<16xf32>
      %mul3A_1445 = arith.constant 5.000000e-01 : f32
      %mul3A_1446 = vector.broadcast %mul3A_1445 : f32 to vector<16xf32>
      %mul3A_1447 = arith.mulf %mul3A_1446, %mul3A_1444 : vector<16xf32>
      %convert_element_type3A_1448 = arith.fptosi %mul3A_1438 : vector<16xf32> to vector<16xi32>
      %convert_element_type3A_1449 = arith.fptosi %mul3A_1447 : vector<16xf32> to vector<16xi32>
      %add3A_1450 = arith.constant 1 : i32
      %add3A_1451 = vector.broadcast %add3A_1450 : i32 to vector<16xi32>
      %add3A_1452 = arith.addi %convert_element_type3A_1448, %add3A_1451 : vector<16xi32>
      %min3A_1453 = arith.constant 511 : i32
      %min3A_1454 = vector.broadcast %min3A_1453 : i32 to vector<16xi32>
      %min3A_1455 = arith.minsi %add3A_1452, %min3A_1454 : vector<16xi32>
      %add3A_1456 = arith.constant 1 : i32
      %add3A_1457 = vector.broadcast %add3A_1456 : i32 to vector<16xi32>
      %add3A_1458 = arith.addi %convert_element_type3A_1449, %add3A_1457 : vector<16xi32>
      %min3A_1459 = arith.constant 511 : i32
      %min3A_1460 = vector.broadcast %min3A_1459 : i32 to vector<16xi32>
      %min3A_1461 = arith.minsi %add3A_1458, %min3A_1460 : vector<16xi32>
      %convert_element_type3A_1462 = arith.sitofp %convert_element_type3A_1448 : vector<16xi32> to vector<16xf32>
      %convert_element_type3A_1463 = arith.sitofp %convert_element_type3A_1449 : vector<16xi32> to vector<16xf32>
      %convert_element_type3A_1464 = arith.sitofp %min3A_1455 : vector<16xi32> to vector<16xf32>
      %convert_element_type3A_1465 = arith.sitofp %min3A_1461 : vector<16xi32> to vector<16xf32>
      %add3A_1466 = arith.constant 64 : i32
      %add3A_1467 = arith.addi %add3A_1003, %add3A_1466 : i32
      %add3A_1468 = vector.broadcast %add3A_1467 : i32 to vector<16xi32>
      %add3A_1469 = arith.addi %add3A_1468, %iota3A : vector<16xi32>
      %shift_right_arithmetic3A_1470 = arith.constant 18 : i32
      %shift_right_arithmetic3A_1471 = vector.broadcast %shift_right_arithmetic3A_1470 : i32 to vector<16xi32>
      %shift_right_arithmetic3A_1472 = arith.shrsi %add3A_1469, %shift_right_arithmetic3A_1471 : vector<16xi32>
      %shift_left3A_1473 = arith.constant 18 : i32
      %shift_left3A_1474 = vector.broadcast %shift_left3A_1473 : i32 to vector<16xi32>
      %shift_left3A_1475 = arith.shli %shift_right_arithmetic3A_1472, %shift_left3A_1474 : vector<16xi32>
      %shift_left3A_1476 = arith.constant 9 : i32
      %shift_left3A_1477 = vector.broadcast %shift_left3A_1476 : i32 to vector<16xi32>
      %shift_left3A_1478 = arith.shli %convert_element_type3A_1449, %shift_left3A_1477 : vector<16xi32>
      %add3A_1479 = arith.addi %shift_left3A_1475, %shift_left3A_1478 : vector<16xi32>
      %add3A_1480 = arith.addi %add3A_1479, %convert_element_type3A_1448 : vector<16xi32>
      %shift_left3A_1481 = arith.constant 9 : i32
      %shift_left3A_1482 = vector.broadcast %shift_left3A_1481 : i32 to vector<16xi32>
      %shift_left3A_1483 = arith.shli %min3A_1461, %shift_left3A_1482 : vector<16xi32>
      %add3A_1484 = arith.addi %shift_left3A_1475, %shift_left3A_1483 : vector<16xi32>
      %add3A_1485 = arith.addi %add3A_1484, %convert_element_type3A_1448 : vector<16xi32>
      %sub3A_1486 = arith.subi %min3A_1455, %convert_element_type3A_1448 : vector<16xi32>
      %swap3A_1487 = arith.constant 64 : index
      %swap3A_1488 = tpu.vector_load %arg22[%swap3A_1487] {strides = array<i32>} : memref<128xi32, #tpu.memory_space<vmem>>, vector<16xi32>,
      %swap3A_1489 = vector.shape_cast %swap3A_1488 : vector<16xi32> to vector<16xi32>
      %swap3A_1490 = vector.shape_cast %add3A_1480 : vector<16xi32> to vector<16xi32>
      tpu.vector_store %arg22[%swap3A_1487], %swap3A_1490 {strides = array<i32>} : memref<128xi32, #tpu.memory_space<vmem>>, vector<16xi32>,
      %swap3A_1491 = arith.constant 64 : index
      %swap3A_1492 = tpu.vector_load %arg23[%swap3A_1491] {strides = array<i32>} : memref<128xi32, #tpu.memory_space<vmem>>, vector<16xi32>,
      %swap3A_1493 = vector.shape_cast %swap3A_1492 : vector<16xi32> to vector<16xi32>
      %swap3A_1494 = vector.shape_cast %add3A_1485 : vector<16xi32> to vector<16xi32>
      tpu.vector_store %arg23[%swap3A_1491], %swap3A_1494 {strides = array<i32>} : memref<128xi32, #tpu.memory_space<vmem>>, vector<16xi32>,
      %add3A_1495 = arith.addi %add3A_1480, %sub3A_1486 : vector<16xi32>
      %swap3A_1496 = arith.constant 64 : index
      %swap3A_1497 = tpu.vector_load %arg24[%swap3A_1496] {strides = array<i32>} : memref<128xi32, #tpu.memory_space<vmem>>, vector<16xi32>,
      %swap3A_1498 = vector.shape_cast %swap3A_1497 : vector<16xi32> to vector<16xi32>
      %swap3A_1499 = vector.shape_cast %add3A_1495 : vector<16xi32> to vector<16xi32>
      tpu.vector_store %arg24[%swap3A_1496], %swap3A_1499 {strides = array<i32>} : memref<128xi32, #tpu.memory_space<vmem>>, vector<16xi32>,
      %add3A_1500 = arith.addi %add3A_1485, %sub3A_1486 : vector<16xi32>
      %swap3A_1501 = arith.constant 64 : index
      %swap3A_1502 = tpu.vector_load %arg25[%swap3A_1501] {strides = array<i32>} : memref<128xi32, #tpu.memory_space<vmem>>, vector<16xi32>,
      %swap3A_1503 = vector.shape_cast %swap3A_1502 : vector<16xi32> to vector<16xi32>
      %swap3A_1504 = vector.shape_cast %add3A_1500 : vector<16xi32> to vector<16xi32>
      tpu.vector_store %arg25[%swap3A_1501], %swap3A_1504 {strides = array<i32>} : memref<128xi32, #tpu.memory_space<vmem>>, vector<16xi32>,
      %sub3A_1505 = arith.subf %convert_element_type3A_1464, %mul3A_1438 : vector<16xf32>
      %sub3A_1506 = arith.subf %mul3A_1438, %convert_element_type3A_1462 : vector<16xf32>
      %sub3A_1507 = arith.subf %convert_element_type3A_1465, %mul3A_1447 : vector<16xf32>
      %sub3A_1508 = arith.subf %mul3A_1447, %convert_element_type3A_1463 : vector<16xf32>
      %mul3A_1509 = arith.mulf %sub3A_1505, %sub3A_1507 : vector<16xf32>
      %swap3A_1510 = arith.constant 64 : index
      %swap3A_1511 = tpu.vector_load %arg30[%swap3A_1510] {strides = array<i32>} : memref<144xf32, #tpu.memory_space<vmem>>, vector<16xf32>,
      %swap3A_1512 = vector.shape_cast %swap3A_1511 : vector<16xf32> to vector<16xf32>
      %swap3A_1513 = vector.shape_cast %mul3A_1509 : vector<16xf32> to vector<16xf32>
      tpu.vector_store %arg30[%swap3A_1510], %swap3A_1513 {strides = array<i32>} : memref<144xf32, #tpu.memory_space<vmem>>, vector<16xf32>,
      %mul3A_1514 = arith.mulf %sub3A_1505, %sub3A_1508 : vector<16xf32>
      %swap3A_1515 = arith.constant 64 : index
      %swap3A_1516 = tpu.vector_load %arg31[%swap3A_1515] {strides = array<i32>} : memref<144xf32, #tpu.memory_space<vmem>>, vector<16xf32>,
      %swap3A_1517 = vector.shape_cast %swap3A_1516 : vector<16xf32> to vector<16xf32>
      %swap3A_1518 = vector.shape_cast %mul3A_1514 : vector<16xf32> to vector<16xf32>
      tpu.vector_store %arg31[%swap3A_1515], %swap3A_1518 {strides = array<i32>} : memref<144xf32, #tpu.memory_space<vmem>>, vector<16xf32>,
      %mul3A_1519 = arith.mulf %sub3A_1506, %sub3A_1507 : vector<16xf32>
      %swap3A_1520 = arith.constant 64 : index
      %swap3A_1521 = tpu.vector_load %arg32[%swap3A_1520] {strides = array<i32>} : memref<144xf32, #tpu.memory_space<vmem>>, vector<16xf32>,
      %swap3A_1522 = vector.shape_cast %swap3A_1521 : vector<16xf32> to vector<16xf32>
      %swap3A_1523 = vector.shape_cast %mul3A_1519 : vector<16xf32> to vector<16xf32>
      tpu.vector_store %arg32[%swap3A_1520], %swap3A_1523 {strides = array<i32>} : memref<144xf32, #tpu.memory_space<vmem>>, vector<16xf32>,
      %mul3A_1524 = arith.mulf %sub3A_1506, %sub3A_1508 : vector<16xf32>
      %swap3A_1525 = arith.constant 64 : index
      %swap3A_1526 = tpu.vector_load %arg33[%swap3A_1525] {strides = array<i32>} : memref<144xf32, #tpu.memory_space<vmem>>, vector<16xf32>,
      %swap3A_1527 = vector.shape_cast %swap3A_1526 : vector<16xf32> to vector<16xf32>
      %swap3A_1528 = vector.shape_cast %mul3A_1524 : vector<16xf32> to vector<16xf32>
      tpu.vector_store %arg33[%swap3A_1525], %swap3A_1528 {strides = array<i32>} : memref<144xf32, #tpu.memory_space<vmem>>, vector<16xf32>,
      %get3A_1529 = arith.constant 80 : index
      %get3A_1530 = tpu.vector_load %arg7[%get3A_1529] {strides = array<i32>} : memref<128xf32, #tpu.memory_space<vmem>>, vector<16xf32>,
      %get3A_1531 = vector.shape_cast %get3A_1530 : vector<16xf32> to vector<16xf32>
      %get3A_1532 = arith.constant 80 : index
      %get3A_1533 = tpu.vector_load %arg9[%get3A_1532] {strides = array<i32>} : memref<128xf32, #tpu.memory_space<vmem>>, vector<16xf32>,
      %get3A_1534 = vector.shape_cast %get3A_1533 : vector<16xf32> to vector<16xf32>
      %add3A_1535 = arith.constant 1.000000e+00 : f32
      %add3A_1536 = vector.broadcast %add3A_1535 : f32 to vector<16xf32>
      %add3A_1537 = arith.addf %get3A_1531, %add3A_1536 : vector<16xf32>
      %mul3A_1538 = arith.constant 5.110000e+02 : f32
      %mul3A_1539 = vector.broadcast %mul3A_1538 : f32 to vector<16xf32>
      %mul3A_1540 = arith.mulf %add3A_1537, %mul3A_1539 : vector<16xf32>
      %mul3A_1541 = arith.constant 5.000000e-01 : f32
      %mul3A_1542 = vector.broadcast %mul3A_1541 : f32 to vector<16xf32>
      %mul3A_1543 = arith.mulf %mul3A_1542, %mul3A_1540 : vector<16xf32>
      %add3A_1544 = arith.constant 1.000000e+00 : f32
      %add3A_1545 = vector.broadcast %add3A_1544 : f32 to vector<16xf32>
      %add3A_1546 = arith.addf %get3A_1534, %add3A_1545 : vector<16xf32>
      %mul3A_1547 = arith.constant 5.110000e+02 : f32
      %mul3A_1548 = vector.broadcast %mul3A_1547 : f32 to vector<16xf32>
      %mul3A_1549 = arith.mulf %add3A_1546, %mul3A_1548 : vector<16xf32>
      %mul3A_1550 = arith.constant 5.000000e-01 : f32
      %mul3A_1551 = vector.broadcast %mul3A_1550 : f32 to vector<16xf32>
      %mul3A_1552 = arith.mulf %mul3A_1551, %mul3A_1549 : vector<16xf32>
      %convert_element_type3A_1553 = arith.fptosi %mul3A_1543 : vector<16xf32> to vector<16xi32>
      %convert_element_type3A_1554 = arith.fptosi %mul3A_1552 : vector<16xf32> to vector<16xi32>
      %add3A_1555 = arith.constant 1 : i32
      %add3A_1556 = vector.broadcast %add3A_1555 : i32 to vector<16xi32>
      %add3A_1557 = arith.addi %convert_element_type3A_1553, %add3A_1556 : vector<16xi32>
      %min3A_1558 = arith.constant 511 : i32
      %min3A_1559 = vector.broadcast %min3A_1558 : i32 to vector<16xi32>
      %min3A_1560 = arith.minsi %add3A_1557, %min3A_1559 : vector<16xi32>
      %add3A_1561 = arith.constant 1 : i32
      %add3A_1562 = vector.broadcast %add3A_1561 : i32 to vector<16xi32>
      %add3A_1563 = arith.addi %convert_element_type3A_1554, %add3A_1562 : vector<16xi32>
      %min3A_1564 = arith.constant 511 : i32
      %min3A_1565 = vector.broadcast %min3A_1564 : i32 to vector<16xi32>
      %min3A_1566 = arith.minsi %add3A_1563, %min3A_1565 : vector<16xi32>
      %convert_element_type3A_1567 = arith.sitofp %convert_element_type3A_1553 : vector<16xi32> to vector<16xf32>
      %convert_element_type3A_1568 = arith.sitofp %convert_element_type3A_1554 : vector<16xi32> to vector<16xf32>
      %convert_element_type3A_1569 = arith.sitofp %min3A_1560 : vector<16xi32> to vector<16xf32>
      %convert_element_type3A_1570 = arith.sitofp %min3A_1566 : vector<16xi32> to vector<16xf32>
      %add3A_1571 = arith.constant 80 : i32
      %add3A_1572 = arith.addi %add3A_1003, %add3A_1571 : i32
      %add3A_1573 = vector.broadcast %add3A_1572 : i32 to vector<16xi32>
      %add3A_1574 = arith.addi %add3A_1573, %iota3A : vector<16xi32>
      %shift_right_arithmetic3A_1575 = arith.constant 18 : i32
      %shift_right_arithmetic3A_1576 = vector.broadcast %shift_right_arithmetic3A_1575 : i32 to vector<16xi32>
      %shift_right_arithmetic3A_1577 = arith.shrsi %add3A_1574, %shift_right_arithmetic3A_1576 : vector<16xi32>
      %shift_left3A_1578 = arith.constant 18 : i32
      %shift_left3A_1579 = vector.broadcast %shift_left3A_1578 : i32 to vector<16xi32>
      %shift_left3A_1580 = arith.shli %shift_right_arithmetic3A_1577, %shift_left3A_1579 : vector<16xi32>
      %shift_left3A_1581 = arith.constant 9 : i32
      %shift_left3A_1582 = vector.broadcast %shift_left3A_1581 : i32 to vector<16xi32>
      %shift_left3A_1583 = arith.shli %convert_element_type3A_1554, %shift_left3A_1582 : vector<16xi32>
      %add3A_1584 = arith.addi %shift_left3A_1580, %shift_left3A_1583 : vector<16xi32>
      %add3A_1585 = arith.addi %add3A_1584, %convert_element_type3A_1553 : vector<16xi32>
      %shift_left3A_1586 = arith.constant 9 : i32
      %shift_left3A_1587 = vector.broadcast %shift_left3A_1586 : i32 to vector<16xi32>
      %shift_left3A_1588 = arith.shli %min3A_1566, %shift_left3A_1587 : vector<16xi32>
      %add3A_1589 = arith.addi %shift_left3A_1580, %shift_left3A_1588 : vector<16xi32>
      %add3A_1590 = arith.addi %add3A_1589, %convert_element_type3A_1553 : vector<16xi32>
      %sub3A_1591 = arith.subi %min3A_1560, %convert_element_type3A_1553 : vector<16xi32>
      %swap3A_1592 = arith.constant 80 : index
      %swap3A_1593 = tpu.vector_load %arg22[%swap3A_1592] {strides = array<i32>} : memref<128xi32, #tpu.memory_space<vmem>>, vector<16xi32>,
      %swap3A_1594 = vector.shape_cast %swap3A_1593 : vector<16xi32> to vector<16xi32>
      %swap3A_1595 = vector.shape_cast %add3A_1585 : vector<16xi32> to vector<16xi32>
      tpu.vector_store %arg22[%swap3A_1592], %swap3A_1595 {strides = array<i32>} : memref<128xi32, #tpu.memory_space<vmem>>, vector<16xi32>,
      %swap3A_1596 = arith.constant 80 : index
      %swap3A_1597 = tpu.vector_load %arg23[%swap3A_1596] {strides = array<i32>} : memref<128xi32, #tpu.memory_space<vmem>>, vector<16xi32>,
      %swap3A_1598 = vector.shape_cast %swap3A_1597 : vector<16xi32> to vector<16xi32>
      %swap3A_1599 = vector.shape_cast %add3A_1590 : vector<16xi32> to vector<16xi32>
      tpu.vector_store %arg23[%swap3A_1596], %swap3A_1599 {strides = array<i32>} : memref<128xi32, #tpu.memory_space<vmem>>, vector<16xi32>,
      %add3A_1600 = arith.addi %add3A_1585, %sub3A_1591 : vector<16xi32>
      %swap3A_1601 = arith.constant 80 : index
      %swap3A_1602 = tpu.vector_load %arg24[%swap3A_1601] {strides = array<i32>} : memref<128xi32, #tpu.memory_space<vmem>>, vector<16xi32>,
      %swap3A_1603 = vector.shape_cast %swap3A_1602 : vector<16xi32> to vector<16xi32>
      %swap3A_1604 = vector.shape_cast %add3A_1600 : vector<16xi32> to vector<16xi32>
      tpu.vector_store %arg24[%swap3A_1601], %swap3A_1604 {strides = array<i32>} : memref<128xi32, #tpu.memory_space<vmem>>, vector<16xi32>,
      %add3A_1605 = arith.addi %add3A_1590, %sub3A_1591 : vector<16xi32>
      %swap3A_1606 = arith.constant 80 : index
      %swap3A_1607 = tpu.vector_load %arg25[%swap3A_1606] {strides = array<i32>} : memref<128xi32, #tpu.memory_space<vmem>>, vector<16xi32>,
      %swap3A_1608 = vector.shape_cast %swap3A_1607 : vector<16xi32> to vector<16xi32>
      %swap3A_1609 = vector.shape_cast %add3A_1605 : vector<16xi32> to vector<16xi32>
      tpu.vector_store %arg25[%swap3A_1606], %swap3A_1609 {strides = array<i32>} : memref<128xi32, #tpu.memory_space<vmem>>, vector<16xi32>,
      %sub3A_1610 = arith.subf %convert_element_type3A_1569, %mul3A_1543 : vector<16xf32>
      %sub3A_1611 = arith.subf %mul3A_1543, %convert_element_type3A_1567 : vector<16xf32>
      %sub3A_1612 = arith.subf %convert_element_type3A_1570, %mul3A_1552 : vector<16xf32>
      %sub3A_1613 = arith.subf %mul3A_1552, %convert_element_type3A_1568 : vector<16xf32>
      %mul3A_1614 = arith.mulf %sub3A_1610, %sub3A_1612 : vector<16xf32>
      %swap3A_1615 = arith.constant 80 : index
      %swap3A_1616 = tpu.vector_load %arg30[%swap3A_1615] {strides = array<i32>} : memref<144xf32, #tpu.memory_space<vmem>>, vector<16xf32>,
      %swap3A_1617 = vector.shape_cast %swap3A_1616 : vector<16xf32> to vector<16xf32>
      %swap3A_1618 = vector.shape_cast %mul3A_1614 : vector<16xf32> to vector<16xf32>
      tpu.vector_store %arg30[%swap3A_1615], %swap3A_1618 {strides = array<i32>} : memref<144xf32, #tpu.memory_space<vmem>>, vector<16xf32>,
      %mul3A_1619 = arith.mulf %sub3A_1610, %sub3A_1613 : vector<16xf32>
      %swap3A_1620 = arith.constant 80 : index
      %swap3A_1621 = tpu.vector_load %arg31[%swap3A_1620] {strides = array<i32>} : memref<144xf32, #tpu.memory_space<vmem>>, vector<16xf32>,
      %swap3A_1622 = vector.shape_cast %swap3A_1621 : vector<16xf32> to vector<16xf32>
      %swap3A_1623 = vector.shape_cast %mul3A_1619 : vector<16xf32> to vector<16xf32>
      tpu.vector_store %arg31[%swap3A_1620], %swap3A_1623 {strides = array<i32>} : memref<144xf32, #tpu.memory_space<vmem>>, vector<16xf32>,
      %mul3A_1624 = arith.mulf %sub3A_1611, %sub3A_1612 : vector<16xf32>
      %swap3A_1625 = arith.constant 80 : index
      %swap3A_1626 = tpu.vector_load %arg32[%swap3A_1625] {strides = array<i32>} : memref<144xf32, #tpu.memory_space<vmem>>, vector<16xf32>,
      %swap3A_1627 = vector.shape_cast %swap3A_1626 : vector<16xf32> to vector<16xf32>
      %swap3A_1628 = vector.shape_cast %mul3A_1624 : vector<16xf32> to vector<16xf32>
      tpu.vector_store %arg32[%swap3A_1625], %swap3A_1628 {strides = array<i32>} : memref<144xf32, #tpu.memory_space<vmem>>, vector<16xf32>,
      %mul3A_1629 = arith.mulf %sub3A_1611, %sub3A_1613 : vector<16xf32>
      %swap3A_1630 = arith.constant 80 : index
      %swap3A_1631 = tpu.vector_load %arg33[%swap3A_1630] {strides = array<i32>} : memref<144xf32, #tpu.memory_space<vmem>>, vector<16xf32>,
      %swap3A_1632 = vector.shape_cast %swap3A_1631 : vector<16xf32> to vector<16xf32>
      %swap3A_1633 = vector.shape_cast %mul3A_1629 : vector<16xf32> to vector<16xf32>
      tpu.vector_store %arg33[%swap3A_1630], %swap3A_1633 {strides = array<i32>} : memref<144xf32, #tpu.memory_space<vmem>>, vector<16xf32>,
      %get3A_1634 = arith.constant 96 : index
      %get3A_1635 = tpu.vector_load %arg7[%get3A_1634] {strides = array<i32>} : memref<128xf32, #tpu.memory_space<vmem>>, vector<16xf32>,
      %get3A_1636 = vector.shape_cast %get3A_1635 : vector<16xf32> to vector<16xf32>
      %get3A_1637 = arith.constant 96 : index
      %get3A_1638 = tpu.vector_load %arg9[%get3A_1637] {strides = array<i32>} : memref<128xf32, #tpu.memory_space<vmem>>, vector<16xf32>,
      %get3A_1639 = vector.shape_cast %get3A_1638 : vector<16xf32> to vector<16xf32>
      %add3A_1640 = arith.constant 1.000000e+00 : f32
      %add3A_1641 = vector.broadcast %add3A_1640 : f32 to vector<16xf32>
      %add3A_1642 = arith.addf %get3A_1636, %add3A_1641 : vector<16xf32>
      %mul3A_1643 = arith.constant 5.110000e+02 : f32
      %mul3A_1644 = vector.broadcast %mul3A_1643 : f32 to vector<16xf32>
      %mul3A_1645 = arith.mulf %add3A_1642, %mul3A_1644 : vector<16xf32>
      %mul3A_1646 = arith.constant 5.000000e-01 : f32
      %mul3A_1647 = vector.broadcast %mul3A_1646 : f32 to vector<16xf32>
      %mul3A_1648 = arith.mulf %mul3A_1647, %mul3A_1645 : vector<16xf32>
      %add3A_1649 = arith.constant 1.000000e+00 : f32
      %add3A_1650 = vector.broadcast %add3A_1649 : f32 to vector<16xf32>
      %add3A_1651 = arith.addf %get3A_1639, %add3A_1650 : vector<16xf32>
      %mul3A_1652 = arith.constant 5.110000e+02 : f32
      %mul3A_1653 = vector.broadcast %mul3A_1652 : f32 to vector<16xf32>
      %mul3A_1654 = arith.mulf %add3A_1651, %mul3A_1653 : vector<16xf32>
      %mul3A_1655 = arith.constant 5.000000e-01 : f32
      %mul3A_1656 = vector.broadcast %mul3A_1655 : f32 to vector<16xf32>
      %mul3A_1657 = arith.mulf %mul3A_1656, %mul3A_1654 : vector<16xf32>
      %convert_element_type3A_1658 = arith.fptosi %mul3A_1648 : vector<16xf32> to vector<16xi32>
      %convert_element_type3A_1659 = arith.fptosi %mul3A_1657 : vector<16xf32> to vector<16xi32>
      %add3A_1660 = arith.constant 1 : i32
      %add3A_1661 = vector.broadcast %add3A_1660 : i32 to vector<16xi32>
      %add3A_1662 = arith.addi %convert_element_type3A_1658, %add3A_1661 : vector<16xi32>
      %min3A_1663 = arith.constant 511 : i32
      %min3A_1664 = vector.broadcast %min3A_1663 : i32 to vector<16xi32>
      %min3A_1665 = arith.minsi %add3A_1662, %min3A_1664 : vector<16xi32>
      %add3A_1666 = arith.constant 1 : i32
      %add3A_1667 = vector.broadcast %add3A_1666 : i32 to vector<16xi32>
      %add3A_1668 = arith.addi %convert_element_type3A_1659, %add3A_1667 : vector<16xi32>
      %min3A_1669 = arith.constant 511 : i32
      %min3A_1670 = vector.broadcast %min3A_1669 : i32 to vector<16xi32>
      %min3A_1671 = arith.minsi %add3A_1668, %min3A_1670 : vector<16xi32>
      %convert_element_type3A_1672 = arith.sitofp %convert_element_type3A_1658 : vector<16xi32> to vector<16xf32>
      %convert_element_type3A_1673 = arith.sitofp %convert_element_type3A_1659 : vector<16xi32> to vector<16xf32>
      %convert_element_type3A_1674 = arith.sitofp %min3A_1665 : vector<16xi32> to vector<16xf32>
      %convert_element_type3A_1675 = arith.sitofp %min3A_1671 : vector<16xi32> to vector<16xf32>
      %add3A_1676 = arith.constant 96 : i32
      %add3A_1677 = arith.addi %add3A_1003, %add3A_1676 : i32
      %add3A_1678 = vector.broadcast %add3A_1677 : i32 to vector<16xi32>
      %add3A_1679 = arith.addi %add3A_1678, %iota3A : vector<16xi32>
      %shift_right_arithmetic3A_1680 = arith.constant 18 : i32
      %shift_right_arithmetic3A_1681 = vector.broadcast %shift_right_arithmetic3A_1680 : i32 to vector<16xi32>
      %shift_right_arithmetic3A_1682 = arith.shrsi %add3A_1679, %shift_right_arithmetic3A_1681 : vector<16xi32>
      %shift_left3A_1683 = arith.constant 18 : i32
      %shift_left3A_1684 = vector.broadcast %shift_left3A_1683 : i32 to vector<16xi32>
      %shift_left3A_1685 = arith.shli %shift_right_arithmetic3A_1682, %shift_left3A_1684 : vector<16xi32>
      %shift_left3A_1686 = arith.constant 9 : i32
      %shift_left3A_1687 = vector.broadcast %shift_left3A_1686 : i32 to vector<16xi32>
      %shift_left3A_1688 = arith.shli %convert_element_type3A_1659, %shift_left3A_1687 : vector<16xi32>
      %add3A_1689 = arith.addi %shift_left3A_1685, %shift_left3A_1688 : vector<16xi32>
      %add3A_1690 = arith.addi %add3A_1689, %convert_element_type3A_1658 : vector<16xi32>
      %shift_left3A_1691 = arith.constant 9 : i32
      %shift_left3A_1692 = vector.broadcast %shift_left3A_1691 : i32 to vector<16xi32>
      %shift_left3A_1693 = arith.shli %min3A_1671, %shift_left3A_1692 : vector<16xi32>
      %add3A_1694 = arith.addi %shift_left3A_1685, %shift_left3A_1693 : vector<16xi32>
      %add3A_1695 = arith.addi %add3A_1694, %convert_element_type3A_1658 : vector<16xi32>
      %sub3A_1696 = arith.subi %min3A_1665, %convert_element_type3A_1658 : vector<16xi32>
      %swap3A_1697 = arith.constant 96 : index
      %swap3A_1698 = tpu.vector_load %arg22[%swap3A_1697] {strides = array<i32>} : memref<128xi32, #tpu.memory_space<vmem>>, vector<16xi32>,
      %swap3A_1699 = vector.shape_cast %swap3A_1698 : vector<16xi32> to vector<16xi32>
      %swap3A_1700 = vector.shape_cast %add3A_1690 : vector<16xi32> to vector<16xi32>
      tpu.vector_store %arg22[%swap3A_1697], %swap3A_1700 {strides = array<i32>} : memref<128xi32, #tpu.memory_space<vmem>>, vector<16xi32>,
      %swap3A_1701 = arith.constant 96 : index
      %swap3A_1702 = tpu.vector_load %arg23[%swap3A_1701] {strides = array<i32>} : memref<128xi32, #tpu.memory_space<vmem>>, vector<16xi32>,
      %swap3A_1703 = vector.shape_cast %swap3A_1702 : vector<16xi32> to vector<16xi32>
      %swap3A_1704 = vector.shape_cast %add3A_1695 : vector<16xi32> to vector<16xi32>
      tpu.vector_store %arg23[%swap3A_1701], %swap3A_1704 {strides = array<i32>} : memref<128xi32, #tpu.memory_space<vmem>>, vector<16xi32>,
      %add3A_1705 = arith.addi %add3A_1690, %sub3A_1696 : vector<16xi32>
      %swap3A_1706 = arith.constant 96 : index
      %swap3A_1707 = tpu.vector_load %arg24[%swap3A_1706] {strides = array<i32>} : memref<128xi32, #tpu.memory_space<vmem>>, vector<16xi32>,
      %swap3A_1708 = vector.shape_cast %swap3A_1707 : vector<16xi32> to vector<16xi32>
      %swap3A_1709 = vector.shape_cast %add3A_1705 : vector<16xi32> to vector<16xi32>
      tpu.vector_store %arg24[%swap3A_1706], %swap3A_1709 {strides = array<i32>} : memref<128xi32, #tpu.memory_space<vmem>>, vector<16xi32>,
      %add3A_1710 = arith.addi %add3A_1695, %sub3A_1696 : vector<16xi32>
      %swap3A_1711 = arith.constant 96 : index
      %swap3A_1712 = tpu.vector_load %arg25[%swap3A_1711] {strides = array<i32>} : memref<128xi32, #tpu.memory_space<vmem>>, vector<16xi32>,
      %swap3A_1713 = vector.shape_cast %swap3A_1712 : vector<16xi32> to vector<16xi32>
      %swap3A_1714 = vector.shape_cast %add3A_1710 : vector<16xi32> to vector<16xi32>
      tpu.vector_store %arg25[%swap3A_1711], %swap3A_1714 {strides = array<i32>} : memref<128xi32, #tpu.memory_space<vmem>>, vector<16xi32>,
      %sub3A_1715 = arith.subf %convert_element_type3A_1674, %mul3A_1648 : vector<16xf32>
      %sub3A_1716 = arith.subf %mul3A_1648, %convert_element_type3A_1672 : vector<16xf32>
      %sub3A_1717 = arith.subf %convert_element_type3A_1675, %mul3A_1657 : vector<16xf32>
      %sub3A_1718 = arith.subf %mul3A_1657, %convert_element_type3A_1673 : vector<16xf32>
      %mul3A_1719 = arith.mulf %sub3A_1715, %sub3A_1717 : vector<16xf32>
      %swap3A_1720 = arith.constant 96 : index
      %swap3A_1721 = tpu.vector_load %arg30[%swap3A_1720] {strides = array<i32>} : memref<144xf32, #tpu.memory_space<vmem>>, vector<16xf32>,
      %swap3A_1722 = vector.shape_cast %swap3A_1721 : vector<16xf32> to vector<16xf32>
      %swap3A_1723 = vector.shape_cast %mul3A_1719 : vector<16xf32> to vector<16xf32>
      tpu.vector_store %arg30[%swap3A_1720], %swap3A_1723 {strides = array<i32>} : memref<144xf32, #tpu.memory_space<vmem>>, vector<16xf32>,
      %mul3A_1724 = arith.mulf %sub3A_1715, %sub3A_1718 : vector<16xf32>
      %swap3A_1725 = arith.constant 96 : index
      %swap3A_1726 = tpu.vector_load %arg31[%swap3A_1725] {strides = array<i32>} : memref<144xf32, #tpu.memory_space<vmem>>, vector<16xf32>,
      %swap3A_1727 = vector.shape_cast %swap3A_1726 : vector<16xf32> to vector<16xf32>
      %swap3A_1728 = vector.shape_cast %mul3A_1724 : vector<16xf32> to vector<16xf32>
      tpu.vector_store %arg31[%swap3A_1725], %swap3A_1728 {strides = array<i32>} : memref<144xf32, #tpu.memory_space<vmem>>, vector<16xf32>,
      %mul3A_1729 = arith.mulf %sub3A_1716, %sub3A_1717 : vector<16xf32>
      %swap3A_1730 = arith.constant 96 : index
      %swap3A_1731 = tpu.vector_load %arg32[%swap3A_1730] {strides = array<i32>} : memref<144xf32, #tpu.memory_space<vmem>>, vector<16xf32>,
      %swap3A_1732 = vector.shape_cast %swap3A_1731 : vector<16xf32> to vector<16xf32>
      %swap3A_1733 = vector.shape_cast %mul3A_1729 : vector<16xf32> to vector<16xf32>
      tpu.vector_store %arg32[%swap3A_1730], %swap3A_1733 {strides = array<i32>} : memref<144xf32, #tpu.memory_space<vmem>>, vector<16xf32>,
      %mul3A_1734 = arith.mulf %sub3A_1716, %sub3A_1718 : vector<16xf32>
      %swap3A_1735 = arith.constant 96 : index
      %swap3A_1736 = tpu.vector_load %arg33[%swap3A_1735] {strides = array<i32>} : memref<144xf32, #tpu.memory_space<vmem>>, vector<16xf32>,
      %swap3A_1737 = vector.shape_cast %swap3A_1736 : vector<16xf32> to vector<16xf32>
      %swap3A_1738 = vector.shape_cast %mul3A_1734 : vector<16xf32> to vector<16xf32>
      tpu.vector_store %arg33[%swap3A_1735], %swap3A_1738 {strides = array<i32>} : memref<144xf32, #tpu.memory_space<vmem>>, vector<16xf32>,
      %get3A_1739 = arith.constant 112 : index
      %get3A_1740 = tpu.vector_load %arg7[%get3A_1739] {strides = array<i32>} : memref<128xf32, #tpu.memory_space<vmem>>, vector<16xf32>,
      %get3A_1741 = vector.shape_cast %get3A_1740 : vector<16xf32> to vector<16xf32>
      %get3A_1742 = arith.constant 112 : index
      %get3A_1743 = tpu.vector_load %arg9[%get3A_1742] {strides = array<i32>} : memref<128xf32, #tpu.memory_space<vmem>>, vector<16xf32>,
      %get3A_1744 = vector.shape_cast %get3A_1743 : vector<16xf32> to vector<16xf32>
      %add3A_1745 = arith.constant 1.000000e+00 : f32
      %add3A_1746 = vector.broadcast %add3A_1745 : f32 to vector<16xf32>
      %add3A_1747 = arith.addf %get3A_1741, %add3A_1746 : vector<16xf32>
      %mul3A_1748 = arith.constant 5.110000e+02 : f32
      %mul3A_1749 = vector.broadcast %mul3A_1748 : f32 to vector<16xf32>
      %mul3A_1750 = arith.mulf %add3A_1747, %mul3A_1749 : vector<16xf32>
      %mul3A_1751 = arith.constant 5.000000e-01 : f32
      %mul3A_1752 = vector.broadcast %mul3A_1751 : f32 to vector<16xf32>
      %mul3A_1753 = arith.mulf %mul3A_1752, %mul3A_1750 : vector<16xf32>
      %add3A_1754 = arith.constant 1.000000e+00 : f32
      %add3A_1755 = vector.broadcast %add3A_1754 : f32 to vector<16xf32>
      %add3A_1756 = arith.addf %get3A_1744, %add3A_1755 : vector<16xf32>
      %mul3A_1757 = arith.constant 5.110000e+02 : f32
      %mul3A_1758 = vector.broadcast %mul3A_1757 : f32 to vector<16xf32>
      %mul3A_1759 = arith.mulf %add3A_1756, %mul3A_1758 : vector<16xf32>
      %mul3A_1760 = arith.constant 5.000000e-01 : f32
      %mul3A_1761 = vector.broadcast %mul3A_1760 : f32 to vector<16xf32>
      %mul3A_1762 = arith.mulf %mul3A_1761, %mul3A_1759 : vector<16xf32>
      %convert_element_type3A_1763 = arith.fptosi %mul3A_1753 : vector<16xf32> to vector<16xi32>
      %convert_element_type3A_1764 = arith.fptosi %mul3A_1762 : vector<16xf32> to vector<16xi32>
      %add3A_1765 = arith.constant 1 : i32
      %add3A_1766 = vector.broadcast %add3A_1765 : i32 to vector<16xi32>
      %add3A_1767 = arith.addi %convert_element_type3A_1763, %add3A_1766 : vector<16xi32>
      %min3A_1768 = arith.constant 511 : i32
      %min3A_1769 = vector.broadcast %min3A_1768 : i32 to vector<16xi32>
      %min3A_1770 = arith.minsi %add3A_1767, %min3A_1769 : vector<16xi32>
      %add3A_1771 = arith.constant 1 : i32
      %add3A_1772 = vector.broadcast %add3A_1771 : i32 to vector<16xi32>
      %add3A_1773 = arith.addi %convert_element_type3A_1764, %add3A_1772 : vector<16xi32>
      %min3A_1774 = arith.constant 511 : i32
      %min3A_1775 = vector.broadcast %min3A_1774 : i32 to vector<16xi32>
      %min3A_1776 = arith.minsi %add3A_1773, %min3A_1775 : vector<16xi32>
      %convert_element_type3A_1777 = arith.sitofp %convert_element_type3A_1763 : vector<16xi32> to vector<16xf32>
      %convert_element_type3A_1778 = arith.sitofp %convert_element_type3A_1764 : vector<16xi32> to vector<16xf32>
      %convert_element_type3A_1779 = arith.sitofp %min3A_1770 : vector<16xi32> to vector<16xf32>
      %convert_element_type3A_1780 = arith.sitofp %min3A_1776 : vector<16xi32> to vector<16xf32>
      %add3A_1781 = arith.constant 112 : i32
      %add3A_1782 = arith.addi %add3A_1003, %add3A_1781 : i32
      %add3A_1783 = vector.broadcast %add3A_1782 : i32 to vector<16xi32>
      %add3A_1784 = arith.addi %add3A_1783, %iota3A : vector<16xi32>
      %shift_right_arithmetic3A_1785 = arith.constant 18 : i32
      %shift_right_arithmetic3A_1786 = vector.broadcast %shift_right_arithmetic3A_1785 : i32 to vector<16xi32>
      %shift_right_arithmetic3A_1787 = arith.shrsi %add3A_1784, %shift_right_arithmetic3A_1786 : vector<16xi32>
      %shift_left3A_1788 = arith.constant 18 : i32
      %shift_left3A_1789 = vector.broadcast %shift_left3A_1788 : i32 to vector<16xi32>
      %shift_left3A_1790 = arith.shli %shift_right_arithmetic3A_1787, %shift_left3A_1789 : vector<16xi32>
      %shift_left3A_1791 = arith.constant 9 : i32
      %shift_left3A_1792 = vector.broadcast %shift_left3A_1791 : i32 to vector<16xi32>
      %shift_left3A_1793 = arith.shli %convert_element_type3A_1764, %shift_left3A_1792 : vector<16xi32>
      %add3A_1794 = arith.addi %shift_left3A_1790, %shift_left3A_1793 : vector<16xi32>
      %add3A_1795 = arith.addi %add3A_1794, %convert_element_type3A_1763 : vector<16xi32>
      %shift_left3A_1796 = arith.constant 9 : i32
      %shift_left3A_1797 = vector.broadcast %shift_left3A_1796 : i32 to vector<16xi32>
      %shift_left3A_1798 = arith.shli %min3A_1776, %shift_left3A_1797 : vector<16xi32>
      %add3A_1799 = arith.addi %shift_left3A_1790, %shift_left3A_1798 : vector<16xi32>
      %add3A_1800 = arith.addi %add3A_1799, %convert_element_type3A_1763 : vector<16xi32>
      %sub3A_1801 = arith.subi %min3A_1770, %convert_element_type3A_1763 : vector<16xi32>
      %swap3A_1802 = arith.constant 112 : index
      %swap3A_1803 = tpu.vector_load %arg22[%swap3A_1802] {strides = array<i32>} : memref<128xi32, #tpu.memory_space<vmem>>, vector<16xi32>,
      %swap3A_1804 = vector.shape_cast %swap3A_1803 : vector<16xi32> to vector<16xi32>
      %swap3A_1805 = vector.shape_cast %add3A_1795 : vector<16xi32> to vector<16xi32>
      tpu.vector_store %arg22[%swap3A_1802], %swap3A_1805 {strides = array<i32>} : memref<128xi32, #tpu.memory_space<vmem>>, vector<16xi32>,
      %swap3A_1806 = arith.constant 112 : index
      %swap3A_1807 = tpu.vector_load %arg23[%swap3A_1806] {strides = array<i32>} : memref<128xi32, #tpu.memory_space<vmem>>, vector<16xi32>,
      %swap3A_1808 = vector.shape_cast %swap3A_1807 : vector<16xi32> to vector<16xi32>
      %swap3A_1809 = vector.shape_cast %add3A_1800 : vector<16xi32> to vector<16xi32>
      tpu.vector_store %arg23[%swap3A_1806], %swap3A_1809 {strides = array<i32>} : memref<128xi32, #tpu.memory_space<vmem>>, vector<16xi32>,
      %add3A_1810 = arith.addi %add3A_1795, %sub3A_1801 : vector<16xi32>
      %swap3A_1811 = arith.constant 112 : index
      %swap3A_1812 = tpu.vector_load %arg24[%swap3A_1811] {strides = array<i32>} : memref<128xi32, #tpu.memory_space<vmem>>, vector<16xi32>,
      %swap3A_1813 = vector.shape_cast %swap3A_1812 : vector<16xi32> to vector<16xi32>
      %swap3A_1814 = vector.shape_cast %add3A_1810 : vector<16xi32> to vector<16xi32>
      tpu.vector_store %arg24[%swap3A_1811], %swap3A_1814 {strides = array<i32>} : memref<128xi32, #tpu.memory_space<vmem>>, vector<16xi32>,
      %add3A_1815 = arith.addi %add3A_1800, %sub3A_1801 : vector<16xi32>
      %swap3A_1816 = arith.constant 112 : index
      %swap3A_1817 = tpu.vector_load %arg25[%swap3A_1816] {strides = array<i32>} : memref<128xi32, #tpu.memory_space<vmem>>, vector<16xi32>,
      %swap3A_1818 = vector.shape_cast %swap3A_1817 : vector<16xi32> to vector<16xi32>
      %swap3A_1819 = vector.shape_cast %add3A_1815 : vector<16xi32> to vector<16xi32>
      tpu.vector_store %arg25[%swap3A_1816], %swap3A_1819 {strides = array<i32>} : memref<128xi32, #tpu.memory_space<vmem>>, vector<16xi32>,
      %sub3A_1820 = arith.subf %convert_element_type3A_1779, %mul3A_1753 : vector<16xf32>
      %sub3A_1821 = arith.subf %mul3A_1753, %convert_element_type3A_1777 : vector<16xf32>
      %sub3A_1822 = arith.subf %convert_element_type3A_1780, %mul3A_1762 : vector<16xf32>
      %sub3A_1823 = arith.subf %mul3A_1762, %convert_element_type3A_1778 : vector<16xf32>
      %mul3A_1824 = arith.mulf %sub3A_1820, %sub3A_1822 : vector<16xf32>
      %swap3A_1825 = arith.constant 112 : index
      %swap3A_1826 = tpu.vector_load %arg30[%swap3A_1825] {strides = array<i32>} : memref<144xf32, #tpu.memory_space<vmem>>, vector<16xf32>,
      %swap3A_1827 = vector.shape_cast %swap3A_1826 : vector<16xf32> to vector<16xf32>
      %swap3A_1828 = vector.shape_cast %mul3A_1824 : vector<16xf32> to vector<16xf32>
      tpu.vector_store %arg30[%swap3A_1825], %swap3A_1828 {strides = array<i32>} : memref<144xf32, #tpu.memory_space<vmem>>, vector<16xf32>,
      %mul3A_1829 = arith.mulf %sub3A_1820, %sub3A_1823 : vector<16xf32>
      %swap3A_1830 = arith.constant 112 : index
      %swap3A_1831 = tpu.vector_load %arg31[%swap3A_1830] {strides = array<i32>} : memref<144xf32, #tpu.memory_space<vmem>>, vector<16xf32>,
      %swap3A_1832 = vector.shape_cast %swap3A_1831 : vector<16xf32> to vector<16xf32>
      %swap3A_1833 = vector.shape_cast %mul3A_1829 : vector<16xf32> to vector<16xf32>
      tpu.vector_store %arg31[%swap3A_1830], %swap3A_1833 {strides = array<i32>} : memref<144xf32, #tpu.memory_space<vmem>>, vector<16xf32>,
      %mul3A_1834 = arith.mulf %sub3A_1821, %sub3A_1822 : vector<16xf32>
      %swap3A_1835 = arith.constant 112 : index
      %swap3A_1836 = tpu.vector_load %arg32[%swap3A_1835] {strides = array<i32>} : memref<144xf32, #tpu.memory_space<vmem>>, vector<16xf32>,
      %swap3A_1837 = vector.shape_cast %swap3A_1836 : vector<16xf32> to vector<16xf32>
      %swap3A_1838 = vector.shape_cast %mul3A_1834 : vector<16xf32> to vector<16xf32>
      tpu.vector_store %arg32[%swap3A_1835], %swap3A_1838 {strides = array<i32>} : memref<144xf32, #tpu.memory_space<vmem>>, vector<16xf32>,
      %mul3A_1839 = arith.mulf %sub3A_1821, %sub3A_1823 : vector<16xf32>
      %swap3A_1840 = arith.constant 112 : index
      %swap3A_1841 = tpu.vector_load %arg33[%swap3A_1840] {strides = array<i32>} : memref<144xf32, #tpu.memory_space<vmem>>, vector<16xf32>,
      %swap3A_1842 = vector.shape_cast %swap3A_1841 : vector<16xf32> to vector<16xf32>
      %swap3A_1843 = vector.shape_cast %mul3A_1839 : vector<16xf32> to vector<16xf32>
      tpu.vector_store %arg33[%swap3A_1840], %swap3A_1843 {strides = array<i32>} : memref<144xf32, #tpu.memory_space<vmem>>, vector<16xf32>,
      %dma_start3A_1844 = arith.constant 0 : i32
      %dma_start3A_1845 = arith.constant 0 : i32
      %dma_start3A_1846 = tpu.memref_slice %arg14[%dma_start3A_1844, %dma_start3A_1845] : memref<128x96xf32, #tpu.memory_space<vmem>> -> memref<64x96xf32, #tpu.memory_space<vmem>>
      %dma_start3A_1847 = arith.constant 0 : i32
      %dma_start3A_1848 = tpu.memref_slice %arg22[%dma_start3A_1847] : memref<128xi32, #tpu.memory_space<vmem>> -> memref<64xi32, #tpu.memory_space<vmem>>
      %dma_start3A_1849 = arith.constant 0 : i32
      %dma_start3A_1850 = arith.constant 0 : i32
      %dma_start3A_1851 = tpu.memref_slice %arg2[%dma_start3A_1849, %dma_start3A_1850] : memref<1048576x96xf32, #tpu.memory_space<hbm>> -> memref<1048576x96xf32, #tpu.memory_space<hbm>>
      tpu.enqueue_indirect_dma source(%dma_start3A_1851 : memref<1048576x96xf32, #tpu.memory_space<hbm>>) target(%dma_start3A_1846 : memref<64x96xf32, #tpu.memory_space<vmem>>) offsets(%dma_start3A_1848 : memref<64xi32, #tpu.memory_space<vmem>>) semaphore(%arg38 : memref<!tpu.dma_semaphore, #tpu.memory_space<semaphore_mem>>)
      %dma_start3A_1852 = arith.constant 64 : i32
      %dma_start3A_1853 = arith.constant 0 : i32
      %dma_start3A_1854 = tpu.memref_slice %arg14[%dma_start3A_1852, %dma_start3A_1853] : memref<128x96xf32, #tpu.memory_space<vmem>> -> memref<64x96xf32, #tpu.memory_space<vmem>>
      %dma_start3A_1855 = arith.constant 64 : i32
      %dma_start3A_1856 = tpu.memref_slice %arg22[%dma_start3A_1855] : memref<128xi32, #tpu.memory_space<vmem>> -> memref<64xi32, #tpu.memory_space<vmem>>
      %dma_start3A_1857 = arith.constant 0 : i32
      %dma_start3A_1858 = arith.constant 0 : i32
      %dma_start3A_1859 = tpu.memref_slice %arg2[%dma_start3A_1857, %dma_start3A_1858] : memref<1048576x96xf32, #tpu.memory_space<hbm>> -> memref<1048576x96xf32, #tpu.memory_space<hbm>>
      tpu.enqueue_indirect_dma source(%dma_start3A_1859 : memref<1048576x96xf32, #tpu.memory_space<hbm>>) target(%dma_start3A_1854 : memref<64x96xf32, #tpu.memory_space<vmem>>) offsets(%dma_start3A_1856 : memref<64xi32, #tpu.memory_space<vmem>>) semaphore(%arg38 : memref<!tpu.dma_semaphore, #tpu.memory_space<semaphore_mem>>)
      %dma_start3A_1860 = arith.constant 0 : i32
      %dma_start3A_1861 = arith.constant 0 : i32
      %dma_start3A_1862 = tpu.memref_slice %arg15[%dma_start3A_1860, %dma_start3A_1861] : memref<128x96xf32, #tpu.memory_space<vmem>> -> memref<64x96xf32, #tpu.memory_space<vmem>>
      %dma_start3A_1863 = arith.constant 0 : i32
      %dma_start3A_1864 = tpu.memref_slice %arg23[%dma_start3A_1863] : memref<128xi32, #tpu.memory_space<vmem>> -> memref<64xi32, #tpu.memory_space<vmem>>
      %dma_start3A_1865 = arith.constant 0 : i32
      %dma_start3A_1866 = arith.constant 0 : i32
      %dma_start3A_1867 = tpu.memref_slice %arg2[%dma_start3A_1865, %dma_start3A_1866] : memref<1048576x96xf32, #tpu.memory_space<hbm>> -> memref<1048576x96xf32, #tpu.memory_space<hbm>>
      tpu.enqueue_indirect_dma source(%dma_start3A_1867 : memref<1048576x96xf32, #tpu.memory_space<hbm>>) target(%dma_start3A_1862 : memref<64x96xf32, #tpu.memory_space<vmem>>) offsets(%dma_start3A_1864 : memref<64xi32, #tpu.memory_space<vmem>>) semaphore(%arg38 : memref<!tpu.dma_semaphore, #tpu.memory_space<semaphore_mem>>)
      %dma_start3A_1868 = arith.constant 64 : i32
      %dma_start3A_1869 = arith.constant 0 : i32
      %dma_start3A_1870 = tpu.memref_slice %arg15[%dma_start3A_1868, %dma_start3A_1869] : memref<128x96xf32, #tpu.memory_space<vmem>> -> memref<64x96xf32, #tpu.memory_space<vmem>>
      %dma_start3A_1871 = arith.constant 64 : i32
      %dma_start3A_1872 = tpu.memref_slice %arg23[%dma_start3A_1871] : memref<128xi32, #tpu.memory_space<vmem>> -> memref<64xi32, #tpu.memory_space<vmem>>
      %dma_start3A_1873 = arith.constant 0 : i32
      %dma_start3A_1874 = arith.constant 0 : i32
      %dma_start3A_1875 = tpu.memref_slice %arg2[%dma_start3A_1873, %dma_start3A_1874] : memref<1048576x96xf32, #tpu.memory_space<hbm>> -> memref<1048576x96xf32, #tpu.memory_space<hbm>>
      tpu.enqueue_indirect_dma source(%dma_start3A_1875 : memref<1048576x96xf32, #tpu.memory_space<hbm>>) target(%dma_start3A_1870 : memref<64x96xf32, #tpu.memory_space<vmem>>) offsets(%dma_start3A_1872 : memref<64xi32, #tpu.memory_space<vmem>>) semaphore(%arg38 : memref<!tpu.dma_semaphore, #tpu.memory_space<semaphore_mem>>)
      %dma_start3A_1876 = arith.constant 0 : i32
      %dma_start3A_1877 = arith.constant 0 : i32
      %dma_start3A_1878 = tpu.memref_slice %arg16[%dma_start3A_1876, %dma_start3A_1877] : memref<128x96xf32, #tpu.memory_space<vmem>> -> memref<64x96xf32, #tpu.memory_space<vmem>>
      %dma_start3A_1879 = arith.constant 0 : i32
      %dma_start3A_1880 = tpu.memref_slice %arg24[%dma_start3A_1879] : memref<128xi32, #tpu.memory_space<vmem>> -> memref<64xi32, #tpu.memory_space<vmem>>
      %dma_start3A_1881 = arith.constant 0 : i32
      %dma_start3A_1882 = arith.constant 0 : i32
      %dma_start3A_1883 = tpu.memref_slice %arg2[%dma_start3A_1881, %dma_start3A_1882] : memref<1048576x96xf32, #tpu.memory_space<hbm>> -> memref<1048576x96xf32, #tpu.memory_space<hbm>>
      tpu.enqueue_indirect_dma source(%dma_start3A_1883 : memref<1048576x96xf32, #tpu.memory_space<hbm>>) target(%dma_start3A_1878 : memref<64x96xf32, #tpu.memory_space<vmem>>) offsets(%dma_start3A_1880 : memref<64xi32, #tpu.memory_space<vmem>>) semaphore(%arg38 : memref<!tpu.dma_semaphore, #tpu.memory_space<semaphore_mem>>)
      %dma_start3A_1884 = arith.constant 64 : i32
      %dma_start3A_1885 = arith.constant 0 : i32
      %dma_start3A_1886 = tpu.memref_slice %arg16[%dma_start3A_1884, %dma_start3A_1885] : memref<128x96xf32, #tpu.memory_space<vmem>> -> memref<64x96xf32, #tpu.memory_space<vmem>>
      %dma_start3A_1887 = arith.constant 64 : i32
      %dma_start3A_1888 = tpu.memref_slice %arg24[%dma_start3A_1887] : memref<128xi32, #tpu.memory_space<vmem>> -> memref<64xi32, #tpu.memory_space<vmem>>
      %dma_start3A_1889 = arith.constant 0 : i32
      %dma_start3A_1890 = arith.constant 0 : i32
      %dma_start3A_1891 = tpu.memref_slice %arg2[%dma_start3A_1889, %dma_start3A_1890] : memref<1048576x96xf32, #tpu.memory_space<hbm>> -> memref<1048576x96xf32, #tpu.memory_space<hbm>>
      tpu.enqueue_indirect_dma source(%dma_start3A_1891 : memref<1048576x96xf32, #tpu.memory_space<hbm>>) target(%dma_start3A_1886 : memref<64x96xf32, #tpu.memory_space<vmem>>) offsets(%dma_start3A_1888 : memref<64xi32, #tpu.memory_space<vmem>>) semaphore(%arg38 : memref<!tpu.dma_semaphore, #tpu.memory_space<semaphore_mem>>)
      %dma_start3A_1892 = arith.constant 0 : i32
      %dma_start3A_1893 = arith.constant 0 : i32
      %dma_start3A_1894 = tpu.memref_slice %arg17[%dma_start3A_1892, %dma_start3A_1893] : memref<128x96xf32, #tpu.memory_space<vmem>> -> memref<64x96xf32, #tpu.memory_space<vmem>>
      %dma_start3A_1895 = arith.constant 0 : i32
      %dma_start3A_1896 = tpu.memref_slice %arg25[%dma_start3A_1895] : memref<128xi32, #tpu.memory_space<vmem>> -> memref<64xi32, #tpu.memory_space<vmem>>
      %dma_start3A_1897 = arith.constant 0 : i32
      %dma_start3A_1898 = arith.constant 0 : i32
      %dma_start3A_1899 = tpu.memref_slice %arg2[%dma_start3A_1897, %dma_start3A_1898] : memref<1048576x96xf32, #tpu.memory_space<hbm>> -> memref<1048576x96xf32, #tpu.memory_space<hbm>>
      tpu.enqueue_indirect_dma source(%dma_start3A_1899 : memref<1048576x96xf32, #tpu.memory_space<hbm>>) target(%dma_start3A_1894 : memref<64x96xf32, #tpu.memory_space<vmem>>) offsets(%dma_start3A_1896 : memref<64xi32, #tpu.memory_space<vmem>>) semaphore(%arg38 : memref<!tpu.dma_semaphore, #tpu.memory_space<semaphore_mem>>)
      %dma_start3A_1900 = arith.constant 64 : i32
      %dma_start3A_1901 = arith.constant 0 : i32
      %dma_start3A_1902 = tpu.memref_slice %arg17[%dma_start3A_1900, %dma_start3A_1901] : memref<128x96xf32, #tpu.memory_space<vmem>> -> memref<64x96xf32, #tpu.memory_space<vmem>>
      %dma_start3A_1903 = arith.constant 64 : i32
      %dma_start3A_1904 = tpu.memref_slice %arg25[%dma_start3A_1903] : memref<128xi32, #tpu.memory_space<vmem>> -> memref<64xi32, #tpu.memory_space<vmem>>
      %dma_start3A_1905 = arith.constant 0 : i32
      %dma_start3A_1906 = arith.constant 0 : i32
      %dma_start3A_1907 = tpu.memref_slice %arg2[%dma_start3A_1905, %dma_start3A_1906] : memref<1048576x96xf32, #tpu.memory_space<hbm>> -> memref<1048576x96xf32, #tpu.memory_space<hbm>>
      tpu.enqueue_indirect_dma source(%dma_start3A_1907 : memref<1048576x96xf32, #tpu.memory_space<hbm>>) target(%dma_start3A_1902 : memref<64x96xf32, #tpu.memory_space<vmem>>) offsets(%dma_start3A_1904 : memref<64xi32, #tpu.memory_space<vmem>>) semaphore(%arg38 : memref<!tpu.dma_semaphore, #tpu.memory_space<semaphore_mem>>)
      %add3A_1908 = arith.constant 2 : i32
      %add3A_1909 = arith.addi %mul3A_994, %add3A_1908 : i32
      %min3A_1910 = arith.constant 255 : i32
      %min3A_1911 = arith.minsi %add3A_1909, %min3A_1910 : i32
      %mul3A_1912 = arith.constant 128 : i32
      %mul3A_1913 = arith.muli %min3A_1911, %mul3A_1912 : i32
      %add3A_1914 = arith.addi %mul3A_2, %mul3A_1913 : i32
      %dma_start3A_1915 = tpu.memref_slice %arg3[%add3A_1914] : memref<1048576xf32, #tpu.memory_space<hbm>> -> memref<128xf32, #tpu.memory_space<hbm>>
      %dma_start3A_1916 = tpu.memref_slice %arg3[%add3A_1914] : memref<1048576xf32, #tpu.memory_space<hbm>> -> memref<128xf32, #tpu.memory_space<hbm>>
      tpu.enqueue_dma source(%dma_start3A_1916 : memref<128xf32, #tpu.memory_space<hbm>>) target(%arg6 : memref<128xf32, #tpu.memory_space<vmem>>) target_semaphore(%arg35 : memref<!tpu.dma_semaphore, #tpu.memory_space<semaphore_mem>>)
      %dma_start3A_1917 = tpu.memref_slice %arg4[%add3A_1914] : memref<1048576xf32, #tpu.memory_space<hbm>> -> memref<128xf32, #tpu.memory_space<hbm>>
      %dma_start3A_1918 = tpu.memref_slice %arg4[%add3A_1914] : memref<1048576xf32, #tpu.memory_space<hbm>> -> memref<128xf32, #tpu.memory_space<hbm>>
      tpu.enqueue_dma source(%dma_start3A_1918 : memref<128xf32, #tpu.memory_space<hbm>>) target(%arg8 : memref<128xf32, #tpu.memory_space<vmem>>) target_semaphore(%arg35 : memref<!tpu.dma_semaphore, #tpu.memory_space<semaphore_mem>>)
      %dma_wait3A_1919 = arith.constant 0 : i32
      %dma_wait3A_1920 = arith.constant 0 : i32
      %dma_wait3A_1921 = tpu.memref_slice %arg10[%dma_wait3A_1919, %dma_wait3A_1920] : memref<128x96xf32, #tpu.memory_space<vmem>> -> memref<64x96xf32, #tpu.memory_space<vmem>>
      %dma_wait3A_1922 = arith.constant 0 : i32
      %dma_wait3A_1923 = tpu.memref_slice %arg18[%dma_wait3A_1922] : memref<128xi32, #tpu.memory_space<vmem>> -> memref<64xi32, #tpu.memory_space<vmem>>
      %dma_wait3A_1924 = arith.constant 0 : i32
      %dma_wait3A_1925 = arith.constant 0 : i32
      %dma_wait3A_1926 = tpu.memref_slice %arg2[%dma_wait3A_1924, %dma_wait3A_1925] : memref<1048576x96xf32, #tpu.memory_space<hbm>> -> memref<1048576x96xf32, #tpu.memory_space<hbm>>
      tpu.wait_indirect_dma semaphore(%arg37 : memref<!tpu.dma_semaphore, #tpu.memory_space<semaphore_mem>>) src(%dma_wait3A_1926 : memref<1048576x96xf32, #tpu.memory_space<hbm>>) dst(%dma_wait3A_1921 : memref<64x96xf32, #tpu.memory_space<vmem>>)
      %dma_wait3A_1927 = arith.constant 64 : i32
      %dma_wait3A_1928 = arith.constant 0 : i32
      %dma_wait3A_1929 = tpu.memref_slice %arg10[%dma_wait3A_1927, %dma_wait3A_1928] : memref<128x96xf32, #tpu.memory_space<vmem>> -> memref<64x96xf32, #tpu.memory_space<vmem>>
      %dma_wait3A_1930 = arith.constant 64 : i32
      %dma_wait3A_1931 = tpu.memref_slice %arg18[%dma_wait3A_1930] : memref<128xi32, #tpu.memory_space<vmem>> -> memref<64xi32, #tpu.memory_space<vmem>>
      %dma_wait3A_1932 = arith.constant 0 : i32
      %dma_wait3A_1933 = arith.constant 0 : i32
      %dma_wait3A_1934 = tpu.memref_slice %arg2[%dma_wait3A_1932, %dma_wait3A_1933] : memref<1048576x96xf32, #tpu.memory_space<hbm>> -> memref<1048576x96xf32, #tpu.memory_space<hbm>>
      tpu.wait_indirect_dma semaphore(%arg37 : memref<!tpu.dma_semaphore, #tpu.memory_space<semaphore_mem>>) src(%dma_wait3A_1934 : memref<1048576x96xf32, #tpu.memory_space<hbm>>) dst(%dma_wait3A_1929 : memref<64x96xf32, #tpu.memory_space<vmem>>)
      %dma_wait3A_1935 = arith.constant 0 : i32
      %dma_wait3A_1936 = arith.constant 0 : i32
      %dma_wait3A_1937 = tpu.memref_slice %arg11[%dma_wait3A_1935, %dma_wait3A_1936] : memref<128x96xf32, #tpu.memory_space<vmem>> -> memref<64x96xf32, #tpu.memory_space<vmem>>
      %dma_wait3A_1938 = arith.constant 0 : i32
      %dma_wait3A_1939 = tpu.memref_slice %arg19[%dma_wait3A_1938] : memref<128xi32, #tpu.memory_space<vmem>> -> memref<64xi32, #tpu.memory_space<vmem>>
      %dma_wait3A_1940 = arith.constant 0 : i32
      %dma_wait3A_1941 = arith.constant 0 : i32
      %dma_wait3A_1942 = tpu.memref_slice %arg2[%dma_wait3A_1940, %dma_wait3A_1941] : memref<1048576x96xf32, #tpu.memory_space<hbm>> -> memref<1048576x96xf32, #tpu.memory_space<hbm>>
      tpu.wait_indirect_dma semaphore(%arg37 : memref<!tpu.dma_semaphore, #tpu.memory_space<semaphore_mem>>) src(%dma_wait3A_1942 : memref<1048576x96xf32, #tpu.memory_space<hbm>>) dst(%dma_wait3A_1937 : memref<64x96xf32, #tpu.memory_space<vmem>>)
      %dma_wait3A_1943 = arith.constant 64 : i32
      %dma_wait3A_1944 = arith.constant 0 : i32
      %dma_wait3A_1945 = tpu.memref_slice %arg11[%dma_wait3A_1943, %dma_wait3A_1944] : memref<128x96xf32, #tpu.memory_space<vmem>> -> memref<64x96xf32, #tpu.memory_space<vmem>>
      %dma_wait3A_1946 = arith.constant 64 : i32
      %dma_wait3A_1947 = tpu.memref_slice %arg19[%dma_wait3A_1946] : memref<128xi32, #tpu.memory_space<vmem>> -> memref<64xi32, #tpu.memory_space<vmem>>
      %dma_wait3A_1948 = arith.constant 0 : i32
      %dma_wait3A_1949 = arith.constant 0 : i32
      %dma_wait3A_1950 = tpu.memref_slice %arg2[%dma_wait3A_1948, %dma_wait3A_1949] : memref<1048576x96xf32, #tpu.memory_space<hbm>> -> memref<1048576x96xf32, #tpu.memory_space<hbm>>
      tpu.wait_indirect_dma semaphore(%arg37 : memref<!tpu.dma_semaphore, #tpu.memory_space<semaphore_mem>>) src(%dma_wait3A_1950 : memref<1048576x96xf32, #tpu.memory_space<hbm>>) dst(%dma_wait3A_1945 : memref<64x96xf32, #tpu.memory_space<vmem>>)
      %dma_wait3A_1951 = arith.constant 0 : i32
      %dma_wait3A_1952 = arith.constant 0 : i32
      %dma_wait3A_1953 = tpu.memref_slice %arg12[%dma_wait3A_1951, %dma_wait3A_1952] : memref<128x96xf32, #tpu.memory_space<vmem>> -> memref<64x96xf32, #tpu.memory_space<vmem>>
      %dma_wait3A_1954 = arith.constant 0 : i32
      %dma_wait3A_1955 = tpu.memref_slice %arg20[%dma_wait3A_1954] : memref<128xi32, #tpu.memory_space<vmem>> -> memref<64xi32, #tpu.memory_space<vmem>>
      %dma_wait3A_1956 = arith.constant 0 : i32
      %dma_wait3A_1957 = arith.constant 0 : i32
      %dma_wait3A_1958 = tpu.memref_slice %arg2[%dma_wait3A_1956, %dma_wait3A_1957] : memref<1048576x96xf32, #tpu.memory_space<hbm>> -> memref<1048576x96xf32, #tpu.memory_space<hbm>>
      tpu.wait_indirect_dma semaphore(%arg37 : memref<!tpu.dma_semaphore, #tpu.memory_space<semaphore_mem>>) src(%dma_wait3A_1958 : memref<1048576x96xf32, #tpu.memory_space<hbm>>) dst(%dma_wait3A_1953 : memref<64x96xf32, #tpu.memory_space<vmem>>)
      %dma_wait3A_1959 = arith.constant 64 : i32
      %dma_wait3A_1960 = arith.constant 0 : i32
      %dma_wait3A_1961 = tpu.memref_slice %arg12[%dma_wait3A_1959, %dma_wait3A_1960] : memref<128x96xf32, #tpu.memory_space<vmem>> -> memref<64x96xf32, #tpu.memory_space<vmem>>
      %dma_wait3A_1962 = arith.constant 64 : i32
      %dma_wait3A_1963 = tpu.memref_slice %arg20[%dma_wait3A_1962] : memref<128xi32, #tpu.memory_space<vmem>> -> memref<64xi32, #tpu.memory_space<vmem>>
      %dma_wait3A_1964 = arith.constant 0 : i32
      %dma_wait3A_1965 = arith.constant 0 : i32
      %dma_wait3A_1966 = tpu.memref_slice %arg2[%dma_wait3A_1964, %dma_wait3A_1965] : memref<1048576x96xf32, #tpu.memory_space<hbm>> -> memref<1048576x96xf32, #tpu.memory_space<hbm>>
      tpu.wait_indirect_dma semaphore(%arg37 : memref<!tpu.dma_semaphore, #tpu.memory_space<semaphore_mem>>) src(%dma_wait3A_1966 : memref<1048576x96xf32, #tpu.memory_space<hbm>>) dst(%dma_wait3A_1961 : memref<64x96xf32, #tpu.memory_space<vmem>>)
      %dma_wait3A_1967 = arith.constant 0 : i32
      %dma_wait3A_1968 = arith.constant 0 : i32
      %dma_wait3A_1969 = tpu.memref_slice %arg13[%dma_wait3A_1967, %dma_wait3A_1968] : memref<128x96xf32, #tpu.memory_space<vmem>> -> memref<64x96xf32, #tpu.memory_space<vmem>>
      %dma_wait3A_1970 = arith.constant 0 : i32
      %dma_wait3A_1971 = tpu.memref_slice %arg21[%dma_wait3A_1970] : memref<128xi32, #tpu.memory_space<vmem>> -> memref<64xi32, #tpu.memory_space<vmem>>
      %dma_wait3A_1972 = arith.constant 0 : i32
      %dma_wait3A_1973 = arith.constant 0 : i32
      %dma_wait3A_1974 = tpu.memref_slice %arg2[%dma_wait3A_1972, %dma_wait3A_1973] : memref<1048576x96xf32, #tpu.memory_space<hbm>> -> memref<1048576x96xf32, #tpu.memory_space<hbm>>
      tpu.wait_indirect_dma semaphore(%arg37 : memref<!tpu.dma_semaphore, #tpu.memory_space<semaphore_mem>>) src(%dma_wait3A_1974 : memref<1048576x96xf32, #tpu.memory_space<hbm>>) dst(%dma_wait3A_1969 : memref<64x96xf32, #tpu.memory_space<vmem>>)
      %dma_wait3A_1975 = arith.constant 64 : i32
      %dma_wait3A_1976 = arith.constant 0 : i32
      %dma_wait3A_1977 = tpu.memref_slice %arg13[%dma_wait3A_1975, %dma_wait3A_1976] : memref<128x96xf32, #tpu.memory_space<vmem>> -> memref<64x96xf32, #tpu.memory_space<vmem>>
      %dma_wait3A_1978 = arith.constant 64 : i32
      %dma_wait3A_1979 = tpu.memref_slice %arg21[%dma_wait3A_1978] : memref<128xi32, #tpu.memory_space<vmem>> -> memref<64xi32, #tpu.memory_space<vmem>>
      %dma_wait3A_1980 = arith.constant 0 : i32
      %dma_wait3A_1981 = arith.constant 0 : i32
      %dma_wait3A_1982 = tpu.memref_slice %arg2[%dma_wait3A_1980, %dma_wait3A_1981] : memref<1048576x96xf32, #tpu.memory_space<hbm>> -> memref<1048576x96xf32, #tpu.memory_space<hbm>>
      tpu.wait_indirect_dma semaphore(%arg37 : memref<!tpu.dma_semaphore, #tpu.memory_space<semaphore_mem>>) src(%dma_wait3A_1982 : memref<1048576x96xf32, #tpu.memory_space<hbm>>) dst(%dma_wait3A_1977 : memref<64x96xf32, #tpu.memory_space<vmem>>)
      %gt3A = arith.constant 0 : i32
      %gt3A_1983 = arith.cmpi sgt, %scan3A_992, %gt3A : i32
      %convert_element_type3A_1984 = arith.extui %gt3A_1983 : i1 to i32
      %cond3A = arith.constant 0 : i32
      %cond3A_1985 = arith.cmpi ne, %convert_element_type3A_1984, %cond3A : i32
      scf.if %cond3A_1985 {
        %mul3A_3004 = arith.constant 96 : i32
        %mul3A_3005 = arith.muli %mul3A_2, %mul3A_3004 : i32
        %dma_wait3A_3006 = tpu.memref_slice %arg5[%mul3A_3005] : memref<100663296xf32, #tpu.memory_space<hbm>> -> memref<12288xf32, #tpu.memory_space<hbm>>
        %dma_wait3A_3007 = tpu.memref_slice %arg5[%mul3A_3005] : memref<100663296xf32, #tpu.memory_space<hbm>> -> memref<12288xf32, #tpu.memory_space<hbm>>
        tpu.wait_dma2 semaphore(%arg39 : memref<!tpu.dma_semaphore, #tpu.memory_space<semaphore_mem>>) src(%arg34 : memref<12288xf32, #tpu.memory_space<vmem>>) dst(%dma_wait3A_3007 : memref<12288xf32, #tpu.memory_space<hbm>>)
      } else {
      }
      %scan3A_1986 = arith.constant 0 : i32
      %scan3A_1987 = arith.constant 128 : i32
      %scan3A_1988 = arith.addi %scan3A_1986, %scan3A_1987 : i32
      %scan3A_1989 = arith.constant 1 : i32
      scf.for %scan3A_3004 = %scan3A_1986 to %scan3A_1988 step %scan3A_1989  : i32 {
        %get3A_3005 = arith.index_cast %scan3A_3004 : i32 to index
        %get3A_3006 = tpu.vector_load %arg26[%get3A_3005] {strides = array<i32>} : memref<144xf32, #tpu.memory_space<vmem>>, vector<16xf32>,
        %get3A_3007 = vector.shape_cast %get3A_3006 : vector<16xf32> to vector<16xf32>
        %slice3A = vector.extract_strided_slice %get3A_3007 {offsets = [0], sizes = [1], strides = [1]} : vector<16xf32> to vector<1xf32>
        %squeeze3A = vector.extract %slice3A[0] : f32 from vector<1xf32>
        %get3A_3008 = arith.index_cast %scan3A_3004 : i32 to index
        %get3A_3009 = tpu.vector_load %arg27[%get3A_3008] {strides = array<i32>} : memref<144xf32, #tpu.memory_space<vmem>>, vector<16xf32>,
        %get3A_3010 = vector.shape_cast %get3A_3009 : vector<16xf32> to vector<16xf32>
        %slice3A_3011 = vector.extract_strided_slice %get3A_3010 {offsets = [0], sizes = [1], strides = [1]} : vector<16xf32> to vector<1xf32>
        %squeeze3A_3012 = vector.extract %slice3A_3011[0] : f32 from vector<1xf32>
        %get3A_3013 = arith.index_cast %scan3A_3004 : i32 to index
        %get3A_3014 = tpu.vector_load %arg28[%get3A_3013] {strides = array<i32>} : memref<144xf32, #tpu.memory_space<vmem>>, vector<16xf32>,
        %get3A_3015 = vector.shape_cast %get3A_3014 : vector<16xf32> to vector<16xf32>
        %slice3A_3016 = vector.extract_strided_slice %get3A_3015 {offsets = [0], sizes = [1], strides = [1]} : vector<16xf32> to vector<1xf32>
        %squeeze3A_3017 = vector.extract %slice3A_3016[0] : f32 from vector<1xf32>
        %get3A_3018 = arith.index_cast %scan3A_3004 : i32 to index
        %get3A_3019 = tpu.vector_load %arg29[%get3A_3018] {strides = array<i32>} : memref<144xf32, #tpu.memory_space<vmem>>, vector<16xf32>,
        %get3A_3020 = vector.shape_cast %get3A_3019 : vector<16xf32> to vector<16xf32>
        %slice3A_3021 = vector.extract_strided_slice %get3A_3020 {offsets = [0], sizes = [1], strides = [1]} : vector<16xf32> to vector<1xf32>
        %squeeze3A_3022 = vector.extract %slice3A_3021[0] : f32 from vector<1xf32>
        %mul3A_3023 = arith.constant 96 : i32
        %mul3A_3024 = arith.muli %scan3A_3004, %mul3A_3023 : i32
        %get3A_3025 = arith.index_cast %scan3A_3004 : i32 to index
        %get3A_3026 = arith.constant 0 : index
        %get3A_3027 = tpu.vector_load %arg10[%get3A_3025, %get3A_3026] {strides = array<i32>} : memref<128x96xf32, #tpu.memory_space<vmem>>, vector<1x16xf32>,
        %get3A_3028 = vector.shape_cast %get3A_3027 : vector<1x16xf32> to vector<16xf32>
        %mul3A_3029 = vector.broadcast %squeeze3A : f32 to vector<16xf32>
        %mul3A_3030 = arith.mulf %get3A_3028, %mul3A_3029 : vector<16xf32>
        %get3A_3031 = arith.index_cast %scan3A_3004 : i32 to index
        %get3A_3032 = arith.constant 0 : index
        %get3A_3033 = tpu.vector_load %arg11[%get3A_3031, %get3A_3032] {strides = array<i32>} : memref<128x96xf32, #tpu.memory_space<vmem>>, vector<1x16xf32>,
        %get3A_3034 = vector.shape_cast %get3A_3033 : vector<1x16xf32> to vector<16xf32>
        %mul3A_3035 = vector.broadcast %squeeze3A_3012 : f32 to vector<16xf32>
        %mul3A_3036 = arith.mulf %get3A_3034, %mul3A_3035 : vector<16xf32>
        %add3A_3037 = arith.addf %mul3A_3030, %mul3A_3036 : vector<16xf32>
        %get3A_3038 = arith.index_cast %scan3A_3004 : i32 to index
        %get3A_3039 = arith.constant 0 : index
        %get3A_3040 = tpu.vector_load %arg12[%get3A_3038, %get3A_3039] {strides = array<i32>} : memref<128x96xf32, #tpu.memory_space<vmem>>, vector<1x16xf32>,
        %get3A_3041 = vector.shape_cast %get3A_3040 : vector<1x16xf32> to vector<16xf32>
        %mul3A_3042 = vector.broadcast %squeeze3A_3017 : f32 to vector<16xf32>
        %mul3A_3043 = arith.mulf %get3A_3041, %mul3A_3042 : vector<16xf32>
        %add3A_3044 = arith.addf %add3A_3037, %mul3A_3043 : vector<16xf32>
        %get3A_3045 = arith.index_cast %scan3A_3004 : i32 to index
        %get3A_3046 = arith.constant 0 : index
        %get3A_3047 = tpu.vector_load %arg13[%get3A_3045, %get3A_3046] {strides = array<i32>} : memref<128x96xf32, #tpu.memory_space<vmem>>, vector<1x16xf32>,
        %get3A_3048 = vector.shape_cast %get3A_3047 : vector<1x16xf32> to vector<16xf32>
        %mul3A_3049 = vector.broadcast %squeeze3A_3022 : f32 to vector<16xf32>
        %mul3A_3050 = arith.mulf %get3A_3048, %mul3A_3049 : vector<16xf32>
        %add3A_3051 = arith.addf %add3A_3044, %mul3A_3050 : vector<16xf32>
        %add3A_3052 = arith.constant 0 : i32
        %add3A_3053 = arith.addi %mul3A_3024, %add3A_3052 : i32
        %swap3A_3054 = arith.index_cast %add3A_3053 : i32 to index
        %swap3A_3055 = tpu.vector_load %arg34[%swap3A_3054] {strides = array<i32>} : memref<12288xf32, #tpu.memory_space<vmem>>, vector<16xf32>,
        %swap3A_3056 = vector.shape_cast %swap3A_3055 : vector<16xf32> to vector<16xf32>
        %swap3A_3057 = vector.shape_cast %add3A_3051 : vector<16xf32> to vector<16xf32>
        tpu.vector_store %arg34[%swap3A_3054], %swap3A_3057 {strides = array<i32>} : memref<12288xf32, #tpu.memory_space<vmem>>, vector<16xf32>,
        %get3A_3058 = arith.index_cast %scan3A_3004 : i32 to index
        %get3A_3059 = arith.constant 16 : index
        %get3A_3060 = tpu.vector_load %arg10[%get3A_3058, %get3A_3059] {strides = array<i32>} : memref<128x96xf32, #tpu.memory_space<vmem>>, vector<1x16xf32>,
        %get3A_3061 = vector.shape_cast %get3A_3060 : vector<1x16xf32> to vector<16xf32>
        %mul3A_3062 = vector.broadcast %squeeze3A : f32 to vector<16xf32>
        %mul3A_3063 = arith.mulf %get3A_3061, %mul3A_3062 : vector<16xf32>
        %get3A_3064 = arith.index_cast %scan3A_3004 : i32 to index
        %get3A_3065 = arith.constant 16 : index
        %get3A_3066 = tpu.vector_load %arg11[%get3A_3064, %get3A_3065] {strides = array<i32>} : memref<128x96xf32, #tpu.memory_space<vmem>>, vector<1x16xf32>,
        %get3A_3067 = vector.shape_cast %get3A_3066 : vector<1x16xf32> to vector<16xf32>
        %mul3A_3068 = vector.broadcast %squeeze3A_3012 : f32 to vector<16xf32>
        %mul3A_3069 = arith.mulf %get3A_3067, %mul3A_3068 : vector<16xf32>
        %add3A_3070 = arith.addf %mul3A_3063, %mul3A_3069 : vector<16xf32>
        %get3A_3071 = arith.index_cast %scan3A_3004 : i32 to index
        %get3A_3072 = arith.constant 16 : index
        %get3A_3073 = tpu.vector_load %arg12[%get3A_3071, %get3A_3072] {strides = array<i32>} : memref<128x96xf32, #tpu.memory_space<vmem>>, vector<1x16xf32>,
        %get3A_3074 = vector.shape_cast %get3A_3073 : vector<1x16xf32> to vector<16xf32>
        %mul3A_3075 = vector.broadcast %squeeze3A_3017 : f32 to vector<16xf32>
        %mul3A_3076 = arith.mulf %get3A_3074, %mul3A_3075 : vector<16xf32>
        %add3A_3077 = arith.addf %add3A_3070, %mul3A_3076 : vector<16xf32>
        %get3A_3078 = arith.index_cast %scan3A_3004 : i32 to index
        %get3A_3079 = arith.constant 16 : index
        %get3A_3080 = tpu.vector_load %arg13[%get3A_3078, %get3A_3079] {strides = array<i32>} : memref<128x96xf32, #tpu.memory_space<vmem>>, vector<1x16xf32>,
        %get3A_3081 = vector.shape_cast %get3A_3080 : vector<1x16xf32> to vector<16xf32>
        %mul3A_3082 = vector.broadcast %squeeze3A_3022 : f32 to vector<16xf32>
        %mul3A_3083 = arith.mulf %get3A_3081, %mul3A_3082 : vector<16xf32>
        %add3A_3084 = arith.addf %add3A_3077, %mul3A_3083 : vector<16xf32>
        %add3A_3085 = arith.constant 16 : i32
        %add3A_3086 = arith.addi %mul3A_3024, %add3A_3085 : i32
        %swap3A_3087 = arith.index_cast %add3A_3086 : i32 to index
        %swap3A_3088 = tpu.vector_load %arg34[%swap3A_3087] {strides = array<i32>} : memref<12288xf32, #tpu.memory_space<vmem>>, vector<16xf32>,
        %swap3A_3089 = vector.shape_cast %swap3A_3088 : vector<16xf32> to vector<16xf32>
        %swap3A_3090 = vector.shape_cast %add3A_3084 : vector<16xf32> to vector<16xf32>
        tpu.vector_store %arg34[%swap3A_3087], %swap3A_3090 {strides = array<i32>} : memref<12288xf32, #tpu.memory_space<vmem>>, vector<16xf32>,
        %get3A_3091 = arith.index_cast %scan3A_3004 : i32 to index
        %get3A_3092 = arith.constant 32 : index
        %get3A_3093 = tpu.vector_load %arg10[%get3A_3091, %get3A_3092] {strides = array<i32>} : memref<128x96xf32, #tpu.memory_space<vmem>>, vector<1x16xf32>,
        %get3A_3094 = vector.shape_cast %get3A_3093 : vector<1x16xf32> to vector<16xf32>
        %mul3A_3095 = vector.broadcast %squeeze3A : f32 to vector<16xf32>
        %mul3A_3096 = arith.mulf %get3A_3094, %mul3A_3095 : vector<16xf32>
        %get3A_3097 = arith.index_cast %scan3A_3004 : i32 to index
        %get3A_3098 = arith.constant 32 : index
        %get3A_3099 = tpu.vector_load %arg11[%get3A_3097, %get3A_3098] {strides = array<i32>} : memref<128x96xf32, #tpu.memory_space<vmem>>, vector<1x16xf32>,
        %get3A_3100 = vector.shape_cast %get3A_3099 : vector<1x16xf32> to vector<16xf32>
        %mul3A_3101 = vector.broadcast %squeeze3A_3012 : f32 to vector<16xf32>
        %mul3A_3102 = arith.mulf %get3A_3100, %mul3A_3101 : vector<16xf32>
        %add3A_3103 = arith.addf %mul3A_3096, %mul3A_3102 : vector<16xf32>
        %get3A_3104 = arith.index_cast %scan3A_3004 : i32 to index
        %get3A_3105 = arith.constant 32 : index
        %get3A_3106 = tpu.vector_load %arg12[%get3A_3104, %get3A_3105] {strides = array<i32>} : memref<128x96xf32, #tpu.memory_space<vmem>>, vector<1x16xf32>,
        %get3A_3107 = vector.shape_cast %get3A_3106 : vector<1x16xf32> to vector<16xf32>
        %mul3A_3108 = vector.broadcast %squeeze3A_3017 : f32 to vector<16xf32>
        %mul3A_3109 = arith.mulf %get3A_3107, %mul3A_3108 : vector<16xf32>
        %add3A_3110 = arith.addf %add3A_3103, %mul3A_3109 : vector<16xf32>
        %get3A_3111 = arith.index_cast %scan3A_3004 : i32 to index
        %get3A_3112 = arith.constant 32 : index
        %get3A_3113 = tpu.vector_load %arg13[%get3A_3111, %get3A_3112] {strides = array<i32>} : memref<128x96xf32, #tpu.memory_space<vmem>>, vector<1x16xf32>,
        %get3A_3114 = vector.shape_cast %get3A_3113 : vector<1x16xf32> to vector<16xf32>
        %mul3A_3115 = vector.broadcast %squeeze3A_3022 : f32 to vector<16xf32>
        %mul3A_3116 = arith.mulf %get3A_3114, %mul3A_3115 : vector<16xf32>
        %add3A_3117 = arith.addf %add3A_3110, %mul3A_3116 : vector<16xf32>
        %add3A_3118 = arith.constant 32 : i32
        %add3A_3119 = arith.addi %mul3A_3024, %add3A_3118 : i32
        %swap3A_3120 = arith.index_cast %add3A_3119 : i32 to index
        %swap3A_3121 = tpu.vector_load %arg34[%swap3A_3120] {strides = array<i32>} : memref<12288xf32, #tpu.memory_space<vmem>>, vector<16xf32>,
        %swap3A_3122 = vector.shape_cast %swap3A_3121 : vector<16xf32> to vector<16xf32>
        %swap3A_3123 = vector.shape_cast %add3A_3117 : vector<16xf32> to vector<16xf32>
        tpu.vector_store %arg34[%swap3A_3120], %swap3A_3123 {strides = array<i32>} : memref<12288xf32, #tpu.memory_space<vmem>>, vector<16xf32>,
        %get3A_3124 = arith.index_cast %scan3A_3004 : i32 to index
        %get3A_3125 = arith.constant 48 : index
        %get3A_3126 = tpu.vector_load %arg10[%get3A_3124, %get3A_3125] {strides = array<i32>} : memref<128x96xf32, #tpu.memory_space<vmem>>, vector<1x16xf32>,
        %get3A_3127 = vector.shape_cast %get3A_3126 : vector<1x16xf32> to vector<16xf32>
        %mul3A_3128 = vector.broadcast %squeeze3A : f32 to vector<16xf32>
        %mul3A_3129 = arith.mulf %get3A_3127, %mul3A_3128 : vector<16xf32>
        %get3A_3130 = arith.index_cast %scan3A_3004 : i32 to index
        %get3A_3131 = arith.constant 48 : index
        %get3A_3132 = tpu.vector_load %arg11[%get3A_3130, %get3A_3131] {strides = array<i32>} : memref<128x96xf32, #tpu.memory_space<vmem>>, vector<1x16xf32>,
        %get3A_3133 = vector.shape_cast %get3A_3132 : vector<1x16xf32> to vector<16xf32>
        %mul3A_3134 = vector.broadcast %squeeze3A_3012 : f32 to vector<16xf32>
        %mul3A_3135 = arith.mulf %get3A_3133, %mul3A_3134 : vector<16xf32>
        %add3A_3136 = arith.addf %mul3A_3129, %mul3A_3135 : vector<16xf32>
        %get3A_3137 = arith.index_cast %scan3A_3004 : i32 to index
        %get3A_3138 = arith.constant 48 : index
        %get3A_3139 = tpu.vector_load %arg12[%get3A_3137, %get3A_3138] {strides = array<i32>} : memref<128x96xf32, #tpu.memory_space<vmem>>, vector<1x16xf32>,
        %get3A_3140 = vector.shape_cast %get3A_3139 : vector<1x16xf32> to vector<16xf32>
        %mul3A_3141 = vector.broadcast %squeeze3A_3017 : f32 to vector<16xf32>
        %mul3A_3142 = arith.mulf %get3A_3140, %mul3A_3141 : vector<16xf32>
        %add3A_3143 = arith.addf %add3A_3136, %mul3A_3142 : vector<16xf32>
        %get3A_3144 = arith.index_cast %scan3A_3004 : i32 to index
        %get3A_3145 = arith.constant 48 : index
        %get3A_3146 = tpu.vector_load %arg13[%get3A_3144, %get3A_3145] {strides = array<i32>} : memref<128x96xf32, #tpu.memory_space<vmem>>, vector<1x16xf32>,
        %get3A_3147 = vector.shape_cast %get3A_3146 : vector<1x16xf32> to vector<16xf32>
        %mul3A_3148 = vector.broadcast %squeeze3A_3022 : f32 to vector<16xf32>
        %mul3A_3149 = arith.mulf %get3A_3147, %mul3A_3148 : vector<16xf32>
        %add3A_3150 = arith.addf %add3A_3143, %mul3A_3149 : vector<16xf32>
        %add3A_3151 = arith.constant 48 : i32
        %add3A_3152 = arith.addi %mul3A_3024, %add3A_3151 : i32
        %swap3A_3153 = arith.index_cast %add3A_3152 : i32 to index
        %swap3A_3154 = tpu.vector_load %arg34[%swap3A_3153] {strides = array<i32>} : memref<12288xf32, #tpu.memory_space<vmem>>, vector<16xf32>,
        %swap3A_3155 = vector.shape_cast %swap3A_3154 : vector<16xf32> to vector<16xf32>
        %swap3A_3156 = vector.shape_cast %add3A_3150 : vector<16xf32> to vector<16xf32>
        tpu.vector_store %arg34[%swap3A_3153], %swap3A_3156 {strides = array<i32>} : memref<12288xf32, #tpu.memory_space<vmem>>, vector<16xf32>,
        %get3A_3157 = arith.index_cast %scan3A_3004 : i32 to index
        %get3A_3158 = arith.constant 64 : index
        %get3A_3159 = tpu.vector_load %arg10[%get3A_3157, %get3A_3158] {strides = array<i32>} : memref<128x96xf32, #tpu.memory_space<vmem>>, vector<1x16xf32>,
        %get3A_3160 = vector.shape_cast %get3A_3159 : vector<1x16xf32> to vector<16xf32>
        %mul3A_3161 = vector.broadcast %squeeze3A : f32 to vector<16xf32>
        %mul3A_3162 = arith.mulf %get3A_3160, %mul3A_3161 : vector<16xf32>
        %get3A_3163 = arith.index_cast %scan3A_3004 : i32 to index
        %get3A_3164 = arith.constant 64 : index
        %get3A_3165 = tpu.vector_load %arg11[%get3A_3163, %get3A_3164] {strides = array<i32>} : memref<128x96xf32, #tpu.memory_space<vmem>>, vector<1x16xf32>,
        %get3A_3166 = vector.shape_cast %get3A_3165 : vector<1x16xf32> to vector<16xf32>
        %mul3A_3167 = vector.broadcast %squeeze3A_3012 : f32 to vector<16xf32>
        %mul3A_3168 = arith.mulf %get3A_3166, %mul3A_3167 : vector<16xf32>
        %add3A_3169 = arith.addf %mul3A_3162, %mul3A_3168 : vector<16xf32>
        %get3A_3170 = arith.index_cast %scan3A_3004 : i32 to index
        %get3A_3171 = arith.constant 64 : index
        %get3A_3172 = tpu.vector_load %arg12[%get3A_3170, %get3A_3171] {strides = array<i32>} : memref<128x96xf32, #tpu.memory_space<vmem>>, vector<1x16xf32>,
        %get3A_3173 = vector.shape_cast %get3A_3172 : vector<1x16xf32> to vector<16xf32>
        %mul3A_3174 = vector.broadcast %squeeze3A_3017 : f32 to vector<16xf32>
        %mul3A_3175 = arith.mulf %get3A_3173, %mul3A_3174 : vector<16xf32>
        %add3A_3176 = arith.addf %add3A_3169, %mul3A_3175 : vector<16xf32>
        %get3A_3177 = arith.index_cast %scan3A_3004 : i32 to index
        %get3A_3178 = arith.constant 64 : index
        %get3A_3179 = tpu.vector_load %arg13[%get3A_3177, %get3A_3178] {strides = array<i32>} : memref<128x96xf32, #tpu.memory_space<vmem>>, vector<1x16xf32>,
        %get3A_3180 = vector.shape_cast %get3A_3179 : vector<1x16xf32> to vector<16xf32>
        %mul3A_3181 = vector.broadcast %squeeze3A_3022 : f32 to vector<16xf32>
        %mul3A_3182 = arith.mulf %get3A_3180, %mul3A_3181 : vector<16xf32>
        %add3A_3183 = arith.addf %add3A_3176, %mul3A_3182 : vector<16xf32>
        %add3A_3184 = arith.constant 64 : i32
        %add3A_3185 = arith.addi %mul3A_3024, %add3A_3184 : i32
        %swap3A_3186 = arith.index_cast %add3A_3185 : i32 to index
        %swap3A_3187 = tpu.vector_load %arg34[%swap3A_3186] {strides = array<i32>} : memref<12288xf32, #tpu.memory_space<vmem>>, vector<16xf32>,
        %swap3A_3188 = vector.shape_cast %swap3A_3187 : vector<16xf32> to vector<16xf32>
        %swap3A_3189 = vector.shape_cast %add3A_3183 : vector<16xf32> to vector<16xf32>
        tpu.vector_store %arg34[%swap3A_3186], %swap3A_3189 {strides = array<i32>} : memref<12288xf32, #tpu.memory_space<vmem>>, vector<16xf32>,
        %get3A_3190 = arith.index_cast %scan3A_3004 : i32 to index
        %get3A_3191 = arith.constant 80 : index
        %get3A_3192 = tpu.vector_load %arg10[%get3A_3190, %get3A_3191] {strides = array<i32>} : memref<128x96xf32, #tpu.memory_space<vmem>>, vector<1x16xf32>,
        %get3A_3193 = vector.shape_cast %get3A_3192 : vector<1x16xf32> to vector<16xf32>
        %mul3A_3194 = vector.broadcast %squeeze3A : f32 to vector<16xf32>
        %mul3A_3195 = arith.mulf %get3A_3193, %mul3A_3194 : vector<16xf32>
        %get3A_3196 = arith.index_cast %scan3A_3004 : i32 to index
        %get3A_3197 = arith.constant 80 : index
        %get3A_3198 = tpu.vector_load %arg11[%get3A_3196, %get3A_3197] {strides = array<i32>} : memref<128x96xf32, #tpu.memory_space<vmem>>, vector<1x16xf32>,
        %get3A_3199 = vector.shape_cast %get3A_3198 : vector<1x16xf32> to vector<16xf32>
        %mul3A_3200 = vector.broadcast %squeeze3A_3012 : f32 to vector<16xf32>
        %mul3A_3201 = arith.mulf %get3A_3199, %mul3A_3200 : vector<16xf32>
        %add3A_3202 = arith.addf %mul3A_3195, %mul3A_3201 : vector<16xf32>
        %get3A_3203 = arith.index_cast %scan3A_3004 : i32 to index
        %get3A_3204 = arith.constant 80 : index
        %get3A_3205 = tpu.vector_load %arg12[%get3A_3203, %get3A_3204] {strides = array<i32>} : memref<128x96xf32, #tpu.memory_space<vmem>>, vector<1x16xf32>,
        %get3A_3206 = vector.shape_cast %get3A_3205 : vector<1x16xf32> to vector<16xf32>
        %mul3A_3207 = vector.broadcast %squeeze3A_3017 : f32 to vector<16xf32>
        %mul3A_3208 = arith.mulf %get3A_3206, %mul3A_3207 : vector<16xf32>
        %add3A_3209 = arith.addf %add3A_3202, %mul3A_3208 : vector<16xf32>
        %get3A_3210 = arith.index_cast %scan3A_3004 : i32 to index
        %get3A_3211 = arith.constant 80 : index
        %get3A_3212 = tpu.vector_load %arg13[%get3A_3210, %get3A_3211] {strides = array<i32>} : memref<128x96xf32, #tpu.memory_space<vmem>>, vector<1x16xf32>,
        %get3A_3213 = vector.shape_cast %get3A_3212 : vector<1x16xf32> to vector<16xf32>
        %mul3A_3214 = vector.broadcast %squeeze3A_3022 : f32 to vector<16xf32>
        %mul3A_3215 = arith.mulf %get3A_3213, %mul3A_3214 : vector<16xf32>
        %add3A_3216 = arith.addf %add3A_3209, %mul3A_3215 : vector<16xf32>
        %add3A_3217 = arith.constant 80 : i32
        %add3A_3218 = arith.addi %mul3A_3024, %add3A_3217 : i32
        %swap3A_3219 = arith.index_cast %add3A_3218 : i32 to index
        %swap3A_3220 = tpu.vector_load %arg34[%swap3A_3219] {strides = array<i32>} : memref<12288xf32, #tpu.memory_space<vmem>>, vector<16xf32>,
        %swap3A_3221 = vector.shape_cast %swap3A_3220 : vector<16xf32> to vector<16xf32>
        %swap3A_3222 = vector.shape_cast %add3A_3216 : vector<16xf32> to vector<16xf32>
        tpu.vector_store %arg34[%swap3A_3219], %swap3A_3222 {strides = array<i32>} : memref<12288xf32, #tpu.memory_space<vmem>>, vector<16xf32>,
      }
      %scan3A_1990 = arith.constant 128 : i32
      %mul3A_1991 = arith.constant 128 : i32
      %mul3A_1992 = arith.muli %mul3A_994, %mul3A_1991 : i32
      %add3A_1993 = arith.addi %mul3A_2, %mul3A_1992 : i32
      %mul3A_1994 = arith.constant 96 : i32
      %mul3A_1995 = arith.muli %add3A_1993, %mul3A_1994 : i32
      %dma_start3A_1996 = tpu.memref_slice %arg5[%mul3A_1995] : memref<100663296xf32, #tpu.memory_space<hbm>> -> memref<12288xf32, #tpu.memory_space<hbm>>
      %dma_start3A_1997 = tpu.memref_slice %arg5[%mul3A_1995] : memref<100663296xf32, #tpu.memory_space<hbm>> -> memref<12288xf32, #tpu.memory_space<hbm>>
      tpu.enqueue_dma source(%arg34 : memref<12288xf32, #tpu.memory_space<vmem>>) target(%dma_start3A_1997 : memref<12288xf32, #tpu.memory_space<hbm>>) target_semaphore(%arg39 : memref<!tpu.dma_semaphore, #tpu.memory_space<semaphore_mem>>)
      %dma_wait3A_1998 = tpu.memref_slice %arg3[%mul3A_2] : memref<1048576xf32, #tpu.memory_space<hbm>> -> memref<128xf32, #tpu.memory_space<hbm>>
      %dma_wait3A_1999 = tpu.memref_slice %arg3[%mul3A_2] : memref<1048576xf32, #tpu.memory_space<hbm>> -> memref<128xf32, #tpu.memory_space<hbm>>
      tpu.wait_dma2 semaphore(%arg35 : memref<!tpu.dma_semaphore, #tpu.memory_space<semaphore_mem>>) src(%dma_wait3A_1999 : memref<128xf32, #tpu.memory_space<hbm>>) dst(%arg6 : memref<128xf32, #tpu.memory_space<vmem>>)
      %dma_wait3A_2000 = tpu.memref_slice %arg4[%mul3A_2] : memref<1048576xf32, #tpu.memory_space<hbm>> -> memref<128xf32, #tpu.memory_space<hbm>>
      %dma_wait3A_2001 = tpu.memref_slice %arg4[%mul3A_2] : memref<1048576xf32, #tpu.memory_space<hbm>> -> memref<128xf32, #tpu.memory_space<hbm>>
      tpu.wait_dma2 semaphore(%arg35 : memref<!tpu.dma_semaphore, #tpu.memory_space<semaphore_mem>>) src(%dma_wait3A_2001 : memref<128xf32, #tpu.memory_space<hbm>>) dst(%arg8 : memref<128xf32, #tpu.memory_space<vmem>>)
      %add3A_2002 = arith.constant 2 : i32
      %add3A_2003 = arith.addi %mul3A_994, %add3A_2002 : i32
      %min3A_2004 = arith.constant 255 : i32
      %min3A_2005 = arith.minsi %add3A_2003, %min3A_2004 : i32
      %mul3A_2006 = arith.constant 128 : i32
      %mul3A_2007 = arith.muli %min3A_2005, %mul3A_2006 : i32
      %add3A_2008 = arith.addi %mul3A_2, %mul3A_2007 : i32
      %get3A_2009 = arith.constant 0 : index
      %get3A_2010 = tpu.vector_load %arg6[%get3A_2009] {strides = array<i32>} : memref<128xf32, #tpu.memory_space<vmem>>, vector<16xf32>,
      %get3A_2011 = vector.shape_cast %get3A_2010 : vector<16xf32> to vector<16xf32>
      %get3A_2012 = arith.constant 0 : index
      %get3A_2013 = tpu.vector_load %arg8[%get3A_2012] {strides = array<i32>} : memref<128xf32, #tpu.memory_space<vmem>>, vector<16xf32>,
      %get3A_2014 = vector.shape_cast %get3A_2013 : vector<16xf32> to vector<16xf32>
      %add3A_2015 = arith.constant 1.000000e+00 : f32
      %add3A_2016 = vector.broadcast %add3A_2015 : f32 to vector<16xf32>
      %add3A_2017 = arith.addf %get3A_2011, %add3A_2016 : vector<16xf32>
      %mul3A_2018 = arith.constant 5.110000e+02 : f32
      %mul3A_2019 = vector.broadcast %mul3A_2018 : f32 to vector<16xf32>
      %mul3A_2020 = arith.mulf %add3A_2017, %mul3A_2019 : vector<16xf32>
      %mul3A_2021 = arith.constant 5.000000e-01 : f32
      %mul3A_2022 = vector.broadcast %mul3A_2021 : f32 to vector<16xf32>
      %mul3A_2023 = arith.mulf %mul3A_2022, %mul3A_2020 : vector<16xf32>
      %add3A_2024 = arith.constant 1.000000e+00 : f32
      %add3A_2025 = vector.broadcast %add3A_2024 : f32 to vector<16xf32>
      %add3A_2026 = arith.addf %get3A_2014, %add3A_2025 : vector<16xf32>
      %mul3A_2027 = arith.constant 5.110000e+02 : f32
      %mul3A_2028 = vector.broadcast %mul3A_2027 : f32 to vector<16xf32>
      %mul3A_2029 = arith.mulf %add3A_2026, %mul3A_2028 : vector<16xf32>
      %mul3A_2030 = arith.constant 5.000000e-01 : f32
      %mul3A_2031 = vector.broadcast %mul3A_2030 : f32 to vector<16xf32>
      %mul3A_2032 = arith.mulf %mul3A_2031, %mul3A_2029 : vector<16xf32>
      %convert_element_type3A_2033 = arith.fptosi %mul3A_2023 : vector<16xf32> to vector<16xi32>
      %convert_element_type3A_2034 = arith.fptosi %mul3A_2032 : vector<16xf32> to vector<16xi32>
      %add3A_2035 = arith.constant 1 : i32
      %add3A_2036 = vector.broadcast %add3A_2035 : i32 to vector<16xi32>
      %add3A_2037 = arith.addi %convert_element_type3A_2033, %add3A_2036 : vector<16xi32>
      %min3A_2038 = arith.constant 511 : i32
      %min3A_2039 = vector.broadcast %min3A_2038 : i32 to vector<16xi32>
      %min3A_2040 = arith.minsi %add3A_2037, %min3A_2039 : vector<16xi32>
      %add3A_2041 = arith.constant 1 : i32
      %add3A_2042 = vector.broadcast %add3A_2041 : i32 to vector<16xi32>
      %add3A_2043 = arith.addi %convert_element_type3A_2034, %add3A_2042 : vector<16xi32>
      %min3A_2044 = arith.constant 511 : i32
      %min3A_2045 = vector.broadcast %min3A_2044 : i32 to vector<16xi32>
      %min3A_2046 = arith.minsi %add3A_2043, %min3A_2045 : vector<16xi32>
      %convert_element_type3A_2047 = arith.sitofp %convert_element_type3A_2033 : vector<16xi32> to vector<16xf32>
      %convert_element_type3A_2048 = arith.sitofp %convert_element_type3A_2034 : vector<16xi32> to vector<16xf32>
      %convert_element_type3A_2049 = arith.sitofp %min3A_2040 : vector<16xi32> to vector<16xf32>
      %convert_element_type3A_2050 = arith.sitofp %min3A_2046 : vector<16xi32> to vector<16xf32>
      %add3A_2051 = arith.constant 0 : i32
      %add3A_2052 = arith.addi %add3A_2008, %add3A_2051 : i32
      %add3A_2053 = vector.broadcast %add3A_2052 : i32 to vector<16xi32>
      %add3A_2054 = arith.addi %add3A_2053, %iota3A : vector<16xi32>
      %shift_right_arithmetic3A_2055 = arith.constant 18 : i32
      %shift_right_arithmetic3A_2056 = vector.broadcast %shift_right_arithmetic3A_2055 : i32 to vector<16xi32>
      %shift_right_arithmetic3A_2057 = arith.shrsi %add3A_2054, %shift_right_arithmetic3A_2056 : vector<16xi32>
      %shift_left3A_2058 = arith.constant 18 : i32
      %shift_left3A_2059 = vector.broadcast %shift_left3A_2058 : i32 to vector<16xi32>
      %shift_left3A_2060 = arith.shli %shift_right_arithmetic3A_2057, %shift_left3A_2059 : vector<16xi32>
      %shift_left3A_2061 = arith.constant 9 : i32
      %shift_left3A_2062 = vector.broadcast %shift_left3A_2061 : i32 to vector<16xi32>
      %shift_left3A_2063 = arith.shli %convert_element_type3A_2034, %shift_left3A_2062 : vector<16xi32>
      %add3A_2064 = arith.addi %shift_left3A_2060, %shift_left3A_2063 : vector<16xi32>
      %add3A_2065 = arith.addi %add3A_2064, %convert_element_type3A_2033 : vector<16xi32>
      %shift_left3A_2066 = arith.constant 9 : i32
      %shift_left3A_2067 = vector.broadcast %shift_left3A_2066 : i32 to vector<16xi32>
      %shift_left3A_2068 = arith.shli %min3A_2046, %shift_left3A_2067 : vector<16xi32>
      %add3A_2069 = arith.addi %shift_left3A_2060, %shift_left3A_2068 : vector<16xi32>
      %add3A_2070 = arith.addi %add3A_2069, %convert_element_type3A_2033 : vector<16xi32>
      %sub3A_2071 = arith.subi %min3A_2040, %convert_element_type3A_2033 : vector<16xi32>
      %swap3A_2072 = arith.constant 0 : index
      %swap3A_2073 = tpu.vector_load %arg18[%swap3A_2072] {strides = array<i32>} : memref<128xi32, #tpu.memory_space<vmem>>, vector<16xi32>,
      %swap3A_2074 = vector.shape_cast %swap3A_2073 : vector<16xi32> to vector<16xi32>
      %swap3A_2075 = vector.shape_cast %add3A_2065 : vector<16xi32> to vector<16xi32>
      tpu.vector_store %arg18[%swap3A_2072], %swap3A_2075 {strides = array<i32>} : memref<128xi32, #tpu.memory_space<vmem>>, vector<16xi32>,
      %swap3A_2076 = arith.constant 0 : index
      %swap3A_2077 = tpu.vector_load %arg19[%swap3A_2076] {strides = array<i32>} : memref<128xi32, #tpu.memory_space<vmem>>, vector<16xi32>,
      %swap3A_2078 = vector.shape_cast %swap3A_2077 : vector<16xi32> to vector<16xi32>
      %swap3A_2079 = vector.shape_cast %add3A_2070 : vector<16xi32> to vector<16xi32>
      tpu.vector_store %arg19[%swap3A_2076], %swap3A_2079 {strides = array<i32>} : memref<128xi32, #tpu.memory_space<vmem>>, vector<16xi32>,
      %add3A_2080 = arith.addi %add3A_2065, %sub3A_2071 : vector<16xi32>
      %swap3A_2081 = arith.constant 0 : index
      %swap3A_2082 = tpu.vector_load %arg20[%swap3A_2081] {strides = array<i32>} : memref<128xi32, #tpu.memory_space<vmem>>, vector<16xi32>,
      %swap3A_2083 = vector.shape_cast %swap3A_2082 : vector<16xi32> to vector<16xi32>
      %swap3A_2084 = vector.shape_cast %add3A_2080 : vector<16xi32> to vector<16xi32>
      tpu.vector_store %arg20[%swap3A_2081], %swap3A_2084 {strides = array<i32>} : memref<128xi32, #tpu.memory_space<vmem>>, vector<16xi32>,
      %add3A_2085 = arith.addi %add3A_2070, %sub3A_2071 : vector<16xi32>
      %swap3A_2086 = arith.constant 0 : index
      %swap3A_2087 = tpu.vector_load %arg21[%swap3A_2086] {strides = array<i32>} : memref<128xi32, #tpu.memory_space<vmem>>, vector<16xi32>,
      %swap3A_2088 = vector.shape_cast %swap3A_2087 : vector<16xi32> to vector<16xi32>
      %swap3A_2089 = vector.shape_cast %add3A_2085 : vector<16xi32> to vector<16xi32>
      tpu.vector_store %arg21[%swap3A_2086], %swap3A_2089 {strides = array<i32>} : memref<128xi32, #tpu.memory_space<vmem>>, vector<16xi32>,
      %sub3A_2090 = arith.subf %convert_element_type3A_2049, %mul3A_2023 : vector<16xf32>
      %sub3A_2091 = arith.subf %mul3A_2023, %convert_element_type3A_2047 : vector<16xf32>
      %sub3A_2092 = arith.subf %convert_element_type3A_2050, %mul3A_2032 : vector<16xf32>
      %sub3A_2093 = arith.subf %mul3A_2032, %convert_element_type3A_2048 : vector<16xf32>
      %mul3A_2094 = arith.mulf %sub3A_2090, %sub3A_2092 : vector<16xf32>
      %swap3A_2095 = arith.constant 0 : index
      %swap3A_2096 = tpu.vector_load %arg26[%swap3A_2095] {strides = array<i32>} : memref<144xf32, #tpu.memory_space<vmem>>, vector<16xf32>,
      %swap3A_2097 = vector.shape_cast %swap3A_2096 : vector<16xf32> to vector<16xf32>
      %swap3A_2098 = vector.shape_cast %mul3A_2094 : vector<16xf32> to vector<16xf32>
      tpu.vector_store %arg26[%swap3A_2095], %swap3A_2098 {strides = array<i32>} : memref<144xf32, #tpu.memory_space<vmem>>, vector<16xf32>,
      %mul3A_2099 = arith.mulf %sub3A_2090, %sub3A_2093 : vector<16xf32>
      %swap3A_2100 = arith.constant 0 : index
      %swap3A_2101 = tpu.vector_load %arg27[%swap3A_2100] {strides = array<i32>} : memref<144xf32, #tpu.memory_space<vmem>>, vector<16xf32>,
      %swap3A_2102 = vector.shape_cast %swap3A_2101 : vector<16xf32> to vector<16xf32>
      %swap3A_2103 = vector.shape_cast %mul3A_2099 : vector<16xf32> to vector<16xf32>
      tpu.vector_store %arg27[%swap3A_2100], %swap3A_2103 {strides = array<i32>} : memref<144xf32, #tpu.memory_space<vmem>>, vector<16xf32>,
      %mul3A_2104 = arith.mulf %sub3A_2091, %sub3A_2092 : vector<16xf32>
      %swap3A_2105 = arith.constant 0 : index
      %swap3A_2106 = tpu.vector_load %arg28[%swap3A_2105] {strides = array<i32>} : memref<144xf32, #tpu.memory_space<vmem>>, vector<16xf32>,
      %swap3A_2107 = vector.shape_cast %swap3A_2106 : vector<16xf32> to vector<16xf32>
      %swap3A_2108 = vector.shape_cast %mul3A_2104 : vector<16xf32> to vector<16xf32>
      tpu.vector_store %arg28[%swap3A_2105], %swap3A_2108 {strides = array<i32>} : memref<144xf32, #tpu.memory_space<vmem>>, vector<16xf32>,
      %mul3A_2109 = arith.mulf %sub3A_2091, %sub3A_2093 : vector<16xf32>
      %swap3A_2110 = arith.constant 0 : index
      %swap3A_2111 = tpu.vector_load %arg29[%swap3A_2110] {strides = array<i32>} : memref<144xf32, #tpu.memory_space<vmem>>, vector<16xf32>,
      %swap3A_2112 = vector.shape_cast %swap3A_2111 : vector<16xf32> to vector<16xf32>
      %swap3A_2113 = vector.shape_cast %mul3A_2109 : vector<16xf32> to vector<16xf32>
      tpu.vector_store %arg29[%swap3A_2110], %swap3A_2113 {strides = array<i32>} : memref<144xf32, #tpu.memory_space<vmem>>, vector<16xf32>,
      %get3A_2114 = arith.constant 16 : index
      %get3A_2115 = tpu.vector_load %arg6[%get3A_2114] {strides = array<i32>} : memref<128xf32, #tpu.memory_space<vmem>>, vector<16xf32>,
      %get3A_2116 = vector.shape_cast %get3A_2115 : vector<16xf32> to vector<16xf32>
      %get3A_2117 = arith.constant 16 : index
      %get3A_2118 = tpu.vector_load %arg8[%get3A_2117] {strides = array<i32>} : memref<128xf32, #tpu.memory_space<vmem>>, vector<16xf32>,
      %get3A_2119 = vector.shape_cast %get3A_2118 : vector<16xf32> to vector<16xf32>
      %add3A_2120 = arith.constant 1.000000e+00 : f32
      %add3A_2121 = vector.broadcast %add3A_2120 : f32 to vector<16xf32>
      %add3A_2122 = arith.addf %get3A_2116, %add3A_2121 : vector<16xf32>
      %mul3A_2123 = arith.constant 5.110000e+02 : f32
      %mul3A_2124 = vector.broadcast %mul3A_2123 : f32 to vector<16xf32>
      %mul3A_2125 = arith.mulf %add3A_2122, %mul3A_2124 : vector<16xf32>
      %mul3A_2126 = arith.constant 5.000000e-01 : f32
      %mul3A_2127 = vector.broadcast %mul3A_2126 : f32 to vector<16xf32>
      %mul3A_2128 = arith.mulf %mul3A_2127, %mul3A_2125 : vector<16xf32>
      %add3A_2129 = arith.constant 1.000000e+00 : f32
      %add3A_2130 = vector.broadcast %add3A_2129 : f32 to vector<16xf32>
      %add3A_2131 = arith.addf %get3A_2119, %add3A_2130 : vector<16xf32>
      %mul3A_2132 = arith.constant 5.110000e+02 : f32
      %mul3A_2133 = vector.broadcast %mul3A_2132 : f32 to vector<16xf32>
      %mul3A_2134 = arith.mulf %add3A_2131, %mul3A_2133 : vector<16xf32>
      %mul3A_2135 = arith.constant 5.000000e-01 : f32
      %mul3A_2136 = vector.broadcast %mul3A_2135 : f32 to vector<16xf32>
      %mul3A_2137 = arith.mulf %mul3A_2136, %mul3A_2134 : vector<16xf32>
      %convert_element_type3A_2138 = arith.fptosi %mul3A_2128 : vector<16xf32> to vector<16xi32>
      %convert_element_type3A_2139 = arith.fptosi %mul3A_2137 : vector<16xf32> to vector<16xi32>
      %add3A_2140 = arith.constant 1 : i32
      %add3A_2141 = vector.broadcast %add3A_2140 : i32 to vector<16xi32>
      %add3A_2142 = arith.addi %convert_element_type3A_2138, %add3A_2141 : vector<16xi32>
      %min3A_2143 = arith.constant 511 : i32
      %min3A_2144 = vector.broadcast %min3A_2143 : i32 to vector<16xi32>
      %min3A_2145 = arith.minsi %add3A_2142, %min3A_2144 : vector<16xi32>
      %add3A_2146 = arith.constant 1 : i32
      %add3A_2147 = vector.broadcast %add3A_2146 : i32 to vector<16xi32>
      %add3A_2148 = arith.addi %convert_element_type3A_2139, %add3A_2147 : vector<16xi32>
      %min3A_2149 = arith.constant 511 : i32
      %min3A_2150 = vector.broadcast %min3A_2149 : i32 to vector<16xi32>
      %min3A_2151 = arith.minsi %add3A_2148, %min3A_2150 : vector<16xi32>
      %convert_element_type3A_2152 = arith.sitofp %convert_element_type3A_2138 : vector<16xi32> to vector<16xf32>
      %convert_element_type3A_2153 = arith.sitofp %convert_element_type3A_2139 : vector<16xi32> to vector<16xf32>
      %convert_element_type3A_2154 = arith.sitofp %min3A_2145 : vector<16xi32> to vector<16xf32>
      %convert_element_type3A_2155 = arith.sitofp %min3A_2151 : vector<16xi32> to vector<16xf32>
      %add3A_2156 = arith.constant 16 : i32
      %add3A_2157 = arith.addi %add3A_2008, %add3A_2156 : i32
      %add3A_2158 = vector.broadcast %add3A_2157 : i32 to vector<16xi32>
      %add3A_2159 = arith.addi %add3A_2158, %iota3A : vector<16xi32>
      %shift_right_arithmetic3A_2160 = arith.constant 18 : i32
      %shift_right_arithmetic3A_2161 = vector.broadcast %shift_right_arithmetic3A_2160 : i32 to vector<16xi32>
      %shift_right_arithmetic3A_2162 = arith.shrsi %add3A_2159, %shift_right_arithmetic3A_2161 : vector<16xi32>
      %shift_left3A_2163 = arith.constant 18 : i32
      %shift_left3A_2164 = vector.broadcast %shift_left3A_2163 : i32 to vector<16xi32>
      %shift_left3A_2165 = arith.shli %shift_right_arithmetic3A_2162, %shift_left3A_2164 : vector<16xi32>
      %shift_left3A_2166 = arith.constant 9 : i32
      %shift_left3A_2167 = vector.broadcast %shift_left3A_2166 : i32 to vector<16xi32>
      %shift_left3A_2168 = arith.shli %convert_element_type3A_2139, %shift_left3A_2167 : vector<16xi32>
      %add3A_2169 = arith.addi %shift_left3A_2165, %shift_left3A_2168 : vector<16xi32>
      %add3A_2170 = arith.addi %add3A_2169, %convert_element_type3A_2138 : vector<16xi32>
      %shift_left3A_2171 = arith.constant 9 : i32
      %shift_left3A_2172 = vector.broadcast %shift_left3A_2171 : i32 to vector<16xi32>
      %shift_left3A_2173 = arith.shli %min3A_2151, %shift_left3A_2172 : vector<16xi32>
      %add3A_2174 = arith.addi %shift_left3A_2165, %shift_left3A_2173 : vector<16xi32>
      %add3A_2175 = arith.addi %add3A_2174, %convert_element_type3A_2138 : vector<16xi32>
      %sub3A_2176 = arith.subi %min3A_2145, %convert_element_type3A_2138 : vector<16xi32>
      %swap3A_2177 = arith.constant 16 : index
      %swap3A_2178 = tpu.vector_load %arg18[%swap3A_2177] {strides = array<i32>} : memref<128xi32, #tpu.memory_space<vmem>>, vector<16xi32>,
      %swap3A_2179 = vector.shape_cast %swap3A_2178 : vector<16xi32> to vector<16xi32>
      %swap3A_2180 = vector.shape_cast %add3A_2170 : vector<16xi32> to vector<16xi32>
      tpu.vector_store %arg18[%swap3A_2177], %swap3A_2180 {strides = array<i32>} : memref<128xi32, #tpu.memory_space<vmem>>, vector<16xi32>,
      %swap3A_2181 = arith.constant 16 : index
      %swap3A_2182 = tpu.vector_load %arg19[%swap3A_2181] {strides = array<i32>} : memref<128xi32, #tpu.memory_space<vmem>>, vector<16xi32>,
      %swap3A_2183 = vector.shape_cast %swap3A_2182 : vector<16xi32> to vector<16xi32>
      %swap3A_2184 = vector.shape_cast %add3A_2175 : vector<16xi32> to vector<16xi32>
      tpu.vector_store %arg19[%swap3A_2181], %swap3A_2184 {strides = array<i32>} : memref<128xi32, #tpu.memory_space<vmem>>, vector<16xi32>,
      %add3A_2185 = arith.addi %add3A_2170, %sub3A_2176 : vector<16xi32>
      %swap3A_2186 = arith.constant 16 : index
      %swap3A_2187 = tpu.vector_load %arg20[%swap3A_2186] {strides = array<i32>} : memref<128xi32, #tpu.memory_space<vmem>>, vector<16xi32>,
      %swap3A_2188 = vector.shape_cast %swap3A_2187 : vector<16xi32> to vector<16xi32>
      %swap3A_2189 = vector.shape_cast %add3A_2185 : vector<16xi32> to vector<16xi32>
      tpu.vector_store %arg20[%swap3A_2186], %swap3A_2189 {strides = array<i32>} : memref<128xi32, #tpu.memory_space<vmem>>, vector<16xi32>,
      %add3A_2190 = arith.addi %add3A_2175, %sub3A_2176 : vector<16xi32>
      %swap3A_2191 = arith.constant 16 : index
      %swap3A_2192 = tpu.vector_load %arg21[%swap3A_2191] {strides = array<i32>} : memref<128xi32, #tpu.memory_space<vmem>>, vector<16xi32>,
      %swap3A_2193 = vector.shape_cast %swap3A_2192 : vector<16xi32> to vector<16xi32>
      %swap3A_2194 = vector.shape_cast %add3A_2190 : vector<16xi32> to vector<16xi32>
      tpu.vector_store %arg21[%swap3A_2191], %swap3A_2194 {strides = array<i32>} : memref<128xi32, #tpu.memory_space<vmem>>, vector<16xi32>,
      %sub3A_2195 = arith.subf %convert_element_type3A_2154, %mul3A_2128 : vector<16xf32>
      %sub3A_2196 = arith.subf %mul3A_2128, %convert_element_type3A_2152 : vector<16xf32>
      %sub3A_2197 = arith.subf %convert_element_type3A_2155, %mul3A_2137 : vector<16xf32>
      %sub3A_2198 = arith.subf %mul3A_2137, %convert_element_type3A_2153 : vector<16xf32>
      %mul3A_2199 = arith.mulf %sub3A_2195, %sub3A_2197 : vector<16xf32>
      %swap3A_2200 = arith.constant 16 : index
      %swap3A_2201 = tpu.vector_load %arg26[%swap3A_2200] {strides = array<i32>} : memref<144xf32, #tpu.memory_space<vmem>>, vector<16xf32>,
      %swap3A_2202 = vector.shape_cast %swap3A_2201 : vector<16xf32> to vector<16xf32>
      %swap3A_2203 = vector.shape_cast %mul3A_2199 : vector<16xf32> to vector<16xf32>
      tpu.vector_store %arg26[%swap3A_2200], %swap3A_2203 {strides = array<i32>} : memref<144xf32, #tpu.memory_space<vmem>>, vector<16xf32>,
      %mul3A_2204 = arith.mulf %sub3A_2195, %sub3A_2198 : vector<16xf32>
      %swap3A_2205 = arith.constant 16 : index
      %swap3A_2206 = tpu.vector_load %arg27[%swap3A_2205] {strides = array<i32>} : memref<144xf32, #tpu.memory_space<vmem>>, vector<16xf32>,
      %swap3A_2207 = vector.shape_cast %swap3A_2206 : vector<16xf32> to vector<16xf32>
      %swap3A_2208 = vector.shape_cast %mul3A_2204 : vector<16xf32> to vector<16xf32>
      tpu.vector_store %arg27[%swap3A_2205], %swap3A_2208 {strides = array<i32>} : memref<144xf32, #tpu.memory_space<vmem>>, vector<16xf32>,
      %mul3A_2209 = arith.mulf %sub3A_2196, %sub3A_2197 : vector<16xf32>
      %swap3A_2210 = arith.constant 16 : index
      %swap3A_2211 = tpu.vector_load %arg28[%swap3A_2210] {strides = array<i32>} : memref<144xf32, #tpu.memory_space<vmem>>, vector<16xf32>,
      %swap3A_2212 = vector.shape_cast %swap3A_2211 : vector<16xf32> to vector<16xf32>
      %swap3A_2213 = vector.shape_cast %mul3A_2209 : vector<16xf32> to vector<16xf32>
      tpu.vector_store %arg28[%swap3A_2210], %swap3A_2213 {strides = array<i32>} : memref<144xf32, #tpu.memory_space<vmem>>, vector<16xf32>,
      %mul3A_2214 = arith.mulf %sub3A_2196, %sub3A_2198 : vector<16xf32>
      %swap3A_2215 = arith.constant 16 : index
      %swap3A_2216 = tpu.vector_load %arg29[%swap3A_2215] {strides = array<i32>} : memref<144xf32, #tpu.memory_space<vmem>>, vector<16xf32>,
      %swap3A_2217 = vector.shape_cast %swap3A_2216 : vector<16xf32> to vector<16xf32>
      %swap3A_2218 = vector.shape_cast %mul3A_2214 : vector<16xf32> to vector<16xf32>
      tpu.vector_store %arg29[%swap3A_2215], %swap3A_2218 {strides = array<i32>} : memref<144xf32, #tpu.memory_space<vmem>>, vector<16xf32>,
      %get3A_2219 = arith.constant 32 : index
      %get3A_2220 = tpu.vector_load %arg6[%get3A_2219] {strides = array<i32>} : memref<128xf32, #tpu.memory_space<vmem>>, vector<16xf32>,
      %get3A_2221 = vector.shape_cast %get3A_2220 : vector<16xf32> to vector<16xf32>
      %get3A_2222 = arith.constant 32 : index
      %get3A_2223 = tpu.vector_load %arg8[%get3A_2222] {strides = array<i32>} : memref<128xf32, #tpu.memory_space<vmem>>, vector<16xf32>,
      %get3A_2224 = vector.shape_cast %get3A_2223 : vector<16xf32> to vector<16xf32>
      %add3A_2225 = arith.constant 1.000000e+00 : f32
      %add3A_2226 = vector.broadcast %add3A_2225 : f32 to vector<16xf32>
      %add3A_2227 = arith.addf %get3A_2221, %add3A_2226 : vector<16xf32>
      %mul3A_2228 = arith.constant 5.110000e+02 : f32
      %mul3A_2229 = vector.broadcast %mul3A_2228 : f32 to vector<16xf32>
      %mul3A_2230 = arith.mulf %add3A_2227, %mul3A_2229 : vector<16xf32>
      %mul3A_2231 = arith.constant 5.000000e-01 : f32
      %mul3A_2232 = vector.broadcast %mul3A_2231 : f32 to vector<16xf32>
      %mul3A_2233 = arith.mulf %mul3A_2232, %mul3A_2230 : vector<16xf32>
      %add3A_2234 = arith.constant 1.000000e+00 : f32
      %add3A_2235 = vector.broadcast %add3A_2234 : f32 to vector<16xf32>
      %add3A_2236 = arith.addf %get3A_2224, %add3A_2235 : vector<16xf32>
      %mul3A_2237 = arith.constant 5.110000e+02 : f32
      %mul3A_2238 = vector.broadcast %mul3A_2237 : f32 to vector<16xf32>
      %mul3A_2239 = arith.mulf %add3A_2236, %mul3A_2238 : vector<16xf32>
      %mul3A_2240 = arith.constant 5.000000e-01 : f32
      %mul3A_2241 = vector.broadcast %mul3A_2240 : f32 to vector<16xf32>
      %mul3A_2242 = arith.mulf %mul3A_2241, %mul3A_2239 : vector<16xf32>
      %convert_element_type3A_2243 = arith.fptosi %mul3A_2233 : vector<16xf32> to vector<16xi32>
      %convert_element_type3A_2244 = arith.fptosi %mul3A_2242 : vector<16xf32> to vector<16xi32>
      %add3A_2245 = arith.constant 1 : i32
      %add3A_2246 = vector.broadcast %add3A_2245 : i32 to vector<16xi32>
      %add3A_2247 = arith.addi %convert_element_type3A_2243, %add3A_2246 : vector<16xi32>
      %min3A_2248 = arith.constant 511 : i32
      %min3A_2249 = vector.broadcast %min3A_2248 : i32 to vector<16xi32>
      %min3A_2250 = arith.minsi %add3A_2247, %min3A_2249 : vector<16xi32>
      %add3A_2251 = arith.constant 1 : i32
      %add3A_2252 = vector.broadcast %add3A_2251 : i32 to vector<16xi32>
      %add3A_2253 = arith.addi %convert_element_type3A_2244, %add3A_2252 : vector<16xi32>
      %min3A_2254 = arith.constant 511 : i32
      %min3A_2255 = vector.broadcast %min3A_2254 : i32 to vector<16xi32>
      %min3A_2256 = arith.minsi %add3A_2253, %min3A_2255 : vector<16xi32>
      %convert_element_type3A_2257 = arith.sitofp %convert_element_type3A_2243 : vector<16xi32> to vector<16xf32>
      %convert_element_type3A_2258 = arith.sitofp %convert_element_type3A_2244 : vector<16xi32> to vector<16xf32>
      %convert_element_type3A_2259 = arith.sitofp %min3A_2250 : vector<16xi32> to vector<16xf32>
      %convert_element_type3A_2260 = arith.sitofp %min3A_2256 : vector<16xi32> to vector<16xf32>
      %add3A_2261 = arith.constant 32 : i32
      %add3A_2262 = arith.addi %add3A_2008, %add3A_2261 : i32
      %add3A_2263 = vector.broadcast %add3A_2262 : i32 to vector<16xi32>
      %add3A_2264 = arith.addi %add3A_2263, %iota3A : vector<16xi32>
      %shift_right_arithmetic3A_2265 = arith.constant 18 : i32
      %shift_right_arithmetic3A_2266 = vector.broadcast %shift_right_arithmetic3A_2265 : i32 to vector<16xi32>
      %shift_right_arithmetic3A_2267 = arith.shrsi %add3A_2264, %shift_right_arithmetic3A_2266 : vector<16xi32>
      %shift_left3A_2268 = arith.constant 18 : i32
      %shift_left3A_2269 = vector.broadcast %shift_left3A_2268 : i32 to vector<16xi32>
      %shift_left3A_2270 = arith.shli %shift_right_arithmetic3A_2267, %shift_left3A_2269 : vector<16xi32>
      %shift_left3A_2271 = arith.constant 9 : i32
      %shift_left3A_2272 = vector.broadcast %shift_left3A_2271 : i32 to vector<16xi32>
      %shift_left3A_2273 = arith.shli %convert_element_type3A_2244, %shift_left3A_2272 : vector<16xi32>
      %add3A_2274 = arith.addi %shift_left3A_2270, %shift_left3A_2273 : vector<16xi32>
      %add3A_2275 = arith.addi %add3A_2274, %convert_element_type3A_2243 : vector<16xi32>
      %shift_left3A_2276 = arith.constant 9 : i32
      %shift_left3A_2277 = vector.broadcast %shift_left3A_2276 : i32 to vector<16xi32>
      %shift_left3A_2278 = arith.shli %min3A_2256, %shift_left3A_2277 : vector<16xi32>
      %add3A_2279 = arith.addi %shift_left3A_2270, %shift_left3A_2278 : vector<16xi32>
      %add3A_2280 = arith.addi %add3A_2279, %convert_element_type3A_2243 : vector<16xi32>
      %sub3A_2281 = arith.subi %min3A_2250, %convert_element_type3A_2243 : vector<16xi32>
      %swap3A_2282 = arith.constant 32 : index
      %swap3A_2283 = tpu.vector_load %arg18[%swap3A_2282] {strides = array<i32>} : memref<128xi32, #tpu.memory_space<vmem>>, vector<16xi32>,
      %swap3A_2284 = vector.shape_cast %swap3A_2283 : vector<16xi32> to vector<16xi32>
      %swap3A_2285 = vector.shape_cast %add3A_2275 : vector<16xi32> to vector<16xi32>
      tpu.vector_store %arg18[%swap3A_2282], %swap3A_2285 {strides = array<i32>} : memref<128xi32, #tpu.memory_space<vmem>>, vector<16xi32>,
      %swap3A_2286 = arith.constant 32 : index
      %swap3A_2287 = tpu.vector_load %arg19[%swap3A_2286] {strides = array<i32>} : memref<128xi32, #tpu.memory_space<vmem>>, vector<16xi32>,
      %swap3A_2288 = vector.shape_cast %swap3A_2287 : vector<16xi32> to vector<16xi32>
      %swap3A_2289 = vector.shape_cast %add3A_2280 : vector<16xi32> to vector<16xi32>
      tpu.vector_store %arg19[%swap3A_2286], %swap3A_2289 {strides = array<i32>} : memref<128xi32, #tpu.memory_space<vmem>>, vector<16xi32>,
      %add3A_2290 = arith.addi %add3A_2275, %sub3A_2281 : vector<16xi32>
      %swap3A_2291 = arith.constant 32 : index
      %swap3A_2292 = tpu.vector_load %arg20[%swap3A_2291] {strides = array<i32>} : memref<128xi32, #tpu.memory_space<vmem>>, vector<16xi32>,
      %swap3A_2293 = vector.shape_cast %swap3A_2292 : vector<16xi32> to vector<16xi32>
      %swap3A_2294 = vector.shape_cast %add3A_2290 : vector<16xi32> to vector<16xi32>
      tpu.vector_store %arg20[%swap3A_2291], %swap3A_2294 {strides = array<i32>} : memref<128xi32, #tpu.memory_space<vmem>>, vector<16xi32>,
      %add3A_2295 = arith.addi %add3A_2280, %sub3A_2281 : vector<16xi32>
      %swap3A_2296 = arith.constant 32 : index
      %swap3A_2297 = tpu.vector_load %arg21[%swap3A_2296] {strides = array<i32>} : memref<128xi32, #tpu.memory_space<vmem>>, vector<16xi32>,
      %swap3A_2298 = vector.shape_cast %swap3A_2297 : vector<16xi32> to vector<16xi32>
      %swap3A_2299 = vector.shape_cast %add3A_2295 : vector<16xi32> to vector<16xi32>
      tpu.vector_store %arg21[%swap3A_2296], %swap3A_2299 {strides = array<i32>} : memref<128xi32, #tpu.memory_space<vmem>>, vector<16xi32>,
      %sub3A_2300 = arith.subf %convert_element_type3A_2259, %mul3A_2233 : vector<16xf32>
      %sub3A_2301 = arith.subf %mul3A_2233, %convert_element_type3A_2257 : vector<16xf32>
      %sub3A_2302 = arith.subf %convert_element_type3A_2260, %mul3A_2242 : vector<16xf32>
      %sub3A_2303 = arith.subf %mul3A_2242, %convert_element_type3A_2258 : vector<16xf32>
      %mul3A_2304 = arith.mulf %sub3A_2300, %sub3A_2302 : vector<16xf32>
      %swap3A_2305 = arith.constant 32 : index
      %swap3A_2306 = tpu.vector_load %arg26[%swap3A_2305] {strides = array<i32>} : memref<144xf32, #tpu.memory_space<vmem>>, vector<16xf32>,
      %swap3A_2307 = vector.shape_cast %swap3A_2306 : vector<16xf32> to vector<16xf32>
      %swap3A_2308 = vector.shape_cast %mul3A_2304 : vector<16xf32> to vector<16xf32>
      tpu.vector_store %arg26[%swap3A_2305], %swap3A_2308 {strides = array<i32>} : memref<144xf32, #tpu.memory_space<vmem>>, vector<16xf32>,
      %mul3A_2309 = arith.mulf %sub3A_2300, %sub3A_2303 : vector<16xf32>
      %swap3A_2310 = arith.constant 32 : index
      %swap3A_2311 = tpu.vector_load %arg27[%swap3A_2310] {strides = array<i32>} : memref<144xf32, #tpu.memory_space<vmem>>, vector<16xf32>,
      %swap3A_2312 = vector.shape_cast %swap3A_2311 : vector<16xf32> to vector<16xf32>
      %swap3A_2313 = vector.shape_cast %mul3A_2309 : vector<16xf32> to vector<16xf32>
      tpu.vector_store %arg27[%swap3A_2310], %swap3A_2313 {strides = array<i32>} : memref<144xf32, #tpu.memory_space<vmem>>, vector<16xf32>,
      %mul3A_2314 = arith.mulf %sub3A_2301, %sub3A_2302 : vector<16xf32>
      %swap3A_2315 = arith.constant 32 : index
      %swap3A_2316 = tpu.vector_load %arg28[%swap3A_2315] {strides = array<i32>} : memref<144xf32, #tpu.memory_space<vmem>>, vector<16xf32>,
      %swap3A_2317 = vector.shape_cast %swap3A_2316 : vector<16xf32> to vector<16xf32>
      %swap3A_2318 = vector.shape_cast %mul3A_2314 : vector<16xf32> to vector<16xf32>
      tpu.vector_store %arg28[%swap3A_2315], %swap3A_2318 {strides = array<i32>} : memref<144xf32, #tpu.memory_space<vmem>>, vector<16xf32>,
      %mul3A_2319 = arith.mulf %sub3A_2301, %sub3A_2303 : vector<16xf32>
      %swap3A_2320 = arith.constant 32 : index
      %swap3A_2321 = tpu.vector_load %arg29[%swap3A_2320] {strides = array<i32>} : memref<144xf32, #tpu.memory_space<vmem>>, vector<16xf32>,
      %swap3A_2322 = vector.shape_cast %swap3A_2321 : vector<16xf32> to vector<16xf32>
      %swap3A_2323 = vector.shape_cast %mul3A_2319 : vector<16xf32> to vector<16xf32>
      tpu.vector_store %arg29[%swap3A_2320], %swap3A_2323 {strides = array<i32>} : memref<144xf32, #tpu.memory_space<vmem>>, vector<16xf32>,
      %get3A_2324 = arith.constant 48 : index
      %get3A_2325 = tpu.vector_load %arg6[%get3A_2324] {strides = array<i32>} : memref<128xf32, #tpu.memory_space<vmem>>, vector<16xf32>,
      %get3A_2326 = vector.shape_cast %get3A_2325 : vector<16xf32> to vector<16xf32>
      %get3A_2327 = arith.constant 48 : index
      %get3A_2328 = tpu.vector_load %arg8[%get3A_2327] {strides = array<i32>} : memref<128xf32, #tpu.memory_space<vmem>>, vector<16xf32>,
      %get3A_2329 = vector.shape_cast %get3A_2328 : vector<16xf32> to vector<16xf32>
      %add3A_2330 = arith.constant 1.000000e+00 : f32
      %add3A_2331 = vector.broadcast %add3A_2330 : f32 to vector<16xf32>
      %add3A_2332 = arith.addf %get3A_2326, %add3A_2331 : vector<16xf32>
      %mul3A_2333 = arith.constant 5.110000e+02 : f32
      %mul3A_2334 = vector.broadcast %mul3A_2333 : f32 to vector<16xf32>
      %mul3A_2335 = arith.mulf %add3A_2332, %mul3A_2334 : vector<16xf32>
      %mul3A_2336 = arith.constant 5.000000e-01 : f32
      %mul3A_2337 = vector.broadcast %mul3A_2336 : f32 to vector<16xf32>
      %mul3A_2338 = arith.mulf %mul3A_2337, %mul3A_2335 : vector<16xf32>
      %add3A_2339 = arith.constant 1.000000e+00 : f32
      %add3A_2340 = vector.broadcast %add3A_2339 : f32 to vector<16xf32>
      %add3A_2341 = arith.addf %get3A_2329, %add3A_2340 : vector<16xf32>
      %mul3A_2342 = arith.constant 5.110000e+02 : f32
      %mul3A_2343 = vector.broadcast %mul3A_2342 : f32 to vector<16xf32>
      %mul3A_2344 = arith.mulf %add3A_2341, %mul3A_2343 : vector<16xf32>
      %mul3A_2345 = arith.constant 5.000000e-01 : f32
      %mul3A_2346 = vector.broadcast %mul3A_2345 : f32 to vector<16xf32>
      %mul3A_2347 = arith.mulf %mul3A_2346, %mul3A_2344 : vector<16xf32>
      %convert_element_type3A_2348 = arith.fptosi %mul3A_2338 : vector<16xf32> to vector<16xi32>
      %convert_element_type3A_2349 = arith.fptosi %mul3A_2347 : vector<16xf32> to vector<16xi32>
      %add3A_2350 = arith.constant 1 : i32
      %add3A_2351 = vector.broadcast %add3A_2350 : i32 to vector<16xi32>
      %add3A_2352 = arith.addi %convert_element_type3A_2348, %add3A_2351 : vector<16xi32>
      %min3A_2353 = arith.constant 511 : i32
      %min3A_2354 = vector.broadcast %min3A_2353 : i32 to vector<16xi32>
      %min3A_2355 = arith.minsi %add3A_2352, %min3A_2354 : vector<16xi32>
      %add3A_2356 = arith.constant 1 : i32
      %add3A_2357 = vector.broadcast %add3A_2356 : i32 to vector<16xi32>
      %add3A_2358 = arith.addi %convert_element_type3A_2349, %add3A_2357 : vector<16xi32>
      %min3A_2359 = arith.constant 511 : i32
      %min3A_2360 = vector.broadcast %min3A_2359 : i32 to vector<16xi32>
      %min3A_2361 = arith.minsi %add3A_2358, %min3A_2360 : vector<16xi32>
      %convert_element_type3A_2362 = arith.sitofp %convert_element_type3A_2348 : vector<16xi32> to vector<16xf32>
      %convert_element_type3A_2363 = arith.sitofp %convert_element_type3A_2349 : vector<16xi32> to vector<16xf32>
      %convert_element_type3A_2364 = arith.sitofp %min3A_2355 : vector<16xi32> to vector<16xf32>
      %convert_element_type3A_2365 = arith.sitofp %min3A_2361 : vector<16xi32> to vector<16xf32>
      %add3A_2366 = arith.constant 48 : i32
      %add3A_2367 = arith.addi %add3A_2008, %add3A_2366 : i32
      %add3A_2368 = vector.broadcast %add3A_2367 : i32 to vector<16xi32>
      %add3A_2369 = arith.addi %add3A_2368, %iota3A : vector<16xi32>
      %shift_right_arithmetic3A_2370 = arith.constant 18 : i32
      %shift_right_arithmetic3A_2371 = vector.broadcast %shift_right_arithmetic3A_2370 : i32 to vector<16xi32>
      %shift_right_arithmetic3A_2372 = arith.shrsi %add3A_2369, %shift_right_arithmetic3A_2371 : vector<16xi32>
      %shift_left3A_2373 = arith.constant 18 : i32
      %shift_left3A_2374 = vector.broadcast %shift_left3A_2373 : i32 to vector<16xi32>
      %shift_left3A_2375 = arith.shli %shift_right_arithmetic3A_2372, %shift_left3A_2374 : vector<16xi32>
      %shift_left3A_2376 = arith.constant 9 : i32
      %shift_left3A_2377 = vector.broadcast %shift_left3A_2376 : i32 to vector<16xi32>
      %shift_left3A_2378 = arith.shli %convert_element_type3A_2349, %shift_left3A_2377 : vector<16xi32>
      %add3A_2379 = arith.addi %shift_left3A_2375, %shift_left3A_2378 : vector<16xi32>
      %add3A_2380 = arith.addi %add3A_2379, %convert_element_type3A_2348 : vector<16xi32>
      %shift_left3A_2381 = arith.constant 9 : i32
      %shift_left3A_2382 = vector.broadcast %shift_left3A_2381 : i32 to vector<16xi32>
      %shift_left3A_2383 = arith.shli %min3A_2361, %shift_left3A_2382 : vector<16xi32>
      %add3A_2384 = arith.addi %shift_left3A_2375, %shift_left3A_2383 : vector<16xi32>
      %add3A_2385 = arith.addi %add3A_2384, %convert_element_type3A_2348 : vector<16xi32>
      %sub3A_2386 = arith.subi %min3A_2355, %convert_element_type3A_2348 : vector<16xi32>
      %swap3A_2387 = arith.constant 48 : index
      %swap3A_2388 = tpu.vector_load %arg18[%swap3A_2387] {strides = array<i32>} : memref<128xi32, #tpu.memory_space<vmem>>, vector<16xi32>,
      %swap3A_2389 = vector.shape_cast %swap3A_2388 : vector<16xi32> to vector<16xi32>
      %swap3A_2390 = vector.shape_cast %add3A_2380 : vector<16xi32> to vector<16xi32>
      tpu.vector_store %arg18[%swap3A_2387], %swap3A_2390 {strides = array<i32>} : memref<128xi32, #tpu.memory_space<vmem>>, vector<16xi32>,
      %swap3A_2391 = arith.constant 48 : index
      %swap3A_2392 = tpu.vector_load %arg19[%swap3A_2391] {strides = array<i32>} : memref<128xi32, #tpu.memory_space<vmem>>, vector<16xi32>,
      %swap3A_2393 = vector.shape_cast %swap3A_2392 : vector<16xi32> to vector<16xi32>
      %swap3A_2394 = vector.shape_cast %add3A_2385 : vector<16xi32> to vector<16xi32>
      tpu.vector_store %arg19[%swap3A_2391], %swap3A_2394 {strides = array<i32>} : memref<128xi32, #tpu.memory_space<vmem>>, vector<16xi32>,
      %add3A_2395 = arith.addi %add3A_2380, %sub3A_2386 : vector<16xi32>
      %swap3A_2396 = arith.constant 48 : index
      %swap3A_2397 = tpu.vector_load %arg20[%swap3A_2396] {strides = array<i32>} : memref<128xi32, #tpu.memory_space<vmem>>, vector<16xi32>,
      %swap3A_2398 = vector.shape_cast %swap3A_2397 : vector<16xi32> to vector<16xi32>
      %swap3A_2399 = vector.shape_cast %add3A_2395 : vector<16xi32> to vector<16xi32>
      tpu.vector_store %arg20[%swap3A_2396], %swap3A_2399 {strides = array<i32>} : memref<128xi32, #tpu.memory_space<vmem>>, vector<16xi32>,
      %add3A_2400 = arith.addi %add3A_2385, %sub3A_2386 : vector<16xi32>
      %swap3A_2401 = arith.constant 48 : index
      %swap3A_2402 = tpu.vector_load %arg21[%swap3A_2401] {strides = array<i32>} : memref<128xi32, #tpu.memory_space<vmem>>, vector<16xi32>,
      %swap3A_2403 = vector.shape_cast %swap3A_2402 : vector<16xi32> to vector<16xi32>
      %swap3A_2404 = vector.shape_cast %add3A_2400 : vector<16xi32> to vector<16xi32>
      tpu.vector_store %arg21[%swap3A_2401], %swap3A_2404 {strides = array<i32>} : memref<128xi32, #tpu.memory_space<vmem>>, vector<16xi32>,
      %sub3A_2405 = arith.subf %convert_element_type3A_2364, %mul3A_2338 : vector<16xf32>
      %sub3A_2406 = arith.subf %mul3A_2338, %convert_element_type3A_2362 : vector<16xf32>
      %sub3A_2407 = arith.subf %convert_element_type3A_2365, %mul3A_2347 : vector<16xf32>
      %sub3A_2408 = arith.subf %mul3A_2347, %convert_element_type3A_2363 : vector<16xf32>
      %mul3A_2409 = arith.mulf %sub3A_2405, %sub3A_2407 : vector<16xf32>
      %swap3A_2410 = arith.constant 48 : index
      %swap3A_2411 = tpu.vector_load %arg26[%swap3A_2410] {strides = array<i32>} : memref<144xf32, #tpu.memory_space<vmem>>, vector<16xf32>,
      %swap3A_2412 = vector.shape_cast %swap3A_2411 : vector<16xf32> to vector<16xf32>
      %swap3A_2413 = vector.shape_cast %mul3A_2409 : vector<16xf32> to vector<16xf32>
      tpu.vector_store %arg26[%swap3A_2410], %swap3A_2413 {strides = array<i32>} : memref<144xf32, #tpu.memory_space<vmem>>, vector<16xf32>,
      %mul3A_2414 = arith.mulf %sub3A_2405, %sub3A_2408 : vector<16xf32>
      %swap3A_2415 = arith.constant 48 : index
      %swap3A_2416 = tpu.vector_load %arg27[%swap3A_2415] {strides = array<i32>} : memref<144xf32, #tpu.memory_space<vmem>>, vector<16xf32>,
      %swap3A_2417 = vector.shape_cast %swap3A_2416 : vector<16xf32> to vector<16xf32>
      %swap3A_2418 = vector.shape_cast %mul3A_2414 : vector<16xf32> to vector<16xf32>
      tpu.vector_store %arg27[%swap3A_2415], %swap3A_2418 {strides = array<i32>} : memref<144xf32, #tpu.memory_space<vmem>>, vector<16xf32>,
      %mul3A_2419 = arith.mulf %sub3A_2406, %sub3A_2407 : vector<16xf32>
      %swap3A_2420 = arith.constant 48 : index
      %swap3A_2421 = tpu.vector_load %arg28[%swap3A_2420] {strides = array<i32>} : memref<144xf32, #tpu.memory_space<vmem>>, vector<16xf32>,
      %swap3A_2422 = vector.shape_cast %swap3A_2421 : vector<16xf32> to vector<16xf32>
      %swap3A_2423 = vector.shape_cast %mul3A_2419 : vector<16xf32> to vector<16xf32>
      tpu.vector_store %arg28[%swap3A_2420], %swap3A_2423 {strides = array<i32>} : memref<144xf32, #tpu.memory_space<vmem>>, vector<16xf32>,
      %mul3A_2424 = arith.mulf %sub3A_2406, %sub3A_2408 : vector<16xf32>
      %swap3A_2425 = arith.constant 48 : index
      %swap3A_2426 = tpu.vector_load %arg29[%swap3A_2425] {strides = array<i32>} : memref<144xf32, #tpu.memory_space<vmem>>, vector<16xf32>,
      %swap3A_2427 = vector.shape_cast %swap3A_2426 : vector<16xf32> to vector<16xf32>
      %swap3A_2428 = vector.shape_cast %mul3A_2424 : vector<16xf32> to vector<16xf32>
      tpu.vector_store %arg29[%swap3A_2425], %swap3A_2428 {strides = array<i32>} : memref<144xf32, #tpu.memory_space<vmem>>, vector<16xf32>,
      %get3A_2429 = arith.constant 64 : index
      %get3A_2430 = tpu.vector_load %arg6[%get3A_2429] {strides = array<i32>} : memref<128xf32, #tpu.memory_space<vmem>>, vector<16xf32>,
      %get3A_2431 = vector.shape_cast %get3A_2430 : vector<16xf32> to vector<16xf32>
      %get3A_2432 = arith.constant 64 : index
      %get3A_2433 = tpu.vector_load %arg8[%get3A_2432] {strides = array<i32>} : memref<128xf32, #tpu.memory_space<vmem>>, vector<16xf32>,
      %get3A_2434 = vector.shape_cast %get3A_2433 : vector<16xf32> to vector<16xf32>
      %add3A_2435 = arith.constant 1.000000e+00 : f32
      %add3A_2436 = vector.broadcast %add3A_2435 : f32 to vector<16xf32>
      %add3A_2437 = arith.addf %get3A_2431, %add3A_2436 : vector<16xf32>
      %mul3A_2438 = arith.constant 5.110000e+02 : f32
      %mul3A_2439 = vector.broadcast %mul3A_2438 : f32 to vector<16xf32>
      %mul3A_2440 = arith.mulf %add3A_2437, %mul3A_2439 : vector<16xf32>
      %mul3A_2441 = arith.constant 5.000000e-01 : f32
      %mul3A_2442 = vector.broadcast %mul3A_2441 : f32 to vector<16xf32>
      %mul3A_2443 = arith.mulf %mul3A_2442, %mul3A_2440 : vector<16xf32>
      %add3A_2444 = arith.constant 1.000000e+00 : f32
      %add3A_2445 = vector.broadcast %add3A_2444 : f32 to vector<16xf32>
      %add3A_2446 = arith.addf %get3A_2434, %add3A_2445 : vector<16xf32>
      %mul3A_2447 = arith.constant 5.110000e+02 : f32
      %mul3A_2448 = vector.broadcast %mul3A_2447 : f32 to vector<16xf32>
      %mul3A_2449 = arith.mulf %add3A_2446, %mul3A_2448 : vector<16xf32>
      %mul3A_2450 = arith.constant 5.000000e-01 : f32
      %mul3A_2451 = vector.broadcast %mul3A_2450 : f32 to vector<16xf32>
      %mul3A_2452 = arith.mulf %mul3A_2451, %mul3A_2449 : vector<16xf32>
      %convert_element_type3A_2453 = arith.fptosi %mul3A_2443 : vector<16xf32> to vector<16xi32>
      %convert_element_type3A_2454 = arith.fptosi %mul3A_2452 : vector<16xf32> to vector<16xi32>
      %add3A_2455 = arith.constant 1 : i32
      %add3A_2456 = vector.broadcast %add3A_2455 : i32 to vector<16xi32>
      %add3A_2457 = arith.addi %convert_element_type3A_2453, %add3A_2456 : vector<16xi32>
      %min3A_2458 = arith.constant 511 : i32
      %min3A_2459 = vector.broadcast %min3A_2458 : i32 to vector<16xi32>
      %min3A_2460 = arith.minsi %add3A_2457, %min3A_2459 : vector<16xi32>
      %add3A_2461 = arith.constant 1 : i32
      %add3A_2462 = vector.broadcast %add3A_2461 : i32 to vector<16xi32>
      %add3A_2463 = arith.addi %convert_element_type3A_2454, %add3A_2462 : vector<16xi32>
      %min3A_2464 = arith.constant 511 : i32
      %min3A_2465 = vector.broadcast %min3A_2464 : i32 to vector<16xi32>
      %min3A_2466 = arith.minsi %add3A_2463, %min3A_2465 : vector<16xi32>
      %convert_element_type3A_2467 = arith.sitofp %convert_element_type3A_2453 : vector<16xi32> to vector<16xf32>
      %convert_element_type3A_2468 = arith.sitofp %convert_element_type3A_2454 : vector<16xi32> to vector<16xf32>
      %convert_element_type3A_2469 = arith.sitofp %min3A_2460 : vector<16xi32> to vector<16xf32>
      %convert_element_type3A_2470 = arith.sitofp %min3A_2466 : vector<16xi32> to vector<16xf32>
      %add3A_2471 = arith.constant 64 : i32
      %add3A_2472 = arith.addi %add3A_2008, %add3A_2471 : i32
      %add3A_2473 = vector.broadcast %add3A_2472 : i32 to vector<16xi32>
      %add3A_2474 = arith.addi %add3A_2473, %iota3A : vector<16xi32>
      %shift_right_arithmetic3A_2475 = arith.constant 18 : i32
      %shift_right_arithmetic3A_2476 = vector.broadcast %shift_right_arithmetic3A_2475 : i32 to vector<16xi32>
      %shift_right_arithmetic3A_2477 = arith.shrsi %add3A_2474, %shift_right_arithmetic3A_2476 : vector<16xi32>
      %shift_left3A_2478 = arith.constant 18 : i32
      %shift_left3A_2479 = vector.broadcast %shift_left3A_2478 : i32 to vector<16xi32>
      %shift_left3A_2480 = arith.shli %shift_right_arithmetic3A_2477, %shift_left3A_2479 : vector<16xi32>
      %shift_left3A_2481 = arith.constant 9 : i32
      %shift_left3A_2482 = vector.broadcast %shift_left3A_2481 : i32 to vector<16xi32>
      %shift_left3A_2483 = arith.shli %convert_element_type3A_2454, %shift_left3A_2482 : vector<16xi32>
      %add3A_2484 = arith.addi %shift_left3A_2480, %shift_left3A_2483 : vector<16xi32>
      %add3A_2485 = arith.addi %add3A_2484, %convert_element_type3A_2453 : vector<16xi32>
      %shift_left3A_2486 = arith.constant 9 : i32
      %shift_left3A_2487 = vector.broadcast %shift_left3A_2486 : i32 to vector<16xi32>
      %shift_left3A_2488 = arith.shli %min3A_2466, %shift_left3A_2487 : vector<16xi32>
      %add3A_2489 = arith.addi %shift_left3A_2480, %shift_left3A_2488 : vector<16xi32>
      %add3A_2490 = arith.addi %add3A_2489, %convert_element_type3A_2453 : vector<16xi32>
      %sub3A_2491 = arith.subi %min3A_2460, %convert_element_type3A_2453 : vector<16xi32>
      %swap3A_2492 = arith.constant 64 : index
      %swap3A_2493 = tpu.vector_load %arg18[%swap3A_2492] {strides = array<i32>} : memref<128xi32, #tpu.memory_space<vmem>>, vector<16xi32>,
      %swap3A_2494 = vector.shape_cast %swap3A_2493 : vector<16xi32> to vector<16xi32>
      %swap3A_2495 = vector.shape_cast %add3A_2485 : vector<16xi32> to vector<16xi32>
      tpu.vector_store %arg18[%swap3A_2492], %swap3A_2495 {strides = array<i32>} : memref<128xi32, #tpu.memory_space<vmem>>, vector<16xi32>,
      %swap3A_2496 = arith.constant 64 : index
      %swap3A_2497 = tpu.vector_load %arg19[%swap3A_2496] {strides = array<i32>} : memref<128xi32, #tpu.memory_space<vmem>>, vector<16xi32>,
      %swap3A_2498 = vector.shape_cast %swap3A_2497 : vector<16xi32> to vector<16xi32>
      %swap3A_2499 = vector.shape_cast %add3A_2490 : vector<16xi32> to vector<16xi32>
      tpu.vector_store %arg19[%swap3A_2496], %swap3A_2499 {strides = array<i32>} : memref<128xi32, #tpu.memory_space<vmem>>, vector<16xi32>,
      %add3A_2500 = arith.addi %add3A_2485, %sub3A_2491 : vector<16xi32>
      %swap3A_2501 = arith.constant 64 : index
      %swap3A_2502 = tpu.vector_load %arg20[%swap3A_2501] {strides = array<i32>} : memref<128xi32, #tpu.memory_space<vmem>>, vector<16xi32>,
      %swap3A_2503 = vector.shape_cast %swap3A_2502 : vector<16xi32> to vector<16xi32>
      %swap3A_2504 = vector.shape_cast %add3A_2500 : vector<16xi32> to vector<16xi32>
      tpu.vector_store %arg20[%swap3A_2501], %swap3A_2504 {strides = array<i32>} : memref<128xi32, #tpu.memory_space<vmem>>, vector<16xi32>,
      %add3A_2505 = arith.addi %add3A_2490, %sub3A_2491 : vector<16xi32>
      %swap3A_2506 = arith.constant 64 : index
      %swap3A_2507 = tpu.vector_load %arg21[%swap3A_2506] {strides = array<i32>} : memref<128xi32, #tpu.memory_space<vmem>>, vector<16xi32>,
      %swap3A_2508 = vector.shape_cast %swap3A_2507 : vector<16xi32> to vector<16xi32>
      %swap3A_2509 = vector.shape_cast %add3A_2505 : vector<16xi32> to vector<16xi32>
      tpu.vector_store %arg21[%swap3A_2506], %swap3A_2509 {strides = array<i32>} : memref<128xi32, #tpu.memory_space<vmem>>, vector<16xi32>,
      %sub3A_2510 = arith.subf %convert_element_type3A_2469, %mul3A_2443 : vector<16xf32>
      %sub3A_2511 = arith.subf %mul3A_2443, %convert_element_type3A_2467 : vector<16xf32>
      %sub3A_2512 = arith.subf %convert_element_type3A_2470, %mul3A_2452 : vector<16xf32>
      %sub3A_2513 = arith.subf %mul3A_2452, %convert_element_type3A_2468 : vector<16xf32>
      %mul3A_2514 = arith.mulf %sub3A_2510, %sub3A_2512 : vector<16xf32>
      %swap3A_2515 = arith.constant 64 : index
      %swap3A_2516 = tpu.vector_load %arg26[%swap3A_2515] {strides = array<i32>} : memref<144xf32, #tpu.memory_space<vmem>>, vector<16xf32>,
      %swap3A_2517 = vector.shape_cast %swap3A_2516 : vector<16xf32> to vector<16xf32>
      %swap3A_2518 = vector.shape_cast %mul3A_2514 : vector<16xf32> to vector<16xf32>
      tpu.vector_store %arg26[%swap3A_2515], %swap3A_2518 {strides = array<i32>} : memref<144xf32, #tpu.memory_space<vmem>>, vector<16xf32>,
      %mul3A_2519 = arith.mulf %sub3A_2510, %sub3A_2513 : vector<16xf32>
      %swap3A_2520 = arith.constant 64 : index
      %swap3A_2521 = tpu.vector_load %arg27[%swap3A_2520] {strides = array<i32>} : memref<144xf32, #tpu.memory_space<vmem>>, vector<16xf32>,
      %swap3A_2522 = vector.shape_cast %swap3A_2521 : vector<16xf32> to vector<16xf32>
      %swap3A_2523 = vector.shape_cast %mul3A_2519 : vector<16xf32> to vector<16xf32>
      tpu.vector_store %arg27[%swap3A_2520], %swap3A_2523 {strides = array<i32>} : memref<144xf32, #tpu.memory_space<vmem>>, vector<16xf32>,
      %mul3A_2524 = arith.mulf %sub3A_2511, %sub3A_2512 : vector<16xf32>
      %swap3A_2525 = arith.constant 64 : index
      %swap3A_2526 = tpu.vector_load %arg28[%swap3A_2525] {strides = array<i32>} : memref<144xf32, #tpu.memory_space<vmem>>, vector<16xf32>,
      %swap3A_2527 = vector.shape_cast %swap3A_2526 : vector<16xf32> to vector<16xf32>
      %swap3A_2528 = vector.shape_cast %mul3A_2524 : vector<16xf32> to vector<16xf32>
      tpu.vector_store %arg28[%swap3A_2525], %swap3A_2528 {strides = array<i32>} : memref<144xf32, #tpu.memory_space<vmem>>, vector<16xf32>,
      %mul3A_2529 = arith.mulf %sub3A_2511, %sub3A_2513 : vector<16xf32>
      %swap3A_2530 = arith.constant 64 : index
      %swap3A_2531 = tpu.vector_load %arg29[%swap3A_2530] {strides = array<i32>} : memref<144xf32, #tpu.memory_space<vmem>>, vector<16xf32>,
      %swap3A_2532 = vector.shape_cast %swap3A_2531 : vector<16xf32> to vector<16xf32>
      %swap3A_2533 = vector.shape_cast %mul3A_2529 : vector<16xf32> to vector<16xf32>
      tpu.vector_store %arg29[%swap3A_2530], %swap3A_2533 {strides = array<i32>} : memref<144xf32, #tpu.memory_space<vmem>>, vector<16xf32>,
      %get3A_2534 = arith.constant 80 : index
      %get3A_2535 = tpu.vector_load %arg6[%get3A_2534] {strides = array<i32>} : memref<128xf32, #tpu.memory_space<vmem>>, vector<16xf32>,
      %get3A_2536 = vector.shape_cast %get3A_2535 : vector<16xf32> to vector<16xf32>
      %get3A_2537 = arith.constant 80 : index
      %get3A_2538 = tpu.vector_load %arg8[%get3A_2537] {strides = array<i32>} : memref<128xf32, #tpu.memory_space<vmem>>, vector<16xf32>,
      %get3A_2539 = vector.shape_cast %get3A_2538 : vector<16xf32> to vector<16xf32>
      %add3A_2540 = arith.constant 1.000000e+00 : f32
      %add3A_2541 = vector.broadcast %add3A_2540 : f32 to vector<16xf32>
      %add3A_2542 = arith.addf %get3A_2536, %add3A_2541 : vector<16xf32>
      %mul3A_2543 = arith.constant 5.110000e+02 : f32
      %mul3A_2544 = vector.broadcast %mul3A_2543 : f32 to vector<16xf32>
      %mul3A_2545 = arith.mulf %add3A_2542, %mul3A_2544 : vector<16xf32>
      %mul3A_2546 = arith.constant 5.000000e-01 : f32
      %mul3A_2547 = vector.broadcast %mul3A_2546 : f32 to vector<16xf32>
      %mul3A_2548 = arith.mulf %mul3A_2547, %mul3A_2545 : vector<16xf32>
      %add3A_2549 = arith.constant 1.000000e+00 : f32
      %add3A_2550 = vector.broadcast %add3A_2549 : f32 to vector<16xf32>
      %add3A_2551 = arith.addf %get3A_2539, %add3A_2550 : vector<16xf32>
      %mul3A_2552 = arith.constant 5.110000e+02 : f32
      %mul3A_2553 = vector.broadcast %mul3A_2552 : f32 to vector<16xf32>
      %mul3A_2554 = arith.mulf %add3A_2551, %mul3A_2553 : vector<16xf32>
      %mul3A_2555 = arith.constant 5.000000e-01 : f32
      %mul3A_2556 = vector.broadcast %mul3A_2555 : f32 to vector<16xf32>
      %mul3A_2557 = arith.mulf %mul3A_2556, %mul3A_2554 : vector<16xf32>
      %convert_element_type3A_2558 = arith.fptosi %mul3A_2548 : vector<16xf32> to vector<16xi32>
      %convert_element_type3A_2559 = arith.fptosi %mul3A_2557 : vector<16xf32> to vector<16xi32>
      %add3A_2560 = arith.constant 1 : i32
      %add3A_2561 = vector.broadcast %add3A_2560 : i32 to vector<16xi32>
      %add3A_2562 = arith.addi %convert_element_type3A_2558, %add3A_2561 : vector<16xi32>
      %min3A_2563 = arith.constant 511 : i32
      %min3A_2564 = vector.broadcast %min3A_2563 : i32 to vector<16xi32>
      %min3A_2565 = arith.minsi %add3A_2562, %min3A_2564 : vector<16xi32>
      %add3A_2566 = arith.constant 1 : i32
      %add3A_2567 = vector.broadcast %add3A_2566 : i32 to vector<16xi32>
      %add3A_2568 = arith.addi %convert_element_type3A_2559, %add3A_2567 : vector<16xi32>
      %min3A_2569 = arith.constant 511 : i32
      %min3A_2570 = vector.broadcast %min3A_2569 : i32 to vector<16xi32>
      %min3A_2571 = arith.minsi %add3A_2568, %min3A_2570 : vector<16xi32>
      %convert_element_type3A_2572 = arith.sitofp %convert_element_type3A_2558 : vector<16xi32> to vector<16xf32>
      %convert_element_type3A_2573 = arith.sitofp %convert_element_type3A_2559 : vector<16xi32> to vector<16xf32>
      %convert_element_type3A_2574 = arith.sitofp %min3A_2565 : vector<16xi32> to vector<16xf32>
      %convert_element_type3A_2575 = arith.sitofp %min3A_2571 : vector<16xi32> to vector<16xf32>
      %add3A_2576 = arith.constant 80 : i32
      %add3A_2577 = arith.addi %add3A_2008, %add3A_2576 : i32
      %add3A_2578 = vector.broadcast %add3A_2577 : i32 to vector<16xi32>
      %add3A_2579 = arith.addi %add3A_2578, %iota3A : vector<16xi32>
      %shift_right_arithmetic3A_2580 = arith.constant 18 : i32
      %shift_right_arithmetic3A_2581 = vector.broadcast %shift_right_arithmetic3A_2580 : i32 to vector<16xi32>
      %shift_right_arithmetic3A_2582 = arith.shrsi %add3A_2579, %shift_right_arithmetic3A_2581 : vector<16xi32>
      %shift_left3A_2583 = arith.constant 18 : i32
      %shift_left3A_2584 = vector.broadcast %shift_left3A_2583 : i32 to vector<16xi32>
      %shift_left3A_2585 = arith.shli %shift_right_arithmetic3A_2582, %shift_left3A_2584 : vector<16xi32>
      %shift_left3A_2586 = arith.constant 9 : i32
      %shift_left3A_2587 = vector.broadcast %shift_left3A_2586 : i32 to vector<16xi32>
      %shift_left3A_2588 = arith.shli %convert_element_type3A_2559, %shift_left3A_2587 : vector<16xi32>
      %add3A_2589 = arith.addi %shift_left3A_2585, %shift_left3A_2588 : vector<16xi32>
      %add3A_2590 = arith.addi %add3A_2589, %convert_element_type3A_2558 : vector<16xi32>
      %shift_left3A_2591 = arith.constant 9 : i32
      %shift_left3A_2592 = vector.broadcast %shift_left3A_2591 : i32 to vector<16xi32>
      %shift_left3A_2593 = arith.shli %min3A_2571, %shift_left3A_2592 : vector<16xi32>
      %add3A_2594 = arith.addi %shift_left3A_2585, %shift_left3A_2593 : vector<16xi32>
      %add3A_2595 = arith.addi %add3A_2594, %convert_element_type3A_2558 : vector<16xi32>
      %sub3A_2596 = arith.subi %min3A_2565, %convert_element_type3A_2558 : vector<16xi32>
      %swap3A_2597 = arith.constant 80 : index
      %swap3A_2598 = tpu.vector_load %arg18[%swap3A_2597] {strides = array<i32>} : memref<128xi32, #tpu.memory_space<vmem>>, vector<16xi32>,
      %swap3A_2599 = vector.shape_cast %swap3A_2598 : vector<16xi32> to vector<16xi32>
      %swap3A_2600 = vector.shape_cast %add3A_2590 : vector<16xi32> to vector<16xi32>
      tpu.vector_store %arg18[%swap3A_2597], %swap3A_2600 {strides = array<i32>} : memref<128xi32, #tpu.memory_space<vmem>>, vector<16xi32>,
      %swap3A_2601 = arith.constant 80 : index
      %swap3A_2602 = tpu.vector_load %arg19[%swap3A_2601] {strides = array<i32>} : memref<128xi32, #tpu.memory_space<vmem>>, vector<16xi32>,
      %swap3A_2603 = vector.shape_cast %swap3A_2602 : vector<16xi32> to vector<16xi32>
      %swap3A_2604 = vector.shape_cast %add3A_2595 : vector<16xi32> to vector<16xi32>
      tpu.vector_store %arg19[%swap3A_2601], %swap3A_2604 {strides = array<i32>} : memref<128xi32, #tpu.memory_space<vmem>>, vector<16xi32>,
      %add3A_2605 = arith.addi %add3A_2590, %sub3A_2596 : vector<16xi32>
      %swap3A_2606 = arith.constant 80 : index
      %swap3A_2607 = tpu.vector_load %arg20[%swap3A_2606] {strides = array<i32>} : memref<128xi32, #tpu.memory_space<vmem>>, vector<16xi32>,
      %swap3A_2608 = vector.shape_cast %swap3A_2607 : vector<16xi32> to vector<16xi32>
      %swap3A_2609 = vector.shape_cast %add3A_2605 : vector<16xi32> to vector<16xi32>
      tpu.vector_store %arg20[%swap3A_2606], %swap3A_2609 {strides = array<i32>} : memref<128xi32, #tpu.memory_space<vmem>>, vector<16xi32>,
      %add3A_2610 = arith.addi %add3A_2595, %sub3A_2596 : vector<16xi32>
      %swap3A_2611 = arith.constant 80 : index
      %swap3A_2612 = tpu.vector_load %arg21[%swap3A_2611] {strides = array<i32>} : memref<128xi32, #tpu.memory_space<vmem>>, vector<16xi32>,
      %swap3A_2613 = vector.shape_cast %swap3A_2612 : vector<16xi32> to vector<16xi32>
      %swap3A_2614 = vector.shape_cast %add3A_2610 : vector<16xi32> to vector<16xi32>
      tpu.vector_store %arg21[%swap3A_2611], %swap3A_2614 {strides = array<i32>} : memref<128xi32, #tpu.memory_space<vmem>>, vector<16xi32>,
      %sub3A_2615 = arith.subf %convert_element_type3A_2574, %mul3A_2548 : vector<16xf32>
      %sub3A_2616 = arith.subf %mul3A_2548, %convert_element_type3A_2572 : vector<16xf32>
      %sub3A_2617 = arith.subf %convert_element_type3A_2575, %mul3A_2557 : vector<16xf32>
      %sub3A_2618 = arith.subf %mul3A_2557, %convert_element_type3A_2573 : vector<16xf32>
      %mul3A_2619 = arith.mulf %sub3A_2615, %sub3A_2617 : vector<16xf32>
      %swap3A_2620 = arith.constant 80 : index
      %swap3A_2621 = tpu.vector_load %arg26[%swap3A_2620] {strides = array<i32>} : memref<144xf32, #tpu.memory_space<vmem>>, vector<16xf32>,
      %swap3A_2622 = vector.shape_cast %swap3A_2621 : vector<16xf32> to vector<16xf32>
      %swap3A_2623 = vector.shape_cast %mul3A_2619 : vector<16xf32> to vector<16xf32>
      tpu.vector_store %arg26[%swap3A_2620], %swap3A_2623 {strides = array<i32>} : memref<144xf32, #tpu.memory_space<vmem>>, vector<16xf32>,
      %mul3A_2624 = arith.mulf %sub3A_2615, %sub3A_2618 : vector<16xf32>
      %swap3A_2625 = arith.constant 80 : index
      %swap3A_2626 = tpu.vector_load %arg27[%swap3A_2625] {strides = array<i32>} : memref<144xf32, #tpu.memory_space<vmem>>, vector<16xf32>,
      %swap3A_2627 = vector.shape_cast %swap3A_2626 : vector<16xf32> to vector<16xf32>
      %swap3A_2628 = vector.shape_cast %mul3A_2624 : vector<16xf32> to vector<16xf32>
      tpu.vector_store %arg27[%swap3A_2625], %swap3A_2628 {strides = array<i32>} : memref<144xf32, #tpu.memory_space<vmem>>, vector<16xf32>,
      %mul3A_2629 = arith.mulf %sub3A_2616, %sub3A_2617 : vector<16xf32>
      %swap3A_2630 = arith.constant 80 : index
      %swap3A_2631 = tpu.vector_load %arg28[%swap3A_2630] {strides = array<i32>} : memref<144xf32, #tpu.memory_space<vmem>>, vector<16xf32>,
      %swap3A_2632 = vector.shape_cast %swap3A_2631 : vector<16xf32> to vector<16xf32>
      %swap3A_2633 = vector.shape_cast %mul3A_2629 : vector<16xf32> to vector<16xf32>
      tpu.vector_store %arg28[%swap3A_2630], %swap3A_2633 {strides = array<i32>} : memref<144xf32, #tpu.memory_space<vmem>>, vector<16xf32>,
      %mul3A_2634 = arith.mulf %sub3A_2616, %sub3A_2618 : vector<16xf32>
      %swap3A_2635 = arith.constant 80 : index
      %swap3A_2636 = tpu.vector_load %arg29[%swap3A_2635] {strides = array<i32>} : memref<144xf32, #tpu.memory_space<vmem>>, vector<16xf32>,
      %swap3A_2637 = vector.shape_cast %swap3A_2636 : vector<16xf32> to vector<16xf32>
      %swap3A_2638 = vector.shape_cast %mul3A_2634 : vector<16xf32> to vector<16xf32>
      tpu.vector_store %arg29[%swap3A_2635], %swap3A_2638 {strides = array<i32>} : memref<144xf32, #tpu.memory_space<vmem>>, vector<16xf32>,
      %get3A_2639 = arith.constant 96 : index
      %get3A_2640 = tpu.vector_load %arg6[%get3A_2639] {strides = array<i32>} : memref<128xf32, #tpu.memory_space<vmem>>, vector<16xf32>,
      %get3A_2641 = vector.shape_cast %get3A_2640 : vector<16xf32> to vector<16xf32>
      %get3A_2642 = arith.constant 96 : index
      %get3A_2643 = tpu.vector_load %arg8[%get3A_2642] {strides = array<i32>} : memref<128xf32, #tpu.memory_space<vmem>>, vector<16xf32>,
      %get3A_2644 = vector.shape_cast %get3A_2643 : vector<16xf32> to vector<16xf32>
      %add3A_2645 = arith.constant 1.000000e+00 : f32
      %add3A_2646 = vector.broadcast %add3A_2645 : f32 to vector<16xf32>
      %add3A_2647 = arith.addf %get3A_2641, %add3A_2646 : vector<16xf32>
      %mul3A_2648 = arith.constant 5.110000e+02 : f32
      %mul3A_2649 = vector.broadcast %mul3A_2648 : f32 to vector<16xf32>
      %mul3A_2650 = arith.mulf %add3A_2647, %mul3A_2649 : vector<16xf32>
      %mul3A_2651 = arith.constant 5.000000e-01 : f32
      %mul3A_2652 = vector.broadcast %mul3A_2651 : f32 to vector<16xf32>
      %mul3A_2653 = arith.mulf %mul3A_2652, %mul3A_2650 : vector<16xf32>
      %add3A_2654 = arith.constant 1.000000e+00 : f32
      %add3A_2655 = vector.broadcast %add3A_2654 : f32 to vector<16xf32>
      %add3A_2656 = arith.addf %get3A_2644, %add3A_2655 : vector<16xf32>
      %mul3A_2657 = arith.constant 5.110000e+02 : f32
      %mul3A_2658 = vector.broadcast %mul3A_2657 : f32 to vector<16xf32>
      %mul3A_2659 = arith.mulf %add3A_2656, %mul3A_2658 : vector<16xf32>
      %mul3A_2660 = arith.constant 5.000000e-01 : f32
      %mul3A_2661 = vector.broadcast %mul3A_2660 : f32 to vector<16xf32>
      %mul3A_2662 = arith.mulf %mul3A_2661, %mul3A_2659 : vector<16xf32>
      %convert_element_type3A_2663 = arith.fptosi %mul3A_2653 : vector<16xf32> to vector<16xi32>
      %convert_element_type3A_2664 = arith.fptosi %mul3A_2662 : vector<16xf32> to vector<16xi32>
      %add3A_2665 = arith.constant 1 : i32
      %add3A_2666 = vector.broadcast %add3A_2665 : i32 to vector<16xi32>
      %add3A_2667 = arith.addi %convert_element_type3A_2663, %add3A_2666 : vector<16xi32>
      %min3A_2668 = arith.constant 511 : i32
      %min3A_2669 = vector.broadcast %min3A_2668 : i32 to vector<16xi32>
      %min3A_2670 = arith.minsi %add3A_2667, %min3A_2669 : vector<16xi32>
      %add3A_2671 = arith.constant 1 : i32
      %add3A_2672 = vector.broadcast %add3A_2671 : i32 to vector<16xi32>
      %add3A_2673 = arith.addi %convert_element_type3A_2664, %add3A_2672 : vector<16xi32>
      %min3A_2674 = arith.constant 511 : i32
      %min3A_2675 = vector.broadcast %min3A_2674 : i32 to vector<16xi32>
      %min3A_2676 = arith.minsi %add3A_2673, %min3A_2675 : vector<16xi32>
      %convert_element_type3A_2677 = arith.sitofp %convert_element_type3A_2663 : vector<16xi32> to vector<16xf32>
      %convert_element_type3A_2678 = arith.sitofp %convert_element_type3A_2664 : vector<16xi32> to vector<16xf32>
      %convert_element_type3A_2679 = arith.sitofp %min3A_2670 : vector<16xi32> to vector<16xf32>
      %convert_element_type3A_2680 = arith.sitofp %min3A_2676 : vector<16xi32> to vector<16xf32>
      %add3A_2681 = arith.constant 96 : i32
      %add3A_2682 = arith.addi %add3A_2008, %add3A_2681 : i32
      %add3A_2683 = vector.broadcast %add3A_2682 : i32 to vector<16xi32>
      %add3A_2684 = arith.addi %add3A_2683, %iota3A : vector<16xi32>
      %shift_right_arithmetic3A_2685 = arith.constant 18 : i32
      %shift_right_arithmetic3A_2686 = vector.broadcast %shift_right_arithmetic3A_2685 : i32 to vector<16xi32>
      %shift_right_arithmetic3A_2687 = arith.shrsi %add3A_2684, %shift_right_arithmetic3A_2686 : vector<16xi32>
      %shift_left3A_2688 = arith.constant 18 : i32
      %shift_left3A_2689 = vector.broadcast %shift_left3A_2688 : i32 to vector<16xi32>
      %shift_left3A_2690 = arith.shli %shift_right_arithmetic3A_2687, %shift_left3A_2689 : vector<16xi32>
      %shift_left3A_2691 = arith.constant 9 : i32
      %shift_left3A_2692 = vector.broadcast %shift_left3A_2691 : i32 to vector<16xi32>
      %shift_left3A_2693 = arith.shli %convert_element_type3A_2664, %shift_left3A_2692 : vector<16xi32>
      %add3A_2694 = arith.addi %shift_left3A_2690, %shift_left3A_2693 : vector<16xi32>
      %add3A_2695 = arith.addi %add3A_2694, %convert_element_type3A_2663 : vector<16xi32>
      %shift_left3A_2696 = arith.constant 9 : i32
      %shift_left3A_2697 = vector.broadcast %shift_left3A_2696 : i32 to vector<16xi32>
      %shift_left3A_2698 = arith.shli %min3A_2676, %shift_left3A_2697 : vector<16xi32>
      %add3A_2699 = arith.addi %shift_left3A_2690, %shift_left3A_2698 : vector<16xi32>
      %add3A_2700 = arith.addi %add3A_2699, %convert_element_type3A_2663 : vector<16xi32>
      %sub3A_2701 = arith.subi %min3A_2670, %convert_element_type3A_2663 : vector<16xi32>
      %swap3A_2702 = arith.constant 96 : index
      %swap3A_2703 = tpu.vector_load %arg18[%swap3A_2702] {strides = array<i32>} : memref<128xi32, #tpu.memory_space<vmem>>, vector<16xi32>,
      %swap3A_2704 = vector.shape_cast %swap3A_2703 : vector<16xi32> to vector<16xi32>
      %swap3A_2705 = vector.shape_cast %add3A_2695 : vector<16xi32> to vector<16xi32>
      tpu.vector_store %arg18[%swap3A_2702], %swap3A_2705 {strides = array<i32>} : memref<128xi32, #tpu.memory_space<vmem>>, vector<16xi32>,
      %swap3A_2706 = arith.constant 96 : index
      %swap3A_2707 = tpu.vector_load %arg19[%swap3A_2706] {strides = array<i32>} : memref<128xi32, #tpu.memory_space<vmem>>, vector<16xi32>,
      %swap3A_2708 = vector.shape_cast %swap3A_2707 : vector<16xi32> to vector<16xi32>
      %swap3A_2709 = vector.shape_cast %add3A_2700 : vector<16xi32> to vector<16xi32>
      tpu.vector_store %arg19[%swap3A_2706], %swap3A_2709 {strides = array<i32>} : memref<128xi32, #tpu.memory_space<vmem>>, vector<16xi32>,
      %add3A_2710 = arith.addi %add3A_2695, %sub3A_2701 : vector<16xi32>
      %swap3A_2711 = arith.constant 96 : index
      %swap3A_2712 = tpu.vector_load %arg20[%swap3A_2711] {strides = array<i32>} : memref<128xi32, #tpu.memory_space<vmem>>, vector<16xi32>,
      %swap3A_2713 = vector.shape_cast %swap3A_2712 : vector<16xi32> to vector<16xi32>
      %swap3A_2714 = vector.shape_cast %add3A_2710 : vector<16xi32> to vector<16xi32>
      tpu.vector_store %arg20[%swap3A_2711], %swap3A_2714 {strides = array<i32>} : memref<128xi32, #tpu.memory_space<vmem>>, vector<16xi32>,
      %add3A_2715 = arith.addi %add3A_2700, %sub3A_2701 : vector<16xi32>
      %swap3A_2716 = arith.constant 96 : index
      %swap3A_2717 = tpu.vector_load %arg21[%swap3A_2716] {strides = array<i32>} : memref<128xi32, #tpu.memory_space<vmem>>, vector<16xi32>,
      %swap3A_2718 = vector.shape_cast %swap3A_2717 : vector<16xi32> to vector<16xi32>
      %swap3A_2719 = vector.shape_cast %add3A_2715 : vector<16xi32> to vector<16xi32>
      tpu.vector_store %arg21[%swap3A_2716], %swap3A_2719 {strides = array<i32>} : memref<128xi32, #tpu.memory_space<vmem>>, vector<16xi32>,
      %sub3A_2720 = arith.subf %convert_element_type3A_2679, %mul3A_2653 : vector<16xf32>
      %sub3A_2721 = arith.subf %mul3A_2653, %convert_element_type3A_2677 : vector<16xf32>
      %sub3A_2722 = arith.subf %convert_element_type3A_2680, %mul3A_2662 : vector<16xf32>
      %sub3A_2723 = arith.subf %mul3A_2662, %convert_element_type3A_2678 : vector<16xf32>
      %mul3A_2724 = arith.mulf %sub3A_2720, %sub3A_2722 : vector<16xf32>
      %swap3A_2725 = arith.constant 96 : index
      %swap3A_2726 = tpu.vector_load %arg26[%swap3A_2725] {strides = array<i32>} : memref<144xf32, #tpu.memory_space<vmem>>, vector<16xf32>,
      %swap3A_2727 = vector.shape_cast %swap3A_2726 : vector<16xf32> to vector<16xf32>
      %swap3A_2728 = vector.shape_cast %mul3A_2724 : vector<16xf32> to vector<16xf32>
      tpu.vector_store %arg26[%swap3A_2725], %swap3A_2728 {strides = array<i32>} : memref<144xf32, #tpu.memory_space<vmem>>, vector<16xf32>,
      %mul3A_2729 = arith.mulf %sub3A_2720, %sub3A_2723 : vector<16xf32>
      %swap3A_2730 = arith.constant 96 : index
      %swap3A_2731 = tpu.vector_load %arg27[%swap3A_2730] {strides = array<i32>} : memref<144xf32, #tpu.memory_space<vmem>>, vector<16xf32>,
      %swap3A_2732 = vector.shape_cast %swap3A_2731 : vector<16xf32> to vector<16xf32>
      %swap3A_2733 = vector.shape_cast %mul3A_2729 : vector<16xf32> to vector<16xf32>
      tpu.vector_store %arg27[%swap3A_2730], %swap3A_2733 {strides = array<i32>} : memref<144xf32, #tpu.memory_space<vmem>>, vector<16xf32>,
      %mul3A_2734 = arith.mulf %sub3A_2721, %sub3A_2722 : vector<16xf32>
      %swap3A_2735 = arith.constant 96 : index
      %swap3A_2736 = tpu.vector_load %arg28[%swap3A_2735] {strides = array<i32>} : memref<144xf32, #tpu.memory_space<vmem>>, vector<16xf32>,
      %swap3A_2737 = vector.shape_cast %swap3A_2736 : vector<16xf32> to vector<16xf32>
      %swap3A_2738 = vector.shape_cast %mul3A_2734 : vector<16xf32> to vector<16xf32>
      tpu.vector_store %arg28[%swap3A_2735], %swap3A_2738 {strides = array<i32>} : memref<144xf32, #tpu.memory_space<vmem>>, vector<16xf32>,
      %mul3A_2739 = arith.mulf %sub3A_2721, %sub3A_2723 : vector<16xf32>
      %swap3A_2740 = arith.constant 96 : index
      %swap3A_2741 = tpu.vector_load %arg29[%swap3A_2740] {strides = array<i32>} : memref<144xf32, #tpu.memory_space<vmem>>, vector<16xf32>,
      %swap3A_2742 = vector.shape_cast %swap3A_2741 : vector<16xf32> to vector<16xf32>
      %swap3A_2743 = vector.shape_cast %mul3A_2739 : vector<16xf32> to vector<16xf32>
      tpu.vector_store %arg29[%swap3A_2740], %swap3A_2743 {strides = array<i32>} : memref<144xf32, #tpu.memory_space<vmem>>, vector<16xf32>,
      %get3A_2744 = arith.constant 112 : index
      %get3A_2745 = tpu.vector_load %arg6[%get3A_2744] {strides = array<i32>} : memref<128xf32, #tpu.memory_space<vmem>>, vector<16xf32>,
      %get3A_2746 = vector.shape_cast %get3A_2745 : vector<16xf32> to vector<16xf32>
      %get3A_2747 = arith.constant 112 : index
      %get3A_2748 = tpu.vector_load %arg8[%get3A_2747] {strides = array<i32>} : memref<128xf32, #tpu.memory_space<vmem>>, vector<16xf32>,
      %get3A_2749 = vector.shape_cast %get3A_2748 : vector<16xf32> to vector<16xf32>
      %add3A_2750 = arith.constant 1.000000e+00 : f32
      %add3A_2751 = vector.broadcast %add3A_2750 : f32 to vector<16xf32>
      %add3A_2752 = arith.addf %get3A_2746, %add3A_2751 : vector<16xf32>
      %mul3A_2753 = arith.constant 5.110000e+02 : f32
      %mul3A_2754 = vector.broadcast %mul3A_2753 : f32 to vector<16xf32>
      %mul3A_2755 = arith.mulf %add3A_2752, %mul3A_2754 : vector<16xf32>
      %mul3A_2756 = arith.constant 5.000000e-01 : f32
      %mul3A_2757 = vector.broadcast %mul3A_2756 : f32 to vector<16xf32>
      %mul3A_2758 = arith.mulf %mul3A_2757, %mul3A_2755 : vector<16xf32>
      %add3A_2759 = arith.constant 1.000000e+00 : f32
      %add3A_2760 = vector.broadcast %add3A_2759 : f32 to vector<16xf32>
      %add3A_2761 = arith.addf %get3A_2749, %add3A_2760 : vector<16xf32>
      %mul3A_2762 = arith.constant 5.110000e+02 : f32
      %mul3A_2763 = vector.broadcast %mul3A_2762 : f32 to vector<16xf32>
      %mul3A_2764 = arith.mulf %add3A_2761, %mul3A_2763 : vector<16xf32>
      %mul3A_2765 = arith.constant 5.000000e-01 : f32
      %mul3A_2766 = vector.broadcast %mul3A_2765 : f32 to vector<16xf32>
      %mul3A_2767 = arith.mulf %mul3A_2766, %mul3A_2764 : vector<16xf32>
      %convert_element_type3A_2768 = arith.fptosi %mul3A_2758 : vector<16xf32> to vector<16xi32>
      %convert_element_type3A_2769 = arith.fptosi %mul3A_2767 : vector<16xf32> to vector<16xi32>
      %add3A_2770 = arith.constant 1 : i32
      %add3A_2771 = vector.broadcast %add3A_2770 : i32 to vector<16xi32>
      %add3A_2772 = arith.addi %convert_element_type3A_2768, %add3A_2771 : vector<16xi32>
      %min3A_2773 = arith.constant 511 : i32
      %min3A_2774 = vector.broadcast %min3A_2773 : i32 to vector<16xi32>
      %min3A_2775 = arith.minsi %add3A_2772, %min3A_2774 : vector<16xi32>
      %add3A_2776 = arith.constant 1 : i32
      %add3A_2777 = vector.broadcast %add3A_2776 : i32 to vector<16xi32>
      %add3A_2778 = arith.addi %convert_element_type3A_2769, %add3A_2777 : vector<16xi32>
      %min3A_2779 = arith.constant 511 : i32
      %min3A_2780 = vector.broadcast %min3A_2779 : i32 to vector<16xi32>
      %min3A_2781 = arith.minsi %add3A_2778, %min3A_2780 : vector<16xi32>
      %convert_element_type3A_2782 = arith.sitofp %convert_element_type3A_2768 : vector<16xi32> to vector<16xf32>
      %convert_element_type3A_2783 = arith.sitofp %convert_element_type3A_2769 : vector<16xi32> to vector<16xf32>
      %convert_element_type3A_2784 = arith.sitofp %min3A_2775 : vector<16xi32> to vector<16xf32>
      %convert_element_type3A_2785 = arith.sitofp %min3A_2781 : vector<16xi32> to vector<16xf32>
      %add3A_2786 = arith.constant 112 : i32
      %add3A_2787 = arith.addi %add3A_2008, %add3A_2786 : i32
      %add3A_2788 = vector.broadcast %add3A_2787 : i32 to vector<16xi32>
      %add3A_2789 = arith.addi %add3A_2788, %iota3A : vector<16xi32>
      %shift_right_arithmetic3A_2790 = arith.constant 18 : i32
      %shift_right_arithmetic3A_2791 = vector.broadcast %shift_right_arithmetic3A_2790 : i32 to vector<16xi32>
      %shift_right_arithmetic3A_2792 = arith.shrsi %add3A_2789, %shift_right_arithmetic3A_2791 : vector<16xi32>
      %shift_left3A_2793 = arith.constant 18 : i32
      %shift_left3A_2794 = vector.broadcast %shift_left3A_2793 : i32 to vector<16xi32>
      %shift_left3A_2795 = arith.shli %shift_right_arithmetic3A_2792, %shift_left3A_2794 : vector<16xi32>
      %shift_left3A_2796 = arith.constant 9 : i32
      %shift_left3A_2797 = vector.broadcast %shift_left3A_2796 : i32 to vector<16xi32>
      %shift_left3A_2798 = arith.shli %convert_element_type3A_2769, %shift_left3A_2797 : vector<16xi32>
      %add3A_2799 = arith.addi %shift_left3A_2795, %shift_left3A_2798 : vector<16xi32>
      %add3A_2800 = arith.addi %add3A_2799, %convert_element_type3A_2768 : vector<16xi32>
      %shift_left3A_2801 = arith.constant 9 : i32
      %shift_left3A_2802 = vector.broadcast %shift_left3A_2801 : i32 to vector<16xi32>
      %shift_left3A_2803 = arith.shli %min3A_2781, %shift_left3A_2802 : vector<16xi32>
      %add3A_2804 = arith.addi %shift_left3A_2795, %shift_left3A_2803 : vector<16xi32>
      %add3A_2805 = arith.addi %add3A_2804, %convert_element_type3A_2768 : vector<16xi32>
      %sub3A_2806 = arith.subi %min3A_2775, %convert_element_type3A_2768 : vector<16xi32>
      %swap3A_2807 = arith.constant 112 : index
      %swap3A_2808 = tpu.vector_load %arg18[%swap3A_2807] {strides = array<i32>} : memref<128xi32, #tpu.memory_space<vmem>>, vector<16xi32>,
      %swap3A_2809 = vector.shape_cast %swap3A_2808 : vector<16xi32> to vector<16xi32>
      %swap3A_2810 = vector.shape_cast %add3A_2800 : vector<16xi32> to vector<16xi32>
      tpu.vector_store %arg18[%swap3A_2807], %swap3A_2810 {strides = array<i32>} : memref<128xi32, #tpu.memory_space<vmem>>, vector<16xi32>,
      %swap3A_2811 = arith.constant 112 : index
      %swap3A_2812 = tpu.vector_load %arg19[%swap3A_2811] {strides = array<i32>} : memref<128xi32, #tpu.memory_space<vmem>>, vector<16xi32>,
      %swap3A_2813 = vector.shape_cast %swap3A_2812 : vector<16xi32> to vector<16xi32>
      %swap3A_2814 = vector.shape_cast %add3A_2805 : vector<16xi32> to vector<16xi32>
      tpu.vector_store %arg19[%swap3A_2811], %swap3A_2814 {strides = array<i32>} : memref<128xi32, #tpu.memory_space<vmem>>, vector<16xi32>,
      %add3A_2815 = arith.addi %add3A_2800, %sub3A_2806 : vector<16xi32>
      %swap3A_2816 = arith.constant 112 : index
      %swap3A_2817 = tpu.vector_load %arg20[%swap3A_2816] {strides = array<i32>} : memref<128xi32, #tpu.memory_space<vmem>>, vector<16xi32>,
      %swap3A_2818 = vector.shape_cast %swap3A_2817 : vector<16xi32> to vector<16xi32>
      %swap3A_2819 = vector.shape_cast %add3A_2815 : vector<16xi32> to vector<16xi32>
      tpu.vector_store %arg20[%swap3A_2816], %swap3A_2819 {strides = array<i32>} : memref<128xi32, #tpu.memory_space<vmem>>, vector<16xi32>,
      %add3A_2820 = arith.addi %add3A_2805, %sub3A_2806 : vector<16xi32>
      %swap3A_2821 = arith.constant 112 : index
      %swap3A_2822 = tpu.vector_load %arg21[%swap3A_2821] {strides = array<i32>} : memref<128xi32, #tpu.memory_space<vmem>>, vector<16xi32>,
      %swap3A_2823 = vector.shape_cast %swap3A_2822 : vector<16xi32> to vector<16xi32>
      %swap3A_2824 = vector.shape_cast %add3A_2820 : vector<16xi32> to vector<16xi32>
      tpu.vector_store %arg21[%swap3A_2821], %swap3A_2824 {strides = array<i32>} : memref<128xi32, #tpu.memory_space<vmem>>, vector<16xi32>,
      %sub3A_2825 = arith.subf %convert_element_type3A_2784, %mul3A_2758 : vector<16xf32>
      %sub3A_2826 = arith.subf %mul3A_2758, %convert_element_type3A_2782 : vector<16xf32>
      %sub3A_2827 = arith.subf %convert_element_type3A_2785, %mul3A_2767 : vector<16xf32>
      %sub3A_2828 = arith.subf %mul3A_2767, %convert_element_type3A_2783 : vector<16xf32>
      %mul3A_2829 = arith.mulf %sub3A_2825, %sub3A_2827 : vector<16xf32>
      %swap3A_2830 = arith.constant 112 : index
      %swap3A_2831 = tpu.vector_load %arg26[%swap3A_2830] {strides = array<i32>} : memref<144xf32, #tpu.memory_space<vmem>>, vector<16xf32>,
      %swap3A_2832 = vector.shape_cast %swap3A_2831 : vector<16xf32> to vector<16xf32>
      %swap3A_2833 = vector.shape_cast %mul3A_2829 : vector<16xf32> to vector<16xf32>
      tpu.vector_store %arg26[%swap3A_2830], %swap3A_2833 {strides = array<i32>} : memref<144xf32, #tpu.memory_space<vmem>>, vector<16xf32>,
      %mul3A_2834 = arith.mulf %sub3A_2825, %sub3A_2828 : vector<16xf32>
      %swap3A_2835 = arith.constant 112 : index
      %swap3A_2836 = tpu.vector_load %arg27[%swap3A_2835] {strides = array<i32>} : memref<144xf32, #tpu.memory_space<vmem>>, vector<16xf32>,
      %swap3A_2837 = vector.shape_cast %swap3A_2836 : vector<16xf32> to vector<16xf32>
      %swap3A_2838 = vector.shape_cast %mul3A_2834 : vector<16xf32> to vector<16xf32>
      tpu.vector_store %arg27[%swap3A_2835], %swap3A_2838 {strides = array<i32>} : memref<144xf32, #tpu.memory_space<vmem>>, vector<16xf32>,
      %mul3A_2839 = arith.mulf %sub3A_2826, %sub3A_2827 : vector<16xf32>
      %swap3A_2840 = arith.constant 112 : index
      %swap3A_2841 = tpu.vector_load %arg28[%swap3A_2840] {strides = array<i32>} : memref<144xf32, #tpu.memory_space<vmem>>, vector<16xf32>,
      %swap3A_2842 = vector.shape_cast %swap3A_2841 : vector<16xf32> to vector<16xf32>
      %swap3A_2843 = vector.shape_cast %mul3A_2839 : vector<16xf32> to vector<16xf32>
      tpu.vector_store %arg28[%swap3A_2840], %swap3A_2843 {strides = array<i32>} : memref<144xf32, #tpu.memory_space<vmem>>, vector<16xf32>,
      %mul3A_2844 = arith.mulf %sub3A_2826, %sub3A_2828 : vector<16xf32>
      %swap3A_2845 = arith.constant 112 : index
      %swap3A_2846 = tpu.vector_load %arg29[%swap3A_2845] {strides = array<i32>} : memref<144xf32, #tpu.memory_space<vmem>>, vector<16xf32>,
      %swap3A_2847 = vector.shape_cast %swap3A_2846 : vector<16xf32> to vector<16xf32>
      %swap3A_2848 = vector.shape_cast %mul3A_2844 : vector<16xf32> to vector<16xf32>
      tpu.vector_store %arg29[%swap3A_2845], %swap3A_2848 {strides = array<i32>} : memref<144xf32, #tpu.memory_space<vmem>>, vector<16xf32>,
      %dma_start3A_2849 = arith.constant 0 : i32
      %dma_start3A_2850 = arith.constant 0 : i32
      %dma_start3A_2851 = tpu.memref_slice %arg10[%dma_start3A_2849, %dma_start3A_2850] : memref<128x96xf32, #tpu.memory_space<vmem>> -> memref<64x96xf32, #tpu.memory_space<vmem>>
      %dma_start3A_2852 = arith.constant 0 : i32
      %dma_start3A_2853 = tpu.memref_slice %arg18[%dma_start3A_2852] : memref<128xi32, #tpu.memory_space<vmem>> -> memref<64xi32, #tpu.memory_space<vmem>>
      %dma_start3A_2854 = arith.constant 0 : i32
      %dma_start3A_2855 = arith.constant 0 : i32
      %dma_start3A_2856 = tpu.memref_slice %arg2[%dma_start3A_2854, %dma_start3A_2855] : memref<1048576x96xf32, #tpu.memory_space<hbm>> -> memref<1048576x96xf32, #tpu.memory_space<hbm>>
      tpu.enqueue_indirect_dma source(%dma_start3A_2856 : memref<1048576x96xf32, #tpu.memory_space<hbm>>) target(%dma_start3A_2851 : memref<64x96xf32, #tpu.memory_space<vmem>>) offsets(%dma_start3A_2853 : memref<64xi32, #tpu.memory_space<vmem>>) semaphore(%arg37 : memref<!tpu.dma_semaphore, #tpu.memory_space<semaphore_mem>>)
      %dma_start3A_2857 = arith.constant 64 : i32
      %dma_start3A_2858 = arith.constant 0 : i32
      %dma_start3A_2859 = tpu.memref_slice %arg10[%dma_start3A_2857, %dma_start3A_2858] : memref<128x96xf32, #tpu.memory_space<vmem>> -> memref<64x96xf32, #tpu.memory_space<vmem>>
      %dma_start3A_2860 = arith.constant 64 : i32
      %dma_start3A_2861 = tpu.memref_slice %arg18[%dma_start3A_2860] : memref<128xi32, #tpu.memory_space<vmem>> -> memref<64xi32, #tpu.memory_space<vmem>>
      %dma_start3A_2862 = arith.constant 0 : i32
      %dma_start3A_2863 = arith.constant 0 : i32
      %dma_start3A_2864 = tpu.memref_slice %arg2[%dma_start3A_2862, %dma_start3A_2863] : memref<1048576x96xf32, #tpu.memory_space<hbm>> -> memref<1048576x96xf32, #tpu.memory_space<hbm>>
      tpu.enqueue_indirect_dma source(%dma_start3A_2864 : memref<1048576x96xf32, #tpu.memory_space<hbm>>) target(%dma_start3A_2859 : memref<64x96xf32, #tpu.memory_space<vmem>>) offsets(%dma_start3A_2861 : memref<64xi32, #tpu.memory_space<vmem>>) semaphore(%arg37 : memref<!tpu.dma_semaphore, #tpu.memory_space<semaphore_mem>>)
      %dma_start3A_2865 = arith.constant 0 : i32
      %dma_start3A_2866 = arith.constant 0 : i32
      %dma_start3A_2867 = tpu.memref_slice %arg11[%dma_start3A_2865, %dma_start3A_2866] : memref<128x96xf32, #tpu.memory_space<vmem>> -> memref<64x96xf32, #tpu.memory_space<vmem>>
      %dma_start3A_2868 = arith.constant 0 : i32
      %dma_start3A_2869 = tpu.memref_slice %arg19[%dma_start3A_2868] : memref<128xi32, #tpu.memory_space<vmem>> -> memref<64xi32, #tpu.memory_space<vmem>>
      %dma_start3A_2870 = arith.constant 0 : i32
      %dma_start3A_2871 = arith.constant 0 : i32
      %dma_start3A_2872 = tpu.memref_slice %arg2[%dma_start3A_2870, %dma_start3A_2871] : memref<1048576x96xf32, #tpu.memory_space<hbm>> -> memref<1048576x96xf32, #tpu.memory_space<hbm>>
      tpu.enqueue_indirect_dma source(%dma_start3A_2872 : memref<1048576x96xf32, #tpu.memory_space<hbm>>) target(%dma_start3A_2867 : memref<64x96xf32, #tpu.memory_space<vmem>>) offsets(%dma_start3A_2869 : memref<64xi32, #tpu.memory_space<vmem>>) semaphore(%arg37 : memref<!tpu.dma_semaphore, #tpu.memory_space<semaphore_mem>>)
      %dma_start3A_2873 = arith.constant 64 : i32
      %dma_start3A_2874 = arith.constant 0 : i32
      %dma_start3A_2875 = tpu.memref_slice %arg11[%dma_start3A_2873, %dma_start3A_2874] : memref<128x96xf32, #tpu.memory_space<vmem>> -> memref<64x96xf32, #tpu.memory_space<vmem>>
      %dma_start3A_2876 = arith.constant 64 : i32
      %dma_start3A_2877 = tpu.memref_slice %arg19[%dma_start3A_2876] : memref<128xi32, #tpu.memory_space<vmem>> -> memref<64xi32, #tpu.memory_space<vmem>>
      %dma_start3A_2878 = arith.constant 0 : i32
      %dma_start3A_2879 = arith.constant 0 : i32
      %dma_start3A_2880 = tpu.memref_slice %arg2[%dma_start3A_2878, %dma_start3A_2879] : memref<1048576x96xf32, #tpu.memory_space<hbm>> -> memref<1048576x96xf32, #tpu.memory_space<hbm>>
      tpu.enqueue_indirect_dma source(%dma_start3A_2880 : memref<1048576x96xf32, #tpu.memory_space<hbm>>) target(%dma_start3A_2875 : memref<64x96xf32, #tpu.memory_space<vmem>>) offsets(%dma_start3A_2877 : memref<64xi32, #tpu.memory_space<vmem>>) semaphore(%arg37 : memref<!tpu.dma_semaphore, #tpu.memory_space<semaphore_mem>>)
      %dma_start3A_2881 = arith.constant 0 : i32
      %dma_start3A_2882 = arith.constant 0 : i32
      %dma_start3A_2883 = tpu.memref_slice %arg12[%dma_start3A_2881, %dma_start3A_2882] : memref<128x96xf32, #tpu.memory_space<vmem>> -> memref<64x96xf32, #tpu.memory_space<vmem>>
      %dma_start3A_2884 = arith.constant 0 : i32
      %dma_start3A_2885 = tpu.memref_slice %arg20[%dma_start3A_2884] : memref<128xi32, #tpu.memory_space<vmem>> -> memref<64xi32, #tpu.memory_space<vmem>>
      %dma_start3A_2886 = arith.constant 0 : i32
      %dma_start3A_2887 = arith.constant 0 : i32
      %dma_start3A_2888 = tpu.memref_slice %arg2[%dma_start3A_2886, %dma_start3A_2887] : memref<1048576x96xf32, #tpu.memory_space<hbm>> -> memref<1048576x96xf32, #tpu.memory_space<hbm>>
      tpu.enqueue_indirect_dma source(%dma_start3A_2888 : memref<1048576x96xf32, #tpu.memory_space<hbm>>) target(%dma_start3A_2883 : memref<64x96xf32, #tpu.memory_space<vmem>>) offsets(%dma_start3A_2885 : memref<64xi32, #tpu.memory_space<vmem>>) semaphore(%arg37 : memref<!tpu.dma_semaphore, #tpu.memory_space<semaphore_mem>>)
      %dma_start3A_2889 = arith.constant 64 : i32
      %dma_start3A_2890 = arith.constant 0 : i32
      %dma_start3A_2891 = tpu.memref_slice %arg12[%dma_start3A_2889, %dma_start3A_2890] : memref<128x96xf32, #tpu.memory_space<vmem>> -> memref<64x96xf32, #tpu.memory_space<vmem>>
      %dma_start3A_2892 = arith.constant 64 : i32
      %dma_start3A_2893 = tpu.memref_slice %arg20[%dma_start3A_2892] : memref<128xi32, #tpu.memory_space<vmem>> -> memref<64xi32, #tpu.memory_space<vmem>>
      %dma_start3A_2894 = arith.constant 0 : i32
      %dma_start3A_2895 = arith.constant 0 : i32
      %dma_start3A_2896 = tpu.memref_slice %arg2[%dma_start3A_2894, %dma_start3A_2895] : memref<1048576x96xf32, #tpu.memory_space<hbm>> -> memref<1048576x96xf32, #tpu.memory_space<hbm>>
      tpu.enqueue_indirect_dma source(%dma_start3A_2896 : memref<1048576x96xf32, #tpu.memory_space<hbm>>) target(%dma_start3A_2891 : memref<64x96xf32, #tpu.memory_space<vmem>>) offsets(%dma_start3A_2893 : memref<64xi32, #tpu.memory_space<vmem>>) semaphore(%arg37 : memref<!tpu.dma_semaphore, #tpu.memory_space<semaphore_mem>>)
      %dma_start3A_2897 = arith.constant 0 : i32
      %dma_start3A_2898 = arith.constant 0 : i32
      %dma_start3A_2899 = tpu.memref_slice %arg13[%dma_start3A_2897, %dma_start3A_2898] : memref<128x96xf32, #tpu.memory_space<vmem>> -> memref<64x96xf32, #tpu.memory_space<vmem>>
      %dma_start3A_2900 = arith.constant 0 : i32
      %dma_start3A_2901 = tpu.memref_slice %arg21[%dma_start3A_2900] : memref<128xi32, #tpu.memory_space<vmem>> -> memref<64xi32, #tpu.memory_space<vmem>>
      %dma_start3A_2902 = arith.constant 0 : i32
      %dma_start3A_2903 = arith.constant 0 : i32
      %dma_start3A_2904 = tpu.memref_slice %arg2[%dma_start3A_2902, %dma_start3A_2903] : memref<1048576x96xf32, #tpu.memory_space<hbm>> -> memref<1048576x96xf32, #tpu.memory_space<hbm>>
      tpu.enqueue_indirect_dma source(%dma_start3A_2904 : memref<1048576x96xf32, #tpu.memory_space<hbm>>) target(%dma_start3A_2899 : memref<64x96xf32, #tpu.memory_space<vmem>>) offsets(%dma_start3A_2901 : memref<64xi32, #tpu.memory_space<vmem>>) semaphore(%arg37 : memref<!tpu.dma_semaphore, #tpu.memory_space<semaphore_mem>>)
      %dma_start3A_2905 = arith.constant 64 : i32
      %dma_start3A_2906 = arith.constant 0 : i32
      %dma_start3A_2907 = tpu.memref_slice %arg13[%dma_start3A_2905, %dma_start3A_2906] : memref<128x96xf32, #tpu.memory_space<vmem>> -> memref<64x96xf32, #tpu.memory_space<vmem>>
      %dma_start3A_2908 = arith.constant 64 : i32
      %dma_start3A_2909 = tpu.memref_slice %arg21[%dma_start3A_2908] : memref<128xi32, #tpu.memory_space<vmem>> -> memref<64xi32, #tpu.memory_space<vmem>>
      %dma_start3A_2910 = arith.constant 0 : i32
      %dma_start3A_2911 = arith.constant 0 : i32
      %dma_start3A_2912 = tpu.memref_slice %arg2[%dma_start3A_2910, %dma_start3A_2911] : memref<1048576x96xf32, #tpu.memory_space<hbm>> -> memref<1048576x96xf32, #tpu.memory_space<hbm>>
      tpu.enqueue_indirect_dma source(%dma_start3A_2912 : memref<1048576x96xf32, #tpu.memory_space<hbm>>) target(%dma_start3A_2907 : memref<64x96xf32, #tpu.memory_space<vmem>>) offsets(%dma_start3A_2909 : memref<64xi32, #tpu.memory_space<vmem>>) semaphore(%arg37 : memref<!tpu.dma_semaphore, #tpu.memory_space<semaphore_mem>>)
      %add3A_2913 = arith.constant 2 : i32
      %add3A_2914 = arith.addi %add3A_996, %add3A_2913 : i32
      %min3A_2915 = arith.constant 255 : i32
      %min3A_2916 = arith.minsi %add3A_2914, %min3A_2915 : i32
      %mul3A_2917 = arith.constant 128 : i32
      %mul3A_2918 = arith.muli %min3A_2916, %mul3A_2917 : i32
      %add3A_2919 = arith.addi %mul3A_2, %mul3A_2918 : i32
      %dma_start3A_2920 = tpu.memref_slice %arg3[%add3A_2919] : memref<1048576xf32, #tpu.memory_space<hbm>> -> memref<128xf32, #tpu.memory_space<hbm>>
      %dma_start3A_2921 = tpu.memref_slice %arg3[%add3A_2919] : memref<1048576xf32, #tpu.memory_space<hbm>> -> memref<128xf32, #tpu.memory_space<hbm>>
      tpu.enqueue_dma source(%dma_start3A_2921 : memref<128xf32, #tpu.memory_space<hbm>>) target(%arg7 : memref<128xf32, #tpu.memory_space<vmem>>) target_semaphore(%arg36 : memref<!tpu.dma_semaphore, #tpu.memory_space<semaphore_mem>>)
      %dma_start3A_2922 = tpu.memref_slice %arg4[%add3A_2919] : memref<1048576xf32, #tpu.memory_space<hbm>> -> memref<128xf32, #tpu.memory_space<hbm>>
      %dma_start3A_2923 = tpu.memref_slice %arg4[%add3A_2919] : memref<1048576xf32, #tpu.memory_space<hbm>> -> memref<128xf32, #tpu.memory_space<hbm>>
      tpu.enqueue_dma source(%dma_start3A_2923 : memref<128xf32, #tpu.memory_space<hbm>>) target(%arg9 : memref<128xf32, #tpu.memory_space<vmem>>) target_semaphore(%arg36 : memref<!tpu.dma_semaphore, #tpu.memory_space<semaphore_mem>>)
      %dma_wait3A_2924 = arith.constant 0 : i32
      %dma_wait3A_2925 = arith.constant 0 : i32
      %dma_wait3A_2926 = tpu.memref_slice %arg14[%dma_wait3A_2924, %dma_wait3A_2925] : memref<128x96xf32, #tpu.memory_space<vmem>> -> memref<64x96xf32, #tpu.memory_space<vmem>>
      %dma_wait3A_2927 = arith.constant 0 : i32
      %dma_wait3A_2928 = tpu.memref_slice %arg22[%dma_wait3A_2927] : memref<128xi32, #tpu.memory_space<vmem>> -> memref<64xi32, #tpu.memory_space<vmem>>
      %dma_wait3A_2929 = arith.constant 0 : i32
      %dma_wait3A_2930 = arith.constant 0 : i32
      %dma_wait3A_2931 = tpu.memref_slice %arg2[%dma_wait3A_2929, %dma_wait3A_2930] : memref<1048576x96xf32, #tpu.memory_space<hbm>> -> memref<1048576x96xf32, #tpu.memory_space<hbm>>
      tpu.wait_indirect_dma semaphore(%arg38 : memref<!tpu.dma_semaphore, #tpu.memory_space<semaphore_mem>>) src(%dma_wait3A_2931 : memref<1048576x96xf32, #tpu.memory_space<hbm>>) dst(%dma_wait3A_2926 : memref<64x96xf32, #tpu.memory_space<vmem>>)
      %dma_wait3A_2932 = arith.constant 64 : i32
      %dma_wait3A_2933 = arith.constant 0 : i32
      %dma_wait3A_2934 = tpu.memref_slice %arg14[%dma_wait3A_2932, %dma_wait3A_2933] : memref<128x96xf32, #tpu.memory_space<vmem>> -> memref<64x96xf32, #tpu.memory_space<vmem>>
      %dma_wait3A_2935 = arith.constant 64 : i32
      %dma_wait3A_2936 = tpu.memref_slice %arg22[%dma_wait3A_2935] : memref<128xi32, #tpu.memory_space<vmem>> -> memref<64xi32, #tpu.memory_space<vmem>>
      %dma_wait3A_2937 = arith.constant 0 : i32
      %dma_wait3A_2938 = arith.constant 0 : i32
      %dma_wait3A_2939 = tpu.memref_slice %arg2[%dma_wait3A_2937, %dma_wait3A_2938] : memref<1048576x96xf32, #tpu.memory_space<hbm>> -> memref<1048576x96xf32, #tpu.memory_space<hbm>>
      tpu.wait_indirect_dma semaphore(%arg38 : memref<!tpu.dma_semaphore, #tpu.memory_space<semaphore_mem>>) src(%dma_wait3A_2939 : memref<1048576x96xf32, #tpu.memory_space<hbm>>) dst(%dma_wait3A_2934 : memref<64x96xf32, #tpu.memory_space<vmem>>)
      %dma_wait3A_2940 = arith.constant 0 : i32
      %dma_wait3A_2941 = arith.constant 0 : i32
      %dma_wait3A_2942 = tpu.memref_slice %arg15[%dma_wait3A_2940, %dma_wait3A_2941] : memref<128x96xf32, #tpu.memory_space<vmem>> -> memref<64x96xf32, #tpu.memory_space<vmem>>
      %dma_wait3A_2943 = arith.constant 0 : i32
      %dma_wait3A_2944 = tpu.memref_slice %arg23[%dma_wait3A_2943] : memref<128xi32, #tpu.memory_space<vmem>> -> memref<64xi32, #tpu.memory_space<vmem>>
      %dma_wait3A_2945 = arith.constant 0 : i32
      %dma_wait3A_2946 = arith.constant 0 : i32
      %dma_wait3A_2947 = tpu.memref_slice %arg2[%dma_wait3A_2945, %dma_wait3A_2946] : memref<1048576x96xf32, #tpu.memory_space<hbm>> -> memref<1048576x96xf32, #tpu.memory_space<hbm>>
      tpu.wait_indirect_dma semaphore(%arg38 : memref<!tpu.dma_semaphore, #tpu.memory_space<semaphore_mem>>) src(%dma_wait3A_2947 : memref<1048576x96xf32, #tpu.memory_space<hbm>>) dst(%dma_wait3A_2942 : memref<64x96xf32, #tpu.memory_space<vmem>>)
      %dma_wait3A_2948 = arith.constant 64 : i32
      %dma_wait3A_2949 = arith.constant 0 : i32
      %dma_wait3A_2950 = tpu.memref_slice %arg15[%dma_wait3A_2948, %dma_wait3A_2949] : memref<128x96xf32, #tpu.memory_space<vmem>> -> memref<64x96xf32, #tpu.memory_space<vmem>>
      %dma_wait3A_2951 = arith.constant 64 : i32
      %dma_wait3A_2952 = tpu.memref_slice %arg23[%dma_wait3A_2951] : memref<128xi32, #tpu.memory_space<vmem>> -> memref<64xi32, #tpu.memory_space<vmem>>
      %dma_wait3A_2953 = arith.constant 0 : i32
      %dma_wait3A_2954 = arith.constant 0 : i32
      %dma_wait3A_2955 = tpu.memref_slice %arg2[%dma_wait3A_2953, %dma_wait3A_2954] : memref<1048576x96xf32, #tpu.memory_space<hbm>> -> memref<1048576x96xf32, #tpu.memory_space<hbm>>
      tpu.wait_indirect_dma semaphore(%arg38 : memref<!tpu.dma_semaphore, #tpu.memory_space<semaphore_mem>>) src(%dma_wait3A_2955 : memref<1048576x96xf32, #tpu.memory_space<hbm>>) dst(%dma_wait3A_2950 : memref<64x96xf32, #tpu.memory_space<vmem>>)
      %dma_wait3A_2956 = arith.constant 0 : i32
      %dma_wait3A_2957 = arith.constant 0 : i32
      %dma_wait3A_2958 = tpu.memref_slice %arg16[%dma_wait3A_2956, %dma_wait3A_2957] : memref<128x96xf32, #tpu.memory_space<vmem>> -> memref<64x96xf32, #tpu.memory_space<vmem>>
      %dma_wait3A_2959 = arith.constant 0 : i32
      %dma_wait3A_2960 = tpu.memref_slice %arg24[%dma_wait3A_2959] : memref<128xi32, #tpu.memory_space<vmem>> -> memref<64xi32, #tpu.memory_space<vmem>>
      %dma_wait3A_2961 = arith.constant 0 : i32
      %dma_wait3A_2962 = arith.constant 0 : i32
      %dma_wait3A_2963 = tpu.memref_slice %arg2[%dma_wait3A_2961, %dma_wait3A_2962] : memref<1048576x96xf32, #tpu.memory_space<hbm>> -> memref<1048576x96xf32, #tpu.memory_space<hbm>>
      tpu.wait_indirect_dma semaphore(%arg38 : memref<!tpu.dma_semaphore, #tpu.memory_space<semaphore_mem>>) src(%dma_wait3A_2963 : memref<1048576x96xf32, #tpu.memory_space<hbm>>) dst(%dma_wait3A_2958 : memref<64x96xf32, #tpu.memory_space<vmem>>)
      %dma_wait3A_2964 = arith.constant 64 : i32
      %dma_wait3A_2965 = arith.constant 0 : i32
      %dma_wait3A_2966 = tpu.memref_slice %arg16[%dma_wait3A_2964, %dma_wait3A_2965] : memref<128x96xf32, #tpu.memory_space<vmem>> -> memref<64x96xf32, #tpu.memory_space<vmem>>
      %dma_wait3A_2967 = arith.constant 64 : i32
      %dma_wait3A_2968 = tpu.memref_slice %arg24[%dma_wait3A_2967] : memref<128xi32, #tpu.memory_space<vmem>> -> memref<64xi32, #tpu.memory_space<vmem>>
      %dma_wait3A_2969 = arith.constant 0 : i32
      %dma_wait3A_2970 = arith.constant 0 : i32
      %dma_wait3A_2971 = tpu.memref_slice %arg2[%dma_wait3A_2969, %dma_wait3A_2970] : memref<1048576x96xf32, #tpu.memory_space<hbm>> -> memref<1048576x96xf32, #tpu.memory_space<hbm>>
      tpu.wait_indirect_dma semaphore(%arg38 : memref<!tpu.dma_semaphore, #tpu.memory_space<semaphore_mem>>) src(%dma_wait3A_2971 : memref<1048576x96xf32, #tpu.memory_space<hbm>>) dst(%dma_wait3A_2966 : memref<64x96xf32, #tpu.memory_space<vmem>>)
      %dma_wait3A_2972 = arith.constant 0 : i32
      %dma_wait3A_2973 = arith.constant 0 : i32
      %dma_wait3A_2974 = tpu.memref_slice %arg17[%dma_wait3A_2972, %dma_wait3A_2973] : memref<128x96xf32, #tpu.memory_space<vmem>> -> memref<64x96xf32, #tpu.memory_space<vmem>>
      %dma_wait3A_2975 = arith.constant 0 : i32
      %dma_wait3A_2976 = tpu.memref_slice %arg25[%dma_wait3A_2975] : memref<128xi32, #tpu.memory_space<vmem>> -> memref<64xi32, #tpu.memory_space<vmem>>
      %dma_wait3A_2977 = arith.constant 0 : i32
      %dma_wait3A_2978 = arith.constant 0 : i32
      %dma_wait3A_2979 = tpu.memref_slice %arg2[%dma_wait3A_2977, %dma_wait3A_2978] : memref<1048576x96xf32, #tpu.memory_space<hbm>> -> memref<1048576x96xf32, #tpu.memory_space<hbm>>
      tpu.wait_indirect_dma semaphore(%arg38 : memref<!tpu.dma_semaphore, #tpu.memory_space<semaphore_mem>>) src(%dma_wait3A_2979 : memref<1048576x96xf32, #tpu.memory_space<hbm>>) dst(%dma_wait3A_2974 : memref<64x96xf32, #tpu.memory_space<vmem>>)
      %dma_wait3A_2980 = arith.constant 64 : i32
      %dma_wait3A_2981 = arith.constant 0 : i32
      %dma_wait3A_2982 = tpu.memref_slice %arg17[%dma_wait3A_2980, %dma_wait3A_2981] : memref<128x96xf32, #tpu.memory_space<vmem>> -> memref<64x96xf32, #tpu.memory_space<vmem>>
      %dma_wait3A_2983 = arith.constant 64 : i32
      %dma_wait3A_2984 = tpu.memref_slice %arg25[%dma_wait3A_2983] : memref<128xi32, #tpu.memory_space<vmem>> -> memref<64xi32, #tpu.memory_space<vmem>>
      %dma_wait3A_2985 = arith.constant 0 : i32
      %dma_wait3A_2986 = arith.constant 0 : i32
      %dma_wait3A_2987 = tpu.memref_slice %arg2[%dma_wait3A_2985, %dma_wait3A_2986] : memref<1048576x96xf32, #tpu.memory_space<hbm>> -> memref<1048576x96xf32, #tpu.memory_space<hbm>>
      tpu.wait_indirect_dma semaphore(%arg38 : memref<!tpu.dma_semaphore, #tpu.memory_space<semaphore_mem>>) src(%dma_wait3A_2987 : memref<1048576x96xf32, #tpu.memory_space<hbm>>) dst(%dma_wait3A_2982 : memref<64x96xf32, #tpu.memory_space<vmem>>)
      %mul3A_2988 = arith.constant 96 : i32
      %mul3A_2989 = arith.muli %mul3A_2, %mul3A_2988 : i32
      %dma_wait3A_2990 = tpu.memref_slice %arg5[%mul3A_2989] : memref<100663296xf32, #tpu.memory_space<hbm>> -> memref<12288xf32, #tpu.memory_space<hbm>>
      %dma_wait3A_2991 = tpu.memref_slice %arg5[%mul3A_2989] : memref<100663296xf32, #tpu.memory_space<hbm>> -> memref<12288xf32, #tpu.memory_space<hbm>>
      tpu.wait_dma2 semaphore(%arg39 : memref<!tpu.dma_semaphore, #tpu.memory_space<semaphore_mem>>) src(%arg34 : memref<12288xf32, #tpu.memory_space<vmem>>) dst(%dma_wait3A_2991 : memref<12288xf32, #tpu.memory_space<hbm>>)
      %scan3A_2992 = arith.constant 0 : i32
      %scan3A_2993 = arith.constant 128 : i32
      %scan3A_2994 = arith.addi %scan3A_2992, %scan3A_2993 : i32
      %scan3A_2995 = arith.constant 1 : i32
      scf.for %scan3A_3004 = %scan3A_2992 to %scan3A_2994 step %scan3A_2995  : i32 {
        %get3A_3005 = arith.index_cast %scan3A_3004 : i32 to index
        %get3A_3006 = tpu.vector_load %arg30[%get3A_3005] {strides = array<i32>} : memref<144xf32, #tpu.memory_space<vmem>>, vector<16xf32>,
        %get3A_3007 = vector.shape_cast %get3A_3006 : vector<16xf32> to vector<16xf32>
        %slice3A = vector.extract_strided_slice %get3A_3007 {offsets = [0], sizes = [1], strides = [1]} : vector<16xf32> to vector<1xf32>
        %squeeze3A = vector.extract %slice3A[0] : f32 from vector<1xf32>
        %get3A_3008 = arith.index_cast %scan3A_3004 : i32 to index
        %get3A_3009 = tpu.vector_load %arg31[%get3A_3008] {strides = array<i32>} : memref<144xf32, #tpu.memory_space<vmem>>, vector<16xf32>,
        %get3A_3010 = vector.shape_cast %get3A_3009 : vector<16xf32> to vector<16xf32>
        %slice3A_3011 = vector.extract_strided_slice %get3A_3010 {offsets = [0], sizes = [1], strides = [1]} : vector<16xf32> to vector<1xf32>
        %squeeze3A_3012 = vector.extract %slice3A_3011[0] : f32 from vector<1xf32>
        %get3A_3013 = arith.index_cast %scan3A_3004 : i32 to index
        %get3A_3014 = tpu.vector_load %arg32[%get3A_3013] {strides = array<i32>} : memref<144xf32, #tpu.memory_space<vmem>>, vector<16xf32>,
        %get3A_3015 = vector.shape_cast %get3A_3014 : vector<16xf32> to vector<16xf32>
        %slice3A_3016 = vector.extract_strided_slice %get3A_3015 {offsets = [0], sizes = [1], strides = [1]} : vector<16xf32> to vector<1xf32>
        %squeeze3A_3017 = vector.extract %slice3A_3016[0] : f32 from vector<1xf32>
        %get3A_3018 = arith.index_cast %scan3A_3004 : i32 to index
        %get3A_3019 = tpu.vector_load %arg33[%get3A_3018] {strides = array<i32>} : memref<144xf32, #tpu.memory_space<vmem>>, vector<16xf32>,
        %get3A_3020 = vector.shape_cast %get3A_3019 : vector<16xf32> to vector<16xf32>
        %slice3A_3021 = vector.extract_strided_slice %get3A_3020 {offsets = [0], sizes = [1], strides = [1]} : vector<16xf32> to vector<1xf32>
        %squeeze3A_3022 = vector.extract %slice3A_3021[0] : f32 from vector<1xf32>
        %mul3A_3023 = arith.constant 96 : i32
        %mul3A_3024 = arith.muli %scan3A_3004, %mul3A_3023 : i32
        %get3A_3025 = arith.index_cast %scan3A_3004 : i32 to index
        %get3A_3026 = arith.constant 0 : index
        %get3A_3027 = tpu.vector_load %arg14[%get3A_3025, %get3A_3026] {strides = array<i32>} : memref<128x96xf32, #tpu.memory_space<vmem>>, vector<1x16xf32>,
        %get3A_3028 = vector.shape_cast %get3A_3027 : vector<1x16xf32> to vector<16xf32>
        %mul3A_3029 = vector.broadcast %squeeze3A : f32 to vector<16xf32>
        %mul3A_3030 = arith.mulf %get3A_3028, %mul3A_3029 : vector<16xf32>
        %get3A_3031 = arith.index_cast %scan3A_3004 : i32 to index
        %get3A_3032 = arith.constant 0 : index
        %get3A_3033 = tpu.vector_load %arg15[%get3A_3031, %get3A_3032] {strides = array<i32>} : memref<128x96xf32, #tpu.memory_space<vmem>>, vector<1x16xf32>,
        %get3A_3034 = vector.shape_cast %get3A_3033 : vector<1x16xf32> to vector<16xf32>
        %mul3A_3035 = vector.broadcast %squeeze3A_3012 : f32 to vector<16xf32>
        %mul3A_3036 = arith.mulf %get3A_3034, %mul3A_3035 : vector<16xf32>
        %add3A_3037 = arith.addf %mul3A_3030, %mul3A_3036 : vector<16xf32>
        %get3A_3038 = arith.index_cast %scan3A_3004 : i32 to index
        %get3A_3039 = arith.constant 0 : index
        %get3A_3040 = tpu.vector_load %arg16[%get3A_3038, %get3A_3039] {strides = array<i32>} : memref<128x96xf32, #tpu.memory_space<vmem>>, vector<1x16xf32>,
        %get3A_3041 = vector.shape_cast %get3A_3040 : vector<1x16xf32> to vector<16xf32>
        %mul3A_3042 = vector.broadcast %squeeze3A_3017 : f32 to vector<16xf32>
        %mul3A_3043 = arith.mulf %get3A_3041, %mul3A_3042 : vector<16xf32>
        %add3A_3044 = arith.addf %add3A_3037, %mul3A_3043 : vector<16xf32>
        %get3A_3045 = arith.index_cast %scan3A_3004 : i32 to index
        %get3A_3046 = arith.constant 0 : index
        %get3A_3047 = tpu.vector_load %arg17[%get3A_3045, %get3A_3046] {strides = array<i32>} : memref<128x96xf32, #tpu.memory_space<vmem>>, vector<1x16xf32>,
        %get3A_3048 = vector.shape_cast %get3A_3047 : vector<1x16xf32> to vector<16xf32>
        %mul3A_3049 = vector.broadcast %squeeze3A_3022 : f32 to vector<16xf32>
        %mul3A_3050 = arith.mulf %get3A_3048, %mul3A_3049 : vector<16xf32>
        %add3A_3051 = arith.addf %add3A_3044, %mul3A_3050 : vector<16xf32>
        %add3A_3052 = arith.constant 0 : i32
        %add3A_3053 = arith.addi %mul3A_3024, %add3A_3052 : i32
        %swap3A_3054 = arith.index_cast %add3A_3053 : i32 to index
        %swap3A_3055 = tpu.vector_load %arg34[%swap3A_3054] {strides = array<i32>} : memref<12288xf32, #tpu.memory_space<vmem>>, vector<16xf32>,
        %swap3A_3056 = vector.shape_cast %swap3A_3055 : vector<16xf32> to vector<16xf32>
        %swap3A_3057 = vector.shape_cast %add3A_3051 : vector<16xf32> to vector<16xf32>
        tpu.vector_store %arg34[%swap3A_3054], %swap3A_3057 {strides = array<i32>} : memref<12288xf32, #tpu.memory_space<vmem>>, vector<16xf32>,
        %get3A_3058 = arith.index_cast %scan3A_3004 : i32 to index
        %get3A_3059 = arith.constant 16 : index
        %get3A_3060 = tpu.vector_load %arg14[%get3A_3058, %get3A_3059] {strides = array<i32>} : memref<128x96xf32, #tpu.memory_space<vmem>>, vector<1x16xf32>,
        %get3A_3061 = vector.shape_cast %get3A_3060 : vector<1x16xf32> to vector<16xf32>
        %mul3A_3062 = vector.broadcast %squeeze3A : f32 to vector<16xf32>
        %mul3A_3063 = arith.mulf %get3A_3061, %mul3A_3062 : vector<16xf32>
        %get3A_3064 = arith.index_cast %scan3A_3004 : i32 to index
        %get3A_3065 = arith.constant 16 : index
        %get3A_3066 = tpu.vector_load %arg15[%get3A_3064, %get3A_3065] {strides = array<i32>} : memref<128x96xf32, #tpu.memory_space<vmem>>, vector<1x16xf32>,
        %get3A_3067 = vector.shape_cast %get3A_3066 : vector<1x16xf32> to vector<16xf32>
        %mul3A_3068 = vector.broadcast %squeeze3A_3012 : f32 to vector<16xf32>
        %mul3A_3069 = arith.mulf %get3A_3067, %mul3A_3068 : vector<16xf32>
        %add3A_3070 = arith.addf %mul3A_3063, %mul3A_3069 : vector<16xf32>
        %get3A_3071 = arith.index_cast %scan3A_3004 : i32 to index
        %get3A_3072 = arith.constant 16 : index
        %get3A_3073 = tpu.vector_load %arg16[%get3A_3071, %get3A_3072] {strides = array<i32>} : memref<128x96xf32, #tpu.memory_space<vmem>>, vector<1x16xf32>,
        %get3A_3074 = vector.shape_cast %get3A_3073 : vector<1x16xf32> to vector<16xf32>
        %mul3A_3075 = vector.broadcast %squeeze3A_3017 : f32 to vector<16xf32>
        %mul3A_3076 = arith.mulf %get3A_3074, %mul3A_3075 : vector<16xf32>
        %add3A_3077 = arith.addf %add3A_3070, %mul3A_3076 : vector<16xf32>
        %get3A_3078 = arith.index_cast %scan3A_3004 : i32 to index
        %get3A_3079 = arith.constant 16 : index
        %get3A_3080 = tpu.vector_load %arg17[%get3A_3078, %get3A_3079] {strides = array<i32>} : memref<128x96xf32, #tpu.memory_space<vmem>>, vector<1x16xf32>,
        %get3A_3081 = vector.shape_cast %get3A_3080 : vector<1x16xf32> to vector<16xf32>
        %mul3A_3082 = vector.broadcast %squeeze3A_3022 : f32 to vector<16xf32>
        %mul3A_3083 = arith.mulf %get3A_3081, %mul3A_3082 : vector<16xf32>
        %add3A_3084 = arith.addf %add3A_3077, %mul3A_3083 : vector<16xf32>
        %add3A_3085 = arith.constant 16 : i32
        %add3A_3086 = arith.addi %mul3A_3024, %add3A_3085 : i32
        %swap3A_3087 = arith.index_cast %add3A_3086 : i32 to index
        %swap3A_3088 = tpu.vector_load %arg34[%swap3A_3087] {strides = array<i32>} : memref<12288xf32, #tpu.memory_space<vmem>>, vector<16xf32>,
        %swap3A_3089 = vector.shape_cast %swap3A_3088 : vector<16xf32> to vector<16xf32>
        %swap3A_3090 = vector.shape_cast %add3A_3084 : vector<16xf32> to vector<16xf32>
        tpu.vector_store %arg34[%swap3A_3087], %swap3A_3090 {strides = array<i32>} : memref<12288xf32, #tpu.memory_space<vmem>>, vector<16xf32>,
        %get3A_3091 = arith.index_cast %scan3A_3004 : i32 to index
        %get3A_3092 = arith.constant 32 : index
        %get3A_3093 = tpu.vector_load %arg14[%get3A_3091, %get3A_3092] {strides = array<i32>} : memref<128x96xf32, #tpu.memory_space<vmem>>, vector<1x16xf32>,
        %get3A_3094 = vector.shape_cast %get3A_3093 : vector<1x16xf32> to vector<16xf32>
        %mul3A_3095 = vector.broadcast %squeeze3A : f32 to vector<16xf32>
        %mul3A_3096 = arith.mulf %get3A_3094, %mul3A_3095 : vector<16xf32>
        %get3A_3097 = arith.index_cast %scan3A_3004 : i32 to index
        %get3A_3098 = arith.constant 32 : index
        %get3A_3099 = tpu.vector_load %arg15[%get3A_3097, %get3A_3098] {strides = array<i32>} : memref<128x96xf32, #tpu.memory_space<vmem>>, vector<1x16xf32>,
        %get3A_3100 = vector.shape_cast %get3A_3099 : vector<1x16xf32> to vector<16xf32>
        %mul3A_3101 = vector.broadcast %squeeze3A_3012 : f32 to vector<16xf32>
        %mul3A_3102 = arith.mulf %get3A_3100, %mul3A_3101 : vector<16xf32>
        %add3A_3103 = arith.addf %mul3A_3096, %mul3A_3102 : vector<16xf32>
        %get3A_3104 = arith.index_cast %scan3A_3004 : i32 to index
        %get3A_3105 = arith.constant 32 : index
        %get3A_3106 = tpu.vector_load %arg16[%get3A_3104, %get3A_3105] {strides = array<i32>} : memref<128x96xf32, #tpu.memory_space<vmem>>, vector<1x16xf32>,
        %get3A_3107 = vector.shape_cast %get3A_3106 : vector<1x16xf32> to vector<16xf32>
        %mul3A_3108 = vector.broadcast %squeeze3A_3017 : f32 to vector<16xf32>
        %mul3A_3109 = arith.mulf %get3A_3107, %mul3A_3108 : vector<16xf32>
        %add3A_3110 = arith.addf %add3A_3103, %mul3A_3109 : vector<16xf32>
        %get3A_3111 = arith.index_cast %scan3A_3004 : i32 to index
        %get3A_3112 = arith.constant 32 : index
        %get3A_3113 = tpu.vector_load %arg17[%get3A_3111, %get3A_3112] {strides = array<i32>} : memref<128x96xf32, #tpu.memory_space<vmem>>, vector<1x16xf32>,
        %get3A_3114 = vector.shape_cast %get3A_3113 : vector<1x16xf32> to vector<16xf32>
        %mul3A_3115 = vector.broadcast %squeeze3A_3022 : f32 to vector<16xf32>
        %mul3A_3116 = arith.mulf %get3A_3114, %mul3A_3115 : vector<16xf32>
        %add3A_3117 = arith.addf %add3A_3110, %mul3A_3116 : vector<16xf32>
        %add3A_3118 = arith.constant 32 : i32
        %add3A_3119 = arith.addi %mul3A_3024, %add3A_3118 : i32
        %swap3A_3120 = arith.index_cast %add3A_3119 : i32 to index
        %swap3A_3121 = tpu.vector_load %arg34[%swap3A_3120] {strides = array<i32>} : memref<12288xf32, #tpu.memory_space<vmem>>, vector<16xf32>,
        %swap3A_3122 = vector.shape_cast %swap3A_3121 : vector<16xf32> to vector<16xf32>
        %swap3A_3123 = vector.shape_cast %add3A_3117 : vector<16xf32> to vector<16xf32>
        tpu.vector_store %arg34[%swap3A_3120], %swap3A_3123 {strides = array<i32>} : memref<12288xf32, #tpu.memory_space<vmem>>, vector<16xf32>,
        %get3A_3124 = arith.index_cast %scan3A_3004 : i32 to index
        %get3A_3125 = arith.constant 48 : index
        %get3A_3126 = tpu.vector_load %arg14[%get3A_3124, %get3A_3125] {strides = array<i32>} : memref<128x96xf32, #tpu.memory_space<vmem>>, vector<1x16xf32>,
        %get3A_3127 = vector.shape_cast %get3A_3126 : vector<1x16xf32> to vector<16xf32>
        %mul3A_3128 = vector.broadcast %squeeze3A : f32 to vector<16xf32>
        %mul3A_3129 = arith.mulf %get3A_3127, %mul3A_3128 : vector<16xf32>
        %get3A_3130 = arith.index_cast %scan3A_3004 : i32 to index
        %get3A_3131 = arith.constant 48 : index
        %get3A_3132 = tpu.vector_load %arg15[%get3A_3130, %get3A_3131] {strides = array<i32>} : memref<128x96xf32, #tpu.memory_space<vmem>>, vector<1x16xf32>,
        %get3A_3133 = vector.shape_cast %get3A_3132 : vector<1x16xf32> to vector<16xf32>
        %mul3A_3134 = vector.broadcast %squeeze3A_3012 : f32 to vector<16xf32>
        %mul3A_3135 = arith.mulf %get3A_3133, %mul3A_3134 : vector<16xf32>
        %add3A_3136 = arith.addf %mul3A_3129, %mul3A_3135 : vector<16xf32>
        %get3A_3137 = arith.index_cast %scan3A_3004 : i32 to index
        %get3A_3138 = arith.constant 48 : index
        %get3A_3139 = tpu.vector_load %arg16[%get3A_3137, %get3A_3138] {strides = array<i32>} : memref<128x96xf32, #tpu.memory_space<vmem>>, vector<1x16xf32>,
        %get3A_3140 = vector.shape_cast %get3A_3139 : vector<1x16xf32> to vector<16xf32>
        %mul3A_3141 = vector.broadcast %squeeze3A_3017 : f32 to vector<16xf32>
        %mul3A_3142 = arith.mulf %get3A_3140, %mul3A_3141 : vector<16xf32>
        %add3A_3143 = arith.addf %add3A_3136, %mul3A_3142 : vector<16xf32>
        %get3A_3144 = arith.index_cast %scan3A_3004 : i32 to index
        %get3A_3145 = arith.constant 48 : index
        %get3A_3146 = tpu.vector_load %arg17[%get3A_3144, %get3A_3145] {strides = array<i32>} : memref<128x96xf32, #tpu.memory_space<vmem>>, vector<1x16xf32>,
        %get3A_3147 = vector.shape_cast %get3A_3146 : vector<1x16xf32> to vector<16xf32>
        %mul3A_3148 = vector.broadcast %squeeze3A_3022 : f32 to vector<16xf32>
        %mul3A_3149 = arith.mulf %get3A_3147, %mul3A_3148 : vector<16xf32>
        %add3A_3150 = arith.addf %add3A_3143, %mul3A_3149 : vector<16xf32>
        %add3A_3151 = arith.constant 48 : i32
        %add3A_3152 = arith.addi %mul3A_3024, %add3A_3151 : i32
        %swap3A_3153 = arith.index_cast %add3A_3152 : i32 to index
        %swap3A_3154 = tpu.vector_load %arg34[%swap3A_3153] {strides = array<i32>} : memref<12288xf32, #tpu.memory_space<vmem>>, vector<16xf32>,
        %swap3A_3155 = vector.shape_cast %swap3A_3154 : vector<16xf32> to vector<16xf32>
        %swap3A_3156 = vector.shape_cast %add3A_3150 : vector<16xf32> to vector<16xf32>
        tpu.vector_store %arg34[%swap3A_3153], %swap3A_3156 {strides = array<i32>} : memref<12288xf32, #tpu.memory_space<vmem>>, vector<16xf32>,
        %get3A_3157 = arith.index_cast %scan3A_3004 : i32 to index
        %get3A_3158 = arith.constant 64 : index
        %get3A_3159 = tpu.vector_load %arg14[%get3A_3157, %get3A_3158] {strides = array<i32>} : memref<128x96xf32, #tpu.memory_space<vmem>>, vector<1x16xf32>,
        %get3A_3160 = vector.shape_cast %get3A_3159 : vector<1x16xf32> to vector<16xf32>
        %mul3A_3161 = vector.broadcast %squeeze3A : f32 to vector<16xf32>
        %mul3A_3162 = arith.mulf %get3A_3160, %mul3A_3161 : vector<16xf32>
        %get3A_3163 = arith.index_cast %scan3A_3004 : i32 to index
        %get3A_3164 = arith.constant 64 : index
        %get3A_3165 = tpu.vector_load %arg15[%get3A_3163, %get3A_3164] {strides = array<i32>} : memref<128x96xf32, #tpu.memory_space<vmem>>, vector<1x16xf32>,
        %get3A_3166 = vector.shape_cast %get3A_3165 : vector<1x16xf32> to vector<16xf32>
        %mul3A_3167 = vector.broadcast %squeeze3A_3012 : f32 to vector<16xf32>
        %mul3A_3168 = arith.mulf %get3A_3166, %mul3A_3167 : vector<16xf32>
        %add3A_3169 = arith.addf %mul3A_3162, %mul3A_3168 : vector<16xf32>
        %get3A_3170 = arith.index_cast %scan3A_3004 : i32 to index
        %get3A_3171 = arith.constant 64 : index
        %get3A_3172 = tpu.vector_load %arg16[%get3A_3170, %get3A_3171] {strides = array<i32>} : memref<128x96xf32, #tpu.memory_space<vmem>>, vector<1x16xf32>,
        %get3A_3173 = vector.shape_cast %get3A_3172 : vector<1x16xf32> to vector<16xf32>
        %mul3A_3174 = vector.broadcast %squeeze3A_3017 : f32 to vector<16xf32>
        %mul3A_3175 = arith.mulf %get3A_3173, %mul3A_3174 : vector<16xf32>
        %add3A_3176 = arith.addf %add3A_3169, %mul3A_3175 : vector<16xf32>
        %get3A_3177 = arith.index_cast %scan3A_3004 : i32 to index
        %get3A_3178 = arith.constant 64 : index
        %get3A_3179 = tpu.vector_load %arg17[%get3A_3177, %get3A_3178] {strides = array<i32>} : memref<128x96xf32, #tpu.memory_space<vmem>>, vector<1x16xf32>,
        %get3A_3180 = vector.shape_cast %get3A_3179 : vector<1x16xf32> to vector<16xf32>
        %mul3A_3181 = vector.broadcast %squeeze3A_3022 : f32 to vector<16xf32>
        %mul3A_3182 = arith.mulf %get3A_3180, %mul3A_3181 : vector<16xf32>
        %add3A_3183 = arith.addf %add3A_3176, %mul3A_3182 : vector<16xf32>
        %add3A_3184 = arith.constant 64 : i32
        %add3A_3185 = arith.addi %mul3A_3024, %add3A_3184 : i32
        %swap3A_3186 = arith.index_cast %add3A_3185 : i32 to index
        %swap3A_3187 = tpu.vector_load %arg34[%swap3A_3186] {strides = array<i32>} : memref<12288xf32, #tpu.memory_space<vmem>>, vector<16xf32>,
        %swap3A_3188 = vector.shape_cast %swap3A_3187 : vector<16xf32> to vector<16xf32>
        %swap3A_3189 = vector.shape_cast %add3A_3183 : vector<16xf32> to vector<16xf32>
        tpu.vector_store %arg34[%swap3A_3186], %swap3A_3189 {strides = array<i32>} : memref<12288xf32, #tpu.memory_space<vmem>>, vector<16xf32>,
        %get3A_3190 = arith.index_cast %scan3A_3004 : i32 to index
        %get3A_3191 = arith.constant 80 : index
        %get3A_3192 = tpu.vector_load %arg14[%get3A_3190, %get3A_3191] {strides = array<i32>} : memref<128x96xf32, #tpu.memory_space<vmem>>, vector<1x16xf32>,
        %get3A_3193 = vector.shape_cast %get3A_3192 : vector<1x16xf32> to vector<16xf32>
        %mul3A_3194 = vector.broadcast %squeeze3A : f32 to vector<16xf32>
        %mul3A_3195 = arith.mulf %get3A_3193, %mul3A_3194 : vector<16xf32>
        %get3A_3196 = arith.index_cast %scan3A_3004 : i32 to index
        %get3A_3197 = arith.constant 80 : index
        %get3A_3198 = tpu.vector_load %arg15[%get3A_3196, %get3A_3197] {strides = array<i32>} : memref<128x96xf32, #tpu.memory_space<vmem>>, vector<1x16xf32>,
        %get3A_3199 = vector.shape_cast %get3A_3198 : vector<1x16xf32> to vector<16xf32>
        %mul3A_3200 = vector.broadcast %squeeze3A_3012 : f32 to vector<16xf32>
        %mul3A_3201 = arith.mulf %get3A_3199, %mul3A_3200 : vector<16xf32>
        %add3A_3202 = arith.addf %mul3A_3195, %mul3A_3201 : vector<16xf32>
        %get3A_3203 = arith.index_cast %scan3A_3004 : i32 to index
        %get3A_3204 = arith.constant 80 : index
        %get3A_3205 = tpu.vector_load %arg16[%get3A_3203, %get3A_3204] {strides = array<i32>} : memref<128x96xf32, #tpu.memory_space<vmem>>, vector<1x16xf32>,
        %get3A_3206 = vector.shape_cast %get3A_3205 : vector<1x16xf32> to vector<16xf32>
        %mul3A_3207 = vector.broadcast %squeeze3A_3017 : f32 to vector<16xf32>
        %mul3A_3208 = arith.mulf %get3A_3206, %mul3A_3207 : vector<16xf32>
        %add3A_3209 = arith.addf %add3A_3202, %mul3A_3208 : vector<16xf32>
        %get3A_3210 = arith.index_cast %scan3A_3004 : i32 to index
        %get3A_3211 = arith.constant 80 : index
        %get3A_3212 = tpu.vector_load %arg17[%get3A_3210, %get3A_3211] {strides = array<i32>} : memref<128x96xf32, #tpu.memory_space<vmem>>, vector<1x16xf32>,
        %get3A_3213 = vector.shape_cast %get3A_3212 : vector<1x16xf32> to vector<16xf32>
        %mul3A_3214 = vector.broadcast %squeeze3A_3022 : f32 to vector<16xf32>
        %mul3A_3215 = arith.mulf %get3A_3213, %mul3A_3214 : vector<16xf32>
        %add3A_3216 = arith.addf %add3A_3209, %mul3A_3215 : vector<16xf32>
        %add3A_3217 = arith.constant 80 : i32
        %add3A_3218 = arith.addi %mul3A_3024, %add3A_3217 : i32
        %swap3A_3219 = arith.index_cast %add3A_3218 : i32 to index
        %swap3A_3220 = tpu.vector_load %arg34[%swap3A_3219] {strides = array<i32>} : memref<12288xf32, #tpu.memory_space<vmem>>, vector<16xf32>,
        %swap3A_3221 = vector.shape_cast %swap3A_3220 : vector<16xf32> to vector<16xf32>
        %swap3A_3222 = vector.shape_cast %add3A_3216 : vector<16xf32> to vector<16xf32>
        tpu.vector_store %arg34[%swap3A_3219], %swap3A_3222 {strides = array<i32>} : memref<12288xf32, #tpu.memory_space<vmem>>, vector<16xf32>,
      }
      %scan3A_2996 = arith.constant 128 : i32
      %mul3A_2997 = arith.constant 128 : i32
      %mul3A_2998 = arith.muli %add3A_996, %mul3A_2997 : i32
      %add3A_2999 = arith.addi %mul3A_2, %mul3A_2998 : i32
      %mul3A_3000 = arith.constant 96 : i32
      %mul3A_3001 = arith.muli %add3A_2999, %mul3A_3000 : i32
      %dma_start3A_3002 = tpu.memref_slice %arg5[%mul3A_3001] : memref<100663296xf32, #tpu.memory_space<hbm>> -> memref<12288xf32, #tpu.memory_space<hbm>>
      %dma_start3A_3003 = tpu.memref_slice %arg5[%mul3A_3001] : memref<100663296xf32, #tpu.memory_space<hbm>> -> memref<12288xf32, #tpu.memory_space<hbm>>
      tpu.enqueue_dma source(%arg34 : memref<12288xf32, #tpu.memory_space<vmem>>) target(%dma_start3A_3003 : memref<12288xf32, #tpu.memory_space<hbm>>) target_semaphore(%arg39 : memref<!tpu.dma_semaphore, #tpu.memory_space<semaphore_mem>>)
    }
    %scan3A_919 = arith.constant 128 : i32
    %dma_wait3A_920 = arith.constant 0 : i32
    %dma_wait3A_921 = arith.constant 0 : i32
    %dma_wait3A_922 = tpu.memref_slice %arg10[%dma_wait3A_920, %dma_wait3A_921] : memref<128x96xf32, #tpu.memory_space<vmem>> -> memref<64x96xf32, #tpu.memory_space<vmem>>
    %dma_wait3A_923 = arith.constant 0 : i32
    %dma_wait3A_924 = tpu.memref_slice %arg18[%dma_wait3A_923] : memref<128xi32, #tpu.memory_space<vmem>> -> memref<64xi32, #tpu.memory_space<vmem>>
    %dma_wait3A_925 = arith.constant 0 : i32
    %dma_wait3A_926 = arith.constant 0 : i32
    %dma_wait3A_927 = tpu.memref_slice %arg2[%dma_wait3A_925, %dma_wait3A_926] : memref<1048576x96xf32, #tpu.memory_space<hbm>> -> memref<1048576x96xf32, #tpu.memory_space<hbm>>
    tpu.wait_indirect_dma semaphore(%arg37 : memref<!tpu.dma_semaphore, #tpu.memory_space<semaphore_mem>>) src(%dma_wait3A_927 : memref<1048576x96xf32, #tpu.memory_space<hbm>>) dst(%dma_wait3A_922 : memref<64x96xf32, #tpu.memory_space<vmem>>)
    %dma_wait3A_928 = arith.constant 64 : i32
    %dma_wait3A_929 = arith.constant 0 : i32
    %dma_wait3A_930 = tpu.memref_slice %arg10[%dma_wait3A_928, %dma_wait3A_929] : memref<128x96xf32, #tpu.memory_space<vmem>> -> memref<64x96xf32, #tpu.memory_space<vmem>>
    %dma_wait3A_931 = arith.constant 64 : i32
    %dma_wait3A_932 = tpu.memref_slice %arg18[%dma_wait3A_931] : memref<128xi32, #tpu.memory_space<vmem>> -> memref<64xi32, #tpu.memory_space<vmem>>
    %dma_wait3A_933 = arith.constant 0 : i32
    %dma_wait3A_934 = arith.constant 0 : i32
    %dma_wait3A_935 = tpu.memref_slice %arg2[%dma_wait3A_933, %dma_wait3A_934] : memref<1048576x96xf32, #tpu.memory_space<hbm>> -> memref<1048576x96xf32, #tpu.memory_space<hbm>>
    tpu.wait_indirect_dma semaphore(%arg37 : memref<!tpu.dma_semaphore, #tpu.memory_space<semaphore_mem>>) src(%dma_wait3A_935 : memref<1048576x96xf32, #tpu.memory_space<hbm>>) dst(%dma_wait3A_930 : memref<64x96xf32, #tpu.memory_space<vmem>>)
    %dma_wait3A_936 = arith.constant 0 : i32
    %dma_wait3A_937 = arith.constant 0 : i32
    %dma_wait3A_938 = tpu.memref_slice %arg11[%dma_wait3A_936, %dma_wait3A_937] : memref<128x96xf32, #tpu.memory_space<vmem>> -> memref<64x96xf32, #tpu.memory_space<vmem>>
    %dma_wait3A_939 = arith.constant 0 : i32
    %dma_wait3A_940 = tpu.memref_slice %arg19[%dma_wait3A_939] : memref<128xi32, #tpu.memory_space<vmem>> -> memref<64xi32, #tpu.memory_space<vmem>>
    %dma_wait3A_941 = arith.constant 0 : i32
    %dma_wait3A_942 = arith.constant 0 : i32
    %dma_wait3A_943 = tpu.memref_slice %arg2[%dma_wait3A_941, %dma_wait3A_942] : memref<1048576x96xf32, #tpu.memory_space<hbm>> -> memref<1048576x96xf32, #tpu.memory_space<hbm>>
    tpu.wait_indirect_dma semaphore(%arg37 : memref<!tpu.dma_semaphore, #tpu.memory_space<semaphore_mem>>) src(%dma_wait3A_943 : memref<1048576x96xf32, #tpu.memory_space<hbm>>) dst(%dma_wait3A_938 : memref<64x96xf32, #tpu.memory_space<vmem>>)
    %dma_wait3A_944 = arith.constant 64 : i32
    %dma_wait3A_945 = arith.constant 0 : i32
    %dma_wait3A_946 = tpu.memref_slice %arg11[%dma_wait3A_944, %dma_wait3A_945] : memref<128x96xf32, #tpu.memory_space<vmem>> -> memref<64x96xf32, #tpu.memory_space<vmem>>
    %dma_wait3A_947 = arith.constant 64 : i32
    %dma_wait3A_948 = tpu.memref_slice %arg19[%dma_wait3A_947] : memref<128xi32, #tpu.memory_space<vmem>> -> memref<64xi32, #tpu.memory_space<vmem>>
    %dma_wait3A_949 = arith.constant 0 : i32
    %dma_wait3A_950 = arith.constant 0 : i32
    %dma_wait3A_951 = tpu.memref_slice %arg2[%dma_wait3A_949, %dma_wait3A_950] : memref<1048576x96xf32, #tpu.memory_space<hbm>> -> memref<1048576x96xf32, #tpu.memory_space<hbm>>
    tpu.wait_indirect_dma semaphore(%arg37 : memref<!tpu.dma_semaphore, #tpu.memory_space<semaphore_mem>>) src(%dma_wait3A_951 : memref<1048576x96xf32, #tpu.memory_space<hbm>>) dst(%dma_wait3A_946 : memref<64x96xf32, #tpu.memory_space<vmem>>)
    %dma_wait3A_952 = arith.constant 0 : i32
    %dma_wait3A_953 = arith.constant 0 : i32
    %dma_wait3A_954 = tpu.memref_slice %arg12[%dma_wait3A_952, %dma_wait3A_953] : memref<128x96xf32, #tpu.memory_space<vmem>> -> memref<64x96xf32, #tpu.memory_space<vmem>>
    %dma_wait3A_955 = arith.constant 0 : i32
    %dma_wait3A_956 = tpu.memref_slice %arg20[%dma_wait3A_955] : memref<128xi32, #tpu.memory_space<vmem>> -> memref<64xi32, #tpu.memory_space<vmem>>
    %dma_wait3A_957 = arith.constant 0 : i32
    %dma_wait3A_958 = arith.constant 0 : i32
    %dma_wait3A_959 = tpu.memref_slice %arg2[%dma_wait3A_957, %dma_wait3A_958] : memref<1048576x96xf32, #tpu.memory_space<hbm>> -> memref<1048576x96xf32, #tpu.memory_space<hbm>>
    tpu.wait_indirect_dma semaphore(%arg37 : memref<!tpu.dma_semaphore, #tpu.memory_space<semaphore_mem>>) src(%dma_wait3A_959 : memref<1048576x96xf32, #tpu.memory_space<hbm>>) dst(%dma_wait3A_954 : memref<64x96xf32, #tpu.memory_space<vmem>>)
    %dma_wait3A_960 = arith.constant 64 : i32
    %dma_wait3A_961 = arith.constant 0 : i32
    %dma_wait3A_962 = tpu.memref_slice %arg12[%dma_wait3A_960, %dma_wait3A_961] : memref<128x96xf32, #tpu.memory_space<vmem>> -> memref<64x96xf32, #tpu.memory_space<vmem>>
    %dma_wait3A_963 = arith.constant 64 : i32
    %dma_wait3A_964 = tpu.memref_slice %arg20[%dma_wait3A_963] : memref<128xi32, #tpu.memory_space<vmem>> -> memref<64xi32, #tpu.memory_space<vmem>>
    %dma_wait3A_965 = arith.constant 0 : i32
    %dma_wait3A_966 = arith.constant 0 : i32
    %dma_wait3A_967 = tpu.memref_slice %arg2[%dma_wait3A_965, %dma_wait3A_966] : memref<1048576x96xf32, #tpu.memory_space<hbm>> -> memref<1048576x96xf32, #tpu.memory_space<hbm>>
    tpu.wait_indirect_dma semaphore(%arg37 : memref<!tpu.dma_semaphore, #tpu.memory_space<semaphore_mem>>) src(%dma_wait3A_967 : memref<1048576x96xf32, #tpu.memory_space<hbm>>) dst(%dma_wait3A_962 : memref<64x96xf32, #tpu.memory_space<vmem>>)
    %dma_wait3A_968 = arith.constant 0 : i32
    %dma_wait3A_969 = arith.constant 0 : i32
    %dma_wait3A_970 = tpu.memref_slice %arg13[%dma_wait3A_968, %dma_wait3A_969] : memref<128x96xf32, #tpu.memory_space<vmem>> -> memref<64x96xf32, #tpu.memory_space<vmem>>
    %dma_wait3A_971 = arith.constant 0 : i32
    %dma_wait3A_972 = tpu.memref_slice %arg21[%dma_wait3A_971] : memref<128xi32, #tpu.memory_space<vmem>> -> memref<64xi32, #tpu.memory_space<vmem>>
    %dma_wait3A_973 = arith.constant 0 : i32
    %dma_wait3A_974 = arith.constant 0 : i32
    %dma_wait3A_975 = tpu.memref_slice %arg2[%dma_wait3A_973, %dma_wait3A_974] : memref<1048576x96xf32, #tpu.memory_space<hbm>> -> memref<1048576x96xf32, #tpu.memory_space<hbm>>
    tpu.wait_indirect_dma semaphore(%arg37 : memref<!tpu.dma_semaphore, #tpu.memory_space<semaphore_mem>>) src(%dma_wait3A_975 : memref<1048576x96xf32, #tpu.memory_space<hbm>>) dst(%dma_wait3A_970 : memref<64x96xf32, #tpu.memory_space<vmem>>)
    %dma_wait3A_976 = arith.constant 64 : i32
    %dma_wait3A_977 = arith.constant 0 : i32
    %dma_wait3A_978 = tpu.memref_slice %arg13[%dma_wait3A_976, %dma_wait3A_977] : memref<128x96xf32, #tpu.memory_space<vmem>> -> memref<64x96xf32, #tpu.memory_space<vmem>>
    %dma_wait3A_979 = arith.constant 64 : i32
    %dma_wait3A_980 = tpu.memref_slice %arg21[%dma_wait3A_979] : memref<128xi32, #tpu.memory_space<vmem>> -> memref<64xi32, #tpu.memory_space<vmem>>
    %dma_wait3A_981 = arith.constant 0 : i32
    %dma_wait3A_982 = arith.constant 0 : i32
    %dma_wait3A_983 = tpu.memref_slice %arg2[%dma_wait3A_981, %dma_wait3A_982] : memref<1048576x96xf32, #tpu.memory_space<hbm>> -> memref<1048576x96xf32, #tpu.memory_space<hbm>>
    tpu.wait_indirect_dma semaphore(%arg37 : memref<!tpu.dma_semaphore, #tpu.memory_space<semaphore_mem>>) src(%dma_wait3A_983 : memref<1048576x96xf32, #tpu.memory_space<hbm>>) dst(%dma_wait3A_978 : memref<64x96xf32, #tpu.memory_space<vmem>>)
    %dma_wait3A_984 = tpu.memref_slice %arg3[%mul3A_2] : memref<1048576xf32, #tpu.memory_space<hbm>> -> memref<128xf32, #tpu.memory_space<hbm>>
    %dma_wait3A_985 = tpu.memref_slice %arg3[%mul3A_2] : memref<1048576xf32, #tpu.memory_space<hbm>> -> memref<128xf32, #tpu.memory_space<hbm>>
    tpu.wait_dma2 semaphore(%arg36 : memref<!tpu.dma_semaphore, #tpu.memory_space<semaphore_mem>>) src(%dma_wait3A_985 : memref<128xf32, #tpu.memory_space<hbm>>) dst(%arg7 : memref<128xf32, #tpu.memory_space<vmem>>)
    %dma_wait3A_986 = tpu.memref_slice %arg4[%mul3A_2] : memref<1048576xf32, #tpu.memory_space<hbm>> -> memref<128xf32, #tpu.memory_space<hbm>>
    %dma_wait3A_987 = tpu.memref_slice %arg4[%mul3A_2] : memref<1048576xf32, #tpu.memory_space<hbm>> -> memref<128xf32, #tpu.memory_space<hbm>>
    tpu.wait_dma2 semaphore(%arg36 : memref<!tpu.dma_semaphore, #tpu.memory_space<semaphore_mem>>) src(%dma_wait3A_987 : memref<128xf32, #tpu.memory_space<hbm>>) dst(%arg9 : memref<128xf32, #tpu.memory_space<vmem>>)
    %mul3A_988 = arith.constant 96 : i32
    %mul3A_989 = arith.muli %mul3A_2, %mul3A_988 : i32
    %dma_wait3A_990 = tpu.memref_slice %arg5[%mul3A_989] : memref<100663296xf32, #tpu.memory_space<hbm>> -> memref<12288xf32, #tpu.memory_space<hbm>>
    %dma_wait3A_991 = tpu.memref_slice %arg5[%mul3A_989] : memref<100663296xf32, #tpu.memory_space<hbm>> -> memref<12288xf32, #tpu.memory_space<hbm>>
    tpu.wait_dma2 semaphore(%arg39 : memref<!tpu.dma_semaphore, #tpu.memory_space<semaphore_mem>>) src(%arg34 : memref<12288xf32, #tpu.memory_space<vmem>>) dst(%dma_wait3A_991 : memref<12288xf32, #tpu.memory_space<hbm>>)
    return
  }
}

</mosaic_0001>

<sc_bundles>
// kernel: sc_bilinear_sampler.3.cloned.1.call-start
scs
__scs_entry_jumppad:
0x0: {  	(pc) =	sbr.rel $0x88, $3  }
0x1: {  	(tag) =	ssettag $0x0;
	lr =	simm.s32 $0x1  }
0x2: {  	[smem:$0x3F9E] =	sst lr;
	_ =	strace $0xD0000000  }
0x3: {  	_ = 	snop  }
0x4: {  	_ = 	snop  }
0x5: {  	_ = 	snop  }
0x6: {  	_ = 	snop  }
0x7: {  	_ = 	snop  }
__scs_overlays_trampoline_lowered:
0x8: {  	[smem:$0x3FAD] =	sst s0  }
0x9: {  	[smem:$0x3FAE] =	sst s1  }
0xa: {  	[smem:$0x3FAF] =	sst s2  }
0xb: {  	[smem:$0x3FB0] =	sst s3  }
0xc: {  	[smem:$0x3FB1] =	sst s4  }
0xd: {  	[smem:$0x3FB2] =	sst s5  }
0xe: {  	[smem:$0x3FB3] =	sst s6  }
0xf: {  	[smem:$0x3FB4] =	sst s7  }
0x10: {  	[smem:$0x3FB5] =	sst s8  }
0x11: {  	[smem:$0x3FB6] =	sst s9;
	s0 =	simm.s32 @!p0 $0x0  }
0x12: {  	s1 =	sld [smem:$0x3F9C];
	s0 =	simm.s32 @p0 $0x1  }
0x13: {  	[smem:$0x3FB7] =	sst s0;
	s0 =	simm.s32 @!p1 $0x0  }
0x14: {  	s2 =	sld [smem:$0x3F9B];
	s0 =	simm.s32 @p1 $0x1  }
0x15: {  	[smem:$0x3FB8] =	sst s0;
	s0 =	simm.s32 @!p2 $0x0  }
0x16: {  	s3 =	sld [smem:$0x3FDB];
	s0 =	simm.s32 @p2 $0x1  }
0x17: {  	s4 =	simm.s32 $0x1BF5;
	[smem:$0x3FBA] =	sst s0  }
0x18: {  	s0 =	sld [smem:$0x3F9D];
	_ =	swait.ge [sflag:s4], $0x0  }
0x19: {  	s7 =	sld [smem:$0x3F9E]  }
0x1a: {  	s8 =	sadd.s32 $0xFFFFE003, lr  }
0x1b: {  	s9 =	sadd.s32 $0xFFFFFEF7, lr;
	s5 =	simm.s32 $0xFFFFFFFF;
	p2 =	slt.u32 s8, $0xFFFFF086  }
0x1c: {  	p1 =	slt.u32 s9, $0xF7A;
	s5 =	simm.s32 @!p2 $0x0  }
0x1d: {  	s5 =	simm.s32 @p1 $0x1;
	p0 =	seq.s32 s7, s2  }
0x1e: {  	s7 =	smul.u32 @!p0 $0xF7A, s2;
	p2 =	seq.s32 @!p0 s5, $0x0  }
0x1f: {  	s9 =	smul.u32 $0xF7A, s1;
	s8 =	simm.s32 @!p0 $0x1BF5;
	p2 =	por !p2, p0  }
0x20: {  	[sflag:s8] =	ssyncset.s32 @!p0 $0xFFFFF086;
	s6 =	sadd.s32 @!p0 s3, s7;
	s7 =	simm.s32 @!p0 $0x108  }
0x21: {  	s3 =	sadd.s32 s3, s9;
	s6 =	sadd.s32 @!p0 $0x88, s6;
	s7 =	simm.s32 @p2 $0x1082  }
0x22: {  	[simem:s7], [sflag:s8] =	dma.local @!p0 [hbm:s6], $0xF7A  }
0x23: {  	s9 =	sor.u32 $0xD0000000, s2;
	s6 =	simm.s32 $0x108;
	_ =	swait.ge @!p0 [sflag:s8], $0x0  }
0x24: {  	s3 =	sadd.s32 $0x88, s3;
	s6 =	simm.s32 @!p1 $0x1082;
	[sflag:s4] =	ssyncset.s32 $0xFFFFF086  }
0x25: {  	[simem:s6], [sflag:s4] =	dma.local [hbm:s3], $0xF7A  }
0x26: {  	[smem:$0x3F9E] =	sst s1;
	(tag) =	ssettag s2;
	_ =	strace s9  }
0x27: {  	s1 =	sld [smem:$0x3FAE]  }
0x28: {  	s2 =	sld [smem:$0x3FAF]  }
0x29: {  	s4 =	sld [smem:$0x3FB1]  }
0x2a: {  	p0 =	seq.s32 s5, $0x0;
	s5 =	sld [smem:$0x3FB2]  }
0x2b: {  	s6 =	sld [smem:$0x3FB3]  }
0x2c: {  	s7 =	sld [smem:$0x3FB4]  }
0x2d: {  	s3 =	simm.s32 $0x108;
	s8 =	sld [smem:$0x3FB5]  }
0x2e: {  	s3 =	simm.s32 @!p0 $0x1082;
	s9 =	sld [smem:$0x3FB6]  }
0x2f: {  	lr =	sadd.s32 s0, s3;
	s0 =	sld [smem:$0x3FAD]  }
0x30: {  	s3 =	sld [smem:$0x3FB0]  }
0x31: {  	[smem:$0x3FB9] =	sst s10  }
0x32: {  	s10 =	sld [smem:$0x3FB7];
	_ =	sdelay $0x3  }
0x33: {  	p0 =	seq.s32 s10, $0x1;
	s10 =	sld [smem:$0x3FB9];
	_ =	sdelay $0x3  }
0x34: {  	[smem:$0x3FB9] =	sst s10  }
0x35: {  	s10 =	sld [smem:$0x3FB8];
	_ =	sdelay $0x3  }
0x36: {  	p1 =	seq.s32 s10, $0x1;
	s10 =	sld [smem:$0x3FB9];
	_ =	sdelay $0x3  }
0x37: {  	[smem:$0x3FB9] =	sst s10  }
0x38: {  	s10 =	sld [smem:$0x3FBA]  }
0x39: {  	_ = 	snop;
	(pc) =	sbr.ind lr, $3  }
0x3a: {  	_ = 	snop  }
0x3b: {  	_ = 	snop  }
0x3c: {  	p2 =	seq.s32 s10, $0x1;
	s10 =	sld [smem:$0x3FB9]  }
0x3d: {  	_ =	shalt  }
0x3e: {  	_ =	shalt  }
0x3f: {  	_ =	shalt  }
0x40: {  	_ =	shalt  }
0x41: {  	_ =	shalt  }
0x42: {  	_ =	shalt  }
0x43: {  	_ =	shalt  }
0x44: {  	_ =	shalt  }
0x45: {  	_ =	shalt  }
0x46: {  	_ =	shalt  }
0x47: {  	_ =	shalt  }
0x48: {  	_ =	shalt  }
0x49: {  	_ =	shalt  }
0x4a: {  	_ =	shalt  }
0x4b: {  	_ =	shalt  }
0x4c: {  	_ =	shalt  }
0x4d: {  	_ =	shalt  }
0x4e: {  	_ =	shalt  }
0x4f: {  	_ =	shalt  }
0x50: {  	_ =	shalt  }
0x51: {  	_ =	shalt  }
0x52: {  	_ =	shalt  }
0x53: {  	_ =	shalt  }
0x54: {  	_ =	shalt  }
0x55: {  	_ =	shalt  }
0x56: {  	_ =	shalt  }
0x57: {  	_ =	shalt  }
0x58: {  	_ =	shalt  }
0x59: {  	_ =	shalt  }
0x5a: {  	_ =	shalt  }
0x5b: {  	_ =	shalt  }
0x5c: {  	_ =	shalt  }
0x5d: {  	_ =	shalt  }
0x5e: {  	_ =	shalt  }
0x5f: {  	_ =	shalt  }
0x60: {  	_ =	shalt  }
0x61: {  	_ =	shalt  }
0x62: {  	_ =	shalt  }
0x63: {  	_ =	shalt  }
0x64: {  	_ =	shalt  }
0x65: {  	_ =	shalt  }
0x66: {  	_ =	shalt  }
0x67: {  	_ =	shalt  }
0x68: {  	_ =	shalt  }
0x69: {  	_ =	shalt  }
0x6a: {  	_ =	shalt  }
0x6b: {  	_ =	shalt  }
0x6c: {  	_ =	shalt  }
0x6d: {  	_ =	shalt  }
0x6e: {  	_ =	shalt  }
0x6f: {  	_ =	shalt  }
0x70: {  	_ =	shalt  }
0x71: {  	_ =	shalt  }
0x72: {  	_ =	shalt  }
0x73: {  	_ =	shalt  }
0x74: {  	_ =	shalt  }
0x75: {  	_ =	shalt  }
0x76: {  	_ =	shalt  }
0x77: {  	_ =	shalt  }
0x78: {  	_ =	shalt  }
0x79: {  	_ =	shalt  }
0x7a: {  	_ =	shalt  }
0x7b: {  	_ =	shalt  }
0x7c: {  	_ =	shalt  }
0x7d: {  	_ =	shalt  }
0x7e: {  	_ =	shalt  }
0x7f: {  	_ =	shalt  }
0x80: {  	_ =	shalt  }
0x81: {  	_ =	shalt  }
0x82: {  	_ =	shalt  }
0x83: {  	_ =	shalt  }
0x84: {  	_ =	shalt  }
0x85: {  	_ =	shalt  }
0x86: {  	_ =	shalt  }
0x87: {  	_ =	shalt  }
.Lfunc_end0:
.L_simem_size_0:
called_computation_lowered:
.L_overlay_start_0:
0x88: {  	s2 =	sld [smem:$0x3FD9]  }
0x89: {  	s3 =	sld [smem:$0x3FFE];
	_ =	sdelay $0x1  }
0x8a: {  	s1 =	srdreg.scid  }
0x8b: {  	s0 =	sand.u32 $0x1, s1  }
0x8c: {  	s17 =	sshll.u32 s0, $0xA;
	s2 =	sadd.s32 s3, s2  }
0x8d: {  	s2 =	sadd.s32 s2, s17  }
0x8e: {  	[smem:$0x3FC5] =	sst s2  }
0x8f: {  	_ = 	snop  }
0x90: {  	s2 =	sld [smem:$0x3FC8]  }
0x91: {  	s18 =	sld [smem:$0x3FC7]  }
0x92: {  	s4 =	sld [smem:$0x3FD0];
	(tm) =	ssettm $0x1  }
0x93: {  	s5 =	sld [smem:$0x3FFB];
	_ =	sdelay $0x3  }
0x94: {  	_ =	strace s5  }
0x95: {  	s5 =	sld [smem:$0x3FFC];
	_ =	sdelay $0x3  }
0x96: {  	_ =	strace s5  }
0x97: {  	s5 =	sld [smem:$0x3FFD];
	_ =	sdelay $0x3  }
0x98: {  	_ =	strace s5  }
0x99: {  	_ =	strace $0x8FFFFFFF  }
0x9a: {  	s19 =	sld [smem:$0x3FDB];
	_ =	sdelay $0x1  }
0x9b: {  	s6 =	simm.s32 $_scs_section_size  }
0x9c: {  	s7 =	simm.s32 $_size__tile_overlayer_lowered;
	s8 =	simm.s32 $_tile_overlayer_lowered  }
0x9d: {  	s22 =	simm.s32 $0x1BFF;
	s21 =	sshll.u32 s8, $0x1;
	s5 =	sadd.s32 s6, s19  }
0x9e: {  	s9 =	simm.s32 $0x0;
	s20 =	sshll.u32 s7, $0x1;
	s7 =	sadd.s32 s21, s5  }
0x9f: {  	[timem:s9], [sflag:s22] =	dma.local [hbm:s7], s20  }
0xa0: {  	_ =	swait.ge [sflag:s22], s20  }
0xa1: {  	s6 =	ssub.s32 $0x0, s20;
	[sflag:s22] =	ssyncset.done $0x0  }
0xa2: {  	[sflag:s22] =	ssyncadd.s32 s6;
	_ =	sdelay $0x1  }
0xa3: {  	s23 =	simm.s32 $0x1B8B  }
0xa4: {  	_ =	swait.ge [sflag:s23], $0x1  }
0xa5: {  	[sflag:s23] =	ssyncset.done $0x0  }
0xa6: {  	s25 =	simm.s32 $0x1B8E;
	s24 =	sld [smem:$0x3FFE];
	[sflag:s23] =	ssyncadd.s32 $0xFFFFFFFF  }
0xa7: {  	s26 =	simm.s32 $execute0_lowered;
	[smem:$0x3FD2] =	sst s25  }
0xa8: {  	s7 =	sshll.u32 s26, $0x1;
	_ =	strace $0x80000046;
	[dreg:$0x1] =	wrdreg $0xFFFFFFFF  }
0xa9: {  	s28 =	simm.s32 $_size_execute0_lowered;
	s5 =	sadd.s32 s5, s7;
	[dreg:$0x0] =	wrdreg $0x0  }
0xaa: {  	s7 =	sshll.u32 s28, $0x1;
	[dreg:$0x2] =	wrdreg s5  }
0xab: {  	[dreg:$0x3] =	wrdreg s7  }
0xac: {  	[dreg:$0x4] =	wrdreg $0xC0  }
0xad: {  	_ =	task [dreg:s9], $0x5FFFF  }
0xae: {  	[dreg:$0x1] =	wrdreg $0xFFFFFFFF  }
0xaf: {  	[dreg:$0x0] =	wrdreg $0x60  }
0xb0: {  	[dreg:$0x2] =	wrdreg s24  }
0xb1: {  	[dreg:$0x3] =	wrdreg s2  }
0xb2: {  	[dreg:$0x4] =	wrdreg s18  }
0xb3: {  	[dreg:$0x5] =	wrdreg s4  }
0xb4: {  	[dreg:$0x6] =	wrdreg $0x9  }
0xb5: {  	_ =	task.clear_ibuf [dreg:s9], $0x7FFFF;
	_ =	strace $0x90000046  }
0xb6: {  	s29 =	simm.s32 $0x9;
	_ =	strace $0x80000048  }
0xb7: {  	_ =	swait.ge [sflag:s29], $0x1  }
0xb8: {  	[sflag:s29] =	ssyncadd.s32 $0xFFFFFFFF  }
0xb9: {  	_ =	strace $0x90000048  }
0xba: {  	_ =	sfence  }
0xbb: {  	s30 =	sld [smem:$0x0];
	_ =	sdelay $0x2  }
0xbc: {  	s31 =	sshll.u32 s1, $0xD;
	s1 =	sshrl.u32 s1, $0x2  }
0xbd: {  	s3 =	sand.u32 $0x4000, s31;
	s1 =	sadd.s32 s1, s30  }
0xbe: {  	s0 =	sor.u32 s3, s0;
	s1 =	sshll.u32 s1, $0x11  }
0xbf: {  	s0 =	sor.u32 s1, s0  }
0xc0: {  	s0 =	sadd.s32 $0x8F2B, s0  }
0xc1: {  	[sflag:s0] =	ssyncadd.remote.s32 $0x1  }
0xc2: {  	_ =	sfence.sel $0xFFFF  }
0xc3: {  	[dreg:$0x0] =	wrdreg $0xFFFFFFFF;
	(pc) =	sbr.abs _section_cstart, $3  }
0xc4: {  	[dreg:$0x1] =	wrdreg $0xFFFFFFFF  }
0xc5: {  	_ =	task.clear_ibuf [dreg:s9], $0x2FFFF;
	_ =	strace $0x9FFFFFFF  }
0xc6: {  	(tm) =	ssettm $0x7FFFFFFF  }
0xc7: {  	_ =	shalt  }
tec
execute0_lowered:
.L_overlay_start_1:
0x0: {  	(tag) =	ssettag $0x1  }
0x1: {  	s0 =	rddreg [dreg:$0x0]  }
0x2: {  	s1 =	rddreg [dreg:$0x1]  }
0x3: {  	s2 =	rddreg [dreg:$0x2]  }
0x4: {  	s3 =	rddreg [dreg:$0x3]  }
0x5: {  	s5 =	simm.s32 $0x0;
	s4 =	srdreg.scid;
	s6 =	stileid.u32  }
0x6: {  	s16 =	simm.s32 $0x1;
	s17 =	simm.s32 $0x40;
	s10 =	simm.s32 $0x180  }
0x7: {  	s11 =	simm.s32 $0x2;
	s14 =	simm.s32 $0x3;
	s15 =	simm.s32 $0x18A80  }
0x8: {  	s18 =	simm.s32 $0x4;
	s19 =	simm.s32 $0x5;
	s4 =	sand.u32 $0x1, s4  }
0x9: {  	s6 =	sshll.u32 s6, $0x10;
	s8 =	ssub.s32 $0x2, s4;
	s4 =	sshll.u32 s4, $0xF  }
0xa: {  	s20 =	simm.s32 $0x0;
	[smem:$0x7FF] =	sst s5;
	s6 =	sor.u32 s4, s6  }
0xb: {  	s7 =	sadd.s32 $0x1000400, s0;
	s9 =	sshrl.u32 s8, $0x1;
	s4 =	sshrl.u32 s6, $0x3  }
0xc: {  	_ =	strace $0x80000047;
	s28 =	ssub.s32 s8, s9;
	s29 =	sadd.s32 s1, s4  }
0xd: {  	s12 =	sor.u32 $0x100, s6;
	s30 =	sadd.s32 s2, s4;
	[dreg:$0x5] =	wrdreg s29  }
0xe: {  	s4 =	sor.u32 $0x10, s4;
	s0 =	smax.u32 s28, $0x1;
	[dreg:$0x6] =	wrdreg s30  }
0xf: {  	s13 =	sor.u32 $0x180, s6;
	v0 =	vmov s6;
	s31 =	sadd.s32 s1, s4;
	[dreg:$0x9] =	wrdreg s0  }
0x10: {  	s8 =	simm.s32 $0xAA00;
	v0 =	vand.u32 $0xFFFC0000, v0;
	s4 =	sadd.s32 s2, s4;
	[dreg:$0x7] =	wrdreg s31  }
0x11: {  	s9 =	simm.s32 $0x80;
	v0 =	vbroadcast v0, $0x0;
	[dreg:$0x8] =	wrdreg s4;
	s4 =	simm.s32 $0x183C0  }
.LBB2_1:
0x12: {  	[dreg:$0xa] =	wrdreg s20  }
0x13: {  	s0 =	rddreg [dreg:$0x5]  }
0x14: {  	[tilespmem:s5], [sflag:$0x1] =	stream.linear.gather [hbm4b:s0+s5], $0x80, $0x38;
	[tilespmem:$0x1BA80] =	vst v63  }
0x15: {  	s23 =	rddreg [dreg:$0x6];
	s24 =	simm.s32 $0x100  }
0x16: {  	[tilespmem:s24], [sflag:$0x1] =	stream.linear.gather [hbm4b:s23+s5], $0x80, $0x38;
	[tilespmem:$0x1BA80] =	vst v63  }
0x17: {  	_ =	swait.ge [sflag:s16], $0x80  }
0x18: {  	[sflag:s16] =	ssyncset.done $0x0  }
0x19: {  	[sflag:s16] =	ssyncadd.s32 $0xFFFFFF80  }
0x1a: {  	_ =	swait.ge [sflag:s16], $0x80  }
0x1b: {  	[sflag:s16] =	ssyncset.done $0x0  }
0x1c: {  	[sflag:s16] =	ssyncadd.s32 $0xFFFFFF80  }
0x1d: {  	v1 =	vld [tilespmem:$0x0]  }
0x1e: {  	v2 =	vld [tilespmem:$0x100]  }
0x1f: {  	v4 =	vld [tilespmem:$0x10]  }
0x20: {  	v6 =	vld [tilespmem:$0x110]  }
0x21: {  	v15 =	vld [tilespmem:$0x20]  }
0x22: {  	v22 =	vld [tilespmem:$0x30]  }
0x23: {  	v23 =	vld [tilespmem:$0x130]  }
0x24: {  	v1 =	vadd.f32 $1.000000000e+00, v1  }
0x25: {  	v2 =	vadd.f32 $1.000000000e+00, v2;
	v4 =	vadd.f32 $1.000000000e+00, v4  }
0x26: {  	v6 =	vadd.f32 $1.000000000e+00, v6;
	v15 =	vadd.f32 $1.000000000e+00, v15  }
0x27: {  	v22 =	vadd.f32 $1.000000000e+00, v22;
	v1 =	vmul.f32 $5.110000000e+02, v1;
	v2 =	vmul.f32 $5.110000000e+02, v2  }
0x28: {  	v23 =	vadd.f32 $1.000000000e+00, v23;
	v4 =	vmul.f32 $5.110000000e+02, v4;
	v6 =	vmul.f32 $5.110000000e+02, v6  }
0x29: {  	v15 =	vmul.f32 $5.110000000e+02, v15;
	v22 =	vmul.f32 $5.110000000e+02, v22  }
0x2a: {  	v23 =	vmul.f32 $5.110000000e+02, v23;
	v1 =	vmul.f32 $5.000000000e-01, v1  }
0x2b: {  	v2 =	vmul.f32 $5.000000000e-01, v2;
	v4 =	vmul.f32 $5.000000000e-01, v4  }
0x2c: {  	v6 =	vmul.f32 $5.000000000e-01, v6;
	v15 =	vmul.f32 $5.000000000e-01, v15  }
0x2d: {  	v22 =	vmul.f32 $5.000000000e-01, v22;
	v23 =	vmul.f32 $5.000000000e-01, v23  }
0x2e: {  	v47 =	vld [tilespmem:$0x40];
	v3 =	vtrunc.f32 v1;
	v5 =	vtrunc.f32 v2  }
0x2f: {  	v14 =	vtrunc.f32 v4;
	v32 =	vtrunc.f32 v6  }
0x30: {  	v37 =	vtrunc.f32 v15;
	v30 =	vtrunc.f32 v22  }
0x31: {  	v43 =	vtrunc.f32 v23;
	v3 =	vcvt.f32.s32 v3  }
0x32: {  	v5 =	vcvt.f32.s32 v5;
	v31 =	vcvt.f32.s32 v14  }
0x33: {  	v58 =	vadd.f32 $1.000000000e+00, v47;
	v14 =	vcvt.f32.s32 v32;
	v38 =	vcvt.f32.s32 v37  }
0x34: {  	v42 =	vcvt.f32.s32 v30;
	v46 =	vcvt.f32.s32 v43;
	v7 =	vadd.s32 $0x1, v3  }
0x35: {  	v8 =	vadd.s32 $0x1, v5;
	v9 =	vcvt.s32.f32 v3;
	v10 =	vcvt.s32.f32 v5  }
0x36: {  	v5 =	vshll.u32 v5, $0x9;
	v33 =	vadd.s32 $0x1, v31;
	v17 =	vadd.s32 $0x1, v14  }
0x37: {  	v35 =	vcvt.s32.f32 v31;
	v18 =	vcvt.s32.f32 v14;
	v14 =	vshll.u32 v14, $0x9  }
0x38: {  	v24 =	vadd.s32 $0x1, v38;
	v25 =	vcvt.s32.f32 v38;
	v48 =	vadd.s32 $0x1, v42  }
0x39: {  	v51 =	vadd.s32 $0x1, v46;
	v56 =	vcvt.s32.f32 v42;
	v57 =	vcvt.s32.f32 v46  }
0x3a: {  	vm0 =	vlt.s32 v7, $0x1FF;
	vm13 =	vlt.s32 v8, $0x1FF;
	v5 =	vadd.s32 v0, v5  }
0x3b: {  	vm14 =	vlt.s32 v33, $0x1FF;
	vm15 =	vlt.s32 v17, $0x1FF;
	v14 =	vadd.s32 v0, v14  }
0x3c: {  	vm4 =	vlt.s32 v24, $0x1FF;
	vm6 =	vlt.s32 v48, $0x1FF;
	vm7 =	vlt.s32 v51, $0x1FF  }
0x3d: {  	v7 =	vnsel vm0, $0x1FF, v7;
	v8 =	vnsel vm13, $0x1FF, v8;
	v13 =	vadd.s32 v3, v5  }
0x3e: {  	v21 =	vadd.s32 v31, v14;
	v24 =	vnsel vm4, $0x1FF, v24;
	v53 =	vnsel vm6, $0x1FF, v48  }
0x3f: {  	v34 =	vld [tilespmem:$0x120];
	v55 =	vnsel vm7, $0x1FF, v51;
	v32 =	vsub.f32 v23, v57;
	v11 =	vcvt.s32.f32 v7  }
0x40: {  	v12 =	vcvt.s32.f32 v8;
	v8 =	vshll.u32 v8, $0x9;
	v5 =	vadd.s32 v7, v5  }
0x41: {  	v27 =	vcvt.s32.f32 v24;
	v59 =	vcvt.s32.f32 v53;
	v8 =	vadd.s32 v0, v8  }
0x42: {  	v60 =	vcvt.s32.f32 v55;
	v3 =	vadd.s32 v3, v8;
	v11 =	vsub.f32 v11, v1  }
0x43: {  	v49 =	vld [tilespmem:$0x140];
	v7 =	vadd.s32 v7, v8;
	v12 =	vsub.f32 v12, v2;
	v1 =	vsub.f32 v1, v9  }
0x44: {  	v2 =	vsub.f32 v2, v10;
	v9 =	vnsel vm14, $0x1FF, v33;
	v10 =	vadd.f32 $1.000000000e+00, v34  }
0x45: {  	v44 =	vsub.f32 v27, v15;
	v19 =	vcvt.s32.f32 v9;
	v14 =	vadd.s32 v9, v14  }
0x46: {  	[tilespmem:$0x18280] =	vst v3;
	v3 =	vsub.f32 v15, v25;
	v16 =	vmul.f32 v12, v11;
	v11 =	vmul.f32 v11, v2  }
0x47: {  	v12 =	vmul.f32 v12, v1;
	v1 =	vmul.f32 v2, v1;
	v2 =	vnsel vm15, $0x1FF, v17  }
0x48: {  	v25 =	vadd.f32 $1.000000000e+00, v49;
	v10 =	vmul.f32 $5.110000000e+02, v10;
	v20 =	vcvt.s32.f32 v2  }
0x49: {  	v2 =	vshll.u32 v2, $0x9;
	v19 =	vsub.f32 v19, v4;
	v4 =	vsub.f32 v4, v35  }
0x4a: {  	v61 =	vmul.f32 $5.110000000e+02, v25;
	v2 =	vadd.s32 v0, v2;
	v10 =	vmul.f32 $5.000000000e-01, v10;
	[tilespmem:$0x18720] =	vst v12  }
0x4b: {  	v35 =	vld [tilespmem:$0x150];
	[tilespmem:$0x187B0] =	vst v1;
	v1 =	vshll.u32 v46, $0x9;
	v12 =	vsub.f32 v59, v22;
	v8 =	vadd.s32 v31, v2  }
0x4c: {  	v36 =	vsub.f32 v20, v6;
	v6 =	vsub.f32 v6, v18;
	v1 =	vadd.s32 v0, v1  }
0x4d: {  	v2 =	vadd.s32 v9, v2;
	v31 =	vld [tilespmem:$0x50];
	v39 =	vtrunc.f32 v10;
	v62 =	vadd.s32 v42, v1  }
0x4e: {  	v1 =	vadd.s32 v53, v1;
	v40 =	vmul.f32 v36, v19;
	v20 =	vcvt.f32.s32 v39  }
0x4f: {  	[tilespmem:$0x18390] =	vst v2;
	v2 =	vsub.f32 v22, v56;
	v19 =	vmul.f32 v19, v6;
	v17 =	vmul.f32 v36, v4  }
0x50: {  	v4 =	vmul.f32 v6, v4;
	v43 =	vadd.f32 $1.000000000e+00, v35;
	v41 =	vadd.s32 $0x1, v20  }
0x51: {  	[tilespmem:$0x18200] =	vst v13;
	v26 =	vcvt.s32.f32 v20;
	v20 =	vshll.u32 v20, $0x9;
	vm5 =	vlt.s32 v41, $0x1FF  }
0x52: {  	[tilespmem:$0x18210] =	vst v21;
	v35 =	vld [tilespmem:$0x170];
	v20 =	vadd.s32 v0, v20;
	v6 =	vnsel vm5, $0x1FF, v41;
	v41 =	vadd.f32 $1.000000000e+00, v31  }
0x53: {  	[tilespmem:$0x18300] =	vst v5;
	v22 =	vmul.f32 $5.110000000e+02, v43;
	v29 =	vadd.s32 v38, v20;
	v28 =	vcvt.s32.f32 v6  }
0x54: {  	[tilespmem:$0x18730] =	vst v17;
	v20 =	vadd.s32 v24, v20;
	v6 =	vshll.u32 v6, $0x9;
	v17 =	vmul.f32 $5.110000000e+02, v41  }
0x55: {  	[tilespmem:$0x18380] =	vst v7;
	v48 =	vmul.f32 $5.000000000e-01, v22;
	v45 =	vsub.f32 v28, v10;
	v10 =	vsub.f32 v10, v26  }
0x56: {  	[tilespmem:$0x18310] =	vst v14;
	v6 =	vadd.s32 v0, v6;
	v26 =	vmul.f32 $5.110000000e+02, v58;
	v17 =	vmul.f32 $5.000000000e-01, v17  }
0x57: {  	[tilespmem:$0x18600] =	vst v16;
	v43 =	vadd.f32 $1.000000000e+00, v35;
	v50 =	vmul.f32 v45, v44;
	v52 =	vmul.f32 v44, v10  }
0x58: {  	[tilespmem:$0x18690] =	vst v11;
	v28 =	vsub.f32 v60, v23;
	v54 =	vmul.f32 v45, v3;
	v3 =	vmul.f32 v10, v3  }
0x59: {  	[tilespmem:$0x18290] =	vst v8;
	v18 =	vadd.s32 v38, v6;
	v63 =	vmul.f32 $5.000000000e-01, v26;
	v26 =	vmul.f32 $5.000000000e-01, v61  }
0x5a: {  	[tilespmem:$0x18230] =	vst v62;
	v6 =	vadd.s32 v24, v6;
	v36 =	vmul.f32 v28, v12;
	v12 =	vmul.f32 v12, v32  }
0x5b: {  	[tilespmem:$0x18330] =	vst v1;
	v10 =	vshll.u32 v55, $0x9;
	v11 =	vmul.f32 v28, v2;
	v2 =	vmul.f32 v32, v2  }
0x5c: {  	[tilespmem:$0x18610] =	vst v40;
	v10 =	vadd.s32 v0, v10;
	v30 =	vtrunc.f32 v63;
	v34 =	vtrunc.f32 v26  }
0x5d: {  	v24 =	vadd.s32 v42, v10;
	[tilespmem:$0x18620] =	vst v50;
	v50 =	vtrunc.f32 v17;
	v33 =	vcvt.f32.s32 v30  }
0x5e: {  	v10 =	vadd.s32 v53, v10;
	[tilespmem:$0x186B0] =	vst v52;
	v52 =	vtrunc.f32 v48;
	v37 =	vcvt.f32.s32 v34  }
0x5f: {  	[tilespmem:$0x186A0] =	vst v19;
	v51 =	vcvt.f32.s32 v50;
	v9 =	vcvt.f32.s32 v52;
	v38 =	vadd.s32 $0x1, v33  }
0x60: {  	[tilespmem:$0x187C0] =	vst v4;
	v39 =	vadd.s32 $0x1, v37;
	v42 =	vcvt.s32.f32 v33;
	v21 =	vcvt.s32.f32 v37  }
0x61: {  	v56 =	vld [tilespmem:$0x160];
	[tilespmem:$0x18740] =	vst v54;
	v19 =	vshll.u32 v37, $0x9;
	v55 =	vadd.s32 $0x1, v51;
	v57 =	vadd.s32 $0x1, v9  }
0x62: {  	v54 =	vld [tilespmem:$0x60];
	[tilespmem:$0x187E0] =	vst v2;
	v61 =	vcvt.s32.f32 v51;
	v62 =	vcvt.s32.f32 v9;
	v2 =	vshll.u32 v9, $0x9  }
0x63: {  	[tilespmem:$0x18220] =	vst v29;
	vm8 =	vlt.s32 v38, $0x1FF;
	vm9 =	vlt.s32 v39, $0x1FF;
	v46 =	vadd.s32 v0, v19  }
0x64: {  	[tilespmem:$0x18320] =	vst v20;
	vm10 =	vlt.s32 v55, $0x1FF;
	vm11 =	vlt.s32 v57, $0x1FF;
	v2 =	vadd.s32 v0, v2  }
0x65: {  	[tilespmem:$0x182A0] =	vst v18;
	v40 =	vnsel vm8, $0x1FF, v38;
	v4 =	vnsel vm9, $0x1FF, v39;
	v47 =	vadd.s32 v33, v46  }
0x66: {  	[tilespmem:$0x183A0] =	vst v6;
	v18 =	vsub.f32 v63, v42;
	v14 =	vsub.f32 v26, v21;
	v58 =	vnsel vm10, $0x1FF, v55  }
0x67: {  	[tilespmem:$0x187D0] =	vst v3;
	v60 =	vnsel vm11, $0x1FF, v57;
	v16 =	vadd.f32 $1.000000000e+00, v54;
	v21 =	vadd.f32 $1.000000000e+00, v56  }
0x68: {  	[tilespmem:$0x18630] =	vst v36;
	v29 =	vadd.s32 v51, v2;
	v44 =	vcvt.s32.f32 v40;
	v45 =	vcvt.s32.f32 v4  }
0x69: {  	[tilespmem:$0x182B0] =	vst v24;
	v4 =	vshll.u32 v4, $0x9;
	v5 =	vadd.s32 v40, v46;
	v24 =	vcvt.s32.f32 v60  }
0x6a: {  	[tilespmem:$0x186C0] =	vst v12;
	v25 =	vshll.u32 v60, $0x9;
	v2 =	vadd.s32 v58, v2;
	v4 =	vadd.s32 v0, v4  }
0x6b: {  	[tilespmem:$0x18750] =	vst v11;
	v59 =	vmul.f32 v14, v18;
	v27 =	vadd.s32 v0, v25;
	v28 =	vmul.f32 $5.110000000e+02, v21  }
0x6c: {  	[tilespmem:$0x183B0] =	vst v10;
	v49 =	vadd.s32 v33, v4;
	v3 =	vadd.s32 v40, v4;
	v53 =	vsub.f32 v44, v63  }
0x6d: {  	[tilespmem:$0x18240] =	vst v47;
	v6 =	vsub.f32 v45, v26;
	v63 =	vcvt.s32.f32 v58;
	v26 =	vmul.f32 $5.110000000e+02, v16  }
0x6e: {  	[tilespmem:$0x18250] =	vst v29;
	v31 =	vsub.f32 v24, v48;
	v16 =	vmul.f32 $5.110000000e+02, v43;
	v9 =	vmul.f32 $5.000000000e-01, v28  }
0x6f: {  	v33 =	vld [tilespmem:$0x70];
	[tilespmem:$0x183C0] =	vst v3;
	v3 =	vsub.f32 v17, v61;
	v1 =	vmul.f32 v6, v53;
	v8 =	vmul.f32 v53, v14  }
0x70: {  	[tilespmem:$0x18340] =	vst v5;
	v6 =	vmul.f32 v6, v18;
	v14 =	vmul.f32 $5.000000000e-01, v26;
	v30 =	vsub.f32 v63, v17  }
0x71: {  	[tilespmem:$0x18350] =	vst v2;
	v4 =	vadd.s32 v51, v27;
	v34 =	vtrunc.f32 v9;
	v38 =	vmul.f32 v31, v3  }
0x72: {  	v32 =	vtrunc.f32 v14;
	[tilespmem:$0x18640] =	vst v1;
	v1 =	vsub.f32 v48, v62;
	v36 =	vmul.f32 v31, v30  }
0x73: {  	v7 =	vadd.s32 v58, v27;
	[tilespmem:$0x182C0] =	vst v49;
	v37 =	vcvt.f32.s32 v34;
	v48 =	vmul.f32 $5.000000000e-01, v16  }
0x74: {  	[tilespmem:$0x187F0] =	vst v59;
	v12 =	vcvt.f32.s32 v32;
	v40 =	vadd.f32 $1.000000000e+00, v33;
	v5 =	vmul.f32 v30, v1  }
0x75: {  	[tilespmem:$0x182D0] =	vst v4;
	v1 =	vmul.f32 v1, v3;
	v3 =	vadd.s32 $0x1, v37;
	v42 =	vcvt.s32.f32 v37  }
0x76: {  	[tilespmem:$0x183D0] =	vst v7;
	v10 =	vshll.u32 v37, $0x9;
	v51 =	vtrunc.f32 v48;
	v39 =	vadd.s32 $0x1, v12  }
0x77: {  	[tilespmem:$0x186D0] =	vst v8;
	vm13 =	vlt.s32 v3, $0x1FF;
	v41 =	vcvt.s32.f32 v12;
	v13 =	vmul.f32 $5.110000000e+02, v40  }
0x78: {  	[tilespmem:$0x18760] =	vst v6;
	v45 =	vadd.s32 v0, v10;
	v53 =	vcvt.f32.s32 v51;
	vm12 =	vlt.s32 v39, $0x1FF  }
0x79: {  	[tilespmem:$0x18770] =	vst v38;
	v2 =	vnsel vm13, $0x1FF, v3;
	v47 =	vadd.s32 v12, v45;
	v54 =	vsub.f32 v9, v42  }
0x7a: {  	[tilespmem:$0x18650] =	vst v36;
	v11 =	vnsel vm12, $0x1FF, v39;
	v44 =	vcvt.s32.f32 v2;
	v2 =	vshll.u32 v2, $0x9  }
0x7b: {  	[tilespmem:$0x186E0] =	vst v5;
	v46 =	vmul.f32 $5.000000000e-01, v13;
	v4 =	vsub.f32 v14, v41;
	v59 =	vshll.u32 v53, $0x9  }
0x7c: {  	[tilespmem:$0x18800] =	vst v1;
	v3 =	vcvt.s32.f32 v11;
	v2 =	vadd.s32 v0, v2;
	v8 =	vadd.s32 v11, v45  }
0x7d: {  	[tilespmem:$0x18260] =	vst v47;
	v49 =	vadd.s32 v12, v2;
	v50 =	vtrunc.f32 v46;
	v52 =	vsub.f32 v44, v9  }
0x7e: {  	v1 =	vadd.s32 v11, v2;
	[tilespmem:$0x18360] =	vst v8;
	v11 =	vadd.s32 $0x1, v53;
	v2 =	vcvt.f32.s32 v50  }
0x7f: {  	v9 =	vadd.s32 v0, v59;
	v3 =	vsub.f32 v3, v14;
	[tilespmem:$0x182E0] =	vst v49;
	v5 =	vmul.f32 v52, v4  }
0x80: {  	[tilespmem:$0x183E0] =	vst v1;
	vm15 =	vlt.s32 v11, $0x1FF;
	v4 =	vmul.f32 v54, v4;
	v55 =	vadd.s32 $0x1, v2  }
0x81: {  	v57 =	vnsel vm15, $0x1FF, v11;
	v56 =	vmul.f32 v52, v3;
	vm14 =	vlt.s32 v55, $0x1FF;
	[tilespmem:$0x18780] =	vst v5  }
0x82: {  	v1 =	vmul.f32 v3, v54;
	v62 =	vadd.s32 v2, v9;
	[tilespmem:$0x18810] =	vst v4;
	v3 =	vnsel vm14, $0x1FF, v55  }
0x83: {  	v60 =	vcvt.s32.f32 v57;
	v6 =	vshll.u32 v57, $0x9;
	[tilespmem:$0x18270] =	vst v62;
	v58 =	vcvt.s32.f32 v3  }
0x84: {  	v61 =	vcvt.s32.f32 v53;
	v6 =	vadd.s32 v0, v6;
	[tilespmem:$0x186F0] =	vst v1;
	v1 =	vcvt.s32.f32 v2  }
0x85: {  	[tilespmem:$0x18660] =	vst v56;
	v2 =	vadd.s32 v2, v6;
	v5 =	vsub.f32 v60, v48;
	v63 =	vsub.f32 v58, v46  }
0x86: {  	v4 =	vsub.f32 v48, v61;
	[tilespmem:$0x182F0] =	vst v2;
	v2 =	vadd.s32 v3, v9  }
0x87: {  	[tilespmem:$0x18370] =	vst v2;
	v2 =	vadd.s32 v3, v6;
	v1 =	vsub.f32 v46, v1;
	v3 =	vmul.f32 v5, v63  }
0x88: {  	[tilespmem:$0x183F0] =	vst v2;
	v2 =	vmul.f32 v63, v4  }
0x89: {  	[tilespmem:$0x18670] =	vst v3;
	v3 =	vmul.f32 v5, v1  }
0x8a: {  	[tilespmem:$0x18700] =	vst v2;
	v1 =	vmul.f32 v4, v1  }
0x8b: {  	[tilespmem:$0x18790] =	vst v3  }
0x8c: {  	s25 =	simm.s32 $0x18200;
	s26 =	simm.s32 $0x200;
	[tilespmem:$0x18820] =	vst v1  }
0x8d: {  	[tilespmem:s26], [sflag:$0x3] =	stream.indirect.gather [hbm4b:s7+s17], $0x60, s25, s17, $0xb8;
	[tilespmem:$0x1BA80] =	vst v63  }
0x8e: {  	s28 =	simm.s32 $0x18240;
	s29 =	simm.s32 $0x1A00  }
0x8f: {  	[tilespmem:s29], [sflag:$0x3] =	stream.indirect.gather [hbm4b:s7+s17], $0x60, s28, s17, $0xb8;
	[tilespmem:$0x1BA80] =	vst v63  }
0x90: {  	s30 =	simm.s32 $0x18280;
	s31 =	simm.s32 $0x3200  }
0x91: {  	[tilespmem:s31], [sflag:$0x3] =	stream.indirect.gather [hbm4b:s7+s17], $0x60, s30, s17, $0xb8;
	[tilespmem:$0x1BA80] =	vst v63  }
0x92: {  	s21 =	simm.s32 $0x182C0;
	s22 =	simm.s32 $0x4A00  }
0x93: {  	[tilespmem:s22], [sflag:$0x3] =	stream.indirect.gather [hbm4b:s7+s17], $0x60, s21, s17, $0xb8;
	[tilespmem:$0x1BA80] =	vst v63  }
0x94: {  	s23 =	simm.s32 $0x18300;
	s24 =	simm.s32 $0x6200  }
0x95: {  	[tilespmem:s24], [sflag:$0x3] =	stream.indirect.gather [hbm4b:s7+s17], $0x60, s23, s17, $0xb8;
	[tilespmem:$0x1BA80] =	vst v63  }
0x96: {  	s25 =	simm.s32 $0x18340;
	s26 =	simm.s32 $0x7A00  }
0x97: {  	[tilespmem:s26], [sflag:$0x3] =	stream.indirect.gather [hbm4b:s7+s17], $0x60, s25, s17, $0xb8;
	[tilespmem:$0x1BA80] =	vst v63  }
0x98: {  	s28 =	simm.s32 $0x18380;
	s29 =	simm.s32 $0x9200  }
0x99: {  	[tilespmem:s29], [sflag:$0x3] =	stream.indirect.gather [hbm4b:s7+s17], $0x60, s28, s17, $0xb8;
	[tilespmem:$0x1BA80] =	vst v63  }
0x9a: {  	_ = 	snop  }
0x9b: {  	[tilespmem:s8], [sflag:$0x3] =	stream.indirect.gather [hbm4b:s7+s17], $0x60, s4, s17, $0xb8;
	[tilespmem:$0x1BA80] =	vst v63  }
0x9c: {  	s30 =	rddreg [dreg:$0x7]  }
0x9d: {  	[tilespmem:s9], [sflag:$0x2] =	stream.linear.gather [hbm4b:s30+s5], $0x80, $0x38;
	[tilespmem:$0x1BA80] =	vst v63  }
0x9e: {  	s20 =	simm.s32 $0x0;
	s31 =	rddreg [dreg:$0x8]  }
0x9f: {  	[tilespmem:s10], [sflag:$0x2] =	stream.linear.gather [hbm4b:s31+s5], $0x80, $0x38;
	[tilespmem:$0x1BA80] =	vst v63  }
.LBB2_2:
0xa0: {  	_ =	swait.ge [sflag:s11], $0x80  }
0xa1: {  	[sflag:s11] =	ssyncset.done $0x0  }
0xa2: {  	[sflag:s11] =	ssyncadd.s32 $0xFFFFFF80  }
0xa3: {  	_ =	swait.ge [sflag:s11], $0x80  }
0xa4: {  	[sflag:s11] =	ssyncset.done $0x0  }
0xa5: {  	[sflag:s11] =	ssyncadd.s32 $0xFFFFFF80  }
0xa6: {  	v1 =	vld [tilespmem:$0x80]  }
0xa7: {  	v2 =	vld [tilespmem:$0x180]  }
0xa8: {  	v5 =	vld [tilespmem:$0x90]  }
0xa9: {  	v6 =	vld [tilespmem:$0x190]  }
0xaa: {  	s23 =	sshll.u32 s20, $0x8;
	v17 =	vld [tilespmem:$0x1A0]  }
0xab: {  	s0 =	sor.u32 s23, s6;
	v23 =	vld [tilespmem:$0xB0]  }
0xac: {  	s21 =	sor.u32 $0x80, s0;
	v24 =	vld [tilespmem:$0x1B0]  }
0xad: {  	v11 =	vmov s21  }
0xae: {  	v11 =	vand.u32 $0xFFFC0000, v11;
	v1 =	vadd.f32 $1.000000000e+00, v1;
	v2 =	vadd.f32 $1.000000000e+00, v2  }
0xaf: {  	v11 =	vbroadcast v11, $0x0;
	v5 =	vadd.f32 $1.000000000e+00, v5;
	v6 =	vadd.f32 $1.000000000e+00, v6  }
0xb0: {  	v17 =	vadd.f32 $1.000000000e+00, v17;
	v23 =	vadd.f32 $1.000000000e+00, v23;
	v1 =	vmul.f32 $5.110000000e+02, v1  }
0xb1: {  	v24 =	vadd.f32 $1.000000000e+00, v24;
	v2 =	vmul.f32 $5.110000000e+02, v2;
	v5 =	vmul.f32 $5.110000000e+02, v5  }
0xb2: {  	v6 =	vmul.f32 $5.110000000e+02, v6;
	v17 =	vmul.f32 $5.110000000e+02, v17  }
0xb3: {  	v23 =	vmul.f32 $5.110000000e+02, v23;
	v24 =	vmul.f32 $5.110000000e+02, v24  }
0xb4: {  	v1 =	vmul.f32 $5.000000000e-01, v1;
	v2 =	vmul.f32 $5.000000000e-01, v2  }
0xb5: {  	v5 =	vmul.f32 $5.000000000e-01, v5;
	v6 =	vmul.f32 $5.000000000e-01, v6  }
0xb6: {  	v17 =	vmul.f32 $5.000000000e-01, v17;
	v23 =	vmul.f32 $5.000000000e-01, v23  }
0xb7: {  	v24 =	vmul.f32 $5.000000000e-01, v24;
	v3 =	vtrunc.f32 v1  }
0xb8: {  	v4 =	vtrunc.f32 v2;
	v3 =	vcvt.f32.s32 v3  }
0xb9: {  	v59 =	vtrunc.f32 v24;
	v4 =	vcvt.f32.s32 v4  }
0xba: {  	v31 =	vtrunc.f32 v23;
	v61 =	vcvt.f32.s32 v59;
	v7 =	vadd.s32 $0x1, v3  }
0xbb: {  	v8 =	vadd.s32 $0x1, v4;
	v9 =	vcvt.s32.f32 v3;
	v10 =	vcvt.s32.f32 v4  }
0xbc: {  	v4 =	vshll.u32 v4, $0x9;
	vm0 =	vlt.s32 v7, $0x1FF;
	vm13 =	vlt.s32 v8, $0x1FF  }
0xbd: {  	v4 =	vadd.s32 v11, v4;
	v7 =	vnsel vm0, $0x1FF, v7;
	v8 =	vnsel vm13, $0x1FF, v8  }
0xbe: {  	v14 =	vadd.s32 v3, v4;
	v13 =	vcvt.s32.f32 v8;
	v8 =	vshll.u32 v8, $0x9  }
0xbf: {  	v12 =	vcvt.s32.f32 v7;
	v4 =	vadd.s32 v7, v4;
	v8 =	vadd.s32 v11, v8  }
0xc0: {  	v11 =	vtrunc.f32 v5;
	v3 =	vadd.s32 v3, v8;
	v7 =	vadd.s32 v7, v8  }
0xc1: {  	v8 =	vcvt.f32.s32 v11;
	v12 =	vsub.f32 v12, v1;
	v13 =	vsub.f32 v13, v2  }
0xc2: {  	v11 =	vtrunc.f32 v6;
	v1 =	vsub.f32 v1, v9;
	v2 =	vsub.f32 v2, v10  }
0xc3: {  	v10 =	vld [tilespmem:$0xA0];
	v11 =	vcvt.f32.s32 v11;
	v15 =	vmul.f32 v13, v12  }
0xc4: {  	v9 =	vadd.s32 $0x1, v8;
	v12 =	vmul.f32 v12, v2;
	v13 =	vmul.f32 v13, v1  }
0xc5: {  	v2 =	vmul.f32 v2, v1;
	v18 =	vcvt.s32.f32 v8;
	v1 =	vmov s0  }
0xc6: {  	vm14 =	vlt.s32 v9, $0x1FF;
	v16 =	vadd.s32 $0x1, v11;
	v19 =	vcvt.s32.f32 v11  }
0xc7: {  	v1 =	vand.u32 $0xFFFC0000, v1;
	v9 =	vnsel vm14, $0x1FF, v9;
	vm15 =	vlt.s32 v16, $0x1FF  }
0xc8: {  	v1 =	vbroadcast v1, $0x0;
	v16 =	vnsel vm15, $0x1FF, v16;
	v10 =	vadd.f32 $1.000000000e+00, v10  }
0xc9: {  	v11 =	vshll.u32 v11, $0x9;
	v20 =	vcvt.s32.f32 v9;
	v21 =	vcvt.s32.f32 v16  }
0xca: {  	v16 =	vshll.u32 v16, $0x9;
	v11 =	vadd.s32 v1, v11;
	v10 =	vmul.f32 $5.110000000e+02, v10  }
0xcb: {  	v16 =	vadd.s32 v1, v16;
	v22 =	vadd.s32 v8, v11;
	v20 =	vsub.f32 v20, v5  }
0xcc: {  	v5 =	vsub.f32 v5, v18;
	v18 =	vsub.f32 v21, v6;
	v10 =	vmul.f32 $5.000000000e-01, v10  }
0xcd: {  	v11 =	vadd.s32 v9, v11;
	v8 =	vadd.s32 v8, v16;
	v6 =	vsub.f32 v6, v19  }
0xce: {  	v9 =	vadd.s32 v9, v16;
	v16 =	vmul.f32 v18, v20;
	v21 =	vtrunc.f32 v10  }
0xcf: {  	[tilespmem:$0x189F0] =	vst v2;
	v2 =	vshll.u32 v61, $0x9;
	v19 =	vcvt.f32.s32 v21;
	v21 =	vtrunc.f32 v17  }
0xd0: {  	v2 =	vadd.s32 v1, v2;
	v20 =	vmul.f32 v20, v6;
	v21 =	vcvt.f32.s32 v21  }
0xd1: {  	v18 =	vmul.f32 v18, v5;
	v5 =	vmul.f32 v6, v5;
	v25 =	vadd.s32 $0x1, v19  }
0xd2: {  	v26 =	vcvt.s32.f32 v19;
	vm4 =	vlt.s32 v25, $0x1FF;
	v6 =	vadd.s32 $0x1, v21  }
0xd3: {  	v27 =	vcvt.s32.f32 v21;
	v21 =	vshll.u32 v21, $0x9;
	v25 =	vnsel vm4, $0x1FF, v25  }
0xd4: {  	[tilespmem:$0x18480] =	vst v3;
	vm5 =	vlt.s32 v6, $0x1FF;
	v21 =	vadd.s32 v1, v21;
	v3 =	vsub.f32 v10, v26  }
0xd5: {  	v26 =	vld [tilespmem:$0x1C0];
	v6 =	vnsel vm5, $0x1FF, v6;
	v28 =	vcvt.s32.f32 v25;
	v30 =	vadd.s32 v19, v21  }
0xd6: {  	v21 =	vadd.s32 v25, v21;
	v29 =	vcvt.s32.f32 v6;
	v6 =	vshll.u32 v6, $0x9  }
0xd7: {  	v62 =	vld [tilespmem:$0xC0];
	[tilespmem:$0x18400] =	vst v14;
	v6 =	vadd.s32 v1, v6;
	v14 =	vsub.f32 v28, v10;
	v10 =	vsub.f32 v17, v27  }
0xd8: {  	v27 =	vadd.s32 $0x1, v61;
	v19 =	vadd.s32 v19, v6;
	v60 =	vsub.f32 v29, v17  }
0xd9: {  	[tilespmem:$0x18500] =	vst v4;
	v6 =	vadd.s32 v25, v6;
	v25 =	vcvt.f32.s32 v31;
	vm7 =	vlt.s32 v27, $0x1FF  }
0xda: {  	[tilespmem:$0x18580] =	vst v7;
	v7 =	vmul.f32 v14, v10;
	v26 =	vadd.f32 $1.000000000e+00, v26;
	v4 =	vmul.f32 v60, v14  }
0xdb: {  	[tilespmem:$0x18840] =	vst v15;
	v17 =	vadd.s32 $0x1, v25;
	v15 =	vmul.f32 v60, v3;
	v3 =	vmul.f32 v10, v3  }
0xdc: {  	[tilespmem:$0x188D0] =	vst v12;
	v10 =	vnsel vm7, $0x1FF, v27;
	v12 =	vcvt.s32.f32 v25;
	v27 =	vadd.f32 $1.000000000e+00, v62  }
0xdd: {  	[tilespmem:$0x18490] =	vst v8;
	v8 =	vadd.s32 v25, v2;
	vm6 =	vlt.s32 v17, $0x1FF;
	v63 =	vcvt.s32.f32 v10  }
0xde: {  	[tilespmem:$0x18410] =	vst v22;
	v10 =	vshll.u32 v10, $0x9;
	v22 =	vmul.f32 $5.110000000e+02, v26;
	v27 =	vmul.f32 $5.110000000e+02, v27  }
0xdf: {  	[tilespmem:$0x18960] =	vst v13;
	v14 =	vnsel vm6, $0x1FF, v17;
	v17 =	vcvt.s32.f32 v61;
	v10 =	vadd.s32 v1, v10  }
0xe0: {  	[tilespmem:$0x18590] =	vst v9;
	v9 =	vsub.f32 v23, v12;
	v13 =	vcvt.s32.f32 v14;
	v26 =	vmul.f32 $5.000000000e-01, v27  }
0xe1: {  	[tilespmem:$0x18850] =	vst v16;
	v25 =	vadd.s32 v25, v10;
	v12 =	vsub.f32 v63, v24;
	v16 =	vsub.f32 v24, v17  }
0xe2: {  	[tilespmem:$0x18510] =	vst v11;
	v11 =	vsub.f32 v13, v23;
	v13 =	vmul.f32 $5.000000000e-01, v22;
	v22 =	vtrunc.f32 v26  }
0xe3: {  	[tilespmem:$0x18A00] =	vst v5;
	v2 =	vadd.s32 v14, v2;
	v23 =	vld [tilespmem:$0xD0];
	v5 =	vmul.f32 v16, v9;
	v17 =	vcvt.f32.s32 v22  }
0xe4: {  	[tilespmem:$0x188E0] =	vst v20;
	v10 =	vadd.s32 v14, v10;
	v24 =	vld [tilespmem:$0x1D0];
	v22 =	vtrunc.f32 v13;
	v14 =	vmul.f32 v12, v11  }
0xe5: {  	[tilespmem:$0x18970] =	vst v18;
	v11 =	vmul.f32 v11, v16;
	v20 =	vcvt.f32.s32 v22  }
0xe6: {  	[tilespmem:$0x184A0] =	vst v19;
	v12 =	vmul.f32 v12, v9;
	v18 =	vadd.s32 $0x1, v17;
	v19 =	vcvt.s32.f32 v17  }
0xe7: {  	vm8 =	vlt.s32 v18, $0x1FF;
	v9 =	vadd.s32 $0x1, v20;
	v22 =	vcvt.s32.f32 v20  }
0xe8: {  	[tilespmem:$0x18520] =	vst v21;
	v20 =	vshll.u32 v20, $0x9;
	v16 =	vnsel vm8, $0x1FF, v18;
	v18 =	vadd.f32 $1.000000000e+00, v23  }
0xe9: {  	[tilespmem:$0x18860] =	vst v4;
	vm9 =	vlt.s32 v9, $0x1FF;
	v23 =	vadd.f32 $1.000000000e+00, v24;
	v4 =	vadd.s32 v1, v20  }
0xea: {  	[tilespmem:$0x185A0] =	vst v6;
	v9 =	vnsel vm9, $0x1FF, v9;
	v21 =	vcvt.s32.f32 v16;
	v18 =	vmul.f32 $5.110000000e+02, v18  }
0xeb: {  	[tilespmem:$0x188F0] =	vst v7;
	v6 =	vcvt.s32.f32 v9;
	v23 =	vmul.f32 $5.110000000e+02, v23;
	v9 =	vshll.u32 v9, $0x9  }
0xec: {  	[tilespmem:$0x18430] =	vst v8;
	v7 =	vadd.s32 v17, v4;
	v4 =	vadd.s32 v16, v4;
	v9 =	vadd.s32 v1, v9  }
0xed: {  	[tilespmem:$0x18980] =	vst v15;
	v8 =	vsub.f32 v21, v26;
	v18 =	vmul.f32 $5.000000000e-01, v18;
	v20 =	vmul.f32 $5.000000000e-01, v23  }
0xee: {  	[tilespmem:$0x18A10] =	vst v3;
	v15 =	vadd.s32 v17, v9;
	v6 =	vsub.f32 v6, v13;
	v13 =	vsub.f32 v13, v22  }
0xef: {  	[tilespmem:$0x18530] =	vst v2;
	v3 =	vadd.s32 v16, v9;
	v22 =	vld [tilespmem:$0x1E0];
	v17 =	vtrunc.f32 v18;
	v16 =	vtrunc.f32 v20  }
0xf0: {  	[tilespmem:$0x185B0] =	vst v10;
	v19 =	vsub.f32 v26, v19;
	v2 =	vmul.f32 v6, v8;
	v8 =	vmul.f32 v8, v13  }
0xf1: {  	[tilespmem:$0x18A20] =	vst v5;
	v9 =	vcvt.f32.s32 v17;
	v16 =	vcvt.f32.s32 v16  }
0xf2: {  	[tilespmem:$0x18870] =	vst v14;
	v6 =	vmul.f32 v6, v19;
	v13 =	vmul.f32 v13, v19;
	v17 =	vld [tilespmem:$0xE0]  }
0xf3: {  	[tilespmem:$0x18900] =	vst v11;
	v21 =	vadd.s32 $0x1, v9;
	v23 =	vadd.s32 $0x1, v16;
	v11 =	vcvt.s32.f32 v9  }
0xf4: {  	[tilespmem:$0x18990] =	vst v12;
	v19 =	vcvt.s32.f32 v16;
	v22 =	vadd.f32 $1.000000000e+00, v22;
	v5 =	vshll.u32 v16, $0x9  }
0xf5: {  	[tilespmem:$0x184C0] =	vst v15;
	vm10 =	vlt.s32 v21, $0x1FF;
	vm11 =	vlt.s32 v23, $0x1FF;
	v5 =	vadd.s32 v1, v5  }
0xf6: {  	[tilespmem:$0x185C0] =	vst v3;
	v10 =	vnsel vm10, $0x1FF, v21;
	v14 =	vnsel vm11, $0x1FF, v23;
	v3 =	vsub.f32 v18, v11  }
0xf7: {  	[tilespmem:$0x18880] =	vst v2;
	v15 =	vadd.s32 v9, v5;
	v2 =	vsub.f32 v20, v19;
	v17 =	vadd.f32 $1.000000000e+00, v17  }
0xf8: {  	[tilespmem:$0x18440] =	vst v7;
	v12 =	vcvt.s32.f32 v10;
	v21 =	vcvt.s32.f32 v14;
	v14 =	vshll.u32 v14, $0x9  }
0xf9: {  	[tilespmem:$0x18540] =	vst v4;
	v4 =	vadd.s32 v10, v5;
	v7 =	vadd.s32 v1, v14;
	v14 =	vmul.f32 $5.110000000e+02, v22  }
0xfa: {  	v19 =	vld [tilespmem:$0x1F0];
	v16 =	vmul.f32 $5.110000000e+02, v17;
	v5 =	vsub.f32 v12, v18;
	v11 =	vsub.f32 v21, v20  }
0xfb: {  	v17 =	vld [tilespmem:$0xF0];
	v12 =	vmul.f32 $5.000000000e-01, v14  }
0xfc: {  	[tilespmem:$0x18910] =	vst v8;
	v16 =	vmul.f32 $5.000000000e-01, v16;
	v8 =	vmul.f32 v11, v5  }
0xfd: {  	[tilespmem:$0x189A0] =	vst v6;
	v5 =	vmul.f32 v5, v2;
	v6 =	vmul.f32 v11, v3  }
0xfe: {  	v9 =	vadd.s32 v9, v7;
	v2 =	vmul.f32 v2, v3;
	v18 =	vtrunc.f32 v12  }
0xff: {  	[tilespmem:$0x18420] =	vst v30;
	v7 =	vadd.s32 v10, v7;
	v14 =	vtrunc.f32 v16;
	v10 =	vcvt.f32.s32 v18  }
0x100: {  	[tilespmem:$0x18A30] =	vst v13;
	v14 =	vcvt.f32.s32 v14;
	v13 =	vadd.f32 $1.000000000e+00, v17;
	v17 =	vadd.f32 $1.000000000e+00, v19  }
0x101: {  	[tilespmem:$0x18450] =	vst v15;
	v3 =	vadd.s32 $0x1, v10;
	v15 =	vcvt.s32.f32 v10;
	v10 =	vshll.u32 v10, $0x9  }
0x102: {  	[tilespmem:$0x184D0] =	vst v9;
	v11 =	vadd.s32 $0x1, v14;
	vm13 =	vlt.s32 v3, $0x1FF;
	v9 =	vcvt.s32.f32 v14  }
0x103: {  	[tilespmem:$0x18890] =	vst v8;
	v13 =	vmul.f32 $5.110000000e+02, v13;
	v17 =	vmul.f32 $5.110000000e+02, v17;
	v8 =	vadd.s32 v1, v10  }
0x104: {  	[tilespmem:$0x18920] =	vst v5;
	vm12 =	vlt.s32 v11, $0x1FF;
	v3 =	vnsel vm13, $0x1FF, v3;
	v5 =	vadd.s32 v14, v8  }
0x105: {  	[tilespmem:$0x185D0] =	vst v7;
	v11 =	vnsel vm12, $0x1FF, v11;
	v7 =	vcvt.s32.f32 v3;
	v3 =	vshll.u32 v3, $0x9  }
0x106: {  	[tilespmem:$0x18550] =	vst v4;
	v10 =	vmul.f32 $5.000000000e-01, v13;
	v13 =	vmul.f32 $5.000000000e-01, v17;
	v3 =	vadd.s32 v1, v3  }
0x107: {  	[tilespmem:$0x189B0] =	vst v6;
	v4 =	vcvt.s32.f32 v11;
	v8 =	vadd.s32 v11, v8;
	v6 =	vadd.s32 v14, v3  }
0x108: {  	[tilespmem:$0x18A40] =	vst v2;
	v14 =	vtrunc.f32 v10;
	v2 =	vadd.s32 v11, v3;
	v11 =	vtrunc.f32 v13  }
0x109: {  	[tilespmem:$0x18460] =	vst v5;
	v5 =	vsub.f32 v7, v12;
	v3 =	vcvt.f32.s32 v14;
	v4 =	vsub.f32 v4, v16  }
0x10a: {  	v7 =	vcvt.f32.s32 v11;
	[tilespmem:$0x184E0] =	vst v6;
	v6 =	vsub.f32 v16, v9;
	v9 =	vsub.f32 v12, v15  }
0x10b: {  	[tilespmem:$0x18560] =	vst v8;
	v11 =	vadd.s32 $0x1, v3  }
0x10c: {  	[tilespmem:$0x185E0] =	vst v2;
	v8 =	vmul.f32 v5, v4;
	v12 =	vadd.s32 $0x1, v7;
	v2 =	vmul.f32 v4, v9  }
0x10d: {  	[tilespmem:$0x184B0] =	vst v25;
	v5 =	vmul.f32 v5, v6;
	vm14 =	vlt.s32 v11, $0x1FF;
	vm15 =	vlt.s32 v12, $0x1FF  }
0x10e: {  	v6 =	vmul.f32 v9, v6;
	v4 =	vnsel vm14, $0x1FF, v11;
	[tilespmem:$0x188A0] =	vst v8;
	v8 =	vnsel vm15, $0x1FF, v12  }
0x10f: {  	[tilespmem:$0x18930] =	vst v2;
	v2 =	vcvt.s32.f32 v3;
	v11 =	vshll.u32 v7, $0x9;
	v9 =	vcvt.s32.f32 v4  }
0x110: {  	[tilespmem:$0x189C0] =	vst v5;
	v5 =	vcvt.s32.f32 v8;
	v11 =	vadd.s32 v1, v11;
	v8 =	vshll.u32 v8, $0x9  }
0x111: {  	[tilespmem:$0x18A50] =	vst v6;
	v6 =	vcvt.s32.f32 v7;
	v7 =	vadd.s32 v3, v11;
	v1 =	vadd.s32 v1, v8  }
0x112: {  	v3 =	vadd.s32 v3, v1;
	[tilespmem:$0x18470] =	vst v7;
	v7 =	vsub.f32 v9, v10;
	v5 =	vsub.f32 v5, v13  }
0x113: {  	v6 =	vsub.f32 v13, v6;
	[tilespmem:$0x184F0] =	vst v3;
	v3 =	vadd.s32 v4, v11  }
0x114: {  	v2 =	vsub.f32 v10, v2;
	v1 =	vadd.s32 v4, v1;
	[tilespmem:$0x18570] =	vst v3;
	v3 =	vmul.f32 v5, v7  }
0x115: {  	[tilespmem:$0x185F0] =	vst v1;
	v1 =	vmul.f32 v7, v6  }
0x116: {  	[tilespmem:$0x188B0] =	vst v3;
	v3 =	vmul.f32 v5, v2  }
0x117: {  	[tilespmem:$0x18940] =	vst v1;
	v1 =	vmul.f32 v6, v2  }
0x118: {  	[tilespmem:$0x189D0] =	vst v3  }
0x119: {  	s24 =	simm.s32 $0x18400;
	s22 =	simm.s32 $0xC200;
	[tilespmem:$0x18A60] =	vst v1  }
0x11a: {  	[tilespmem:s22], [sflag:$0x4] =	stream.indirect.gather [hbm4b:s7+s17], $0x60, s24, s17, $0xb8;
	[tilespmem:$0x1BA80] =	vst v63  }
0x11b: {  	s25 =	simm.s32 $0x18440;
	s26 =	simm.s32 $0xDA00  }
0x11c: {  	[tilespmem:s26], [sflag:$0x4] =	stream.indirect.gather [hbm4b:s7+s17], $0x60, s25, s17, $0xb8;
	[tilespmem:$0x1BA80] =	vst v63  }
0x11d: {  	s22 =	simm.s32 $0x18480;
	s24 =	simm.s32 $0xF200  }
0x11e: {  	[tilespmem:s24], [sflag:$0x4] =	stream.indirect.gather [hbm4b:s7+s17], $0x60, s22, s17, $0xb8;
	[tilespmem:$0x1BA80] =	vst v63  }
0x11f: {  	s25 =	simm.s32 $0x184C0;
	s26 =	simm.s32 $0x10A00  }
0x120: {  	[tilespmem:s26], [sflag:$0x4] =	stream.indirect.gather [hbm4b:s7+s17], $0x60, s25, s17, $0xb8;
	[tilespmem:$0x1BA80] =	vst v63  }
0x121: {  	s22 =	simm.s32 $0x18500;
	s24 =	simm.s32 $0x12200  }
0x122: {  	[tilespmem:s24], [sflag:$0x4] =	stream.indirect.gather [hbm4b:s7+s17], $0x60, s22, s17, $0xb8;
	[tilespmem:$0x1BA80] =	vst v63  }
0x123: {  	s25 =	simm.s32 $0x18540;
	s26 =	simm.s32 $0x13A00  }
0x124: {  	[tilespmem:s26], [sflag:$0x4] =	stream.indirect.gather [hbm4b:s7+s17], $0x60, s25, s17, $0xb8;
	[tilespmem:$0x1BA80] =	vst v63  }
0x125: {  	s24 =	simm.s32 $0x18580;
	s22 =	sshll.u32 s20, $0x1;
	s25 =	simm.s32 $0x15200  }
0x126: {  	[tilespmem:s25], [sflag:$0x4] =	stream.indirect.gather [hbm4b:s7+s17], $0x60, s24, s17, $0xb8;
	[tilespmem:$0x1BA80] =	vst v63  }
0x127: {  	s25 =	smin.u32 s22, $0xFD  }
0x128: {  	s26 =	simm.s32 $0x185C0;
	s24 =	simm.s32 $0x16A00;
	s0 =	sshll.u32 s25, $0x7  }
0x129: {  	[tilespmem:s24], [sflag:$0x4] =	stream.indirect.gather [hbm4b:s7+s17], $0x60, s26, s17, $0xb8;
	[tilespmem:$0x1BA80] =	vst v63  }
0x12a: {  	s24 =	sadd.s32 s0, s12  }
0x12b: {  	s0 =	sshrl.u32 s24, $0x3  }
0x12c: {  	s25 =	sadd.s32 s1, s0  }
0x12d: {  	[tilespmem:s5], [sflag:$0x1] =	stream.linear.gather [hbm4b:s25+s5], $0x80, $0x38;
	[tilespmem:$0x1BA80] =	vst v63  }
0x12e: {  	s26 =	simm.s32 $0x100;
	s0 =	sadd.s32 s2, s0  }
0x12f: {  	[tilespmem:s26], [sflag:$0x1] =	stream.linear.gather [hbm4b:s0+s5], $0x80, $0x38;
	[tilespmem:$0x1BA80] =	vst v63  }
0x130: {  	_ =	swait.ge [sflag:s14], $0x1800  }
0x131: {  	[sflag:s14] =	ssyncset.done $0x0  }
0x132: {  	[sflag:s14] =	ssyncadd.s32 $0xFFFFE800  }
0x133: {  	_ =	swait.ge [sflag:s14], $0x1800  }
0x134: {  	[sflag:s14] =	ssyncset.done $0x0  }
0x135: {  	[sflag:s14] =	ssyncadd.s32 $0xFFFFE800  }
0x136: {  	_ =	swait.ge [sflag:s14], $0x1800  }
0x137: {  	[sflag:s14] =	ssyncset.done $0x0  }
0x138: {  	[sflag:s14] =	ssyncadd.s32 $0xFFFFE800  }
0x139: {  	_ =	swait.ge [sflag:s14], $0x1800  }
0x13a: {  	[sflag:s14] =	ssyncset.done $0x0  }
0x13b: {  	[sflag:s14] =	ssyncadd.s32 $0xFFFFE800  }
0x13c: {  	_ =	swait.ge [sflag:s14], $0x1800  }
0x13d: {  	[sflag:s14] =	ssyncset.done $0x0  }
0x13e: {  	[sflag:s14] =	ssyncadd.s32 $0xFFFFE800  }
0x13f: {  	_ =	swait.ge [sflag:s14], $0x1800  }
0x140: {  	[sflag:s14] =	ssyncset.done $0x0  }
0x141: {  	[sflag:s14] =	ssyncadd.s32 $0xFFFFE800  }
0x142: {  	_ =	swait.ge [sflag:s14], $0x1800  }
0x143: {  	[sflag:s14] =	ssyncset.done $0x0  }
0x144: {  	[sflag:s14] =	ssyncadd.s32 $0xFFFFE800  }
0x145: {  	_ =	swait.ge [sflag:s14], $0x1800  }
0x146: {  	p0 =	seq.s32 s20, $0x0;
	[sflag:s14] =	ssyncset.done $0x0  }
0x147: {  	s0 =	simm.s32 @!p0 $0x5;
	[sflag:s14] =	ssyncadd.s32 $0xFFFFE800  }
0x148: {  	_ =	swait.ge @!p0 [sflag:s0], $0x3000  }
0x149: {  	[sflag:s0] =	ssyncset.done @!p0 $0x0  }
0x14a: {  	s25 =	simm.s32 $0x0;
	[sflag:s0] =	ssyncadd.s32 @!p0 $0xFFFFD000  }
0x14b: {  	v2 =	vld [tilespmem:s25+$0x9200]  }
0x14c: {  	v7 =	vld [tilespmem:s25+$0x210]  }
0x14d: {  	v1 =	vld [tilespmem:s25+$0x9240]  }
0x14e: {  	v9 =	vld [tilespmem:s25+$0x9220]  }
0x14f: {  	v6 =	vld [tilespmem:s25+$0x9250]  }
0x150: {  	v8 =	vld [tilespmem:s25+$0x240]  }
0x151: {  	v3 =	vld [tilespmem:s25+$0x250]  }
0x152: {  	v18 =	vld [tilespmem:s25+$0x3240]  }
0x153: {  	v5 =	vld [tilespmem:s25+$0x3250]  }
0x154: {  	v19 =	vld [tilespmem:s25+$0x6220]  }
0x155: {  	v22 =	vld [tilespmem:s25+$0x9230]  }
0x156: {  	v4 =	vld [tilespmem:s25+$0x6250]  }
0x157: {  	v25 =	vld [tilespmem:s25+$0x220]  }
0x158: {  	v17 =	vld [tilespmem:s25+$0x3210]  }
0x159: {  	v11 =	vld [tilespmem:s25+$0x6200]  }
0x15a: {  	s0 =	simm.s32 $0x187B0;
	v26 =	vld [tilespmem:s25+$0x200]  }
0x15b: {  	s26 =	simm.s32 $0x18720;
	v12 =	vld.msk [tilespmem:s0+$0x0 ss:$0x0], $0xffff  }
0x15c: {  	s28 =	simm.s32 $0x18690;
	v10 =	vld.msk [tilespmem:s26+$0x0 ss:$0x0], $0xffff  }
0x15d: {  	s29 =	simm.s32 $0x18600;
	v13 =	vld.msk [tilespmem:s28+$0x0 ss:$0x0], $0xffff  }
0x15e: {  	v16 =	vld.msk [tilespmem:s29+$0x0 ss:$0x0], $0xffff  }
0x15f: {  	v21 =	vld [tilespmem:s25+$0x6210]  }
0x160: {  	v15 =	vld [tilespmem:s25+$0x6230]  }
0x161: {  	v23 =	vld [tilespmem:s25+$0x9210];
	v14 =	vmul.f32 v9, v12  }
0x162: {  	v24 =	vld [tilespmem:s25+$0x3220];
	v11 =	vmul.f32 v11, v10;
	v20 =	vmul.f32 v19, v10  }
0x163: {  	v19 =	vld [tilespmem:s25+$0x3230];
	v9 =	vmul.f32 v22, v12;
	v18 =	vmul.f32 v18, v13  }
0x164: {  	s30 =	simm.s32 $0x180;
	s31 =	simm.s32 $0x187B1;
	v22 =	vmul.f32 v26, v16;
	v26 =	vld [tilespmem:s25+$0x3200];
	v25 =	vmul.f32 v25, v16  }
.LBB2_3:
0x165: {  	v27 =	vmul.f32 v7, v16;
	v28 =	vld [tilespmem:s25+$0x230];
	v29 =	vmul.f32 v6, v12;
	s29 =	sadd.s32 $0x1, s29;
	s28 =	sadd.s32 $0x1, s28;
	s26 =	sadd.s32 $0x1, s26  }
0x166: {  	s0 =	sshra.s32 s30, $0x2;
	p0 =	sne.s32 s30, $0xBE80;
	s30 =	sadd.s32 $0x180, s30;
	v30 =	vmul.f32 v8, v16;
	v23 =	vmul.f32 v23, v12;
	v31 =	vld [tilespmem:s25+$0x6240]  }
0x167: {  	v21 =	vmul.f32 v21, v10;
	v32 =	vld [tilespmem:s0+$0x9200];
	v6 =	vmul.f32 v24, v13  }
0x168: {  	v8 =	vmul.f32 v17, v13;
	v17 =	vmul.f32 v1, v12;
	v7 =	vld [tilespmem:s0+$0x210]  }
0x169: {  	v12 =	vmul.f32 v2, v12;
	v1 =	vld [tilespmem:s0+$0x9240];
	v24 =	vmul.f32 v26, v13;
	v33 =	vadd.f32 v6, v25  }
0x16a: {  	v15 =	vmul.f32 v15, v10;
	v26 =	vadd.f32 v8, v27;
	v25 =	vld [tilespmem:s0+$0x9220];
	v27 =	vmul.f32 v28, v16  }
0x16b: {  	v16 =	vmul.f32 v3, v16;
	v6 =	vld [tilespmem:s0+$0x9250];
	v22 =	vadd.f32 v24, v22;
	v20 =	vadd.f32 v20, v33  }
0x16c: {  	v5 =	vmul.f32 v5, v13;
	v19 =	vmul.f32 v19, v13;
	v21 =	vadd.f32 v21, v26;
	v8 =	vld [tilespmem:s0+$0x240];
	v2 =	vmovc v32  }
0x16d: {  	v3 =	vld [tilespmem:s0+$0x250];
	v13 =	vadd.f32 v14, v20;
	v14 =	vadd.f32 v18, v30;
	v18 =	vmul.f32 v31, v10  }
0x16e: {  	v4 =	vmul.f32 v4, v10;
	v19 =	vadd.f32 v19, v27;
	v16 =	vadd.f32 v5, v16;
	v26 =	vld [tilespmem:s0+$0x3240]  }
0x16f: {  	v10 =	vadd.f32 v23, v21;
	v5 =	vld [tilespmem:s0+$0x3250];
	[tilespmem:s25+$0x18AA0] =	vst v13;
	v13 =	vadd.f32 v18, v14  }
0x170: {  	v11 =	vadd.f32 v11, v22;
	v14 =	vadd.f32 v4, v16;
	v18 =	vld [tilespmem:s0+$0x6220]  }
0x171: {  	v22 =	vld [tilespmem:s0+$0x9230];
	[tilespmem:s25+$0x18A90] =	vst v10;
	v10 =	vadd.f32 v15, v19;
	v13 =	vadd.f32 v17, v13  }
0x172: {  	v11 =	vadd.f32 v12, v11;
	v12 =	vadd.f32 v29, v14;
	v4 =	vld [tilespmem:s0+$0x6250]  }
0x173: {  	v27 =	vld [tilespmem:s0+$0x220];
	v9 =	vadd.f32 v9, v10;
	[tilespmem:s25+$0x18AC0] =	vst v13  }
0x174: {  	v17 =	vld [tilespmem:s0+$0x3210];
	[tilespmem:s25+$0x18A80] =	vst v11  }
0x175: {  	v11 =	vld [tilespmem:s0+$0x6200];
	[tilespmem:s25+$0x18AD0] =	vst v12  }
0x176: {  	v28 =	vld [tilespmem:s0+$0x200];
	[tilespmem:s25+$0x18AB0] =	vst v9;
	s25 =	smov.u32 s0  }
0x177: {  	v12 =	vld.msk [tilespmem:s31+$0x0 ss:$0x0], $0xffff  }
0x178: {  	v10 =	vld.msk [tilespmem:s26+$0x0 ss:$0x0], $0xffff  }
0x179: {  	v13 =	vld.msk [tilespmem:s28+$0x0 ss:$0x0], $0xffff  }
0x17a: {  	v16 =	vld.msk [tilespmem:s29+$0x0 ss:$0x0], $0xffff  }
0x17b: {  	v21 =	vld [tilespmem:s25+$0x6210]  }
.Ltmp0:
0x17c: {  	v15 =	vld [tilespmem:s25+$0x6230];
	(pc) =	sbr.rel @p0 .LBB2_3-.Ltmp0, $4  }
0x17d: {  	v14 =	vmul.f32 v25, v12;
	v23 =	vld [tilespmem:s25+$0x9210]  }
0x17e: {  	v11 =	vmul.f32 v11, v10;
	v20 =	vmul.f32 v18, v10;
	v24 =	vld [tilespmem:s25+$0x3220]  }
0x17f: {  	v9 =	vmul.f32 v22, v12;
	v18 =	vmul.f32 v26, v13;
	v19 =	vld [tilespmem:s25+$0x3230]  }
0x180: {  	s31 =	sadd.s32 $0x1, s31;
	v22 =	vmul.f32 v28, v16;
	v25 =	vmul.f32 v27, v16;
	v26 =	vld [tilespmem:s25+$0x3200]  }
0x181: {  	v7 =	vmul.f32 v7, v16  }
0x182: {  	v17 =	vmul.f32 v17, v13;
	v8 =	vmul.f32 v8, v16  }
0x183: {  	v27 =	vld [tilespmem:s25+$0x230];
	v21 =	vmul.f32 v21, v10;
	v3 =	vmul.f32 v3, v16  }
0x184: {  	v28 =	vld [tilespmem:s25+$0x6240];
	v5 =	vmul.f32 v5, v13;
	v4 =	vmul.f32 v4, v10  }
0x185: {  	v6 =	vmul.f32 v6, v12;
	v24 =	vmul.f32 v24, v13;
	v7 =	vadd.f32 v17, v7  }
0x186: {  	v23 =	vmul.f32 v23, v12;
	v8 =	vadd.f32 v18, v8;
	v3 =	vadd.f32 v5, v3  }
0x187: {  	v26 =	vmul.f32 v26, v13;
	v24 =	vadd.f32 v24, v25;
	v7 =	vadd.f32 v21, v7  }
0x188: {  	v3 =	vadd.f32 v4, v3;
	v17 =	vmul.f32 v27, v16;
	v16 =	vmul.f32 v19, v13  }
0x189: {  	v13 =	vmul.f32 v28, v10;
	v22 =	vadd.f32 v26, v22;
	v20 =	vadd.f32 v20, v24  }
0x18a: {  	v1 =	vmul.f32 v1, v12;
	v7 =	vadd.f32 v23, v7;
	v3 =	vadd.f32 v6, v3  }
0x18b: {  	v16 =	vadd.f32 v16, v17;
	v5 =	vadd.f32 v13, v8;
	v8 =	vmul.f32 v15, v10  }
0x18c: {  	v2 =	vmul.f32 v2, v12;
	v14 =	vadd.f32 v14, v20;
	v10 =	vadd.f32 v11, v22;
	[tilespmem:s25+$0x18A90] =	vst v7  }
0x18d: {  	[tilespmem:s25+$0x18AD0] =	vst v3;
	v1 =	vadd.f32 v1, v5;
	v4 =	vadd.f32 v8, v16  }
0x18e: {  	s0 =	sadd.s32 s6, s23;
	[tilespmem:s25+$0x18AA0] =	vst v14;
	v2 =	vadd.f32 v2, v10  }
0x18f: {  	s0 =	smul.u32 $0xC, s0;
	[tilespmem:s25+$0x18AC0] =	vst v1;
	v1 =	vadd.f32 v9, v4  }
0x190: {  	[tilespmem:s25+$0x18A80] =	vst v2  }
0x191: {  	s23 =	simm.s32 $0x0;
	s0 =	sadd.s32 s3, s0;
	[tilespmem:s25+$0x18AB0] =	vst v1  }
0x192: {  	[hbm4b:s0+s23] =	stream.linear.scatter [tilespmem:s15], [sflag:$0x5], $0x3000, $0x38;
	[tilespmem:$0x1BA80] =	vst v63  }
0x193: {  	_ =	swait.ge [sflag:s16], $0x80  }
0x194: {  	[sflag:s16] =	ssyncset.done $0x0  }
0x195: {  	[sflag:s16] =	ssyncadd.s32 $0xFFFFFF80  }
0x196: {  	_ =	swait.ge [sflag:s16], $0x80  }
0x197: {  	[sflag:s16] =	ssyncset.done $0x0  }
0x198: {  	[sflag:s16] =	ssyncadd.s32 $0xFFFFFF80  }
0x199: {  	v1 =	vld [tilespmem:$0x0]  }
0x19a: {  	v2 =	vld [tilespmem:$0x100]  }
0x19b: {  	v5 =	vld [tilespmem:$0x10]  }
0x19c: {  	v16 =	vld [tilespmem:$0x20]  }
0x19d: {  	v23 =	vld [tilespmem:$0x30]  }
0x19e: {  	v24 =	vld [tilespmem:$0x130];
	_ =	sdelay $0x1  }
0x19f: {  	v1 =	vadd.f32 $1.000000000e+00, v1  }
0x1a0: {  	v2 =	vadd.f32 $1.000000000e+00, v2;
	v5 =	vadd.f32 $1.000000000e+00, v5  }
0x1a1: {  	v16 =	vadd.f32 $1.000000000e+00, v16;
	v23 =	vadd.f32 $1.000000000e+00, v23;
	v1 =	vmul.f32 $5.110000000e+02, v1  }
0x1a2: {  	v24 =	vadd.f32 $1.000000000e+00, v24;
	v2 =	vmul.f32 $5.110000000e+02, v2;
	v5 =	vmul.f32 $5.110000000e+02, v5  }
0x1a3: {  	v16 =	vmul.f32 $5.110000000e+02, v16;
	v23 =	vmul.f32 $5.110000000e+02, v23  }
0x1a4: {  	v24 =	vmul.f32 $5.110000000e+02, v24;
	v3 =	vmul.f32 $5.000000000e-01, v1  }
0x1a5: {  	v2 =	vmul.f32 $5.000000000e-01, v2;
	v5 =	vmul.f32 $5.000000000e-01, v5  }
0x1a6: {  	v16 =	vmul.f32 $5.000000000e-01, v16;
	v23 =	vmul.f32 $5.000000000e-01, v23  }
0x1a7: {  	v24 =	vmul.f32 $5.000000000e-01, v24;
	v1 =	vtrunc.f32 v3  }
0x1a8: {  	v11 =	vmov s24;
	v4 =	vcvt.f32.s32 v1;
	v1 =	vtrunc.f32 v2  }
0x1a9: {  	v11 =	vand.u32 $0xFFFC0000, v11;
	v15 =	vtrunc.f32 v5;
	v6 =	vcvt.f32.s32 v1;
	v1 =	vld [tilespmem:$0x110]  }
0x1aa: {  	v31 =	vtrunc.f32 v23;
	v59 =	vtrunc.f32 v24;
	v7 =	vadd.s32 $0x1, v4  }
0x1ab: {  	v61 =	vcvt.f32.s32 v59;
	v9 =	vcvt.s32.f32 v4;
	vm0 =	vlt.s32 v7, $0x1FF  }
0x1ac: {  	v8 =	vadd.s32 $0x1, v6;
	v10 =	vcvt.s32.f32 v6;
	v7 =	vnsel vm0, $0x1FF, v7  }
0x1ad: {  	v6 =	vshll.u32 v6, $0x9;
	vm13 =	vlt.s32 v8, $0x1FF;
	v12 =	vcvt.s32.f32 v7  }
0x1ae: {  	v8 =	vnsel vm13, $0x1FF, v8;
	v13 =	vadd.f32 $1.000000000e+00, v1;
	v1 =	vbroadcast v11, $0x0  }
0x1af: {  	v11 =	vcvt.s32.f32 v8;
	v8 =	vshll.u32 v8, $0x9;
	v12 =	vsub.f32 v12, v3  }
0x1b0: {  	v3 =	vsub.f32 v3, v9;
	v13 =	vmul.f32 $5.110000000e+02, v13;
	v6 =	vadd.s32 v1, v6  }
0x1b1: {  	v8 =	vadd.s32 v1, v8;
	v11 =	vsub.f32 v11, v2;
	v2 =	vsub.f32 v2, v10  }
0x1b2: {  	v10 =	vld [tilespmem:$0x120];
	v14 =	vadd.s32 v4, v6;
	v4 =	vadd.s32 v4, v8;
	v6 =	vadd.s32 v7, v6  }
0x1b3: {  	v7 =	vadd.s32 v7, v8;
	v8 =	vcvt.f32.s32 v15;
	v13 =	vmul.f32 $5.000000000e-01, v13  }
0x1b4: {  	v17 =	vmul.f32 v11, v12;
	v12 =	vmul.f32 v12, v2  }
0x1b5: {  	v11 =	vmul.f32 v11, v3;
	v9 =	vadd.s32 $0x1, v8;
	v15 =	vtrunc.f32 v13  }
0x1b6: {  	v2 =	vmul.f32 v2, v3;
	vm14 =	vlt.s32 v9, $0x1FF;
	v15 =	vcvt.f32.s32 v15  }
0x1b7: {  	[tilespmem:$0x18600] =	vst v17;
	v17 =	vcvt.s32.f32 v61;
	v9 =	vnsel vm14, $0x1FF, v9;
	v10 =	vadd.f32 $1.000000000e+00, v10  }
0x1b8: {  	[tilespmem:$0x187B0] =	vst v2;
	v2 =	vshll.u32 v61, $0x9;
	v20 =	vcvt.s32.f32 v9;
	v18 =	vadd.s32 $0x1, v15  }
0x1b9: {  	v19 =	vcvt.s32.f32 v15;
	v15 =	vshll.u32 v15, $0x9;
	v10 =	vmul.f32 $5.110000000e+02, v10  }
0x1ba: {  	vm15 =	vlt.s32 v18, $0x1FF;
	v15 =	vadd.s32 v1, v15;
	v20 =	vsub.f32 v20, v5  }
0x1bb: {  	v3 =	vnsel vm15, $0x1FF, v18;
	v18 =	vcvt.s32.f32 v8;
	v22 =	vadd.s32 v8, v15  }
0x1bc: {  	v15 =	vadd.s32 v9, v15;
	v21 =	vcvt.s32.f32 v3;
	v3 =	vshll.u32 v3, $0x9  }
0x1bd: {  	v10 =	vmul.f32 $5.000000000e-01, v10;
	v3 =	vadd.s32 v1, v3;
	v5 =	vsub.f32 v5, v18  }
0x1be: {  	v8 =	vadd.s32 v8, v3;
	v18 =	vsub.f32 v21, v13;
	v21 =	vtrunc.f32 v16  }
0x1bf: {  	v13 =	vsub.f32 v13, v19;
	v19 =	vcvt.f32.s32 v21;
	v21 =	vtrunc.f32 v10  }
0x1c0: {  	v3 =	vadd.s32 v9, v3;
	v9 =	vmul.f32 v18, v20;
	v21 =	vcvt.f32.s32 v21  }
0x1c1: {  	v20 =	vmul.f32 v20, v13;
	v18 =	vmul.f32 v18, v5;
	v25 =	vadd.s32 $0x1, v19  }
0x1c2: {  	v5 =	vmul.f32 v13, v5;
	v26 =	vcvt.s32.f32 v19;
	vm4 =	vlt.s32 v25, $0x1FF  }
0x1c3: {  	v13 =	vadd.s32 $0x1, v21;
	v27 =	vcvt.s32.f32 v21;
	v21 =	vshll.u32 v21, $0x9  }
0x1c4: {  	v25 =	vnsel vm4, $0x1FF, v25;
	vm5 =	vlt.s32 v13, $0x1FF;
	v21 =	vadd.s32 v1, v21  }
0x1c5: {  	[tilespmem:$0x18280] =	vst v4;
	v4 =	vsub.f32 v16, v26;
	v13 =	vnsel vm5, $0x1FF, v13;
	v58 =	vcvt.s32.f32 v25  }
0x1c6: {  	v26 =	vld [tilespmem:$0x140];
	v30 =	vadd.s32 v19, v21;
	v29 =	vcvt.s32.f32 v13;
	v13 =	vshll.u32 v13, $0x9  }
0x1c7: {  	[tilespmem:$0x18200] =	vst v14;
	v21 =	vadd.s32 v25, v21;
	v13 =	vadd.s32 v1, v13;
	v14 =	vsub.f32 v58, v16  }
0x1c8: {  	v19 =	vadd.s32 v19, v13;
	v13 =	vadd.s32 v25, v13;
	v25 =	vcvt.f32.s32 v31  }
0x1c9: {  	v62 =	vld [tilespmem:$0x40];
	[tilespmem:$0x18300] =	vst v6;
	v60 =	vsub.f32 v29, v10;
	v10 =	vsub.f32 v10, v27;
	v27 =	vadd.s32 $0x1, v61  }
0x1ca: {  	v2 =	vadd.s32 v1, v2;
	[tilespmem:$0x18610] =	vst v9;
	v9 =	vsub.f32 v24, v17;
	vm7 =	vlt.s32 v27, $0x1FF  }
0x1cb: {  	[tilespmem:$0x18380] =	vst v7;
	v26 =	vadd.f32 $1.000000000e+00, v26;
	v16 =	vadd.s32 $0x1, v25;
	v6 =	vmul.f32 v60, v14  }
0x1cc: {  	[tilespmem:$0x18690] =	vst v12;
	v7 =	vmul.f32 v14, v10;
	v12 =	vcvt.s32.f32 v25;
	vm6 =	vlt.s32 v16, $0x1FF  }
0x1cd: {  	[tilespmem:$0x18210] =	vst v22;
	v22 =	vmul.f32 $5.110000000e+02, v26;
	v14 =	vnsel vm6, $0x1FF, v16;
	v16 =	vmul.f32 v60, v4  }
0x1ce: {  	[tilespmem:$0x18720] =	vst v11;
	v4 =	vmul.f32 v10, v4;
	v10 =	vnsel vm7, $0x1FF, v27;
	v27 =	vadd.f32 $1.000000000e+00, v62  }
0x1cf: {  	[tilespmem:$0x18290] =	vst v8;
	v8 =	vadd.s32 v25, v2;
	v11 =	vcvt.s32.f32 v14;
	v63 =	vcvt.s32.f32 v10  }
0x1d0: {  	[tilespmem:$0x18390] =	vst v3;
	v3 =	vsub.f32 v23, v12;
	v10 =	vshll.u32 v10, $0x9;
	v27 =	vmul.f32 $5.110000000e+02, v27  }
0x1d1: {  	v2 =	vadd.s32 v14, v2;
	v11 =	vsub.f32 v11, v23;
	v12 =	vsub.f32 v63, v24  }
0x1d2: {  	[tilespmem:$0x18310] =	vst v15;
	v15 =	vmul.f32 $5.000000000e-01, v22;
	v10 =	vadd.s32 v1, v10;
	v26 =	vmul.f32 $5.000000000e-01, v27  }
0x1d3: {  	v25 =	vadd.s32 v25, v10;
	v10 =	vadd.s32 v14, v10;
	v14 =	vmul.f32 v12, v11  }
0x1d4: {  	v23 =	vld [tilespmem:$0x50];
	v11 =	vmul.f32 v11, v9;
	v22 =	vtrunc.f32 v26  }
0x1d5: {  	[tilespmem:$0x186A0] =	vst v20;
	v24 =	vld [tilespmem:$0x150];
	v17 =	vcvt.f32.s32 v22;
	v22 =	vtrunc.f32 v15  }
0x1d6: {  	[tilespmem:$0x18730] =	vst v18;
	v12 =	vmul.f32 v12, v3;
	v20 =	vcvt.f32.s32 v22  }
0x1d7: {  	[tilespmem:$0x182A0] =	vst v19;
	v3 =	vmul.f32 v9, v3;
	v18 =	vadd.s32 $0x1, v17;
	v19 =	vcvt.s32.f32 v17  }
0x1d8: {  	[tilespmem:$0x187C0] =	vst v5;
	vm8 =	vlt.s32 v18, $0x1FF;
	v5 =	vadd.s32 $0x1, v20;
	v22 =	vcvt.s32.f32 v20  }
0x1d9: {  	[tilespmem:$0x18320] =	vst v21;
	v20 =	vshll.u32 v20, $0x9;
	v9 =	vnsel vm8, $0x1FF, v18;
	v18 =	vadd.f32 $1.000000000e+00, v23  }
0x1da: {  	[tilespmem:$0x18620] =	vst v6;
	vm9 =	vlt.s32 v5, $0x1FF;
	v23 =	vadd.f32 $1.000000000e+00, v24;
	v6 =	vadd.s32 v1, v20  }
0x1db: {  	[tilespmem:$0x183A0] =	vst v13;
	v5 =	vnsel vm9, $0x1FF, v5;
	v21 =	vcvt.s32.f32 v9;
	v18 =	vmul.f32 $5.110000000e+02, v18  }
0x1dc: {  	[tilespmem:$0x18230] =	vst v8;
	v13 =	vcvt.s32.f32 v5;
	v23 =	vmul.f32 $5.110000000e+02, v23;
	v5 =	vshll.u32 v5, $0x9  }
0x1dd: {  	[tilespmem:$0x186B0] =	vst v7;
	v7 =	vadd.s32 v17, v6;
	v6 =	vadd.s32 v9, v6;
	v5 =	vadd.s32 v1, v5  }
0x1de: {  	[tilespmem:$0x18740] =	vst v16;
	v8 =	vsub.f32 v21, v26;
	v18 =	vmul.f32 $5.000000000e-01, v18;
	v20 =	vmul.f32 $5.000000000e-01, v23  }
0x1df: {  	[tilespmem:$0x187D0] =	vst v4;
	v16 =	vadd.s32 v17, v5;
	v4 =	vadd.s32 v9, v5;
	v13 =	vsub.f32 v13, v15  }
0x1e0: {  	v15 =	vsub.f32 v15, v22;
	v22 =	vld [tilespmem:$0x160];
	v17 =	vtrunc.f32 v18;
	v9 =	vtrunc.f32 v20  }
0x1e1: {  	[tilespmem:$0x18330] =	vst v2;
	v19 =	vsub.f32 v26, v19;
	v2 =	vmul.f32 v13, v8;
	v5 =	vcvt.f32.s32 v17  }
0x1e2: {  	[tilespmem:$0x183B0] =	vst v10;
	v8 =	vmul.f32 v8, v15;
	v9 =	vcvt.f32.s32 v9;
	v17 =	vld [tilespmem:$0x60]  }
0x1e3: {  	[tilespmem:$0x18630] =	vst v14;
	v13 =	vmul.f32 v13, v19;
	v14 =	vmul.f32 v15, v19;
	v21 =	vadd.s32 $0x1, v5  }
0x1e4: {  	[tilespmem:$0x186C0] =	vst v11;
	v23 =	vadd.s32 $0x1, v9;
	v11 =	vcvt.s32.f32 v5;
	v19 =	vcvt.s32.f32 v9  }
0x1e5: {  	[tilespmem:$0x187E0] =	vst v3;
	v22 =	vadd.f32 $1.000000000e+00, v22;
	v3 =	vshll.u32 v9, $0x9;
	vm10 =	vlt.s32 v21, $0x1FF  }
0x1e6: {  	[tilespmem:$0x183C0] =	vst v4;
	vm11 =	vlt.s32 v23, $0x1FF;
	v10 =	vnsel vm10, $0x1FF, v21;
	v4 =	vsub.f32 v18, v11  }
0x1e7: {  	[tilespmem:$0x18640] =	vst v2;
	v15 =	vnsel vm11, $0x1FF, v23;
	v2 =	vsub.f32 v20, v19;
	v17 =	vadd.f32 $1.000000000e+00, v17  }
0x1e8: {  	[tilespmem:$0x18750] =	vst v12;
	v12 =	vcvt.s32.f32 v10;
	v21 =	vcvt.s32.f32 v15;
	v9 =	vshll.u32 v15, $0x9  }
0x1e9: {  	[tilespmem:$0x18240] =	vst v7;
	v7 =	vadd.s32 v1, v9;
	v9 =	vmul.f32 $5.110000000e+02, v22;
	v15 =	vmul.f32 $5.110000000e+02, v17  }
0x1ea: {  	[tilespmem:$0x18340] =	vst v6;
	v3 =	vadd.s32 v1, v3;
	v6 =	vsub.f32 v12, v18;
	v11 =	vsub.f32 v21, v20;
	v17 =	vld [tilespmem:$0x70]  }
0x1eb: {  	[tilespmem:$0x182C0] =	vst v16;
	v16 =	vadd.s32 v5, v3;
	v19 =	vld [tilespmem:$0x170];
	v9 =	vmul.f32 $5.000000000e-01, v9;
	v15 =	vmul.f32 $5.000000000e-01, v15  }
0x1ec: {  	[tilespmem:$0x186D0] =	vst v8;
	v3 =	vadd.s32 v10, v3;
	v8 =	vmul.f32 v11, v6;
	v6 =	vmul.f32 v6, v2  }
0x1ed: {  	[tilespmem:$0x18760] =	vst v13;
	v5 =	vadd.s32 v5, v7;
	v11 =	vmul.f32 v11, v4;
	v18 =	vtrunc.f32 v9  }
0x1ee: {  	[tilespmem:$0x187F0] =	vst v14;
	v7 =	vadd.s32 v10, v7;
	v12 =	vtrunc.f32 v15;
	v10 =	vcvt.f32.s32 v18  }
0x1ef: {  	[tilespmem:$0x18250] =	vst v16;
	v2 =	vmul.f32 v2, v4;
	v12 =	vcvt.f32.s32 v12;
	v14 =	vadd.f32 $1.000000000e+00, v17  }
0x1f0: {  	[tilespmem:$0x18350] =	vst v3;
	v17 =	vadd.f32 $1.000000000e+00, v19;
	v4 =	vadd.s32 $0x1, v10;
	v16 =	vcvt.s32.f32 v10  }
0x1f1: {  	[tilespmem:$0x182D0] =	vst v5;
	v10 =	vshll.u32 v10, $0x9;
	v13 =	vadd.s32 $0x1, v12;
	v5 =	vcvt.s32.f32 v12  }
0x1f2: {  	[tilespmem:$0x183D0] =	vst v7;
	vm13 =	vlt.s32 v4, $0x1FF;
	v14 =	vmul.f32 $5.110000000e+02, v14;
	v17 =	vmul.f32 $5.110000000e+02, v17  }
0x1f3: {  	[tilespmem:$0x18650] =	vst v8;
	v8 =	vadd.s32 v1, v10;
	vm12 =	vlt.s32 v13, $0x1FF;
	v3 =	vnsel vm13, $0x1FF, v4  }
0x1f4: {  	[tilespmem:$0x186E0] =	vst v6;
	v6 =	vadd.s32 v12, v8;
	v13 =	vnsel vm12, $0x1FF, v13;
	v7 =	vcvt.s32.f32 v3  }
0x1f5: {  	[tilespmem:$0x18220] =	vst v30;
	v3 =	vshll.u32 v3, $0x9;
	v10 =	vmul.f32 $5.000000000e-01, v14;
	v14 =	vmul.f32 $5.000000000e-01, v17  }
0x1f6: {  	[tilespmem:$0x18770] =	vst v11;
	v5 =	vsub.f32 v15, v5;
	v4 =	vcvt.s32.f32 v13;
	v3 =	vadd.s32 v1, v3  }
0x1f7: {  	[tilespmem:$0x18800] =	vst v2;
	v8 =	vadd.s32 v13, v8;
	v11 =	vadd.s32 v12, v3;
	v12 =	vtrunc.f32 v10  }
0x1f8: {  	[tilespmem:$0x18260] =	vst v6;
	v2 =	vadd.s32 v13, v3;
	v6 =	vsub.f32 v7, v9;
	v4 =	vsub.f32 v4, v15  }
0x1f9: {  	v9 =	vsub.f32 v9, v16;
	[tilespmem:$0x18360] =	vst v8;
	v3 =	vcvt.f32.s32 v12;
	v12 =	vtrunc.f32 v14  }
0x1fa: {  	[tilespmem:$0x182E0] =	vst v11;
	v7 =	vcvt.f32.s32 v12;
	v8 =	vmul.f32 v6, v4  }
0x1fb: {  	[tilespmem:$0x183E0] =	vst v2;
	v11 =	vadd.s32 $0x1, v3;
	v2 =	vmul.f32 v4, v9;
	v6 =	vmul.f32 v6, v5  }
0x1fc: {  	[tilespmem:$0x182B0] =	vst v25;
	v5 =	vmul.f32 v9, v5;
	vm14 =	vlt.s32 v11, $0x1FF;
	v12 =	vadd.s32 $0x1, v7  }
0x1fd: {  	v4 =	vnsel vm14, $0x1FF, v11;
	vm15 =	vlt.s32 v12, $0x1FF;
	[tilespmem:$0x18660] =	vst v8;
	v11 =	vshll.u32 v7, $0x9  }
0x1fe: {  	[tilespmem:$0x18810] =	vst v5;
	v5 =	vcvt.s32.f32 v7;
	v8 =	vnsel vm15, $0x1FF, v12;
	v9 =	vcvt.s32.f32 v4  }
0x1ff: {  	[tilespmem:$0x18780] =	vst v6;
	v11 =	vadd.s32 v1, v11;
	v6 =	vcvt.s32.f32 v8;
	v8 =	vshll.u32 v8, $0x9  }
0x200: {  	[tilespmem:$0x186F0] =	vst v2;
	v2 =	vcvt.s32.f32 v3;
	v7 =	vadd.s32 v3, v11;
	v1 =	vadd.s32 v1, v8  }
0x201: {  	v5 =	vsub.f32 v14, v5;
	[tilespmem:$0x18270] =	vst v7;
	v7 =	vsub.f32 v9, v10;
	v3 =	vadd.s32 v3, v1  }
0x202: {  	v6 =	vsub.f32 v6, v14;
	v1 =	vadd.s32 v4, v1;
	[tilespmem:$0x182F0] =	vst v3  }
0x203: {  	v2 =	vsub.f32 v10, v2;
	v3 =	vadd.s32 v4, v11;
	[tilespmem:$0x183F0] =	vst v1;
	v1 =	vmul.f32 v7, v5  }
0x204: {  	[tilespmem:$0x18370] =	vst v3;
	v3 =	vmul.f32 v6, v7  }
0x205: {  	[tilespmem:$0x18700] =	vst v1;
	v1 =	vmul.f32 v5, v2  }
0x206: {  	[tilespmem:$0x18670] =	vst v3;
	v3 =	vmul.f32 v6, v2  }
0x207: {  	[tilespmem:$0x18820] =	vst v1  }
0x208: {  	s24 =	simm.s32 $0x18200;
	s25 =	simm.s32 $0x200;
	[tilespmem:$0x18790] =	vst v3  }
0x209: {  	[tilespmem:s25], [sflag:$0x3] =	stream.indirect.gather [hbm4b:s7+s17], $0x60, s24, s17, $0xb8;
	[tilespmem:$0x1BA80] =	vst v63  }
0x20a: {  	s26 =	simm.s32 $0x18240;
	s29 =	simm.s32 $0x1A00  }
0x20b: {  	[tilespmem:s29], [sflag:$0x3] =	stream.indirect.gather [hbm4b:s7+s17], $0x60, s26, s17, $0xb8;
	[tilespmem:$0x1BA80] =	vst v63  }
0x20c: {  	s30 =	simm.s32 $0x18280;
	s31 =	simm.s32 $0x3200  }
0x20d: {  	[tilespmem:s31], [sflag:$0x3] =	stream.indirect.gather [hbm4b:s7+s17], $0x60, s30, s17, $0xb8;
	[tilespmem:$0x1BA80] =	vst v63  }
0x20e: {  	s24 =	simm.s32 $0x182C0;
	s25 =	simm.s32 $0x4A00  }
0x20f: {  	[tilespmem:s25], [sflag:$0x3] =	stream.indirect.gather [hbm4b:s7+s17], $0x60, s24, s17, $0xb8;
	[tilespmem:$0x1BA80] =	vst v63  }
0x210: {  	s26 =	simm.s32 $0x18300;
	s29 =	simm.s32 $0x6200  }
0x211: {  	[tilespmem:s29], [sflag:$0x3] =	stream.indirect.gather [hbm4b:s7+s17], $0x60, s26, s17, $0xb8;
	[tilespmem:$0x1BA80] =	vst v63  }
0x212: {  	s29 =	smin.u32 s22, $0xFC  }
0x213: {  	s30 =	simm.s32 $0x18340;
	s31 =	simm.s32 $0x7A00;
	s0 =	sshll.u32 s29, $0x7  }
0x214: {  	[tilespmem:s31], [sflag:$0x3] =	stream.indirect.gather [hbm4b:s7+s17], $0x60, s30, s17, $0xb8;
	[tilespmem:$0x1BA80] =	vst v63  }
0x215: {  	s25 =	simm.s32 $0x18380;
	s26 =	simm.s32 $0x9200;
	s0 =	sadd.s32 s0, s13  }
0x216: {  	[tilespmem:s26], [sflag:$0x3] =	stream.indirect.gather [hbm4b:s7+s17], $0x60, s25, s17, $0xb8;
	[tilespmem:$0x1BA80] =	vst v63  }
0x217: {  	s0 =	sshrl.u32 s0, $0x3  }
0x218: {  	[tilespmem:s8], [sflag:$0x3] =	stream.indirect.gather [hbm4b:s7+s17], $0x60, s4, s17, $0xb8;
	[tilespmem:$0x1BA80] =	vst v63  }
0x219: {  	s30 =	sadd.s32 s1, s0  }
0x21a: {  	[tilespmem:s9], [sflag:$0x2] =	stream.linear.gather [hbm4b:s30+s23], $0x80, $0x38;
	[tilespmem:$0x1BA80] =	vst v63  }
0x21b: {  	s0 =	sadd.s32 s2, s0  }
0x21c: {  	[tilespmem:s10], [sflag:$0x2] =	stream.linear.gather [hbm4b:s0+s23], $0x80, $0x38;
	[tilespmem:$0x1BA80] =	vst v63  }
0x21d: {  	_ =	swait.ge [sflag:s18], $0x1800  }
0x21e: {  	[sflag:s18] =	ssyncset.done $0x0  }
0x21f: {  	[sflag:s18] =	ssyncadd.s32 $0xFFFFE800  }
0x220: {  	_ =	swait.ge [sflag:s18], $0x1800  }
0x221: {  	[sflag:s18] =	ssyncset.done $0x0  }
0x222: {  	[sflag:s18] =	ssyncadd.s32 $0xFFFFE800  }
0x223: {  	_ =	swait.ge [sflag:s18], $0x1800  }
0x224: {  	[sflag:s18] =	ssyncset.done $0x0  }
0x225: {  	[sflag:s18] =	ssyncadd.s32 $0xFFFFE800  }
0x226: {  	_ =	swait.ge [sflag:s18], $0x1800  }
0x227: {  	[sflag:s18] =	ssyncset.done $0x0  }
0x228: {  	[sflag:s18] =	ssyncadd.s32 $0xFFFFE800  }
0x229: {  	_ =	swait.ge [sflag:s18], $0x1800  }
0x22a: {  	[sflag:s18] =	ssyncset.done $0x0  }
0x22b: {  	[sflag:s18] =	ssyncadd.s32 $0xFFFFE800  }
0x22c: {  	_ =	swait.ge [sflag:s18], $0x1800  }
0x22d: {  	[sflag:s18] =	ssyncset.done $0x0  }
0x22e: {  	[sflag:s18] =	ssyncadd.s32 $0xFFFFE800  }
0x22f: {  	_ =	swait.ge [sflag:s18], $0x1800  }
0x230: {  	[sflag:s18] =	ssyncset.done $0x0  }
0x231: {  	[sflag:s18] =	ssyncadd.s32 $0xFFFFE800  }
0x232: {  	_ =	swait.ge [sflag:s18], $0x1800  }
0x233: {  	[sflag:s18] =	ssyncset.done $0x0  }
0x234: {  	[sflag:s18] =	ssyncadd.s32 $0xFFFFE800  }
0x235: {  	_ =	swait.ge [sflag:s19], $0x3000  }
0x236: {  	[sflag:s19] =	ssyncset.done $0x0  }
0x237: {  	s22 =	simm.s32 $0x0;
	[sflag:s19] =	ssyncadd.s32 $0xFFFFD000  }
0x238: {  	v2 =	vld [tilespmem:s22+$0x15200]  }
0x239: {  	v7 =	vld [tilespmem:s22+$0xC210]  }
0x23a: {  	v1 =	vld [tilespmem:s22+$0x15240]  }
0x23b: {  	v9 =	vld [tilespmem:s22+$0x15220]  }
0x23c: {  	v6 =	vld [tilespmem:s22+$0x15250]  }
0x23d: {  	v8 =	vld [tilespmem:s22+$0xC240]  }
0x23e: {  	v3 =	vld [tilespmem:s22+$0xC250]  }
0x23f: {  	v18 =	vld [tilespmem:s22+$0xF240]  }
0x240: {  	v5 =	vld [tilespmem:s22+$0xF250]  }
0x241: {  	v19 =	vld [tilespmem:s22+$0x12220]  }
0x242: {  	v22 =	vld [tilespmem:s22+$0x15230]  }
0x243: {  	v4 =	vld [tilespmem:s22+$0x12250]  }
0x244: {  	v25 =	vld [tilespmem:s22+$0xC220]  }
0x245: {  	v17 =	vld [tilespmem:s22+$0xF210]  }
0x246: {  	v11 =	vld [tilespmem:s22+$0x12200]  }
0x247: {  	s31 =	simm.s32 $0x189F0;
	v26 =	vld [tilespmem:s22+$0xC200]  }
0x248: {  	s23 =	simm.s32 $0x18960;
	v12 =	vld.msk [tilespmem:s31+$0x0 ss:$0x0], $0xffff  }
0x249: {  	s24 =	simm.s32 $0x188D0;
	v10 =	vld.msk [tilespmem:s23+$0x0 ss:$0x0], $0xffff  }
0x24a: {  	s25 =	simm.s32 $0x18840;
	v13 =	vld.msk [tilespmem:s24+$0x0 ss:$0x0], $0xffff  }
0x24b: {  	v16 =	vld.msk [tilespmem:s25+$0x0 ss:$0x0], $0xffff  }
0x24c: {  	v21 =	vld [tilespmem:s22+$0x12210]  }
0x24d: {  	v15 =	vld [tilespmem:s22+$0x12230]  }
0x24e: {  	v23 =	vld [tilespmem:s22+$0x15210];
	v14 =	vmul.f32 v9, v12  }
0x24f: {  	v24 =	vld [tilespmem:s22+$0xF220];
	v11 =	vmul.f32 v11, v10;
	v20 =	vmul.f32 v19, v10  }
0x250: {  	v19 =	vld [tilespmem:s22+$0xF230];
	v9 =	vmul.f32 v22, v12;
	v18 =	vmul.f32 v18, v13  }
0x251: {  	s28 =	simm.s32 $0x189F1;
	s26 =	simm.s32 $0x180;
	v22 =	vmul.f32 v26, v16;
	v26 =	vld [tilespmem:s22+$0xF200];
	v25 =	vmul.f32 v25, v16  }
.LBB2_5:
0x252: {  	v27 =	vmul.f32 v7, v16;
	v28 =	vld [tilespmem:s22+$0xC230];
	v29 =	vmul.f32 v6, v12;
	s25 =	sadd.s32 $0x1, s25;
	s24 =	sadd.s32 $0x1, s24;
	s23 =	sadd.s32 $0x1, s23  }
0x253: {  	s0 =	sshra.s32 s26, $0x2;
	p0 =	sne.s32 s26, $0xBE80;
	s26 =	sadd.s32 $0x180, s26;
	v30 =	vmul.f32 v8, v16;
	v23 =	vmul.f32 v23, v12;
	v31 =	vld [tilespmem:s22+$0x12240]  }
0x254: {  	v21 =	vmul.f32 v21, v10;
	v32 =	vld [tilespmem:s0+$0x15200];
	v6 =	vmul.f32 v24, v13  }
0x255: {  	v8 =	vmul.f32 v17, v13;
	v17 =	vmul.f32 v1, v12;
	v7 =	vld [tilespmem:s0+$0xC210]  }
0x256: {  	v12 =	vmul.f32 v2, v12;
	v1 =	vld [tilespmem:s0+$0x15240];
	v24 =	vmul.f32 v26, v13;
	v33 =	vadd.f32 v6, v25  }
0x257: {  	v15 =	vmul.f32 v15, v10;
	v26 =	vadd.f32 v8, v27;
	v25 =	vld [tilespmem:s0+$0x15220];
	v27 =	vmul.f32 v28, v16  }
0x258: {  	v16 =	vmul.f32 v3, v16;
	v6 =	vld [tilespmem:s0+$0x15250];
	v22 =	vadd.f32 v24, v22;
	v20 =	vadd.f32 v20, v33  }
0x259: {  	v5 =	vmul.f32 v5, v13;
	v19 =	vmul.f32 v19, v13;
	v21 =	vadd.f32 v21, v26;
	v8 =	vld [tilespmem:s0+$0xC240];
	v2 =	vmovc v32  }
0x25a: {  	v3 =	vld [tilespmem:s0+$0xC250];
	v13 =	vadd.f32 v14, v20;
	v14 =	vadd.f32 v18, v30;
	v18 =	vmul.f32 v31, v10  }
0x25b: {  	v4 =	vmul.f32 v4, v10;
	v19 =	vadd.f32 v19, v27;
	v16 =	vadd.f32 v5, v16;
	v26 =	vld [tilespmem:s0+$0xF240]  }
0x25c: {  	v10 =	vadd.f32 v23, v21;
	v5 =	vld [tilespmem:s0+$0xF250];
	[tilespmem:s22+$0x18AA0] =	vst v13;
	v13 =	vadd.f32 v18, v14  }
0x25d: {  	v11 =	vadd.f32 v11, v22;
	v14 =	vadd.f32 v4, v16;
	v18 =	vld [tilespmem:s0+$0x12220]  }
0x25e: {  	v22 =	vld [tilespmem:s0+$0x15230];
	[tilespmem:s22+$0x18A90] =	vst v10;
	v10 =	vadd.f32 v15, v19;
	v13 =	vadd.f32 v17, v13  }
0x25f: {  	v11 =	vadd.f32 v12, v11;
	v12 =	vadd.f32 v29, v14;
	v4 =	vld [tilespmem:s0+$0x12250]  }
0x260: {  	v27 =	vld [tilespmem:s0+$0xC220];
	v9 =	vadd.f32 v9, v10;
	[tilespmem:s22+$0x18AC0] =	vst v13  }
0x261: {  	v17 =	vld [tilespmem:s0+$0xF210];
	[tilespmem:s22+$0x18A80] =	vst v11  }
0x262: {  	v11 =	vld [tilespmem:s0+$0x12200];
	[tilespmem:s22+$0x18AD0] =	vst v12  }
0x263: {  	v28 =	vld [tilespmem:s0+$0xC200];
	[tilespmem:s22+$0x18AB0] =	vst v9;
	s22 =	smov.u32 s0  }
0x264: {  	v12 =	vld.msk [tilespmem:s28+$0x0 ss:$0x0], $0xffff  }
0x265: {  	v10 =	vld.msk [tilespmem:s23+$0x0 ss:$0x0], $0xffff  }
0x266: {  	v13 =	vld.msk [tilespmem:s24+$0x0 ss:$0x0], $0xffff  }
0x267: {  	v16 =	vld.msk [tilespmem:s25+$0x0 ss:$0x0], $0xffff  }
0x268: {  	v21 =	vld [tilespmem:s22+$0x12210]  }
.Ltmp1:
0x269: {  	v15 =	vld [tilespmem:s22+$0x12230];
	(pc) =	sbr.rel @p0 .LBB2_5-.Ltmp1, $4  }
0x26a: {  	v14 =	vmul.f32 v25, v12;
	v23 =	vld [tilespmem:s22+$0x15210]  }
0x26b: {  	v11 =	vmul.f32 v11, v10;
	v20 =	vmul.f32 v18, v10;
	v24 =	vld [tilespmem:s22+$0xF220]  }
0x26c: {  	v9 =	vmul.f32 v22, v12;
	v18 =	vmul.f32 v26, v13;
	v19 =	vld [tilespmem:s22+$0xF230]  }
0x26d: {  	s28 =	sadd.s32 $0x1, s28;
	v22 =	vmul.f32 v28, v16;
	v25 =	vmul.f32 v27, v16;
	v26 =	vld [tilespmem:s22+$0xF200]  }
0x26e: {  	v7 =	vmul.f32 v7, v16  }
0x26f: {  	v17 =	vmul.f32 v17, v13;
	v8 =	vmul.f32 v8, v16  }
0x270: {  	v27 =	vld [tilespmem:s22+$0xC230];
	v21 =	vmul.f32 v21, v10;
	v3 =	vmul.f32 v3, v16  }
0x271: {  	v28 =	vld [tilespmem:s22+$0x12240];
	v5 =	vmul.f32 v5, v13;
	v4 =	vmul.f32 v4, v10  }
0x272: {  	v6 =	vmul.f32 v6, v12;
	v24 =	vmul.f32 v24, v13;
	v7 =	vadd.f32 v17, v7  }
0x273: {  	v23 =	vmul.f32 v23, v12;
	v8 =	vadd.f32 v18, v8;
	v3 =	vadd.f32 v5, v3  }
0x274: {  	v58 =	vmul.f32 v19, v13;
	v26 =	vmul.f32 v26, v13;
	v24 =	vadd.f32 v24, v25  }
0x275: {  	v7 =	vadd.f32 v21, v7;
	v3 =	vadd.f32 v4, v3;
	v57 =	vmul.f32 v27, v16  }
0x276: {  	v59 =	vmul.f32 v28, v10;
	v22 =	vadd.f32 v26, v22;
	v20 =	vadd.f32 v20, v24  }
0x277: {  	v1 =	vmul.f32 v1, v12;
	v7 =	vadd.f32 v23, v7;
	v3 =	vadd.f32 v6, v3  }
0x278: {  	v61 =	vmul.f32 v15, v10;
	v16 =	vadd.f32 v58, v57;
	v60 =	vadd.f32 v59, v8  }
0x279: {  	v2 =	vmul.f32 v2, v12;
	s20 =	sadd.s32 $0x1, s20;
	v14 =	vadd.f32 v14, v20;
	v62 =	vadd.f32 v11, v22;
	[tilespmem:s22+$0x18A90] =	vst v7  }
0x27a: {  	p0 =	sne.s32 s20, $0x80;
	[tilespmem:s22+$0x18AD0] =	vst v3;
	v1 =	vadd.f32 v1, v60;
	v63 =	vadd.f32 v61, v16  }
.Ltmp2:
0x27b: {  	[tilespmem:s22+$0x18AA0] =	vst v14;
	v2 =	vadd.f32 v2, v62;
	(pc) =	sbr.rel @p0 .LBB2_2-.Ltmp2, $4  }
0x27c: {  	s0 =	smul.u32 $0xC, s21;
	[tilespmem:s22+$0x18AC0] =	vst v1;
	v1 =	vadd.f32 v9, v63  }
0x27d: {  	[tilespmem:s22+$0x18A80] =	vst v2  }
0x27e: {  	s0 =	sadd.s32 s3, s0;
	[tilespmem:s22+$0x18AB0] =	vst v1  }
0x27f: {  	[hbm4b:s0+s5] =	stream.linear.scatter [tilespmem:s15], [sflag:$0x5], $0x3000, $0x38;
	[tilespmem:$0x1BA80] =	vst v63  }
0x280: {  	_ =	swait.ge [sflag:s14], $0x1800  }
0x281: {  	[sflag:s14] =	ssyncset.done $0x0  }
0x282: {  	[sflag:s14] =	ssyncadd.s32 $0xFFFFE800  }
0x283: {  	_ =	swait.ge [sflag:s14], $0x1800  }
0x284: {  	[sflag:s14] =	ssyncset.done $0x0  }
0x285: {  	[sflag:s14] =	ssyncadd.s32 $0xFFFFE800  }
0x286: {  	_ =	swait.ge [sflag:s14], $0x1800  }
0x287: {  	[sflag:s14] =	ssyncset.done $0x0  }
0x288: {  	[sflag:s14] =	ssyncadd.s32 $0xFFFFE800  }
0x289: {  	_ =	swait.ge [sflag:s14], $0x1800  }
0x28a: {  	[sflag:s14] =	ssyncset.done $0x0  }
0x28b: {  	[sflag:s14] =	ssyncadd.s32 $0xFFFFE800  }
0x28c: {  	_ =	swait.ge [sflag:s14], $0x1800  }
0x28d: {  	[sflag:s14] =	ssyncset.done $0x0  }
0x28e: {  	[sflag:s14] =	ssyncadd.s32 $0xFFFFE800  }
0x28f: {  	_ =	swait.ge [sflag:s14], $0x1800  }
0x290: {  	[sflag:s14] =	ssyncset.done $0x0  }
0x291: {  	[sflag:s14] =	ssyncadd.s32 $0xFFFFE800  }
0x292: {  	_ =	swait.ge [sflag:s14], $0x1800  }
0x293: {  	[sflag:s14] =	ssyncset.done $0x0  }
0x294: {  	[sflag:s14] =	ssyncadd.s32 $0xFFFFE800  }
0x295: {  	_ =	swait.ge [sflag:s14], $0x1800  }
0x296: {  	[sflag:s14] =	ssyncset.done $0x0  }
0x297: {  	[sflag:s14] =	ssyncadd.s32 $0xFFFFE800  }
0x298: {  	_ =	swait.ge [sflag:s11], $0x80  }
0x299: {  	[sflag:s11] =	ssyncset.done $0x0  }
0x29a: {  	[sflag:s11] =	ssyncadd.s32 $0xFFFFFF80  }
0x29b: {  	_ =	swait.ge [sflag:s11], $0x80  }
0x29c: {  	[sflag:s11] =	ssyncset.done $0x0  }
0x29d: {  	[sflag:s11] =	ssyncadd.s32 $0xFFFFFF80  }
0x29e: {  	_ =	swait.ge [sflag:s19], $0x3000  }
0x29f: {  	s20 =	rddreg [dreg:$0xa]  }
0x2a0: {  	s0 =	rddreg [dreg:$0x9];
	s20 =	sadd.s32 $0x1, s20  }
0x2a1: {  	p0 =	sne.s32 s20, s0  }
.Ltmp3:
0x2a2: {  	_ = 	snop;
	(pc) =	sbr.rel @p0 .LBB2_1-.Ltmp3, $3  }
0x2a3: {  	_ =	sdelay $0x1  }
0x2a4: {  	[sflag:s19] =	ssyncset.done $0x0  }
0x2a5: {  	[sflag:s19] =	ssyncadd.s32 $0xFFFFD000  }
0x2a6: {  	_ =	sfence.sel $0x180000  }
0x2a7: {  	[bflag:$0x0] =	sbarrier.arrive $0xFFFF  }
0x2a8: {  	_ =	strace $0x90000047  }
0x2a9: {  	s0 =	stileid.u32;
	[bflag:$0x2] =	sbarrier.arrive $0xFFFF  }
0x2aa: {  	p0 =	sne.s32 s0, $0x0;
	s0 =	rddreg [dreg:$0x4]  }
0x2ab: {  	s0 =	sadd.s32 @!p0 $0x100000, s0  }
0x2ac: {  	[sflag:s0] =	ssyncadd.tile.s32 @!p0 $0x1;
	_ =	shalt  }
.Lfunc_end2:
_tile_overlayer_lowered:
.L_overlay_start_2:
0x2ad: {  	(tag) =	ssettag $0x2  }
0x2ae: {  	s0 =	rddreg [dreg:$0x0];
	s2 =	stileid.u32  }
0x2af: {  	s1 =	rddreg [dreg:$0x1];
	p0 =	sne.s32 s2, $0x0  }
0x2b0: {  	s3 =	rddreg [dreg:$0x2];
	[bflag:$0x3] =	sbarrier.arrive $0xFFFF;
	s2 =	simm.s32 @!p0 $0x1C06  }
0x2b1: {  	[timem:s3], [sflag:s2] =	dma.local @!p0 [hbm:s0], s1  }
0x2b2: {  	s0 =	simm.s32 @!p0 $0x6  }
0x2b3: {  	_ =	swait.ge @!p0 [sflag:s0], s1  }
0x2b4: {  	s1 =	ssub.s32 @!p0 $0x0, s1;
	[sflag:s0] =	ssyncset.done @!p0 $0x0  }
0x2b5: {  	[sflag:s0] =	ssyncadd.s32 @!p0 s1  }
0x2b6: {  	[bflag:$0x3] =	sbarrier.arrive $0xFFFF  }
0x2b7: {  	_ =	shalt  }

</sc_bundles>
